<compile_context>
chip_gen: v7x
topology: tpu7x:2x2x1
jax: 0.10.2.dev20260603
libtpu: 0.0.44.dev20260713+nightly
codegen_flags: <defaults>
</compile_context>

<pallas_src>
import jax
import jax.numpy as jnp
from jax import lax
from jax.experimental import pallas as pl
from jax.experimental.pallas import tpu as pltpu
from jax.experimental.pallas import tpu_sc as plsc

_D = 16
_B = 16384
_NC = 2
_NS = 16
_NW = _NC * _NS
_BPW = _B // _NW
_IPC = 64
_NG = _BPW // _IPC
_RP = 2 * _D
_T01 = 41 * 37


def _body(ids_hbm, tcat_hbm, out_hbm,
          ids_v, idx0_v, idx1_v, r0_v, r1_v, tr_v, gsem, osem):
    wid = lax.axis_index("s") * _NC + lax.axis_index("c")
    base = wid * _BPW
    pltpu.sync_copy(ids_hbm.at[pl.ds(base, _BPW)], ids_v)
    lane = lax.iota(jnp.int32, 16)

    def _mod(v, vf, p, recip):
        q = (vf * jnp.float32(recip)).astype(jnp.int32)
        r = v - q * p
        return jnp.where(r >= p, r - p, r)

    @pl.loop(0, _NG)
    def _build_and_gather(g):
        for c in range(_IPC // 16):
            ids = ids_v[pl.ds(g * _IPC + c * 16, 16)]
            idsf = ids.astype(jnp.float32)
            i01 = (_mod(ids, idsf, 41, 1.0 / 41.0) * 37
                   + _mod(ids, idsf, 37, 1.0 / 37.0))
            i23 = (_mod(ids, idsf, 31, 1.0 / 31.0) * 23
                   + _mod(ids, idsf, 23, 1.0 / 23.0) + _T01)
            idx0_v[pl.ds(g * _IPC + c * 16, 16)] = i01
            idx1_v[pl.ds(g * _IPC + c * 16, 16)] = i23
        pltpu.async_copy(
            tcat_hbm.at[idx0_v.at[pl.ds(g * _IPC, _IPC)]],
            r0_v.at[pl.ds(g * _IPC, _IPC)],
            gsem.at[g],
        )
        pltpu.async_copy(
            tcat_hbm.at[idx1_v.at[pl.ds(g * _IPC, _IPC)]],
            r1_v.at[pl.ds(g * _IPC, _IPC)],
            gsem.at[g],
        )

    @pl.loop(0, _NG)
    def _drain_transpose_store(g):
        pltpu.make_async_copy(
            tcat_hbm.at[idx0_v.at[pl.ds(g * _IPC, _IPC)]],
            r0_v.at[pl.ds(g * _IPC, _IPC)],
            gsem.at[g],
        ).wait()
        pltpu.make_async_copy(
            tcat_hbm.at[idx1_v.at[pl.ds(g * _IPC, _IPC)]],
            r1_v.at[pl.ds(g * _IPC, _IPC)],
            gsem.at[g],
        ).wait()
        for c in range(_IPC // 16):
            i0 = g * _IPC + c * 16
            rvec = lane + i0
            for d in range(2 * _D):
                cvec = (lane + d) & (2 * _D - 1)
                v0 = plsc.load_gather(r0_v, [rvec, cvec])
                plsc.store_scatter(tr_v, [cvec, rvec], v0)
                v1 = plsc.load_gather(r1_v, [rvec, cvec])
                plsc.store_scatter(tr_v, [cvec + 2 * _D, rvec], v1)

    pltpu.sync_copy(tr_v, out_hbm.at[:, pl.ds(base, _BPW)])


def kernel(user_ids, W0, W1, W2, W3):
    t01 = jnp.concatenate(
        [jnp.repeat(W0, 37, axis=0), jnp.tile(W1, (41, 1))], axis=1)
    t23 = jnp.concatenate(
        [jnp.repeat(W2, 23, axis=0), jnp.tile(W3, (31, 1))], axis=1)
    tcat = jnp.concatenate([t01, t23], axis=0)
    ids = user_ids.astype(jnp.int32)
    mesh = plsc.VectorSubcoreMesh(core_axis_name="c", subcore_axis_name="s")
    out = pl.kernel(
        _body,
        mesh=mesh,
        compiler_params=pltpu.CompilerParams(
            use_tc_tiling_on_sc=False, needs_layout_passes=False),
        out_type=jax.ShapeDtypeStruct((4 * _D, _B), jnp.float32),
        scratch_types=[
            pltpu.VMEM((_BPW,), jnp.int32),
            pltpu.VMEM((_BPW,), jnp.int32),
            pltpu.VMEM((_BPW,), jnp.int32),
            pltpu.VMEM((_BPW, _RP), jnp.float32),
            pltpu.VMEM((_BPW, _RP), jnp.float32),
            pltpu.VMEM((4 * _D, _BPW), jnp.float32),
            pltpu.SemaphoreType.DMA((_NG,)),
            pltpu.SemaphoreType.DMA,
        ],
    )(ids, tcat)
    return out.T

# --- scband reference (transcript-rebuilt; emitter-appended) ---
"""Pipeline reference for scband-complementary-partition-embedding-12652973654521 (READ-ONLY COPY).

The authoritative reference and input builder live on the scoring server;
editing this copy changes nothing except your own understanding.
"""

import jax, jax.numpy as jnp
import numpy as np

PARTITION_SIZES = [41, 37, 31, 23]
PARTITION_DIM = 16
NUM_EMBEDDINGS = 1000000
BATCH = 16384


def setup_inputs(seed: int = 0) -> dict:
    key = jax.random.key(seed)
    ks = jax.random.split(key, len(PARTITION_SIZES) + 1)
    inp = {
        "user_ids": jax.random.randint(ks[0], (BATCH,), 0, NUM_EMBEDDINGS, dtype=jnp.int64 if jax.config.read('jax_enable_x64') else jnp.int32)
    }
    for i, p in enumerate(PARTITION_SIZES):
        inp[f"W{i}"] = jax.random.normal(ks[i + 1], (p, PARTITION_DIM), dtype=jnp.float32)
    return inp


def reference(user_ids, W0, W1, W2, W3):
    # ComplementaryPartitionEmbedding.forward with operation='concat':
    # partition_idx_i = user_ids % partition_size_i
    # emb_i = sub_embedding_i(partition_idx_i)
    # out = concat(emb_0, ..., emb_3, axis=-1)
    tables = [W0, W1, W2, W3]
    embeddings = []
    for W, p in zip(tables, PARTITION_SIZES):
        idx = user_ids % p
        embeddings.append(jnp.take(W, idx, axis=0))
    composed = jnp.concatenate(embeddings, axis=-1)
    return composed

if __name__ == "__main__":
    import jax
    _d = setup_inputs()
    print(jax.jit(kernel)(*tuple(_d.values())))

</pallas_src>

<mosaic_0001>
#map = affine_map<(d0, d1) -> (0)>
#map1 = affine_map<(d0, d1) -> (0, 0)>
module attributes {stable_mosaic.version = 14 : i64} {
  func.func @_body(%arg0: i32, %arg1: i32, %arg2: memref<16384xi32, #tpu.memory_space<hbm>>, %arg3: memref<2230x32xf32, #tpu.memory_space<hbm>>, %arg4: memref<64x16384xf32, #tpu.memory_space<hbm>>, %arg5: memref<512xi32, #tpu.memory_space<vmem>>, %arg6: memref<512xi32, #tpu.memory_space<vmem>>, %arg7: memref<512xi32, #tpu.memory_space<vmem>>, %arg8: memref<512x32xf32, #tpu.memory_space<vmem>>, %arg9: memref<512x32xf32, #tpu.memory_space<vmem>>, %arg10: memref<64x512xf32, #tpu.memory_space<vmem>>, %arg11: memref<8x!tpu.dma_semaphore, #tpu.memory_space<semaphore_mem>>, %arg12: memref<!tpu.dma_semaphore, #tpu.memory_space<semaphore_mem>>) attributes {dimension_semantics = [#tpu.dimension_semantics<core_parallel>, #tpu.dimension_semantics<subcore_parallel>], iteration_bounds = array<i64: 2, 16>, scalar_prefetch = 0 : i64, scratch_operands = 8 : i64, tpu.core_type = #tpu.core_type<sc_vector_subcore>, window_params = [{transform_indices = #map}, {transform_indices = #map1}, {transform_indices = #map1}]} {
    %mul3A = arith.constant 2 : i32
    %mul3A_0 = arith.muli %arg1, %mul3A : i32
    %add3A = arith.addi %mul3A_0, %arg0 : i32
    %mul3A_1 = arith.constant 512 : i32
    %mul3A_2 = arith.muli %add3A, %mul3A_1 : i32
    "tpu.region"() ({
      %run_scoped3A = tpu.sem_alloc : memref<!tpu.dma_semaphore, #tpu.memory_space<semaphore_mem>>
      %dma_start3A = tpu.memref_slice %arg2[%mul3A_2] : memref<16384xi32, #tpu.memory_space<hbm>> -> memref<512xi32, #tpu.memory_space<hbm>>
      %dma_start3A_12 = tpu.memref_slice %arg2[%mul3A_2] : memref<16384xi32, #tpu.memory_space<hbm>> -> memref<512xi32, #tpu.memory_space<hbm>>
      tpu.enqueue_dma source(%dma_start3A_12 : memref<512xi32, #tpu.memory_space<hbm>>) target(%arg5 : memref<512xi32, #tpu.memory_space<vmem>>) target_semaphore(%run_scoped3A : memref<!tpu.dma_semaphore, #tpu.memory_space<semaphore_mem>>)
      %dma_wait3A = tpu.memref_slice %arg2[%mul3A_2] : memref<16384xi32, #tpu.memory_space<hbm>> -> memref<512xi32, #tpu.memory_space<hbm>>
      %dma_wait3A_13 = tpu.memref_slice %arg2[%mul3A_2] : memref<16384xi32, #tpu.memory_space<hbm>> -> memref<512xi32, #tpu.memory_space<hbm>>
      tpu.wait_dma2 semaphore(%run_scoped3A : memref<!tpu.dma_semaphore, #tpu.memory_space<semaphore_mem>>) src(%dma_wait3A_13 : memref<512xi32, #tpu.memory_space<hbm>>) dst(%arg5 : memref<512xi32, #tpu.memory_space<vmem>>)
      tpu.yield
    }) : () -> ()
    %iota3A = tpu.iota {dimensions = array<i32: 0>} : vector<16xi32>
    %scan3A = arith.constant 0 : i32
    %scan3A_3 = arith.constant 8 : i32
    %scan3A_4 = arith.addi %scan3A, %scan3A_3 : i32
    %scan3A_5 = arith.constant 1 : i32
    scf.for %scan3A_12 = %scan3A to %scan3A_4 step %scan3A_5  : i32 {
      %mul3A_13 = arith.constant 1 : i32
      %mul3A_14 = arith.muli %scan3A_12, %mul3A_13 : i32
      %add3A_15 = arith.constant 0 : i32
      %add3A_16 = arith.addi %add3A_15, %mul3A_14 : i32
      %mul3A_17 = arith.constant 64 : i32
      %mul3A_18 = arith.muli %add3A_16, %mul3A_17 : i32
      %add3A_19 = arith.constant 0 : i32
      %add3A_20 = arith.addi %mul3A_18, %add3A_19 : i32
      %get3A = arith.index_cast %add3A_20 : i32 to index
      %get3A_21 = tpu.vector_load %arg5[%get3A] {strides = array<i32>} : memref<512xi32, #tpu.memory_space<vmem>>, vector<16xi32>,
      %convert_element_type3A = arith.sitofp %get3A_21 : vector<16xi32> to vector<16xf32>
      %mul3A_22 = arith.constant 0.024390243 : f32
      %mul3A_23 = vector.broadcast %mul3A_22 : f32 to vector<16xf32>
      %mul3A_24 = arith.mulf %convert_element_type3A, %mul3A_23 : vector<16xf32>
      %convert_element_type3A_25 = arith.fptosi %mul3A_24 : vector<16xf32> to vector<16xi32>
      %mul3A_26 = arith.constant 41 : i32
      %mul3A_27 = vector.broadcast %mul3A_26 : i32 to vector<16xi32>
      %mul3A_28 = arith.muli %convert_element_type3A_25, %mul3A_27 : vector<16xi32>
      %sub3A = arith.subi %get3A_21, %mul3A_28 : vector<16xi32>
      %ge3A = arith.constant 41 : i32
      %ge3A_29 = vector.broadcast %ge3A : i32 to vector<16xi32>
      %ge3A_30 = arith.cmpi sge, %sub3A, %ge3A_29 : vector<16xi32>
      %sub3A_31 = arith.constant 41 : i32
      %sub3A_32 = vector.broadcast %sub3A_31 : i32 to vector<16xi32>
      %sub3A_33 = arith.subi %sub3A, %sub3A_32 : vector<16xi32>
      %select_n3A = arith.select %ge3A_30, %sub3A_33, %sub3A : vector<16xi1>, vector<16xi32>
      %mul3A_34 = arith.constant 37 : i32
      %mul3A_35 = vector.broadcast %mul3A_34 : i32 to vector<16xi32>
      %mul3A_36 = arith.muli %select_n3A, %mul3A_35 : vector<16xi32>
      %mul3A_37 = arith.constant 0.0270270277 : f32
      %mul3A_38 = vector.broadcast %mul3A_37 : f32 to vector<16xf32>
      %mul3A_39 = arith.mulf %convert_element_type3A, %mul3A_38 : vector<16xf32>
      %convert_element_type3A_40 = arith.fptosi %mul3A_39 : vector<16xf32> to vector<16xi32>
      %mul3A_41 = arith.constant 37 : i32
      %mul3A_42 = vector.broadcast %mul3A_41 : i32 to vector<16xi32>
      %mul3A_43 = arith.muli %convert_element_type3A_40, %mul3A_42 : vector<16xi32>
      %sub3A_44 = arith.subi %get3A_21, %mul3A_43 : vector<16xi32>
      %ge3A_45 = arith.constant 37 : i32
      %ge3A_46 = vector.broadcast %ge3A_45 : i32 to vector<16xi32>
      %ge3A_47 = arith.cmpi sge, %sub3A_44, %ge3A_46 : vector<16xi32>
      %sub3A_48 = arith.constant 37 : i32
      %sub3A_49 = vector.broadcast %sub3A_48 : i32 to vector<16xi32>
      %sub3A_50 = arith.subi %sub3A_44, %sub3A_49 : vector<16xi32>
      %select_n3A_51 = arith.select %ge3A_47, %sub3A_50, %sub3A_44 : vector<16xi1>, vector<16xi32>
      %add3A_52 = arith.addi %mul3A_36, %select_n3A_51 : vector<16xi32>
      %mul3A_53 = arith.constant 0.0322580636 : f32
      %mul3A_54 = vector.broadcast %mul3A_53 : f32 to vector<16xf32>
      %mul3A_55 = arith.mulf %convert_element_type3A, %mul3A_54 : vector<16xf32>
      %convert_element_type3A_56 = arith.fptosi %mul3A_55 : vector<16xf32> to vector<16xi32>
      %mul3A_57 = arith.constant 31 : i32
      %mul3A_58 = vector.broadcast %mul3A_57 : i32 to vector<16xi32>
      %mul3A_59 = arith.muli %convert_element_type3A_56, %mul3A_58 : vector<16xi32>
      %sub3A_60 = arith.subi %get3A_21, %mul3A_59 : vector<16xi32>
      %ge3A_61 = arith.constant 31 : i32
      %ge3A_62 = vector.broadcast %ge3A_61 : i32 to vector<16xi32>
      %ge3A_63 = arith.cmpi sge, %sub3A_60, %ge3A_62 : vector<16xi32>
      %sub3A_64 = arith.constant 31 : i32
      %sub3A_65 = vector.broadcast %sub3A_64 : i32 to vector<16xi32>
      %sub3A_66 = arith.subi %sub3A_60, %sub3A_65 : vector<16xi32>
      %select_n3A_67 = arith.select %ge3A_63, %sub3A_66, %sub3A_60 : vector<16xi1>, vector<16xi32>
      %mul3A_68 = arith.constant 23 : i32
      %mul3A_69 = vector.broadcast %mul3A_68 : i32 to vector<16xi32>
      %mul3A_70 = arith.muli %select_n3A_67, %mul3A_69 : vector<16xi32>
      %mul3A_71 = arith.constant 0.0434782617 : f32
      %mul3A_72 = vector.broadcast %mul3A_71 : f32 to vector<16xf32>
      %mul3A_73 = arith.mulf %convert_element_type3A, %mul3A_72 : vector<16xf32>
      %convert_element_type3A_74 = arith.fptosi %mul3A_73 : vector<16xf32> to vector<16xi32>
      %mul3A_75 = arith.constant 23 : i32
      %mul3A_76 = vector.broadcast %mul3A_75 : i32 to vector<16xi32>
      %mul3A_77 = arith.muli %convert_element_type3A_74, %mul3A_76 : vector<16xi32>
      %sub3A_78 = arith.subi %get3A_21, %mul3A_77 : vector<16xi32>
      %ge3A_79 = arith.constant 23 : i32
      %ge3A_80 = vector.broadcast %ge3A_79 : i32 to vector<16xi32>
      %ge3A_81 = arith.cmpi sge, %sub3A_78, %ge3A_80 : vector<16xi32>
      %sub3A_82 = arith.constant 23 : i32
      %sub3A_83 = vector.broadcast %sub3A_82 : i32 to vector<16xi32>
      %sub3A_84 = arith.subi %sub3A_78, %sub3A_83 : vector<16xi32>
      %select_n3A_85 = arith.select %ge3A_81, %sub3A_84, %sub3A_78 : vector<16xi1>, vector<16xi32>
      %add3A_86 = arith.addi %mul3A_70, %select_n3A_85 : vector<16xi32>
      %add3A_87 = arith.constant 1517 : i32
      %add3A_88 = vector.broadcast %add3A_87 : i32 to vector<16xi32>
      %add3A_89 = arith.addi %add3A_86, %add3A_88 : vector<16xi32>
      %mul3A_90 = arith.constant 64 : i32
      %mul3A_91 = arith.muli %add3A_16, %mul3A_90 : i32
      %add3A_92 = arith.constant 0 : i32
      %add3A_93 = arith.addi %mul3A_91, %add3A_92 : i32
      %swap3A = arith.index_cast %add3A_93 : i32 to index
      %swap3A_94 = tpu.vector_load %arg6[%swap3A] {strides = array<i32>} : memref<512xi32, #tpu.memory_space<vmem>>, vector<16xi32>,
      tpu.vector_store %arg6[%swap3A], %add3A_52 {strides = array<i32>} : memref<512xi32, #tpu.memory_space<vmem>>, vector<16xi32>,
      %mul3A_95 = arith.constant 64 : i32
      %mul3A_96 = arith.muli %add3A_16, %mul3A_95 : i32
      %add3A_97 = arith.constant 0 : i32
      %add3A_98 = arith.addi %mul3A_96, %add3A_97 : i32
      %swap3A_99 = arith.index_cast %add3A_98 : i32 to index
      %swap3A_100 = tpu.vector_load %arg7[%swap3A_99] {strides = array<i32>} : memref<512xi32, #tpu.memory_space<vmem>>, vector<16xi32>,
      tpu.vector_store %arg7[%swap3A_99], %add3A_89 {strides = array<i32>} : memref<512xi32, #tpu.memory_space<vmem>>, vector<16xi32>,
      %mul3A_101 = arith.constant 64 : i32
      %mul3A_102 = arith.muli %add3A_16, %mul3A_101 : i32
      %add3A_103 = arith.constant 16 : i32
      %add3A_104 = arith.addi %mul3A_102, %add3A_103 : i32
      %get3A_105 = arith.index_cast %add3A_104 : i32 to index
      %get3A_106 = tpu.vector_load %arg5[%get3A_105] {strides = array<i32>} : memref<512xi32, #tpu.memory_space<vmem>>, vector<16xi32>,
      %convert_element_type3A_107 = arith.sitofp %get3A_106 : vector<16xi32> to vector<16xf32>
      %mul3A_108 = arith.constant 0.024390243 : f32
      %mul3A_109 = vector.broadcast %mul3A_108 : f32 to vector<16xf32>
      %mul3A_110 = arith.mulf %convert_element_type3A_107, %mul3A_109 : vector<16xf32>
      %convert_element_type3A_111 = arith.fptosi %mul3A_110 : vector<16xf32> to vector<16xi32>
      %mul3A_112 = arith.constant 41 : i32
      %mul3A_113 = vector.broadcast %mul3A_112 : i32 to vector<16xi32>
      %mul3A_114 = arith.muli %convert_element_type3A_111, %mul3A_113 : vector<16xi32>
      %sub3A_115 = arith.subi %get3A_106, %mul3A_114 : vector<16xi32>
      %ge3A_116 = arith.constant 41 : i32
      %ge3A_117 = vector.broadcast %ge3A_116 : i32 to vector<16xi32>
      %ge3A_118 = arith.cmpi sge, %sub3A_115, %ge3A_117 : vector<16xi32>
      %sub3A_119 = arith.constant 41 : i32
      %sub3A_120 = vector.broadcast %sub3A_119 : i32 to vector<16xi32>
      %sub3A_121 = arith.subi %sub3A_115, %sub3A_120 : vector<16xi32>
      %select_n3A_122 = arith.select %ge3A_118, %sub3A_121, %sub3A_115 : vector<16xi1>, vector<16xi32>
      %mul3A_123 = arith.constant 37 : i32
      %mul3A_124 = vector.broadcast %mul3A_123 : i32 to vector<16xi32>
      %mul3A_125 = arith.muli %select_n3A_122, %mul3A_124 : vector<16xi32>
      %mul3A_126 = arith.constant 0.0270270277 : f32
      %mul3A_127 = vector.broadcast %mul3A_126 : f32 to vector<16xf32>
      %mul3A_128 = arith.mulf %convert_element_type3A_107, %mul3A_127 : vector<16xf32>
      %convert_element_type3A_129 = arith.fptosi %mul3A_128 : vector<16xf32> to vector<16xi32>
      %mul3A_130 = arith.constant 37 : i32
      %mul3A_131 = vector.broadcast %mul3A_130 : i32 to vector<16xi32>
      %mul3A_132 = arith.muli %convert_element_type3A_129, %mul3A_131 : vector<16xi32>
      %sub3A_133 = arith.subi %get3A_106, %mul3A_132 : vector<16xi32>
      %ge3A_134 = arith.constant 37 : i32
      %ge3A_135 = vector.broadcast %ge3A_134 : i32 to vector<16xi32>
      %ge3A_136 = arith.cmpi sge, %sub3A_133, %ge3A_135 : vector<16xi32>
      %sub3A_137 = arith.constant 37 : i32
      %sub3A_138 = vector.broadcast %sub3A_137 : i32 to vector<16xi32>
      %sub3A_139 = arith.subi %sub3A_133, %sub3A_138 : vector<16xi32>
      %select_n3A_140 = arith.select %ge3A_136, %sub3A_139, %sub3A_133 : vector<16xi1>, vector<16xi32>
      %add3A_141 = arith.addi %mul3A_125, %select_n3A_140 : vector<16xi32>
      %mul3A_142 = arith.constant 0.0322580636 : f32
      %mul3A_143 = vector.broadcast %mul3A_142 : f32 to vector<16xf32>
      %mul3A_144 = arith.mulf %convert_element_type3A_107, %mul3A_143 : vector<16xf32>
      %convert_element_type3A_145 = arith.fptosi %mul3A_144 : vector<16xf32> to vector<16xi32>
      %mul3A_146 = arith.constant 31 : i32
      %mul3A_147 = vector.broadcast %mul3A_146 : i32 to vector<16xi32>
      %mul3A_148 = arith.muli %convert_element_type3A_145, %mul3A_147 : vector<16xi32>
      %sub3A_149 = arith.subi %get3A_106, %mul3A_148 : vector<16xi32>
      %ge3A_150 = arith.constant 31 : i32
      %ge3A_151 = vector.broadcast %ge3A_150 : i32 to vector<16xi32>
      %ge3A_152 = arith.cmpi sge, %sub3A_149, %ge3A_151 : vector<16xi32>
      %sub3A_153 = arith.constant 31 : i32
      %sub3A_154 = vector.broadcast %sub3A_153 : i32 to vector<16xi32>
      %sub3A_155 = arith.subi %sub3A_149, %sub3A_154 : vector<16xi32>
      %select_n3A_156 = arith.select %ge3A_152, %sub3A_155, %sub3A_149 : vector<16xi1>, vector<16xi32>
      %mul3A_157 = arith.constant 23 : i32
      %mul3A_158 = vector.broadcast %mul3A_157 : i32 to vector<16xi32>
      %mul3A_159 = arith.muli %select_n3A_156, %mul3A_158 : vector<16xi32>
      %mul3A_160 = arith.constant 0.0434782617 : f32
      %mul3A_161 = vector.broadcast %mul3A_160 : f32 to vector<16xf32>
      %mul3A_162 = arith.mulf %convert_element_type3A_107, %mul3A_161 : vector<16xf32>
      %convert_element_type3A_163 = arith.fptosi %mul3A_162 : vector<16xf32> to vector<16xi32>
      %mul3A_164 = arith.constant 23 : i32
      %mul3A_165 = vector.broadcast %mul3A_164 : i32 to vector<16xi32>
      %mul3A_166 = arith.muli %convert_element_type3A_163, %mul3A_165 : vector<16xi32>
      %sub3A_167 = arith.subi %get3A_106, %mul3A_166 : vector<16xi32>
      %ge3A_168 = arith.constant 23 : i32
      %ge3A_169 = vector.broadcast %ge3A_168 : i32 to vector<16xi32>
      %ge3A_170 = arith.cmpi sge, %sub3A_167, %ge3A_169 : vector<16xi32>
      %sub3A_171 = arith.constant 23 : i32
      %sub3A_172 = vector.broadcast %sub3A_171 : i32 to vector<16xi32>
      %sub3A_173 = arith.subi %sub3A_167, %sub3A_172 : vector<16xi32>
      %select_n3A_174 = arith.select %ge3A_170, %sub3A_173, %sub3A_167 : vector<16xi1>, vector<16xi32>
      %add3A_175 = arith.addi %mul3A_159, %select_n3A_174 : vector<16xi32>
      %add3A_176 = arith.constant 1517 : i32
      %add3A_177 = vector.broadcast %add3A_176 : i32 to vector<16xi32>
      %add3A_178 = arith.addi %add3A_175, %add3A_177 : vector<16xi32>
      %mul3A_179 = arith.constant 64 : i32
      %mul3A_180 = arith.muli %add3A_16, %mul3A_179 : i32
      %add3A_181 = arith.constant 16 : i32
      %add3A_182 = arith.addi %mul3A_180, %add3A_181 : i32
      %swap3A_183 = arith.index_cast %add3A_182 : i32 to index
      %swap3A_184 = tpu.vector_load %arg6[%swap3A_183] {strides = array<i32>} : memref<512xi32, #tpu.memory_space<vmem>>, vector<16xi32>,
      tpu.vector_store %arg6[%swap3A_183], %add3A_141 {strides = array<i32>} : memref<512xi32, #tpu.memory_space<vmem>>, vector<16xi32>,
      %mul3A_185 = arith.constant 64 : i32
      %mul3A_186 = arith.muli %add3A_16, %mul3A_185 : i32
      %add3A_187 = arith.constant 16 : i32
      %add3A_188 = arith.addi %mul3A_186, %add3A_187 : i32
      %swap3A_189 = arith.index_cast %add3A_188 : i32 to index
      %swap3A_190 = tpu.vector_load %arg7[%swap3A_189] {strides = array<i32>} : memref<512xi32, #tpu.memory_space<vmem>>, vector<16xi32>,
      tpu.vector_store %arg7[%swap3A_189], %add3A_178 {strides = array<i32>} : memref<512xi32, #tpu.memory_space<vmem>>, vector<16xi32>,
      %mul3A_191 = arith.constant 64 : i32
      %mul3A_192 = arith.muli %add3A_16, %mul3A_191 : i32
      %add3A_193 = arith.constant 32 : i32
      %add3A_194 = arith.addi %mul3A_192, %add3A_193 : i32
      %get3A_195 = arith.index_cast %add3A_194 : i32 to index
      %get3A_196 = tpu.vector_load %arg5[%get3A_195] {strides = array<i32>} : memref<512xi32, #tpu.memory_space<vmem>>, vector<16xi32>,
      %convert_element_type3A_197 = arith.sitofp %get3A_196 : vector<16xi32> to vector<16xf32>
      %mul3A_198 = arith.constant 0.024390243 : f32
      %mul3A_199 = vector.broadcast %mul3A_198 : f32 to vector<16xf32>
      %mul3A_200 = arith.mulf %convert_element_type3A_197, %mul3A_199 : vector<16xf32>
      %convert_element_type3A_201 = arith.fptosi %mul3A_200 : vector<16xf32> to vector<16xi32>
      %mul3A_202 = arith.constant 41 : i32
      %mul3A_203 = vector.broadcast %mul3A_202 : i32 to vector<16xi32>
      %mul3A_204 = arith.muli %convert_element_type3A_201, %mul3A_203 : vector<16xi32>
      %sub3A_205 = arith.subi %get3A_196, %mul3A_204 : vector<16xi32>
      %ge3A_206 = arith.constant 41 : i32
      %ge3A_207 = vector.broadcast %ge3A_206 : i32 to vector<16xi32>
      %ge3A_208 = arith.cmpi sge, %sub3A_205, %ge3A_207 : vector<16xi32>
      %sub3A_209 = arith.constant 41 : i32
      %sub3A_210 = vector.broadcast %sub3A_209 : i32 to vector<16xi32>
      %sub3A_211 = arith.subi %sub3A_205, %sub3A_210 : vector<16xi32>
      %select_n3A_212 = arith.select %ge3A_208, %sub3A_211, %sub3A_205 : vector<16xi1>, vector<16xi32>
      %mul3A_213 = arith.constant 37 : i32
      %mul3A_214 = vector.broadcast %mul3A_213 : i32 to vector<16xi32>
      %mul3A_215 = arith.muli %select_n3A_212, %mul3A_214 : vector<16xi32>
      %mul3A_216 = arith.constant 0.0270270277 : f32
      %mul3A_217 = vector.broadcast %mul3A_216 : f32 to vector<16xf32>
      %mul3A_218 = arith.mulf %convert_element_type3A_197, %mul3A_217 : vector<16xf32>
      %convert_element_type3A_219 = arith.fptosi %mul3A_218 : vector<16xf32> to vector<16xi32>
      %mul3A_220 = arith.constant 37 : i32
      %mul3A_221 = vector.broadcast %mul3A_220 : i32 to vector<16xi32>
      %mul3A_222 = arith.muli %convert_element_type3A_219, %mul3A_221 : vector<16xi32>
      %sub3A_223 = arith.subi %get3A_196, %mul3A_222 : vector<16xi32>
      %ge3A_224 = arith.constant 37 : i32
      %ge3A_225 = vector.broadcast %ge3A_224 : i32 to vector<16xi32>
      %ge3A_226 = arith.cmpi sge, %sub3A_223, %ge3A_225 : vector<16xi32>
      %sub3A_227 = arith.constant 37 : i32
      %sub3A_228 = vector.broadcast %sub3A_227 : i32 to vector<16xi32>
      %sub3A_229 = arith.subi %sub3A_223, %sub3A_228 : vector<16xi32>
      %select_n3A_230 = arith.select %ge3A_226, %sub3A_229, %sub3A_223 : vector<16xi1>, vector<16xi32>
      %add3A_231 = arith.addi %mul3A_215, %select_n3A_230 : vector<16xi32>
      %mul3A_232 = arith.constant 0.0322580636 : f32
      %mul3A_233 = vector.broadcast %mul3A_232 : f32 to vector<16xf32>
      %mul3A_234 = arith.mulf %convert_element_type3A_197, %mul3A_233 : vector<16xf32>
      %convert_element_type3A_235 = arith.fptosi %mul3A_234 : vector<16xf32> to vector<16xi32>
      %mul3A_236 = arith.constant 31 : i32
      %mul3A_237 = vector.broadcast %mul3A_236 : i32 to vector<16xi32>
      %mul3A_238 = arith.muli %convert_element_type3A_235, %mul3A_237 : vector<16xi32>
      %sub3A_239 = arith.subi %get3A_196, %mul3A_238 : vector<16xi32>
      %ge3A_240 = arith.constant 31 : i32
      %ge3A_241 = vector.broadcast %ge3A_240 : i32 to vector<16xi32>
      %ge3A_242 = arith.cmpi sge, %sub3A_239, %ge3A_241 : vector<16xi32>
      %sub3A_243 = arith.constant 31 : i32
      %sub3A_244 = vector.broadcast %sub3A_243 : i32 to vector<16xi32>
      %sub3A_245 = arith.subi %sub3A_239, %sub3A_244 : vector<16xi32>
      %select_n3A_246 = arith.select %ge3A_242, %sub3A_245, %sub3A_239 : vector<16xi1>, vector<16xi32>
      %mul3A_247 = arith.constant 23 : i32
      %mul3A_248 = vector.broadcast %mul3A_247 : i32 to vector<16xi32>
      %mul3A_249 = arith.muli %select_n3A_246, %mul3A_248 : vector<16xi32>
      %mul3A_250 = arith.constant 0.0434782617 : f32
      %mul3A_251 = vector.broadcast %mul3A_250 : f32 to vector<16xf32>
      %mul3A_252 = arith.mulf %convert_element_type3A_197, %mul3A_251 : vector<16xf32>
      %convert_element_type3A_253 = arith.fptosi %mul3A_252 : vector<16xf32> to vector<16xi32>
      %mul3A_254 = arith.constant 23 : i32
      %mul3A_255 = vector.broadcast %mul3A_254 : i32 to vector<16xi32>
      %mul3A_256 = arith.muli %convert_element_type3A_253, %mul3A_255 : vector<16xi32>
      %sub3A_257 = arith.subi %get3A_196, %mul3A_256 : vector<16xi32>
      %ge3A_258 = arith.constant 23 : i32
      %ge3A_259 = vector.broadcast %ge3A_258 : i32 to vector<16xi32>
      %ge3A_260 = arith.cmpi sge, %sub3A_257, %ge3A_259 : vector<16xi32>
      %sub3A_261 = arith.constant 23 : i32
      %sub3A_262 = vector.broadcast %sub3A_261 : i32 to vector<16xi32>
      %sub3A_263 = arith.subi %sub3A_257, %sub3A_262 : vector<16xi32>
      %select_n3A_264 = arith.select %ge3A_260, %sub3A_263, %sub3A_257 : vector<16xi1>, vector<16xi32>
      %add3A_265 = arith.addi %mul3A_249, %select_n3A_264 : vector<16xi32>
      %add3A_266 = arith.constant 1517 : i32
      %add3A_267 = vector.broadcast %add3A_266 : i32 to vector<16xi32>
      %add3A_268 = arith.addi %add3A_265, %add3A_267 : vector<16xi32>
      %mul3A_269 = arith.constant 64 : i32
      %mul3A_270 = arith.muli %add3A_16, %mul3A_269 : i32
      %add3A_271 = arith.constant 32 : i32
      %add3A_272 = arith.addi %mul3A_270, %add3A_271 : i32
      %swap3A_273 = arith.index_cast %add3A_272 : i32 to index
      %swap3A_274 = tpu.vector_load %arg6[%swap3A_273] {strides = array<i32>} : memref<512xi32, #tpu.memory_space<vmem>>, vector<16xi32>,
      tpu.vector_store %arg6[%swap3A_273], %add3A_231 {strides = array<i32>} : memref<512xi32, #tpu.memory_space<vmem>>, vector<16xi32>,
      %mul3A_275 = arith.constant 64 : i32
      %mul3A_276 = arith.muli %add3A_16, %mul3A_275 : i32
      %add3A_277 = arith.constant 32 : i32
      %add3A_278 = arith.addi %mul3A_276, %add3A_277 : i32
      %swap3A_279 = arith.index_cast %add3A_278 : i32 to index
      %swap3A_280 = tpu.vector_load %arg7[%swap3A_279] {strides = array<i32>} : memref<512xi32, #tpu.memory_space<vmem>>, vector<16xi32>,
      tpu.vector_store %arg7[%swap3A_279], %add3A_268 {strides = array<i32>} : memref<512xi32, #tpu.memory_space<vmem>>, vector<16xi32>,
      %mul3A_281 = arith.constant 64 : i32
      %mul3A_282 = arith.muli %add3A_16, %mul3A_281 : i32
      %add3A_283 = arith.constant 48 : i32
      %add3A_284 = arith.addi %mul3A_282, %add3A_283 : i32
      %get3A_285 = arith.index_cast %add3A_284 : i32 to index
      %get3A_286 = tpu.vector_load %arg5[%get3A_285] {strides = array<i32>} : memref<512xi32, #tpu.memory_space<vmem>>, vector<16xi32>,
      %convert_element_type3A_287 = arith.sitofp %get3A_286 : vector<16xi32> to vector<16xf32>
      %mul3A_288 = arith.constant 0.024390243 : f32
      %mul3A_289 = vector.broadcast %mul3A_288 : f32 to vector<16xf32>
      %mul3A_290 = arith.mulf %convert_element_type3A_287, %mul3A_289 : vector<16xf32>
      %convert_element_type3A_291 = arith.fptosi %mul3A_290 : vector<16xf32> to vector<16xi32>
      %mul3A_292 = arith.constant 41 : i32
      %mul3A_293 = vector.broadcast %mul3A_292 : i32 to vector<16xi32>
      %mul3A_294 = arith.muli %convert_element_type3A_291, %mul3A_293 : vector<16xi32>
      %sub3A_295 = arith.subi %get3A_286, %mul3A_294 : vector<16xi32>
      %ge3A_296 = arith.constant 41 : i32
      %ge3A_297 = vector.broadcast %ge3A_296 : i32 to vector<16xi32>
      %ge3A_298 = arith.cmpi sge, %sub3A_295, %ge3A_297 : vector<16xi32>
      %sub3A_299 = arith.constant 41 : i32
      %sub3A_300 = vector.broadcast %sub3A_299 : i32 to vector<16xi32>
      %sub3A_301 = arith.subi %sub3A_295, %sub3A_300 : vector<16xi32>
      %select_n3A_302 = arith.select %ge3A_298, %sub3A_301, %sub3A_295 : vector<16xi1>, vector<16xi32>
      %mul3A_303 = arith.constant 37 : i32
      %mul3A_304 = vector.broadcast %mul3A_303 : i32 to vector<16xi32>
      %mul3A_305 = arith.muli %select_n3A_302, %mul3A_304 : vector<16xi32>
      %mul3A_306 = arith.constant 0.0270270277 : f32
      %mul3A_307 = vector.broadcast %mul3A_306 : f32 to vector<16xf32>
      %mul3A_308 = arith.mulf %convert_element_type3A_287, %mul3A_307 : vector<16xf32>
      %convert_element_type3A_309 = arith.fptosi %mul3A_308 : vector<16xf32> to vector<16xi32>
      %mul3A_310 = arith.constant 37 : i32
      %mul3A_311 = vector.broadcast %mul3A_310 : i32 to vector<16xi32>
      %mul3A_312 = arith.muli %convert_element_type3A_309, %mul3A_311 : vector<16xi32>
      %sub3A_313 = arith.subi %get3A_286, %mul3A_312 : vector<16xi32>
      %ge3A_314 = arith.constant 37 : i32
      %ge3A_315 = vector.broadcast %ge3A_314 : i32 to vector<16xi32>
      %ge3A_316 = arith.cmpi sge, %sub3A_313, %ge3A_315 : vector<16xi32>
      %sub3A_317 = arith.constant 37 : i32
      %sub3A_318 = vector.broadcast %sub3A_317 : i32 to vector<16xi32>
      %sub3A_319 = arith.subi %sub3A_313, %sub3A_318 : vector<16xi32>
      %select_n3A_320 = arith.select %ge3A_316, %sub3A_319, %sub3A_313 : vector<16xi1>, vector<16xi32>
      %add3A_321 = arith.addi %mul3A_305, %select_n3A_320 : vector<16xi32>
      %mul3A_322 = arith.constant 0.0322580636 : f32
      %mul3A_323 = vector.broadcast %mul3A_322 : f32 to vector<16xf32>
      %mul3A_324 = arith.mulf %convert_element_type3A_287, %mul3A_323 : vector<16xf32>
      %convert_element_type3A_325 = arith.fptosi %mul3A_324 : vector<16xf32> to vector<16xi32>
      %mul3A_326 = arith.constant 31 : i32
      %mul3A_327 = vector.broadcast %mul3A_326 : i32 to vector<16xi32>
      %mul3A_328 = arith.muli %convert_element_type3A_325, %mul3A_327 : vector<16xi32>
      %sub3A_329 = arith.subi %get3A_286, %mul3A_328 : vector<16xi32>
      %ge3A_330 = arith.constant 31 : i32
      %ge3A_331 = vector.broadcast %ge3A_330 : i32 to vector<16xi32>
      %ge3A_332 = arith.cmpi sge, %sub3A_329, %ge3A_331 : vector<16xi32>
      %sub3A_333 = arith.constant 31 : i32
      %sub3A_334 = vector.broadcast %sub3A_333 : i32 to vector<16xi32>
      %sub3A_335 = arith.subi %sub3A_329, %sub3A_334 : vector<16xi32>
      %select_n3A_336 = arith.select %ge3A_332, %sub3A_335, %sub3A_329 : vector<16xi1>, vector<16xi32>
      %mul3A_337 = arith.constant 23 : i32
      %mul3A_338 = vector.broadcast %mul3A_337 : i32 to vector<16xi32>
      %mul3A_339 = arith.muli %select_n3A_336, %mul3A_338 : vector<16xi32>
      %mul3A_340 = arith.constant 0.0434782617 : f32
      %mul3A_341 = vector.broadcast %mul3A_340 : f32 to vector<16xf32>
      %mul3A_342 = arith.mulf %convert_element_type3A_287, %mul3A_341 : vector<16xf32>
      %convert_element_type3A_343 = arith.fptosi %mul3A_342 : vector<16xf32> to vector<16xi32>
      %mul3A_344 = arith.constant 23 : i32
      %mul3A_345 = vector.broadcast %mul3A_344 : i32 to vector<16xi32>
      %mul3A_346 = arith.muli %convert_element_type3A_343, %mul3A_345 : vector<16xi32>
      %sub3A_347 = arith.subi %get3A_286, %mul3A_346 : vector<16xi32>
      %ge3A_348 = arith.constant 23 : i32
      %ge3A_349 = vector.broadcast %ge3A_348 : i32 to vector<16xi32>
      %ge3A_350 = arith.cmpi sge, %sub3A_347, %ge3A_349 : vector<16xi32>
      %sub3A_351 = arith.constant 23 : i32
      %sub3A_352 = vector.broadcast %sub3A_351 : i32 to vector<16xi32>
      %sub3A_353 = arith.subi %sub3A_347, %sub3A_352 : vector<16xi32>
      %select_n3A_354 = arith.select %ge3A_350, %sub3A_353, %sub3A_347 : vector<16xi1>, vector<16xi32>
      %add3A_355 = arith.addi %mul3A_339, %select_n3A_354 : vector<16xi32>
      %add3A_356 = arith.constant 1517 : i32
      %add3A_357 = vector.broadcast %add3A_356 : i32 to vector<16xi32>
      %add3A_358 = arith.addi %add3A_355, %add3A_357 : vector<16xi32>
      %mul3A_359 = arith.constant 64 : i32
      %mul3A_360 = arith.muli %add3A_16, %mul3A_359 : i32
      %add3A_361 = arith.constant 48 : i32
      %add3A_362 = arith.addi %mul3A_360, %add3A_361 : i32
      %swap3A_363 = arith.index_cast %add3A_362 : i32 to index
      %swap3A_364 = tpu.vector_load %arg6[%swap3A_363] {strides = array<i32>} : memref<512xi32, #tpu.memory_space<vmem>>, vector<16xi32>,
      tpu.vector_store %arg6[%swap3A_363], %add3A_321 {strides = array<i32>} : memref<512xi32, #tpu.memory_space<vmem>>, vector<16xi32>,
      %mul3A_365 = arith.constant 64 : i32
      %mul3A_366 = arith.muli %add3A_16, %mul3A_365 : i32
      %add3A_367 = arith.constant 48 : i32
      %add3A_368 = arith.addi %mul3A_366, %add3A_367 : i32
      %swap3A_369 = arith.index_cast %add3A_368 : i32 to index
      %swap3A_370 = tpu.vector_load %arg7[%swap3A_369] {strides = array<i32>} : memref<512xi32, #tpu.memory_space<vmem>>, vector<16xi32>,
      tpu.vector_store %arg7[%swap3A_369], %add3A_358 {strides = array<i32>} : memref<512xi32, #tpu.memory_space<vmem>>, vector<16xi32>,
      %mul3A_371 = arith.constant 64 : i32
      %mul3A_372 = arith.muli %add3A_16, %mul3A_371 : i32
      %mul3A_373 = arith.constant 64 : i32
      %mul3A_374 = arith.muli %add3A_16, %mul3A_373 : i32
      %dma_start3A = arith.constant 0 : i32
      %dma_start3A_375 = tpu.memref_slice %arg8[%mul3A_374, %dma_start3A] : memref<512x32xf32, #tpu.memory_space<vmem>> -> memref<64x32xf32, #tpu.memory_space<vmem>>
      %dma_start3A_376 = tpu.memref_slice %arg6[%mul3A_372] : memref<512xi32, #tpu.memory_space<vmem>> -> memref<64xi32, #tpu.memory_space<vmem>>
      %dma_start3A_377 = arith.constant 0 : i32
      %dma_start3A_378 = arith.constant 0 : i32
      %dma_start3A_379 = tpu.memref_slice %arg3[%dma_start3A_377, %dma_start3A_378] : memref<2230x32xf32, #tpu.memory_space<hbm>> -> memref<2230x32xf32, #tpu.memory_space<hbm>>
      %dma_start3A_380 = tpu.memref_slice %arg11[%add3A_16] : memref<8x!tpu.dma_semaphore, #tpu.memory_space<semaphore_mem>> -> memref<1x!tpu.dma_semaphore, #tpu.memory_space<semaphore_mem>>
      %dma_start3A_381 = tpu.memref_squeeze %dma_start3A_380 : memref<1x!tpu.dma_semaphore, #tpu.memory_space<semaphore_mem>> -> memref<!tpu.dma_semaphore, #tpu.memory_space<semaphore_mem>>
      tpu.enqueue_indirect_dma source(%dma_start3A_379 : memref<2230x32xf32, #tpu.memory_space<hbm>>) target(%dma_start3A_375 : memref<64x32xf32, #tpu.memory_space<vmem>>) offsets(%dma_start3A_376 : memref<64xi32, #tpu.memory_space<vmem>>) semaphore(%dma_start3A_381 : memref<!tpu.dma_semaphore, #tpu.memory_space<semaphore_mem>>)
      %mul3A_382 = arith.constant 64 : i32
      %mul3A_383 = arith.muli %add3A_16, %mul3A_382 : i32
      %mul3A_384 = arith.constant 64 : i32
      %mul3A_385 = arith.muli %add3A_16, %mul3A_384 : i32
      %dma_start3A_386 = arith.constant 0 : i32
      %dma_start3A_387 = tpu.memref_slice %arg9[%mul3A_385, %dma_start3A_386] : memref<512x32xf32, #tpu.memory_space<vmem>> -> memref<64x32xf32, #tpu.memory_space<vmem>>
      %dma_start3A_388 = tpu.memref_slice %arg7[%mul3A_383] : memref<512xi32, #tpu.memory_space<vmem>> -> memref<64xi32, #tpu.memory_space<vmem>>
      %dma_start3A_389 = arith.constant 0 : i32
      %dma_start3A_390 = arith.constant 0 : i32
      %dma_start3A_391 = tpu.memref_slice %arg3[%dma_start3A_389, %dma_start3A_390] : memref<2230x32xf32, #tpu.memory_space<hbm>> -> memref<2230x32xf32, #tpu.memory_space<hbm>>
      %dma_start3A_392 = tpu.memref_slice %arg11[%add3A_16] : memref<8x!tpu.dma_semaphore, #tpu.memory_space<semaphore_mem>> -> memref<1x!tpu.dma_semaphore, #tpu.memory_space<semaphore_mem>>
      %dma_start3A_393 = tpu.memref_squeeze %dma_start3A_392 : memref<1x!tpu.dma_semaphore, #tpu.memory_space<semaphore_mem>> -> memref<!tpu.dma_semaphore, #tpu.memory_space<semaphore_mem>>
      tpu.enqueue_indirect_dma source(%dma_start3A_391 : memref<2230x32xf32, #tpu.memory_space<hbm>>) target(%dma_start3A_387 : memref<64x32xf32, #tpu.memory_space<vmem>>) offsets(%dma_start3A_388 : memref<64xi32, #tpu.memory_space<vmem>>) semaphore(%dma_start3A_393 : memref<!tpu.dma_semaphore, #tpu.memory_space<semaphore_mem>>)
    }
    %scan3A_6 = arith.constant 8 : i32
    %scan3A_7 = arith.constant 0 : i32
    %scan3A_8 = arith.constant 8 : i32
    %scan3A_9 = arith.addi %scan3A_7, %scan3A_8 : i32
    %scan3A_10 = arith.constant 1 : i32
    scf.for %scan3A_12 = %scan3A_7 to %scan3A_9 step %scan3A_10  : i32 {
      %mul3A_13 = arith.constant 1 : i32
      %mul3A_14 = arith.muli %scan3A_12, %mul3A_13 : i32
      %add3A_15 = arith.constant 0 : i32
      %add3A_16 = arith.addi %add3A_15, %mul3A_14 : i32
      %mul3A_17 = arith.constant 64 : i32
      %mul3A_18 = arith.muli %add3A_16, %mul3A_17 : i32
      %mul3A_19 = arith.constant 64 : i32
      %mul3A_20 = arith.muli %add3A_16, %mul3A_19 : i32
      %dma_wait3A = arith.constant 0 : i32
      %dma_wait3A_21 = tpu.memref_slice %arg8[%mul3A_20, %dma_wait3A] : memref<512x32xf32, #tpu.memory_space<vmem>> -> memref<64x32xf32, #tpu.memory_space<vmem>>
      %dma_wait3A_22 = tpu.memref_slice %arg6[%mul3A_18] : memref<512xi32, #tpu.memory_space<vmem>> -> memref<64xi32, #tpu.memory_space<vmem>>
      %dma_wait3A_23 = arith.constant 0 : i32
      %dma_wait3A_24 = arith.constant 0 : i32
      %dma_wait3A_25 = tpu.memref_slice %arg3[%dma_wait3A_23, %dma_wait3A_24] : memref<2230x32xf32, #tpu.memory_space<hbm>> -> memref<2230x32xf32, #tpu.memory_space<hbm>>
      %dma_wait3A_26 = tpu.memref_slice %arg11[%add3A_16] : memref<8x!tpu.dma_semaphore, #tpu.memory_space<semaphore_mem>> -> memref<1x!tpu.dma_semaphore, #tpu.memory_space<semaphore_mem>>
      %dma_wait3A_27 = tpu.memref_squeeze %dma_wait3A_26 : memref<1x!tpu.dma_semaphore, #tpu.memory_space<semaphore_mem>> -> memref<!tpu.dma_semaphore, #tpu.memory_space<semaphore_mem>>
      tpu.wait_indirect_dma semaphore(%dma_wait3A_27 : memref<!tpu.dma_semaphore, #tpu.memory_space<semaphore_mem>>) src(%dma_wait3A_25 : memref<2230x32xf32, #tpu.memory_space<hbm>>) dst(%dma_wait3A_21 : memref<64x32xf32, #tpu.memory_space<vmem>>)
      %mul3A_28 = arith.constant 64 : i32
      %mul3A_29 = arith.muli %add3A_16, %mul3A_28 : i32
      %mul3A_30 = arith.constant 64 : i32
      %mul3A_31 = arith.muli %add3A_16, %mul3A_30 : i32
      %dma_wait3A_32 = arith.constant 0 : i32
      %dma_wait3A_33 = tpu.memref_slice %arg9[%mul3A_31, %dma_wait3A_32] : memref<512x32xf32, #tpu.memory_space<vmem>> -> memref<64x32xf32, #tpu.memory_space<vmem>>
      %dma_wait3A_34 = tpu.memref_slice %arg7[%mul3A_29] : memref<512xi32, #tpu.memory_space<vmem>> -> memref<64xi32, #tpu.memory_space<vmem>>
      %dma_wait3A_35 = arith.constant 0 : i32
      %dma_wait3A_36 = arith.constant 0 : i32
      %dma_wait3A_37 = tpu.memref_slice %arg3[%dma_wait3A_35, %dma_wait3A_36] : memref<2230x32xf32, #tpu.memory_space<hbm>> -> memref<2230x32xf32, #tpu.memory_space<hbm>>
      %dma_wait3A_38 = tpu.memref_slice %arg11[%add3A_16] : memref<8x!tpu.dma_semaphore, #tpu.memory_space<semaphore_mem>> -> memref<1x!tpu.dma_semaphore, #tpu.memory_space<semaphore_mem>>
      %dma_wait3A_39 = tpu.memref_squeeze %dma_wait3A_38 : memref<1x!tpu.dma_semaphore, #tpu.memory_space<semaphore_mem>> -> memref<!tpu.dma_semaphore, #tpu.memory_space<semaphore_mem>>
      tpu.wait_indirect_dma semaphore(%dma_wait3A_39 : memref<!tpu.dma_semaphore, #tpu.memory_space<semaphore_mem>>) src(%dma_wait3A_37 : memref<2230x32xf32, #tpu.memory_space<hbm>>) dst(%dma_wait3A_33 : memref<64x32xf32, #tpu.memory_space<vmem>>)
      %mul3A_40 = arith.constant 64 : i32
      %mul3A_41 = arith.muli %add3A_16, %mul3A_40 : i32
      %add3A_42 = arith.constant 0 : i32
      %add3A_43 = arith.addi %mul3A_41, %add3A_42 : i32
      %add3A_44 = vector.broadcast %add3A_43 : i32 to vector<16xi32>
      %add3A_45 = arith.addi %iota3A, %add3A_44 : vector<16xi32>
      %add3A_46 = arith.constant 0 : i32
      %add3A_47 = vector.broadcast %add3A_46 : i32 to vector<16xi32>
      %add3A_48 = arith.addi %iota3A, %add3A_47 : vector<16xi32>
      %and3A = arith.constant 31 : i32
      %and3A_49 = vector.broadcast %and3A : i32 to vector<16xi32>
      %and3A_50 = arith.andi %add3A_48, %and3A_49 : vector<16xi32>
      %gather3A = tpu.vector_load_idx %arg8[%add3A_45, %and3A_50] : memref<512x32xf32, #tpu.memory_space<vmem>>[vector<16xi32>, vector<16xi32>], vector<16xf32>,
      tpu.vector_store_idx %arg10[%and3A_50, %add3A_45], %gather3A : memref<64x512xf32, #tpu.memory_space<vmem>>[vector<16xi32>, vector<16xi32>], vector<16xf32>,
      %gather3A_51 = tpu.vector_load_idx %arg9[%add3A_45, %and3A_50] : memref<512x32xf32, #tpu.memory_space<vmem>>[vector<16xi32>, vector<16xi32>], vector<16xf32>,
      %add3A_52 = arith.constant 32 : i32
      %add3A_53 = vector.broadcast %add3A_52 : i32 to vector<16xi32>
      %add3A_54 = arith.addi %and3A_50, %add3A_53 : vector<16xi32>
      tpu.vector_store_idx %arg10[%add3A_54, %add3A_45], %gather3A_51 : memref<64x512xf32, #tpu.memory_space<vmem>>[vector<16xi32>, vector<16xi32>], vector<16xf32>,
      %add3A_55 = arith.constant 1 : i32
      %add3A_56 = vector.broadcast %add3A_55 : i32 to vector<16xi32>
      %add3A_57 = arith.addi %iota3A, %add3A_56 : vector<16xi32>
      %and3A_58 = arith.constant 31 : i32
      %and3A_59 = vector.broadcast %and3A_58 : i32 to vector<16xi32>
      %and3A_60 = arith.andi %add3A_57, %and3A_59 : vector<16xi32>
      %gather3A_61 = tpu.vector_load_idx %arg8[%add3A_45, %and3A_60] : memref<512x32xf32, #tpu.memory_space<vmem>>[vector<16xi32>, vector<16xi32>], vector<16xf32>,
      tpu.vector_store_idx %arg10[%and3A_60, %add3A_45], %gather3A_61 : memref<64x512xf32, #tpu.memory_space<vmem>>[vector<16xi32>, vector<16xi32>], vector<16xf32>,
      %gather3A_62 = tpu.vector_load_idx %arg9[%add3A_45, %and3A_60] : memref<512x32xf32, #tpu.memory_space<vmem>>[vector<16xi32>, vector<16xi32>], vector<16xf32>,
      %add3A_63 = arith.constant 32 : i32
      %add3A_64 = vector.broadcast %add3A_63 : i32 to vector<16xi32>
      %add3A_65 = arith.addi %and3A_60, %add3A_64 : vector<16xi32>
      tpu.vector_store_idx %arg10[%add3A_65, %add3A_45], %gather3A_62 : memref<64x512xf32, #tpu.memory_space<vmem>>[vector<16xi32>, vector<16xi32>], vector<16xf32>,
      %add3A_66 = arith.constant 2 : i32
      %add3A_67 = vector.broadcast %add3A_66 : i32 to vector<16xi32>
      %add3A_68 = arith.addi %iota3A, %add3A_67 : vector<16xi32>
      %and3A_69 = arith.constant 31 : i32
      %and3A_70 = vector.broadcast %and3A_69 : i32 to vector<16xi32>
      %and3A_71 = arith.andi %add3A_68, %and3A_70 : vector<16xi32>
      %gather3A_72 = tpu.vector_load_idx %arg8[%add3A_45, %and3A_71] : memref<512x32xf32, #tpu.memory_space<vmem>>[vector<16xi32>, vector<16xi32>], vector<16xf32>,
      tpu.vector_store_idx %arg10[%and3A_71, %add3A_45], %gather3A_72 : memref<64x512xf32, #tpu.memory_space<vmem>>[vector<16xi32>, vector<16xi32>], vector<16xf32>,
      %gather3A_73 = tpu.vector_load_idx %arg9[%add3A_45, %and3A_71] : memref<512x32xf32, #tpu.memory_space<vmem>>[vector<16xi32>, vector<16xi32>], vector<16xf32>,
      %add3A_74 = arith.constant 32 : i32
      %add3A_75 = vector.broadcast %add3A_74 : i32 to vector<16xi32>
      %add3A_76 = arith.addi %and3A_71, %add3A_75 : vector<16xi32>
      tpu.vector_store_idx %arg10[%add3A_76, %add3A_45], %gather3A_73 : memref<64x512xf32, #tpu.memory_space<vmem>>[vector<16xi32>, vector<16xi32>], vector<16xf32>,
      %add3A_77 = arith.constant 3 : i32
      %add3A_78 = vector.broadcast %add3A_77 : i32 to vector<16xi32>
      %add3A_79 = arith.addi %iota3A, %add3A_78 : vector<16xi32>
      %and3A_80 = arith.constant 31 : i32
      %and3A_81 = vector.broadcast %and3A_80 : i32 to vector<16xi32>
      %and3A_82 = arith.andi %add3A_79, %and3A_81 : vector<16xi32>
      %gather3A_83 = tpu.vector_load_idx %arg8[%add3A_45, %and3A_82] : memref<512x32xf32, #tpu.memory_space<vmem>>[vector<16xi32>, vector<16xi32>], vector<16xf32>,
      tpu.vector_store_idx %arg10[%and3A_82, %add3A_45], %gather3A_83 : memref<64x512xf32, #tpu.memory_space<vmem>>[vector<16xi32>, vector<16xi32>], vector<16xf32>,
      %gather3A_84 = tpu.vector_load_idx %arg9[%add3A_45, %and3A_82] : memref<512x32xf32, #tpu.memory_space<vmem>>[vector<16xi32>, vector<16xi32>], vector<16xf32>,
      %add3A_85 = arith.constant 32 : i32
      %add3A_86 = vector.broadcast %add3A_85 : i32 to vector<16xi32>
      %add3A_87 = arith.addi %and3A_82, %add3A_86 : vector<16xi32>
      tpu.vector_store_idx %arg10[%add3A_87, %add3A_45], %gather3A_84 : memref<64x512xf32, #tpu.memory_space<vmem>>[vector<16xi32>, vector<16xi32>], vector<16xf32>,
      %add3A_88 = arith.constant 4 : i32
      %add3A_89 = vector.broadcast %add3A_88 : i32 to vector<16xi32>
      %add3A_90 = arith.addi %iota3A, %add3A_89 : vector<16xi32>
      %and3A_91 = arith.constant 31 : i32
      %and3A_92 = vector.broadcast %and3A_91 : i32 to vector<16xi32>
      %and3A_93 = arith.andi %add3A_90, %and3A_92 : vector<16xi32>
      %gather3A_94 = tpu.vector_load_idx %arg8[%add3A_45, %and3A_93] : memref<512x32xf32, #tpu.memory_space<vmem>>[vector<16xi32>, vector<16xi32>], vector<16xf32>,
      tpu.vector_store_idx %arg10[%and3A_93, %add3A_45], %gather3A_94 : memref<64x512xf32, #tpu.memory_space<vmem>>[vector<16xi32>, vector<16xi32>], vector<16xf32>,
      %gather3A_95 = tpu.vector_load_idx %arg9[%add3A_45, %and3A_93] : memref<512x32xf32, #tpu.memory_space<vmem>>[vector<16xi32>, vector<16xi32>], vector<16xf32>,
      %add3A_96 = arith.constant 32 : i32
      %add3A_97 = vector.broadcast %add3A_96 : i32 to vector<16xi32>
      %add3A_98 = arith.addi %and3A_93, %add3A_97 : vector<16xi32>
      tpu.vector_store_idx %arg10[%add3A_98, %add3A_45], %gather3A_95 : memref<64x512xf32, #tpu.memory_space<vmem>>[vector<16xi32>, vector<16xi32>], vector<16xf32>,
      %add3A_99 = arith.constant 5 : i32
      %add3A_100 = vector.broadcast %add3A_99 : i32 to vector<16xi32>
      %add3A_101 = arith.addi %iota3A, %add3A_100 : vector<16xi32>
      %and3A_102 = arith.constant 31 : i32
      %and3A_103 = vector.broadcast %and3A_102 : i32 to vector<16xi32>
      %and3A_104 = arith.andi %add3A_101, %and3A_103 : vector<16xi32>
      %gather3A_105 = tpu.vector_load_idx %arg8[%add3A_45, %and3A_104] : memref<512x32xf32, #tpu.memory_space<vmem>>[vector<16xi32>, vector<16xi32>], vector<16xf32>,
      tpu.vector_store_idx %arg10[%and3A_104, %add3A_45], %gather3A_105 : memref<64x512xf32, #tpu.memory_space<vmem>>[vector<16xi32>, vector<16xi32>], vector<16xf32>,
      %gather3A_106 = tpu.vector_load_idx %arg9[%add3A_45, %and3A_104] : memref<512x32xf32, #tpu.memory_space<vmem>>[vector<16xi32>, vector<16xi32>], vector<16xf32>,
      %add3A_107 = arith.constant 32 : i32
      %add3A_108 = vector.broadcast %add3A_107 : i32 to vector<16xi32>
      %add3A_109 = arith.addi %and3A_104, %add3A_108 : vector<16xi32>
      tpu.vector_store_idx %arg10[%add3A_109, %add3A_45], %gather3A_106 : memref<64x512xf32, #tpu.memory_space<vmem>>[vector<16xi32>, vector<16xi32>], vector<16xf32>,
      %add3A_110 = arith.constant 6 : i32
      %add3A_111 = vector.broadcast %add3A_110 : i32 to vector<16xi32>
      %add3A_112 = arith.addi %iota3A, %add3A_111 : vector<16xi32>
      %and3A_113 = arith.constant 31 : i32
      %and3A_114 = vector.broadcast %and3A_113 : i32 to vector<16xi32>
      %and3A_115 = arith.andi %add3A_112, %and3A_114 : vector<16xi32>
      %gather3A_116 = tpu.vector_load_idx %arg8[%add3A_45, %and3A_115] : memref<512x32xf32, #tpu.memory_space<vmem>>[vector<16xi32>, vector<16xi32>], vector<16xf32>,
      tpu.vector_store_idx %arg10[%and3A_115, %add3A_45], %gather3A_116 : memref<64x512xf32, #tpu.memory_space<vmem>>[vector<16xi32>, vector<16xi32>], vector<16xf32>,
      %gather3A_117 = tpu.vector_load_idx %arg9[%add3A_45, %and3A_115] : memref<512x32xf32, #tpu.memory_space<vmem>>[vector<16xi32>, vector<16xi32>], vector<16xf32>,
      %add3A_118 = arith.constant 32 : i32
      %add3A_119 = vector.broadcast %add3A_118 : i32 to vector<16xi32>
      %add3A_120 = arith.addi %and3A_115, %add3A_119 : vector<16xi32>
      tpu.vector_store_idx %arg10[%add3A_120, %add3A_45], %gather3A_117 : memref<64x512xf32, #tpu.memory_space<vmem>>[vector<16xi32>, vector<16xi32>], vector<16xf32>,
      %add3A_121 = arith.constant 7 : i32
      %add3A_122 = vector.broadcast %add3A_121 : i32 to vector<16xi32>
      %add3A_123 = arith.addi %iota3A, %add3A_122 : vector<16xi32>
      %and3A_124 = arith.constant 31 : i32
      %and3A_125 = vector.broadcast %and3A_124 : i32 to vector<16xi32>
      %and3A_126 = arith.andi %add3A_123, %and3A_125 : vector<16xi32>
      %gather3A_127 = tpu.vector_load_idx %arg8[%add3A_45, %and3A_126] : memref<512x32xf32, #tpu.memory_space<vmem>>[vector<16xi32>, vector<16xi32>], vector<16xf32>,
      tpu.vector_store_idx %arg10[%and3A_126, %add3A_45], %gather3A_127 : memref<64x512xf32, #tpu.memory_space<vmem>>[vector<16xi32>, vector<16xi32>], vector<16xf32>,
      %gather3A_128 = tpu.vector_load_idx %arg9[%add3A_45, %and3A_126] : memref<512x32xf32, #tpu.memory_space<vmem>>[vector<16xi32>, vector<16xi32>], vector<16xf32>,
      %add3A_129 = arith.constant 32 : i32
      %add3A_130 = vector.broadcast %add3A_129 : i32 to vector<16xi32>
      %add3A_131 = arith.addi %and3A_126, %add3A_130 : vector<16xi32>
      tpu.vector_store_idx %arg10[%add3A_131, %add3A_45], %gather3A_128 : memref<64x512xf32, #tpu.memory_space<vmem>>[vector<16xi32>, vector<16xi32>], vector<16xf32>,
      %add3A_132 = arith.constant 8 : i32
      %add3A_133 = vector.broadcast %add3A_132 : i32 to vector<16xi32>
      %add3A_134 = arith.addi %iota3A, %add3A_133 : vector<16xi32>
      %and3A_135 = arith.constant 31 : i32
      %and3A_136 = vector.broadcast %and3A_135 : i32 to vector<16xi32>
      %and3A_137 = arith.andi %add3A_134, %and3A_136 : vector<16xi32>
      %gather3A_138 = tpu.vector_load_idx %arg8[%add3A_45, %and3A_137] : memref<512x32xf32, #tpu.memory_space<vmem>>[vector<16xi32>, vector<16xi32>], vector<16xf32>,
      tpu.vector_store_idx %arg10[%and3A_137, %add3A_45], %gather3A_138 : memref<64x512xf32, #tpu.memory_space<vmem>>[vector<16xi32>, vector<16xi32>], vector<16xf32>,
      %gather3A_139 = tpu.vector_load_idx %arg9[%add3A_45, %and3A_137] : memref<512x32xf32, #tpu.memory_space<vmem>>[vector<16xi32>, vector<16xi32>], vector<16xf32>,
      %add3A_140 = arith.constant 32 : i32
      %add3A_141 = vector.broadcast %add3A_140 : i32 to vector<16xi32>
      %add3A_142 = arith.addi %and3A_137, %add3A_141 : vector<16xi32>
      tpu.vector_store_idx %arg10[%add3A_142, %add3A_45], %gather3A_139 : memref<64x512xf32, #tpu.memory_space<vmem>>[vector<16xi32>, vector<16xi32>], vector<16xf32>,
      %add3A_143 = arith.constant 9 : i32
      %add3A_144 = vector.broadcast %add3A_143 : i32 to vector<16xi32>
      %add3A_145 = arith.addi %iota3A, %add3A_144 : vector<16xi32>
      %and3A_146 = arith.constant 31 : i32
      %and3A_147 = vector.broadcast %and3A_146 : i32 to vector<16xi32>
      %and3A_148 = arith.andi %add3A_145, %and3A_147 : vector<16xi32>
      %gather3A_149 = tpu.vector_load_idx %arg8[%add3A_45, %and3A_148] : memref<512x32xf32, #tpu.memory_space<vmem>>[vector<16xi32>, vector<16xi32>], vector<16xf32>,
      tpu.vector_store_idx %arg10[%and3A_148, %add3A_45], %gather3A_149 : memref<64x512xf32, #tpu.memory_space<vmem>>[vector<16xi32>, vector<16xi32>], vector<16xf32>,
      %gather3A_150 = tpu.vector_load_idx %arg9[%add3A_45, %and3A_148] : memref<512x32xf32, #tpu.memory_space<vmem>>[vector<16xi32>, vector<16xi32>], vector<16xf32>,
      %add3A_151 = arith.constant 32 : i32
      %add3A_152 = vector.broadcast %add3A_151 : i32 to vector<16xi32>
      %add3A_153 = arith.addi %and3A_148, %add3A_152 : vector<16xi32>
      tpu.vector_store_idx %arg10[%add3A_153, %add3A_45], %gather3A_150 : memref<64x512xf32, #tpu.memory_space<vmem>>[vector<16xi32>, vector<16xi32>], vector<16xf32>,
      %add3A_154 = arith.constant 10 : i32
      %add3A_155 = vector.broadcast %add3A_154 : i32 to vector<16xi32>
      %add3A_156 = arith.addi %iota3A, %add3A_155 : vector<16xi32>
      %and3A_157 = arith.constant 31 : i32
      %and3A_158 = vector.broadcast %and3A_157 : i32 to vector<16xi32>
      %and3A_159 = arith.andi %add3A_156, %and3A_158 : vector<16xi32>
      %gather3A_160 = tpu.vector_load_idx %arg8[%add3A_45, %and3A_159] : memref<512x32xf32, #tpu.memory_space<vmem>>[vector<16xi32>, vector<16xi32>], vector<16xf32>,
      tpu.vector_store_idx %arg10[%and3A_159, %add3A_45], %gather3A_160 : memref<64x512xf32, #tpu.memory_space<vmem>>[vector<16xi32>, vector<16xi32>], vector<16xf32>,
      %gather3A_161 = tpu.vector_load_idx %arg9[%add3A_45, %and3A_159] : memref<512x32xf32, #tpu.memory_space<vmem>>[vector<16xi32>, vector<16xi32>], vector<16xf32>,
      %add3A_162 = arith.constant 32 : i32
      %add3A_163 = vector.broadcast %add3A_162 : i32 to vector<16xi32>
      %add3A_164 = arith.addi %and3A_159, %add3A_163 : vector<16xi32>
      tpu.vector_store_idx %arg10[%add3A_164, %add3A_45], %gather3A_161 : memref<64x512xf32, #tpu.memory_space<vmem>>[vector<16xi32>, vector<16xi32>], vector<16xf32>,
      %add3A_165 = arith.constant 11 : i32
      %add3A_166 = vector.broadcast %add3A_165 : i32 to vector<16xi32>
      %add3A_167 = arith.addi %iota3A, %add3A_166 : vector<16xi32>
      %and3A_168 = arith.constant 31 : i32
      %and3A_169 = vector.broadcast %and3A_168 : i32 to vector<16xi32>
      %and3A_170 = arith.andi %add3A_167, %and3A_169 : vector<16xi32>
      %gather3A_171 = tpu.vector_load_idx %arg8[%add3A_45, %and3A_170] : memref<512x32xf32, #tpu.memory_space<vmem>>[vector<16xi32>, vector<16xi32>], vector<16xf32>,
      tpu.vector_store_idx %arg10[%and3A_170, %add3A_45], %gather3A_171 : memref<64x512xf32, #tpu.memory_space<vmem>>[vector<16xi32>, vector<16xi32>], vector<16xf32>,
      %gather3A_172 = tpu.vector_load_idx %arg9[%add3A_45, %and3A_170] : memref<512x32xf32, #tpu.memory_space<vmem>>[vector<16xi32>, vector<16xi32>], vector<16xf32>,
      %add3A_173 = arith.constant 32 : i32
      %add3A_174 = vector.broadcast %add3A_173 : i32 to vector<16xi32>
      %add3A_175 = arith.addi %and3A_170, %add3A_174 : vector<16xi32>
      tpu.vector_store_idx %arg10[%add3A_175, %add3A_45], %gather3A_172 : memref<64x512xf32, #tpu.memory_space<vmem>>[vector<16xi32>, vector<16xi32>], vector<16xf32>,
      %add3A_176 = arith.constant 12 : i32
      %add3A_177 = vector.broadcast %add3A_176 : i32 to vector<16xi32>
      %add3A_178 = arith.addi %iota3A, %add3A_177 : vector<16xi32>
      %and3A_179 = arith.constant 31 : i32
      %and3A_180 = vector.broadcast %and3A_179 : i32 to vector<16xi32>
      %and3A_181 = arith.andi %add3A_178, %and3A_180 : vector<16xi32>
      %gather3A_182 = tpu.vector_load_idx %arg8[%add3A_45, %and3A_181] : memref<512x32xf32, #tpu.memory_space<vmem>>[vector<16xi32>, vector<16xi32>], vector<16xf32>,
      tpu.vector_store_idx %arg10[%and3A_181, %add3A_45], %gather3A_182 : memref<64x512xf32, #tpu.memory_space<vmem>>[vector<16xi32>, vector<16xi32>], vector<16xf32>,
      %gather3A_183 = tpu.vector_load_idx %arg9[%add3A_45, %and3A_181] : memref<512x32xf32, #tpu.memory_space<vmem>>[vector<16xi32>, vector<16xi32>], vector<16xf32>,
      %add3A_184 = arith.constant 32 : i32
      %add3A_185 = vector.broadcast %add3A_184 : i32 to vector<16xi32>
      %add3A_186 = arith.addi %and3A_181, %add3A_185 : vector<16xi32>
      tpu.vector_store_idx %arg10[%add3A_186, %add3A_45], %gather3A_183 : memref<64x512xf32, #tpu.memory_space<vmem>>[vector<16xi32>, vector<16xi32>], vector<16xf32>,
      %add3A_187 = arith.constant 13 : i32
      %add3A_188 = vector.broadcast %add3A_187 : i32 to vector<16xi32>
      %add3A_189 = arith.addi %iota3A, %add3A_188 : vector<16xi32>
      %and3A_190 = arith.constant 31 : i32
      %and3A_191 = vector.broadcast %and3A_190 : i32 to vector<16xi32>
      %and3A_192 = arith.andi %add3A_189, %and3A_191 : vector<16xi32>
      %gather3A_193 = tpu.vector_load_idx %arg8[%add3A_45, %and3A_192] : memref<512x32xf32, #tpu.memory_space<vmem>>[vector<16xi32>, vector<16xi32>], vector<16xf32>,
      tpu.vector_store_idx %arg10[%and3A_192, %add3A_45], %gather3A_193 : memref<64x512xf32, #tpu.memory_space<vmem>>[vector<16xi32>, vector<16xi32>], vector<16xf32>,
      %gather3A_194 = tpu.vector_load_idx %arg9[%add3A_45, %and3A_192] : memref<512x32xf32, #tpu.memory_space<vmem>>[vector<16xi32>, vector<16xi32>], vector<16xf32>,
      %add3A_195 = arith.constant 32 : i32
      %add3A_196 = vector.broadcast %add3A_195 : i32 to vector<16xi32>
      %add3A_197 = arith.addi %and3A_192, %add3A_196 : vector<16xi32>
      tpu.vector_store_idx %arg10[%add3A_197, %add3A_45], %gather3A_194 : memref<64x512xf32, #tpu.memory_space<vmem>>[vector<16xi32>, vector<16xi32>], vector<16xf32>,
      %add3A_198 = arith.constant 14 : i32
      %add3A_199 = vector.broadcast %add3A_198 : i32 to vector<16xi32>
      %add3A_200 = arith.addi %iota3A, %add3A_199 : vector<16xi32>
      %and3A_201 = arith.constant 31 : i32
      %and3A_202 = vector.broadcast %and3A_201 : i32 to vector<16xi32>
      %and3A_203 = arith.andi %add3A_200, %and3A_202 : vector<16xi32>
      %gather3A_204 = tpu.vector_load_idx %arg8[%add3A_45, %and3A_203] : memref<512x32xf32, #tpu.memory_space<vmem>>[vector<16xi32>, vector<16xi32>], vector<16xf32>,
      tpu.vector_store_idx %arg10[%and3A_203, %add3A_45], %gather3A_204 : memref<64x512xf32, #tpu.memory_space<vmem>>[vector<16xi32>, vector<16xi32>], vector<16xf32>,
      %gather3A_205 = tpu.vector_load_idx %arg9[%add3A_45, %and3A_203] : memref<512x32xf32, #tpu.memory_space<vmem>>[vector<16xi32>, vector<16xi32>], vector<16xf32>,
      %add3A_206 = arith.constant 32 : i32
      %add3A_207 = vector.broadcast %add3A_206 : i32 to vector<16xi32>
      %add3A_208 = arith.addi %and3A_203, %add3A_207 : vector<16xi32>
      tpu.vector_store_idx %arg10[%add3A_208, %add3A_45], %gather3A_205 : memref<64x512xf32, #tpu.memory_space<vmem>>[vector<16xi32>, vector<16xi32>], vector<16xf32>,
      %add3A_209 = arith.constant 15 : i32
      %add3A_210 = vector.broadcast %add3A_209 : i32 to vector<16xi32>
      %add3A_211 = arith.addi %iota3A, %add3A_210 : vector<16xi32>
      %and3A_212 = arith.constant 31 : i32
      %and3A_213 = vector.broadcast %and3A_212 : i32 to vector<16xi32>
      %and3A_214 = arith.andi %add3A_211, %and3A_213 : vector<16xi32>
      %gather3A_215 = tpu.vector_load_idx %arg8[%add3A_45, %and3A_214] : memref<512x32xf32, #tpu.memory_space<vmem>>[vector<16xi32>, vector<16xi32>], vector<16xf32>,
      tpu.vector_store_idx %arg10[%and3A_214, %add3A_45], %gather3A_215 : memref<64x512xf32, #tpu.memory_space<vmem>>[vector<16xi32>, vector<16xi32>], vector<16xf32>,
      %gather3A_216 = tpu.vector_load_idx %arg9[%add3A_45, %and3A_214] : memref<512x32xf32, #tpu.memory_space<vmem>>[vector<16xi32>, vector<16xi32>], vector<16xf32>,
      %add3A_217 = arith.constant 32 : i32
      %add3A_218 = vector.broadcast %add3A_217 : i32 to vector<16xi32>
      %add3A_219 = arith.addi %and3A_214, %add3A_218 : vector<16xi32>
      tpu.vector_store_idx %arg10[%add3A_219, %add3A_45], %gather3A_216 : memref<64x512xf32, #tpu.memory_space<vmem>>[vector<16xi32>, vector<16xi32>], vector<16xf32>,
      %add3A_220 = arith.constant 16 : i32
      %add3A_221 = vector.broadcast %add3A_220 : i32 to vector<16xi32>
      %add3A_222 = arith.addi %iota3A, %add3A_221 : vector<16xi32>
      %and3A_223 = arith.constant 31 : i32
      %and3A_224 = vector.broadcast %and3A_223 : i32 to vector<16xi32>
      %and3A_225 = arith.andi %add3A_222, %and3A_224 : vector<16xi32>
      %gather3A_226 = tpu.vector_load_idx %arg8[%add3A_45, %and3A_225] : memref<512x32xf32, #tpu.memory_space<vmem>>[vector<16xi32>, vector<16xi32>], vector<16xf32>,
      tpu.vector_store_idx %arg10[%and3A_225, %add3A_45], %gather3A_226 : memref<64x512xf32, #tpu.memory_space<vmem>>[vector<16xi32>, vector<16xi32>], vector<16xf32>,
      %gather3A_227 = tpu.vector_load_idx %arg9[%add3A_45, %and3A_225] : memref<512x32xf32, #tpu.memory_space<vmem>>[vector<16xi32>, vector<16xi32>], vector<16xf32>,
      %add3A_228 = arith.constant 32 : i32
      %add3A_229 = vector.broadcast %add3A_228 : i32 to vector<16xi32>
      %add3A_230 = arith.addi %and3A_225, %add3A_229 : vector<16xi32>
      tpu.vector_store_idx %arg10[%add3A_230, %add3A_45], %gather3A_227 : memref<64x512xf32, #tpu.memory_space<vmem>>[vector<16xi32>, vector<16xi32>], vector<16xf32>,
      %add3A_231 = arith.constant 17 : i32
      %add3A_232 = vector.broadcast %add3A_231 : i32 to vector<16xi32>
      %add3A_233 = arith.addi %iota3A, %add3A_232 : vector<16xi32>
      %and3A_234 = arith.constant 31 : i32
      %and3A_235 = vector.broadcast %and3A_234 : i32 to vector<16xi32>
      %and3A_236 = arith.andi %add3A_233, %and3A_235 : vector<16xi32>
      %gather3A_237 = tpu.vector_load_idx %arg8[%add3A_45, %and3A_236] : memref<512x32xf32, #tpu.memory_space<vmem>>[vector<16xi32>, vector<16xi32>], vector<16xf32>,
      tpu.vector_store_idx %arg10[%and3A_236, %add3A_45], %gather3A_237 : memref<64x512xf32, #tpu.memory_space<vmem>>[vector<16xi32>, vector<16xi32>], vector<16xf32>,
      %gather3A_238 = tpu.vector_load_idx %arg9[%add3A_45, %and3A_236] : memref<512x32xf32, #tpu.memory_space<vmem>>[vector<16xi32>, vector<16xi32>], vector<16xf32>,
      %add3A_239 = arith.constant 32 : i32
      %add3A_240 = vector.broadcast %add3A_239 : i32 to vector<16xi32>
      %add3A_241 = arith.addi %and3A_236, %add3A_240 : vector<16xi32>
      tpu.vector_store_idx %arg10[%add3A_241, %add3A_45], %gather3A_238 : memref<64x512xf32, #tpu.memory_space<vmem>>[vector<16xi32>, vector<16xi32>], vector<16xf32>,
      %add3A_242 = arith.constant 18 : i32
      %add3A_243 = vector.broadcast %add3A_242 : i32 to vector<16xi32>
      %add3A_244 = arith.addi %iota3A, %add3A_243 : vector<16xi32>
      %and3A_245 = arith.constant 31 : i32
      %and3A_246 = vector.broadcast %and3A_245 : i32 to vector<16xi32>
      %and3A_247 = arith.andi %add3A_244, %and3A_246 : vector<16xi32>
      %gather3A_248 = tpu.vector_load_idx %arg8[%add3A_45, %and3A_247] : memref<512x32xf32, #tpu.memory_space<vmem>>[vector<16xi32>, vector<16xi32>], vector<16xf32>,
      tpu.vector_store_idx %arg10[%and3A_247, %add3A_45], %gather3A_248 : memref<64x512xf32, #tpu.memory_space<vmem>>[vector<16xi32>, vector<16xi32>], vector<16xf32>,
      %gather3A_249 = tpu.vector_load_idx %arg9[%add3A_45, %and3A_247] : memref<512x32xf32, #tpu.memory_space<vmem>>[vector<16xi32>, vector<16xi32>], vector<16xf32>,
      %add3A_250 = arith.constant 32 : i32
      %add3A_251 = vector.broadcast %add3A_250 : i32 to vector<16xi32>
      %add3A_252 = arith.addi %and3A_247, %add3A_251 : vector<16xi32>
      tpu.vector_store_idx %arg10[%add3A_252, %add3A_45], %gather3A_249 : memref<64x512xf32, #tpu.memory_space<vmem>>[vector<16xi32>, vector<16xi32>], vector<16xf32>,
      %add3A_253 = arith.constant 19 : i32
      %add3A_254 = vector.broadcast %add3A_253 : i32 to vector<16xi32>
      %add3A_255 = arith.addi %iota3A, %add3A_254 : vector<16xi32>
      %and3A_256 = arith.constant 31 : i32
      %and3A_257 = vector.broadcast %and3A_256 : i32 to vector<16xi32>
      %and3A_258 = arith.andi %add3A_255, %and3A_257 : vector<16xi32>
      %gather3A_259 = tpu.vector_load_idx %arg8[%add3A_45, %and3A_258] : memref<512x32xf32, #tpu.memory_space<vmem>>[vector<16xi32>, vector<16xi32>], vector<16xf32>,
      tpu.vector_store_idx %arg10[%and3A_258, %add3A_45], %gather3A_259 : memref<64x512xf32, #tpu.memory_space<vmem>>[vector<16xi32>, vector<16xi32>], vector<16xf32>,
      %gather3A_260 = tpu.vector_load_idx %arg9[%add3A_45, %and3A_258] : memref<512x32xf32, #tpu.memory_space<vmem>>[vector<16xi32>, vector<16xi32>], vector<16xf32>,
      %add3A_261 = arith.constant 32 : i32
      %add3A_262 = vector.broadcast %add3A_261 : i32 to vector<16xi32>
      %add3A_263 = arith.addi %and3A_258, %add3A_262 : vector<16xi32>
      tpu.vector_store_idx %arg10[%add3A_263, %add3A_45], %gather3A_260 : memref<64x512xf32, #tpu.memory_space<vmem>>[vector<16xi32>, vector<16xi32>], vector<16xf32>,
      %add3A_264 = arith.constant 20 : i32
      %add3A_265 = vector.broadcast %add3A_264 : i32 to vector<16xi32>
      %add3A_266 = arith.addi %iota3A, %add3A_265 : vector<16xi32>
      %and3A_267 = arith.constant 31 : i32
      %and3A_268 = vector.broadcast %and3A_267 : i32 to vector<16xi32>
      %and3A_269 = arith.andi %add3A_266, %and3A_268 : vector<16xi32>
      %gather3A_270 = tpu.vector_load_idx %arg8[%add3A_45, %and3A_269] : memref<512x32xf32, #tpu.memory_space<vmem>>[vector<16xi32>, vector<16xi32>], vector<16xf32>,
      tpu.vector_store_idx %arg10[%and3A_269, %add3A_45], %gather3A_270 : memref<64x512xf32, #tpu.memory_space<vmem>>[vector<16xi32>, vector<16xi32>], vector<16xf32>,
      %gather3A_271 = tpu.vector_load_idx %arg9[%add3A_45, %and3A_269] : memref<512x32xf32, #tpu.memory_space<vmem>>[vector<16xi32>, vector<16xi32>], vector<16xf32>,
      %add3A_272 = arith.constant 32 : i32
      %add3A_273 = vector.broadcast %add3A_272 : i32 to vector<16xi32>
      %add3A_274 = arith.addi %and3A_269, %add3A_273 : vector<16xi32>
      tpu.vector_store_idx %arg10[%add3A_274, %add3A_45], %gather3A_271 : memref<64x512xf32, #tpu.memory_space<vmem>>[vector<16xi32>, vector<16xi32>], vector<16xf32>,
      %add3A_275 = arith.constant 21 : i32
      %add3A_276 = vector.broadcast %add3A_275 : i32 to vector<16xi32>
      %add3A_277 = arith.addi %iota3A, %add3A_276 : vector<16xi32>
      %and3A_278 = arith.constant 31 : i32
      %and3A_279 = vector.broadcast %and3A_278 : i32 to vector<16xi32>
      %and3A_280 = arith.andi %add3A_277, %and3A_279 : vector<16xi32>
      %gather3A_281 = tpu.vector_load_idx %arg8[%add3A_45, %and3A_280] : memref<512x32xf32, #tpu.memory_space<vmem>>[vector<16xi32>, vector<16xi32>], vector<16xf32>,
      tpu.vector_store_idx %arg10[%and3A_280, %add3A_45], %gather3A_281 : memref<64x512xf32, #tpu.memory_space<vmem>>[vector<16xi32>, vector<16xi32>], vector<16xf32>,
      %gather3A_282 = tpu.vector_load_idx %arg9[%add3A_45, %and3A_280] : memref<512x32xf32, #tpu.memory_space<vmem>>[vector<16xi32>, vector<16xi32>], vector<16xf32>,
      %add3A_283 = arith.constant 32 : i32
      %add3A_284 = vector.broadcast %add3A_283 : i32 to vector<16xi32>
      %add3A_285 = arith.addi %and3A_280, %add3A_284 : vector<16xi32>
      tpu.vector_store_idx %arg10[%add3A_285, %add3A_45], %gather3A_282 : memref<64x512xf32, #tpu.memory_space<vmem>>[vector<16xi32>, vector<16xi32>], vector<16xf32>,
      %add3A_286 = arith.constant 22 : i32
      %add3A_287 = vector.broadcast %add3A_286 : i32 to vector<16xi32>
      %add3A_288 = arith.addi %iota3A, %add3A_287 : vector<16xi32>
      %and3A_289 = arith.constant 31 : i32
      %and3A_290 = vector.broadcast %and3A_289 : i32 to vector<16xi32>
      %and3A_291 = arith.andi %add3A_288, %and3A_290 : vector<16xi32>
      %gather3A_292 = tpu.vector_load_idx %arg8[%add3A_45, %and3A_291] : memref<512x32xf32, #tpu.memory_space<vmem>>[vector<16xi32>, vector<16xi32>], vector<16xf32>,
      tpu.vector_store_idx %arg10[%and3A_291, %add3A_45], %gather3A_292 : memref<64x512xf32, #tpu.memory_space<vmem>>[vector<16xi32>, vector<16xi32>], vector<16xf32>,
      %gather3A_293 = tpu.vector_load_idx %arg9[%add3A_45, %and3A_291] : memref<512x32xf32, #tpu.memory_space<vmem>>[vector<16xi32>, vector<16xi32>], vector<16xf32>,
      %add3A_294 = arith.constant 32 : i32
      %add3A_295 = vector.broadcast %add3A_294 : i32 to vector<16xi32>
      %add3A_296 = arith.addi %and3A_291, %add3A_295 : vector<16xi32>
      tpu.vector_store_idx %arg10[%add3A_296, %add3A_45], %gather3A_293 : memref<64x512xf32, #tpu.memory_space<vmem>>[vector<16xi32>, vector<16xi32>], vector<16xf32>,
      %add3A_297 = arith.constant 23 : i32
      %add3A_298 = vector.broadcast %add3A_297 : i32 to vector<16xi32>
      %add3A_299 = arith.addi %iota3A, %add3A_298 : vector<16xi32>
      %and3A_300 = arith.constant 31 : i32
      %and3A_301 = vector.broadcast %and3A_300 : i32 to vector<16xi32>
      %and3A_302 = arith.andi %add3A_299, %and3A_301 : vector<16xi32>
      %gather3A_303 = tpu.vector_load_idx %arg8[%add3A_45, %and3A_302] : memref<512x32xf32, #tpu.memory_space<vmem>>[vector<16xi32>, vector<16xi32>], vector<16xf32>,
      tpu.vector_store_idx %arg10[%and3A_302, %add3A_45], %gather3A_303 : memref<64x512xf32, #tpu.memory_space<vmem>>[vector<16xi32>, vector<16xi32>], vector<16xf32>,
      %gather3A_304 = tpu.vector_load_idx %arg9[%add3A_45, %and3A_302] : memref<512x32xf32, #tpu.memory_space<vmem>>[vector<16xi32>, vector<16xi32>], vector<16xf32>,
      %add3A_305 = arith.constant 32 : i32
      %add3A_306 = vector.broadcast %add3A_305 : i32 to vector<16xi32>
      %add3A_307 = arith.addi %and3A_302, %add3A_306 : vector<16xi32>
      tpu.vector_store_idx %arg10[%add3A_307, %add3A_45], %gather3A_304 : memref<64x512xf32, #tpu.memory_space<vmem>>[vector<16xi32>, vector<16xi32>], vector<16xf32>,
      %add3A_308 = arith.constant 24 : i32
      %add3A_309 = vector.broadcast %add3A_308 : i32 to vector<16xi32>
      %add3A_310 = arith.addi %iota3A, %add3A_309 : vector<16xi32>
      %and3A_311 = arith.constant 31 : i32
      %and3A_312 = vector.broadcast %and3A_311 : i32 to vector<16xi32>
      %and3A_313 = arith.andi %add3A_310, %and3A_312 : vector<16xi32>
      %gather3A_314 = tpu.vector_load_idx %arg8[%add3A_45, %and3A_313] : memref<512x32xf32, #tpu.memory_space<vmem>>[vector<16xi32>, vector<16xi32>], vector<16xf32>,
      tpu.vector_store_idx %arg10[%and3A_313, %add3A_45], %gather3A_314 : memref<64x512xf32, #tpu.memory_space<vmem>>[vector<16xi32>, vector<16xi32>], vector<16xf32>,
      %gather3A_315 = tpu.vector_load_idx %arg9[%add3A_45, %and3A_313] : memref<512x32xf32, #tpu.memory_space<vmem>>[vector<16xi32>, vector<16xi32>], vector<16xf32>,
      %add3A_316 = arith.constant 32 : i32
      %add3A_317 = vector.broadcast %add3A_316 : i32 to vector<16xi32>
      %add3A_318 = arith.addi %and3A_313, %add3A_317 : vector<16xi32>
      tpu.vector_store_idx %arg10[%add3A_318, %add3A_45], %gather3A_315 : memref<64x512xf32, #tpu.memory_space<vmem>>[vector<16xi32>, vector<16xi32>], vector<16xf32>,
      %add3A_319 = arith.constant 25 : i32
      %add3A_320 = vector.broadcast %add3A_319 : i32 to vector<16xi32>
      %add3A_321 = arith.addi %iota3A, %add3A_320 : vector<16xi32>
      %and3A_322 = arith.constant 31 : i32
      %and3A_323 = vector.broadcast %and3A_322 : i32 to vector<16xi32>
      %and3A_324 = arith.andi %add3A_321, %and3A_323 : vector<16xi32>
      %gather3A_325 = tpu.vector_load_idx %arg8[%add3A_45, %and3A_324] : memref<512x32xf32, #tpu.memory_space<vmem>>[vector<16xi32>, vector<16xi32>], vector<16xf32>,
      tpu.vector_store_idx %arg10[%and3A_324, %add3A_45], %gather3A_325 : memref<64x512xf32, #tpu.memory_space<vmem>>[vector<16xi32>, vector<16xi32>], vector<16xf32>,
      %gather3A_326 = tpu.vector_load_idx %arg9[%add3A_45, %and3A_324] : memref<512x32xf32, #tpu.memory_space<vmem>>[vector<16xi32>, vector<16xi32>], vector<16xf32>,
      %add3A_327 = arith.constant 32 : i32
      %add3A_328 = vector.broadcast %add3A_327 : i32 to vector<16xi32>
      %add3A_329 = arith.addi %and3A_324, %add3A_328 : vector<16xi32>
      tpu.vector_store_idx %arg10[%add3A_329, %add3A_45], %gather3A_326 : memref<64x512xf32, #tpu.memory_space<vmem>>[vector<16xi32>, vector<16xi32>], vector<16xf32>,
      %add3A_330 = arith.constant 26 : i32
      %add3A_331 = vector.broadcast %add3A_330 : i32 to vector<16xi32>
      %add3A_332 = arith.addi %iota3A, %add3A_331 : vector<16xi32>
      %and3A_333 = arith.constant 31 : i32
      %and3A_334 = vector.broadcast %and3A_333 : i32 to vector<16xi32>
      %and3A_335 = arith.andi %add3A_332, %and3A_334 : vector<16xi32>
      %gather3A_336 = tpu.vector_load_idx %arg8[%add3A_45, %and3A_335] : memref<512x32xf32, #tpu.memory_space<vmem>>[vector<16xi32>, vector<16xi32>], vector<16xf32>,
      tpu.vector_store_idx %arg10[%and3A_335, %add3A_45], %gather3A_336 : memref<64x512xf32, #tpu.memory_space<vmem>>[vector<16xi32>, vector<16xi32>], vector<16xf32>,
      %gather3A_337 = tpu.vector_load_idx %arg9[%add3A_45, %and3A_335] : memref<512x32xf32, #tpu.memory_space<vmem>>[vector<16xi32>, vector<16xi32>], vector<16xf32>,
      %add3A_338 = arith.constant 32 : i32
      %add3A_339 = vector.broadcast %add3A_338 : i32 to vector<16xi32>
      %add3A_340 = arith.addi %and3A_335, %add3A_339 : vector<16xi32>
      tpu.vector_store_idx %arg10[%add3A_340, %add3A_45], %gather3A_337 : memref<64x512xf32, #tpu.memory_space<vmem>>[vector<16xi32>, vector<16xi32>], vector<16xf32>,
      %add3A_341 = arith.constant 27 : i32
      %add3A_342 = vector.broadcast %add3A_341 : i32 to vector<16xi32>
      %add3A_343 = arith.addi %iota3A, %add3A_342 : vector<16xi32>
      %and3A_344 = arith.constant 31 : i32
      %and3A_345 = vector.broadcast %and3A_344 : i32 to vector<16xi32>
      %and3A_346 = arith.andi %add3A_343, %and3A_345 : vector<16xi32>
      %gather3A_347 = tpu.vector_load_idx %arg8[%add3A_45, %and3A_346] : memref<512x32xf32, #tpu.memory_space<vmem>>[vector<16xi32>, vector<16xi32>], vector<16xf32>,
      tpu.vector_store_idx %arg10[%and3A_346, %add3A_45], %gather3A_347 : memref<64x512xf32, #tpu.memory_space<vmem>>[vector<16xi32>, vector<16xi32>], vector<16xf32>,
      %gather3A_348 = tpu.vector_load_idx %arg9[%add3A_45, %and3A_346] : memref<512x32xf32, #tpu.memory_space<vmem>>[vector<16xi32>, vector<16xi32>], vector<16xf32>,
      %add3A_349 = arith.constant 32 : i32
      %add3A_350 = vector.broadcast %add3A_349 : i32 to vector<16xi32>
      %add3A_351 = arith.addi %and3A_346, %add3A_350 : vector<16xi32>
      tpu.vector_store_idx %arg10[%add3A_351, %add3A_45], %gather3A_348 : memref<64x512xf32, #tpu.memory_space<vmem>>[vector<16xi32>, vector<16xi32>], vector<16xf32>,
      %add3A_352 = arith.constant 28 : i32
      %add3A_353 = vector.broadcast %add3A_352 : i32 to vector<16xi32>
      %add3A_354 = arith.addi %iota3A, %add3A_353 : vector<16xi32>
      %and3A_355 = arith.constant 31 : i32
      %and3A_356 = vector.broadcast %and3A_355 : i32 to vector<16xi32>
      %and3A_357 = arith.andi %add3A_354, %and3A_356 : vector<16xi32>
      %gather3A_358 = tpu.vector_load_idx %arg8[%add3A_45, %and3A_357] : memref<512x32xf32, #tpu.memory_space<vmem>>[vector<16xi32>, vector<16xi32>], vector<16xf32>,
      tpu.vector_store_idx %arg10[%and3A_357, %add3A_45], %gather3A_358 : memref<64x512xf32, #tpu.memory_space<vmem>>[vector<16xi32>, vector<16xi32>], vector<16xf32>,
      %gather3A_359 = tpu.vector_load_idx %arg9[%add3A_45, %and3A_357] : memref<512x32xf32, #tpu.memory_space<vmem>>[vector<16xi32>, vector<16xi32>], vector<16xf32>,
      %add3A_360 = arith.constant 32 : i32
      %add3A_361 = vector.broadcast %add3A_360 : i32 to vector<16xi32>
      %add3A_362 = arith.addi %and3A_357, %add3A_361 : vector<16xi32>
      tpu.vector_store_idx %arg10[%add3A_362, %add3A_45], %gather3A_359 : memref<64x512xf32, #tpu.memory_space<vmem>>[vector<16xi32>, vector<16xi32>], vector<16xf32>,
      %add3A_363 = arith.constant 29 : i32
      %add3A_364 = vector.broadcast %add3A_363 : i32 to vector<16xi32>
      %add3A_365 = arith.addi %iota3A, %add3A_364 : vector<16xi32>
      %and3A_366 = arith.constant 31 : i32
      %and3A_367 = vector.broadcast %and3A_366 : i32 to vector<16xi32>
      %and3A_368 = arith.andi %add3A_365, %and3A_367 : vector<16xi32>
      %gather3A_369 = tpu.vector_load_idx %arg8[%add3A_45, %and3A_368] : memref<512x32xf32, #tpu.memory_space<vmem>>[vector<16xi32>, vector<16xi32>], vector<16xf32>,
      tpu.vector_store_idx %arg10[%and3A_368, %add3A_45], %gather3A_369 : memref<64x512xf32, #tpu.memory_space<vmem>>[vector<16xi32>, vector<16xi32>], vector<16xf32>,
      %gather3A_370 = tpu.vector_load_idx %arg9[%add3A_45, %and3A_368] : memref<512x32xf32, #tpu.memory_space<vmem>>[vector<16xi32>, vector<16xi32>], vector<16xf32>,
      %add3A_371 = arith.constant 32 : i32
      %add3A_372 = vector.broadcast %add3A_371 : i32 to vector<16xi32>
      %add3A_373 = arith.addi %and3A_368, %add3A_372 : vector<16xi32>
      tpu.vector_store_idx %arg10[%add3A_373, %add3A_45], %gather3A_370 : memref<64x512xf32, #tpu.memory_space<vmem>>[vector<16xi32>, vector<16xi32>], vector<16xf32>,
      %add3A_374 = arith.constant 30 : i32
      %add3A_375 = vector.broadcast %add3A_374 : i32 to vector<16xi32>
      %add3A_376 = arith.addi %iota3A, %add3A_375 : vector<16xi32>
      %and3A_377 = arith.constant 31 : i32
      %and3A_378 = vector.broadcast %and3A_377 : i32 to vector<16xi32>
      %and3A_379 = arith.andi %add3A_376, %and3A_378 : vector<16xi32>
      %gather3A_380 = tpu.vector_load_idx %arg8[%add3A_45, %and3A_379] : memref<512x32xf32, #tpu.memory_space<vmem>>[vector<16xi32>, vector<16xi32>], vector<16xf32>,
      tpu.vector_store_idx %arg10[%and3A_379, %add3A_45], %gather3A_380 : memref<64x512xf32, #tpu.memory_space<vmem>>[vector<16xi32>, vector<16xi32>], vector<16xf32>,
      %gather3A_381 = tpu.vector_load_idx %arg9[%add3A_45, %and3A_379] : memref<512x32xf32, #tpu.memory_space<vmem>>[vector<16xi32>, vector<16xi32>], vector<16xf32>,
      %add3A_382 = arith.constant 32 : i32
      %add3A_383 = vector.broadcast %add3A_382 : i32 to vector<16xi32>
      %add3A_384 = arith.addi %and3A_379, %add3A_383 : vector<16xi32>
      tpu.vector_store_idx %arg10[%add3A_384, %add3A_45], %gather3A_381 : memref<64x512xf32, #tpu.memory_space<vmem>>[vector<16xi32>, vector<16xi32>], vector<16xf32>,
      %add3A_385 = arith.constant 31 : i32
      %add3A_386 = vector.broadcast %add3A_385 : i32 to vector<16xi32>
      %add3A_387 = arith.addi %iota3A, %add3A_386 : vector<16xi32>
      %and3A_388 = arith.constant 31 : i32
      %and3A_389 = vector.broadcast %and3A_388 : i32 to vector<16xi32>
      %and3A_390 = arith.andi %add3A_387, %and3A_389 : vector<16xi32>
      %gather3A_391 = tpu.vector_load_idx %arg8[%add3A_45, %and3A_390] : memref<512x32xf32, #tpu.memory_space<vmem>>[vector<16xi32>, vector<16xi32>], vector<16xf32>,
      tpu.vector_store_idx %arg10[%and3A_390, %add3A_45], %gather3A_391 : memref<64x512xf32, #tpu.memory_space<vmem>>[vector<16xi32>, vector<16xi32>], vector<16xf32>,
      %gather3A_392 = tpu.vector_load_idx %arg9[%add3A_45, %and3A_390] : memref<512x32xf32, #tpu.memory_space<vmem>>[vector<16xi32>, vector<16xi32>], vector<16xf32>,
      %add3A_393 = arith.constant 32 : i32
      %add3A_394 = vector.broadcast %add3A_393 : i32 to vector<16xi32>
      %add3A_395 = arith.addi %and3A_390, %add3A_394 : vector<16xi32>
      tpu.vector_store_idx %arg10[%add3A_395, %add3A_45], %gather3A_392 : memref<64x512xf32, #tpu.memory_space<vmem>>[vector<16xi32>, vector<16xi32>], vector<16xf32>,
      %mul3A_396 = arith.constant 64 : i32
      %mul3A_397 = arith.muli %add3A_16, %mul3A_396 : i32
      %add3A_398 = arith.constant 16 : i32
      %add3A_399 = arith.addi %mul3A_397, %add3A_398 : i32
      %add3A_400 = vector.broadcast %add3A_399 : i32 to vector<16xi32>
      %add3A_401 = arith.addi %iota3A, %add3A_400 : vector<16xi32>
      %add3A_402 = arith.constant 0 : i32
      %add3A_403 = vector.broadcast %add3A_402 : i32 to vector<16xi32>
      %add3A_404 = arith.addi %iota3A, %add3A_403 : vector<16xi32>
      %and3A_405 = arith.constant 31 : i32
      %and3A_406 = vector.broadcast %and3A_405 : i32 to vector<16xi32>
      %and3A_407 = arith.andi %add3A_404, %and3A_406 : vector<16xi32>
      %gather3A_408 = tpu.vector_load_idx %arg8[%add3A_401, %and3A_407] : memref<512x32xf32, #tpu.memory_space<vmem>>[vector<16xi32>, vector<16xi32>], vector<16xf32>,
      tpu.vector_store_idx %arg10[%and3A_407, %add3A_401], %gather3A_408 : memref<64x512xf32, #tpu.memory_space<vmem>>[vector<16xi32>, vector<16xi32>], vector<16xf32>,
      %gather3A_409 = tpu.vector_load_idx %arg9[%add3A_401, %and3A_407] : memref<512x32xf32, #tpu.memory_space<vmem>>[vector<16xi32>, vector<16xi32>], vector<16xf32>,
      %add3A_410 = arith.constant 32 : i32
      %add3A_411 = vector.broadcast %add3A_410 : i32 to vector<16xi32>
      %add3A_412 = arith.addi %and3A_407, %add3A_411 : vector<16xi32>
      tpu.vector_store_idx %arg10[%add3A_412, %add3A_401], %gather3A_409 : memref<64x512xf32, #tpu.memory_space<vmem>>[vector<16xi32>, vector<16xi32>], vector<16xf32>,
      %add3A_413 = arith.constant 1 : i32
      %add3A_414 = vector.broadcast %add3A_413 : i32 to vector<16xi32>
      %add3A_415 = arith.addi %iota3A, %add3A_414 : vector<16xi32>
      %and3A_416 = arith.constant 31 : i32
      %and3A_417 = vector.broadcast %and3A_416 : i32 to vector<16xi32>
      %and3A_418 = arith.andi %add3A_415, %and3A_417 : vector<16xi32>
      %gather3A_419 = tpu.vector_load_idx %arg8[%add3A_401, %and3A_418] : memref<512x32xf32, #tpu.memory_space<vmem>>[vector<16xi32>, vector<16xi32>], vector<16xf32>,
      tpu.vector_store_idx %arg10[%and3A_418, %add3A_401], %gather3A_419 : memref<64x512xf32, #tpu.memory_space<vmem>>[vector<16xi32>, vector<16xi32>], vector<16xf32>,
      %gather3A_420 = tpu.vector_load_idx %arg9[%add3A_401, %and3A_418] : memref<512x32xf32, #tpu.memory_space<vmem>>[vector<16xi32>, vector<16xi32>], vector<16xf32>,
      %add3A_421 = arith.constant 32 : i32
      %add3A_422 = vector.broadcast %add3A_421 : i32 to vector<16xi32>
      %add3A_423 = arith.addi %and3A_418, %add3A_422 : vector<16xi32>
      tpu.vector_store_idx %arg10[%add3A_423, %add3A_401], %gather3A_420 : memref<64x512xf32, #tpu.memory_space<vmem>>[vector<16xi32>, vector<16xi32>], vector<16xf32>,
      %add3A_424 = arith.constant 2 : i32
      %add3A_425 = vector.broadcast %add3A_424 : i32 to vector<16xi32>
      %add3A_426 = arith.addi %iota3A, %add3A_425 : vector<16xi32>
      %and3A_427 = arith.constant 31 : i32
      %and3A_428 = vector.broadcast %and3A_427 : i32 to vector<16xi32>
      %and3A_429 = arith.andi %add3A_426, %and3A_428 : vector<16xi32>
      %gather3A_430 = tpu.vector_load_idx %arg8[%add3A_401, %and3A_429] : memref<512x32xf32, #tpu.memory_space<vmem>>[vector<16xi32>, vector<16xi32>], vector<16xf32>,
      tpu.vector_store_idx %arg10[%and3A_429, %add3A_401], %gather3A_430 : memref<64x512xf32, #tpu.memory_space<vmem>>[vector<16xi32>, vector<16xi32>], vector<16xf32>,
      %gather3A_431 = tpu.vector_load_idx %arg9[%add3A_401, %and3A_429] : memref<512x32xf32, #tpu.memory_space<vmem>>[vector<16xi32>, vector<16xi32>], vector<16xf32>,
      %add3A_432 = arith.constant 32 : i32
      %add3A_433 = vector.broadcast %add3A_432 : i32 to vector<16xi32>
      %add3A_434 = arith.addi %and3A_429, %add3A_433 : vector<16xi32>
      tpu.vector_store_idx %arg10[%add3A_434, %add3A_401], %gather3A_431 : memref<64x512xf32, #tpu.memory_space<vmem>>[vector<16xi32>, vector<16xi32>], vector<16xf32>,
      %add3A_435 = arith.constant 3 : i32
      %add3A_436 = vector.broadcast %add3A_435 : i32 to vector<16xi32>
      %add3A_437 = arith.addi %iota3A, %add3A_436 : vector<16xi32>
      %and3A_438 = arith.constant 31 : i32
      %and3A_439 = vector.broadcast %and3A_438 : i32 to vector<16xi32>
      %and3A_440 = arith.andi %add3A_437, %and3A_439 : vector<16xi32>
      %gather3A_441 = tpu.vector_load_idx %arg8[%add3A_401, %and3A_440] : memref<512x32xf32, #tpu.memory_space<vmem>>[vector<16xi32>, vector<16xi32>], vector<16xf32>,
      tpu.vector_store_idx %arg10[%and3A_440, %add3A_401], %gather3A_441 : memref<64x512xf32, #tpu.memory_space<vmem>>[vector<16xi32>, vector<16xi32>], vector<16xf32>,
      %gather3A_442 = tpu.vector_load_idx %arg9[%add3A_401, %and3A_440] : memref<512x32xf32, #tpu.memory_space<vmem>>[vector<16xi32>, vector<16xi32>], vector<16xf32>,
      %add3A_443 = arith.constant 32 : i32
      %add3A_444 = vector.broadcast %add3A_443 : i32 to vector<16xi32>
      %add3A_445 = arith.addi %and3A_440, %add3A_444 : vector<16xi32>
      tpu.vector_store_idx %arg10[%add3A_445, %add3A_401], %gather3A_442 : memref<64x512xf32, #tpu.memory_space<vmem>>[vector<16xi32>, vector<16xi32>], vector<16xf32>,
      %add3A_446 = arith.constant 4 : i32
      %add3A_447 = vector.broadcast %add3A_446 : i32 to vector<16xi32>
      %add3A_448 = arith.addi %iota3A, %add3A_447 : vector<16xi32>
      %and3A_449 = arith.constant 31 : i32
      %and3A_450 = vector.broadcast %and3A_449 : i32 to vector<16xi32>
      %and3A_451 = arith.andi %add3A_448, %and3A_450 : vector<16xi32>
      %gather3A_452 = tpu.vector_load_idx %arg8[%add3A_401, %and3A_451] : memref<512x32xf32, #tpu.memory_space<vmem>>[vector<16xi32>, vector<16xi32>], vector<16xf32>,
      tpu.vector_store_idx %arg10[%and3A_451, %add3A_401], %gather3A_452 : memref<64x512xf32, #tpu.memory_space<vmem>>[vector<16xi32>, vector<16xi32>], vector<16xf32>,
      %gather3A_453 = tpu.vector_load_idx %arg9[%add3A_401, %and3A_451] : memref<512x32xf32, #tpu.memory_space<vmem>>[vector<16xi32>, vector<16xi32>], vector<16xf32>,
      %add3A_454 = arith.constant 32 : i32
      %add3A_455 = vector.broadcast %add3A_454 : i32 to vector<16xi32>
      %add3A_456 = arith.addi %and3A_451, %add3A_455 : vector<16xi32>
      tpu.vector_store_idx %arg10[%add3A_456, %add3A_401], %gather3A_453 : memref<64x512xf32, #tpu.memory_space<vmem>>[vector<16xi32>, vector<16xi32>], vector<16xf32>,
      %add3A_457 = arith.constant 5 : i32
      %add3A_458 = vector.broadcast %add3A_457 : i32 to vector<16xi32>
      %add3A_459 = arith.addi %iota3A, %add3A_458 : vector<16xi32>
      %and3A_460 = arith.constant 31 : i32
      %and3A_461 = vector.broadcast %and3A_460 : i32 to vector<16xi32>
      %and3A_462 = arith.andi %add3A_459, %and3A_461 : vector<16xi32>
      %gather3A_463 = tpu.vector_load_idx %arg8[%add3A_401, %and3A_462] : memref<512x32xf32, #tpu.memory_space<vmem>>[vector<16xi32>, vector<16xi32>], vector<16xf32>,
      tpu.vector_store_idx %arg10[%and3A_462, %add3A_401], %gather3A_463 : memref<64x512xf32, #tpu.memory_space<vmem>>[vector<16xi32>, vector<16xi32>], vector<16xf32>,
      %gather3A_464 = tpu.vector_load_idx %arg9[%add3A_401, %and3A_462] : memref<512x32xf32, #tpu.memory_space<vmem>>[vector<16xi32>, vector<16xi32>], vector<16xf32>,
      %add3A_465 = arith.constant 32 : i32
      %add3A_466 = vector.broadcast %add3A_465 : i32 to vector<16xi32>
      %add3A_467 = arith.addi %and3A_462, %add3A_466 : vector<16xi32>
      tpu.vector_store_idx %arg10[%add3A_467, %add3A_401], %gather3A_464 : memref<64x512xf32, #tpu.memory_space<vmem>>[vector<16xi32>, vector<16xi32>], vector<16xf32>,
      %add3A_468 = arith.constant 6 : i32
      %add3A_469 = vector.broadcast %add3A_468 : i32 to vector<16xi32>
      %add3A_470 = arith.addi %iota3A, %add3A_469 : vector<16xi32>
      %and3A_471 = arith.constant 31 : i32
      %and3A_472 = vector.broadcast %and3A_471 : i32 to vector<16xi32>
      %and3A_473 = arith.andi %add3A_470, %and3A_472 : vector<16xi32>
      %gather3A_474 = tpu.vector_load_idx %arg8[%add3A_401, %and3A_473] : memref<512x32xf32, #tpu.memory_space<vmem>>[vector<16xi32>, vector<16xi32>], vector<16xf32>,
      tpu.vector_store_idx %arg10[%and3A_473, %add3A_401], %gather3A_474 : memref<64x512xf32, #tpu.memory_space<vmem>>[vector<16xi32>, vector<16xi32>], vector<16xf32>,
      %gather3A_475 = tpu.vector_load_idx %arg9[%add3A_401, %and3A_473] : memref<512x32xf32, #tpu.memory_space<vmem>>[vector<16xi32>, vector<16xi32>], vector<16xf32>,
      %add3A_476 = arith.constant 32 : i32
      %add3A_477 = vector.broadcast %add3A_476 : i32 to vector<16xi32>
      %add3A_478 = arith.addi %and3A_473, %add3A_477 : vector<16xi32>
      tpu.vector_store_idx %arg10[%add3A_478, %add3A_401], %gather3A_475 : memref<64x512xf32, #tpu.memory_space<vmem>>[vector<16xi32>, vector<16xi32>], vector<16xf32>,
      %add3A_479 = arith.constant 7 : i32
      %add3A_480 = vector.broadcast %add3A_479 : i32 to vector<16xi32>
      %add3A_481 = arith.addi %iota3A, %add3A_480 : vector<16xi32>
      %and3A_482 = arith.constant 31 : i32
      %and3A_483 = vector.broadcast %and3A_482 : i32 to vector<16xi32>
      %and3A_484 = arith.andi %add3A_481, %and3A_483 : vector<16xi32>
      %gather3A_485 = tpu.vector_load_idx %arg8[%add3A_401, %and3A_484] : memref<512x32xf32, #tpu.memory_space<vmem>>[vector<16xi32>, vector<16xi32>], vector<16xf32>,
      tpu.vector_store_idx %arg10[%and3A_484, %add3A_401], %gather3A_485 : memref<64x512xf32, #tpu.memory_space<vmem>>[vector<16xi32>, vector<16xi32>], vector<16xf32>,
      %gather3A_486 = tpu.vector_load_idx %arg9[%add3A_401, %and3A_484] : memref<512x32xf32, #tpu.memory_space<vmem>>[vector<16xi32>, vector<16xi32>], vector<16xf32>,
      %add3A_487 = arith.constant 32 : i32
      %add3A_488 = vector.broadcast %add3A_487 : i32 to vector<16xi32>
      %add3A_489 = arith.addi %and3A_484, %add3A_488 : vector<16xi32>
      tpu.vector_store_idx %arg10[%add3A_489, %add3A_401], %gather3A_486 : memref<64x512xf32, #tpu.memory_space<vmem>>[vector<16xi32>, vector<16xi32>], vector<16xf32>,
      %add3A_490 = arith.constant 8 : i32
      %add3A_491 = vector.broadcast %add3A_490 : i32 to vector<16xi32>
      %add3A_492 = arith.addi %iota3A, %add3A_491 : vector<16xi32>
      %and3A_493 = arith.constant 31 : i32
      %and3A_494 = vector.broadcast %and3A_493 : i32 to vector<16xi32>
      %and3A_495 = arith.andi %add3A_492, %and3A_494 : vector<16xi32>
      %gather3A_496 = tpu.vector_load_idx %arg8[%add3A_401, %and3A_495] : memref<512x32xf32, #tpu.memory_space<vmem>>[vector<16xi32>, vector<16xi32>], vector<16xf32>,
      tpu.vector_store_idx %arg10[%and3A_495, %add3A_401], %gather3A_496 : memref<64x512xf32, #tpu.memory_space<vmem>>[vector<16xi32>, vector<16xi32>], vector<16xf32>,
      %gather3A_497 = tpu.vector_load_idx %arg9[%add3A_401, %and3A_495] : memref<512x32xf32, #tpu.memory_space<vmem>>[vector<16xi32>, vector<16xi32>], vector<16xf32>,
      %add3A_498 = arith.constant 32 : i32
      %add3A_499 = vector.broadcast %add3A_498 : i32 to vector<16xi32>
      %add3A_500 = arith.addi %and3A_495, %add3A_499 : vector<16xi32>
      tpu.vector_store_idx %arg10[%add3A_500, %add3A_401], %gather3A_497 : memref<64x512xf32, #tpu.memory_space<vmem>>[vector<16xi32>, vector<16xi32>], vector<16xf32>,
      %add3A_501 = arith.constant 9 : i32
      %add3A_502 = vector.broadcast %add3A_501 : i32 to vector<16xi32>
      %add3A_503 = arith.addi %iota3A, %add3A_502 : vector<16xi32>
      %and3A_504 = arith.constant 31 : i32
      %and3A_505 = vector.broadcast %and3A_504 : i32 to vector<16xi32>
      %and3A_506 = arith.andi %add3A_503, %and3A_505 : vector<16xi32>
      %gather3A_507 = tpu.vector_load_idx %arg8[%add3A_401, %and3A_506] : memref<512x32xf32, #tpu.memory_space<vmem>>[vector<16xi32>, vector<16xi32>], vector<16xf32>,
      tpu.vector_store_idx %arg10[%and3A_506, %add3A_401], %gather3A_507 : memref<64x512xf32, #tpu.memory_space<vmem>>[vector<16xi32>, vector<16xi32>], vector<16xf32>,
      %gather3A_508 = tpu.vector_load_idx %arg9[%add3A_401, %and3A_506] : memref<512x32xf32, #tpu.memory_space<vmem>>[vector<16xi32>, vector<16xi32>], vector<16xf32>,
      %add3A_509 = arith.constant 32 : i32
      %add3A_510 = vector.broadcast %add3A_509 : i32 to vector<16xi32>
      %add3A_511 = arith.addi %and3A_506, %add3A_510 : vector<16xi32>
      tpu.vector_store_idx %arg10[%add3A_511, %add3A_401], %gather3A_508 : memref<64x512xf32, #tpu.memory_space<vmem>>[vector<16xi32>, vector<16xi32>], vector<16xf32>,
      %add3A_512 = arith.constant 10 : i32
      %add3A_513 = vector.broadcast %add3A_512 : i32 to vector<16xi32>
      %add3A_514 = arith.addi %iota3A, %add3A_513 : vector<16xi32>
      %and3A_515 = arith.constant 31 : i32
      %and3A_516 = vector.broadcast %and3A_515 : i32 to vector<16xi32>
      %and3A_517 = arith.andi %add3A_514, %and3A_516 : vector<16xi32>
      %gather3A_518 = tpu.vector_load_idx %arg8[%add3A_401, %and3A_517] : memref<512x32xf32, #tpu.memory_space<vmem>>[vector<16xi32>, vector<16xi32>], vector<16xf32>,
      tpu.vector_store_idx %arg10[%and3A_517, %add3A_401], %gather3A_518 : memref<64x512xf32, #tpu.memory_space<vmem>>[vector<16xi32>, vector<16xi32>], vector<16xf32>,
      %gather3A_519 = tpu.vector_load_idx %arg9[%add3A_401, %and3A_517] : memref<512x32xf32, #tpu.memory_space<vmem>>[vector<16xi32>, vector<16xi32>], vector<16xf32>,
      %add3A_520 = arith.constant 32 : i32
      %add3A_521 = vector.broadcast %add3A_520 : i32 to vector<16xi32>
      %add3A_522 = arith.addi %and3A_517, %add3A_521 : vector<16xi32>
      tpu.vector_store_idx %arg10[%add3A_522, %add3A_401], %gather3A_519 : memref<64x512xf32, #tpu.memory_space<vmem>>[vector<16xi32>, vector<16xi32>], vector<16xf32>,
      %add3A_523 = arith.constant 11 : i32
      %add3A_524 = vector.broadcast %add3A_523 : i32 to vector<16xi32>
      %add3A_525 = arith.addi %iota3A, %add3A_524 : vector<16xi32>
      %and3A_526 = arith.constant 31 : i32
      %and3A_527 = vector.broadcast %and3A_526 : i32 to vector<16xi32>
      %and3A_528 = arith.andi %add3A_525, %and3A_527 : vector<16xi32>
      %gather3A_529 = tpu.vector_load_idx %arg8[%add3A_401, %and3A_528] : memref<512x32xf32, #tpu.memory_space<vmem>>[vector<16xi32>, vector<16xi32>], vector<16xf32>,
      tpu.vector_store_idx %arg10[%and3A_528, %add3A_401], %gather3A_529 : memref<64x512xf32, #tpu.memory_space<vmem>>[vector<16xi32>, vector<16xi32>], vector<16xf32>,
      %gather3A_530 = tpu.vector_load_idx %arg9[%add3A_401, %and3A_528] : memref<512x32xf32, #tpu.memory_space<vmem>>[vector<16xi32>, vector<16xi32>], vector<16xf32>,
      %add3A_531 = arith.constant 32 : i32
      %add3A_532 = vector.broadcast %add3A_531 : i32 to vector<16xi32>
      %add3A_533 = arith.addi %and3A_528, %add3A_532 : vector<16xi32>
      tpu.vector_store_idx %arg10[%add3A_533, %add3A_401], %gather3A_530 : memref<64x512xf32, #tpu.memory_space<vmem>>[vector<16xi32>, vector<16xi32>], vector<16xf32>,
      %add3A_534 = arith.constant 12 : i32
      %add3A_535 = vector.broadcast %add3A_534 : i32 to vector<16xi32>
      %add3A_536 = arith.addi %iota3A, %add3A_535 : vector<16xi32>
      %and3A_537 = arith.constant 31 : i32
      %and3A_538 = vector.broadcast %and3A_537 : i32 to vector<16xi32>
      %and3A_539 = arith.andi %add3A_536, %and3A_538 : vector<16xi32>
      %gather3A_540 = tpu.vector_load_idx %arg8[%add3A_401, %and3A_539] : memref<512x32xf32, #tpu.memory_space<vmem>>[vector<16xi32>, vector<16xi32>], vector<16xf32>,
      tpu.vector_store_idx %arg10[%and3A_539, %add3A_401], %gather3A_540 : memref<64x512xf32, #tpu.memory_space<vmem>>[vector<16xi32>, vector<16xi32>], vector<16xf32>,
      %gather3A_541 = tpu.vector_load_idx %arg9[%add3A_401, %and3A_539] : memref<512x32xf32, #tpu.memory_space<vmem>>[vector<16xi32>, vector<16xi32>], vector<16xf32>,
      %add3A_542 = arith.constant 32 : i32
      %add3A_543 = vector.broadcast %add3A_542 : i32 to vector<16xi32>
      %add3A_544 = arith.addi %and3A_539, %add3A_543 : vector<16xi32>
      tpu.vector_store_idx %arg10[%add3A_544, %add3A_401], %gather3A_541 : memref<64x512xf32, #tpu.memory_space<vmem>>[vector<16xi32>, vector<16xi32>], vector<16xf32>,
      %add3A_545 = arith.constant 13 : i32
      %add3A_546 = vector.broadcast %add3A_545 : i32 to vector<16xi32>
      %add3A_547 = arith.addi %iota3A, %add3A_546 : vector<16xi32>
      %and3A_548 = arith.constant 31 : i32
      %and3A_549 = vector.broadcast %and3A_548 : i32 to vector<16xi32>
      %and3A_550 = arith.andi %add3A_547, %and3A_549 : vector<16xi32>
      %gather3A_551 = tpu.vector_load_idx %arg8[%add3A_401, %and3A_550] : memref<512x32xf32, #tpu.memory_space<vmem>>[vector<16xi32>, vector<16xi32>], vector<16xf32>,
      tpu.vector_store_idx %arg10[%and3A_550, %add3A_401], %gather3A_551 : memref<64x512xf32, #tpu.memory_space<vmem>>[vector<16xi32>, vector<16xi32>], vector<16xf32>,
      %gather3A_552 = tpu.vector_load_idx %arg9[%add3A_401, %and3A_550] : memref<512x32xf32, #tpu.memory_space<vmem>>[vector<16xi32>, vector<16xi32>], vector<16xf32>,
      %add3A_553 = arith.constant 32 : i32
      %add3A_554 = vector.broadcast %add3A_553 : i32 to vector<16xi32>
      %add3A_555 = arith.addi %and3A_550, %add3A_554 : vector<16xi32>
      tpu.vector_store_idx %arg10[%add3A_555, %add3A_401], %gather3A_552 : memref<64x512xf32, #tpu.memory_space<vmem>>[vector<16xi32>, vector<16xi32>], vector<16xf32>,
      %add3A_556 = arith.constant 14 : i32
      %add3A_557 = vector.broadcast %add3A_556 : i32 to vector<16xi32>
      %add3A_558 = arith.addi %iota3A, %add3A_557 : vector<16xi32>
      %and3A_559 = arith.constant 31 : i32
      %and3A_560 = vector.broadcast %and3A_559 : i32 to vector<16xi32>
      %and3A_561 = arith.andi %add3A_558, %and3A_560 : vector<16xi32>
      %gather3A_562 = tpu.vector_load_idx %arg8[%add3A_401, %and3A_561] : memref<512x32xf32, #tpu.memory_space<vmem>>[vector<16xi32>, vector<16xi32>], vector<16xf32>,
      tpu.vector_store_idx %arg10[%and3A_561, %add3A_401], %gather3A_562 : memref<64x512xf32, #tpu.memory_space<vmem>>[vector<16xi32>, vector<16xi32>], vector<16xf32>,
      %gather3A_563 = tpu.vector_load_idx %arg9[%add3A_401, %and3A_561] : memref<512x32xf32, #tpu.memory_space<vmem>>[vector<16xi32>, vector<16xi32>], vector<16xf32>,
      %add3A_564 = arith.constant 32 : i32
      %add3A_565 = vector.broadcast %add3A_564 : i32 to vector<16xi32>
      %add3A_566 = arith.addi %and3A_561, %add3A_565 : vector<16xi32>
      tpu.vector_store_idx %arg10[%add3A_566, %add3A_401], %gather3A_563 : memref<64x512xf32, #tpu.memory_space<vmem>>[vector<16xi32>, vector<16xi32>], vector<16xf32>,
      %add3A_567 = arith.constant 15 : i32
      %add3A_568 = vector.broadcast %add3A_567 : i32 to vector<16xi32>
      %add3A_569 = arith.addi %iota3A, %add3A_568 : vector<16xi32>
      %and3A_570 = arith.constant 31 : i32
      %and3A_571 = vector.broadcast %and3A_570 : i32 to vector<16xi32>
      %and3A_572 = arith.andi %add3A_569, %and3A_571 : vector<16xi32>
      %gather3A_573 = tpu.vector_load_idx %arg8[%add3A_401, %and3A_572] : memref<512x32xf32, #tpu.memory_space<vmem>>[vector<16xi32>, vector<16xi32>], vector<16xf32>,
      tpu.vector_store_idx %arg10[%and3A_572, %add3A_401], %gather3A_573 : memref<64x512xf32, #tpu.memory_space<vmem>>[vector<16xi32>, vector<16xi32>], vector<16xf32>,
      %gather3A_574 = tpu.vector_load_idx %arg9[%add3A_401, %and3A_572] : memref<512x32xf32, #tpu.memory_space<vmem>>[vector<16xi32>, vector<16xi32>], vector<16xf32>,
      %add3A_575 = arith.constant 32 : i32
      %add3A_576 = vector.broadcast %add3A_575 : i32 to vector<16xi32>
      %add3A_577 = arith.addi %and3A_572, %add3A_576 : vector<16xi32>
      tpu.vector_store_idx %arg10[%add3A_577, %add3A_401], %gather3A_574 : memref<64x512xf32, #tpu.memory_space<vmem>>[vector<16xi32>, vector<16xi32>], vector<16xf32>,
      %add3A_578 = arith.constant 16 : i32
      %add3A_579 = vector.broadcast %add3A_578 : i32 to vector<16xi32>
      %add3A_580 = arith.addi %iota3A, %add3A_579 : vector<16xi32>
      %and3A_581 = arith.constant 31 : i32
      %and3A_582 = vector.broadcast %and3A_581 : i32 to vector<16xi32>
      %and3A_583 = arith.andi %add3A_580, %and3A_582 : vector<16xi32>
      %gather3A_584 = tpu.vector_load_idx %arg8[%add3A_401, %and3A_583] : memref<512x32xf32, #tpu.memory_space<vmem>>[vector<16xi32>, vector<16xi32>], vector<16xf32>,
      tpu.vector_store_idx %arg10[%and3A_583, %add3A_401], %gather3A_584 : memref<64x512xf32, #tpu.memory_space<vmem>>[vector<16xi32>, vector<16xi32>], vector<16xf32>,
      %gather3A_585 = tpu.vector_load_idx %arg9[%add3A_401, %and3A_583] : memref<512x32xf32, #tpu.memory_space<vmem>>[vector<16xi32>, vector<16xi32>], vector<16xf32>,
      %add3A_586 = arith.constant 32 : i32
      %add3A_587 = vector.broadcast %add3A_586 : i32 to vector<16xi32>
      %add3A_588 = arith.addi %and3A_583, %add3A_587 : vector<16xi32>
      tpu.vector_store_idx %arg10[%add3A_588, %add3A_401], %gather3A_585 : memref<64x512xf32, #tpu.memory_space<vmem>>[vector<16xi32>, vector<16xi32>], vector<16xf32>,
      %add3A_589 = arith.constant 17 : i32
      %add3A_590 = vector.broadcast %add3A_589 : i32 to vector<16xi32>
      %add3A_591 = arith.addi %iota3A, %add3A_590 : vector<16xi32>
      %and3A_592 = arith.constant 31 : i32
      %and3A_593 = vector.broadcast %and3A_592 : i32 to vector<16xi32>
      %and3A_594 = arith.andi %add3A_591, %and3A_593 : vector<16xi32>
      %gather3A_595 = tpu.vector_load_idx %arg8[%add3A_401, %and3A_594] : memref<512x32xf32, #tpu.memory_space<vmem>>[vector<16xi32>, vector<16xi32>], vector<16xf32>,
      tpu.vector_store_idx %arg10[%and3A_594, %add3A_401], %gather3A_595 : memref<64x512xf32, #tpu.memory_space<vmem>>[vector<16xi32>, vector<16xi32>], vector<16xf32>,
      %gather3A_596 = tpu.vector_load_idx %arg9[%add3A_401, %and3A_594] : memref<512x32xf32, #tpu.memory_space<vmem>>[vector<16xi32>, vector<16xi32>], vector<16xf32>,
      %add3A_597 = arith.constant 32 : i32
      %add3A_598 = vector.broadcast %add3A_597 : i32 to vector<16xi32>
      %add3A_599 = arith.addi %and3A_594, %add3A_598 : vector<16xi32>
      tpu.vector_store_idx %arg10[%add3A_599, %add3A_401], %gather3A_596 : memref<64x512xf32, #tpu.memory_space<vmem>>[vector<16xi32>, vector<16xi32>], vector<16xf32>,
      %add3A_600 = arith.constant 18 : i32
      %add3A_601 = vector.broadcast %add3A_600 : i32 to vector<16xi32>
      %add3A_602 = arith.addi %iota3A, %add3A_601 : vector<16xi32>
      %and3A_603 = arith.constant 31 : i32
      %and3A_604 = vector.broadcast %and3A_603 : i32 to vector<16xi32>
      %and3A_605 = arith.andi %add3A_602, %and3A_604 : vector<16xi32>
      %gather3A_606 = tpu.vector_load_idx %arg8[%add3A_401, %and3A_605] : memref<512x32xf32, #tpu.memory_space<vmem>>[vector<16xi32>, vector<16xi32>], vector<16xf32>,
      tpu.vector_store_idx %arg10[%and3A_605, %add3A_401], %gather3A_606 : memref<64x512xf32, #tpu.memory_space<vmem>>[vector<16xi32>, vector<16xi32>], vector<16xf32>,
      %gather3A_607 = tpu.vector_load_idx %arg9[%add3A_401, %and3A_605] : memref<512x32xf32, #tpu.memory_space<vmem>>[vector<16xi32>, vector<16xi32>], vector<16xf32>,
      %add3A_608 = arith.constant 32 : i32
      %add3A_609 = vector.broadcast %add3A_608 : i32 to vector<16xi32>
      %add3A_610 = arith.addi %and3A_605, %add3A_609 : vector<16xi32>
      tpu.vector_store_idx %arg10[%add3A_610, %add3A_401], %gather3A_607 : memref<64x512xf32, #tpu.memory_space<vmem>>[vector<16xi32>, vector<16xi32>], vector<16xf32>,
      %add3A_611 = arith.constant 19 : i32
      %add3A_612 = vector.broadcast %add3A_611 : i32 to vector<16xi32>
      %add3A_613 = arith.addi %iota3A, %add3A_612 : vector<16xi32>
      %and3A_614 = arith.constant 31 : i32
      %and3A_615 = vector.broadcast %and3A_614 : i32 to vector<16xi32>
      %and3A_616 = arith.andi %add3A_613, %and3A_615 : vector<16xi32>
      %gather3A_617 = tpu.vector_load_idx %arg8[%add3A_401, %and3A_616] : memref<512x32xf32, #tpu.memory_space<vmem>>[vector<16xi32>, vector<16xi32>], vector<16xf32>,
      tpu.vector_store_idx %arg10[%and3A_616, %add3A_401], %gather3A_617 : memref<64x512xf32, #tpu.memory_space<vmem>>[vector<16xi32>, vector<16xi32>], vector<16xf32>,
      %gather3A_618 = tpu.vector_load_idx %arg9[%add3A_401, %and3A_616] : memref<512x32xf32, #tpu.memory_space<vmem>>[vector<16xi32>, vector<16xi32>], vector<16xf32>,
      %add3A_619 = arith.constant 32 : i32
      %add3A_620 = vector.broadcast %add3A_619 : i32 to vector<16xi32>
      %add3A_621 = arith.addi %and3A_616, %add3A_620 : vector<16xi32>
      tpu.vector_store_idx %arg10[%add3A_621, %add3A_401], %gather3A_618 : memref<64x512xf32, #tpu.memory_space<vmem>>[vector<16xi32>, vector<16xi32>], vector<16xf32>,
      %add3A_622 = arith.constant 20 : i32
      %add3A_623 = vector.broadcast %add3A_622 : i32 to vector<16xi32>
      %add3A_624 = arith.addi %iota3A, %add3A_623 : vector<16xi32>
      %and3A_625 = arith.constant 31 : i32
      %and3A_626 = vector.broadcast %and3A_625 : i32 to vector<16xi32>
      %and3A_627 = arith.andi %add3A_624, %and3A_626 : vector<16xi32>
      %gather3A_628 = tpu.vector_load_idx %arg8[%add3A_401, %and3A_627] : memref<512x32xf32, #tpu.memory_space<vmem>>[vector<16xi32>, vector<16xi32>], vector<16xf32>,
      tpu.vector_store_idx %arg10[%and3A_627, %add3A_401], %gather3A_628 : memref<64x512xf32, #tpu.memory_space<vmem>>[vector<16xi32>, vector<16xi32>], vector<16xf32>,
      %gather3A_629 = tpu.vector_load_idx %arg9[%add3A_401, %and3A_627] : memref<512x32xf32, #tpu.memory_space<vmem>>[vector<16xi32>, vector<16xi32>], vector<16xf32>,
      %add3A_630 = arith.constant 32 : i32
      %add3A_631 = vector.broadcast %add3A_630 : i32 to vector<16xi32>
      %add3A_632 = arith.addi %and3A_627, %add3A_631 : vector<16xi32>
      tpu.vector_store_idx %arg10[%add3A_632, %add3A_401], %gather3A_629 : memref<64x512xf32, #tpu.memory_space<vmem>>[vector<16xi32>, vector<16xi32>], vector<16xf32>,
      %add3A_633 = arith.constant 21 : i32
      %add3A_634 = vector.broadcast %add3A_633 : i32 to vector<16xi32>
      %add3A_635 = arith.addi %iota3A, %add3A_634 : vector<16xi32>
      %and3A_636 = arith.constant 31 : i32
      %and3A_637 = vector.broadcast %and3A_636 : i32 to vector<16xi32>
      %and3A_638 = arith.andi %add3A_635, %and3A_637 : vector<16xi32>
      %gather3A_639 = tpu.vector_load_idx %arg8[%add3A_401, %and3A_638] : memref<512x32xf32, #tpu.memory_space<vmem>>[vector<16xi32>, vector<16xi32>], vector<16xf32>,
      tpu.vector_store_idx %arg10[%and3A_638, %add3A_401], %gather3A_639 : memref<64x512xf32, #tpu.memory_space<vmem>>[vector<16xi32>, vector<16xi32>], vector<16xf32>,
      %gather3A_640 = tpu.vector_load_idx %arg9[%add3A_401, %and3A_638] : memref<512x32xf32, #tpu.memory_space<vmem>>[vector<16xi32>, vector<16xi32>], vector<16xf32>,
      %add3A_641 = arith.constant 32 : i32
      %add3A_642 = vector.broadcast %add3A_641 : i32 to vector<16xi32>
      %add3A_643 = arith.addi %and3A_638, %add3A_642 : vector<16xi32>
      tpu.vector_store_idx %arg10[%add3A_643, %add3A_401], %gather3A_640 : memref<64x512xf32, #tpu.memory_space<vmem>>[vector<16xi32>, vector<16xi32>], vector<16xf32>,
      %add3A_644 = arith.constant 22 : i32
      %add3A_645 = vector.broadcast %add3A_644 : i32 to vector<16xi32>
      %add3A_646 = arith.addi %iota3A, %add3A_645 : vector<16xi32>
      %and3A_647 = arith.constant 31 : i32
      %and3A_648 = vector.broadcast %and3A_647 : i32 to vector<16xi32>
      %and3A_649 = arith.andi %add3A_646, %and3A_648 : vector<16xi32>
      %gather3A_650 = tpu.vector_load_idx %arg8[%add3A_401, %and3A_649] : memref<512x32xf32, #tpu.memory_space<vmem>>[vector<16xi32>, vector<16xi32>], vector<16xf32>,
      tpu.vector_store_idx %arg10[%and3A_649, %add3A_401], %gather3A_650 : memref<64x512xf32, #tpu.memory_space<vmem>>[vector<16xi32>, vector<16xi32>], vector<16xf32>,
      %gather3A_651 = tpu.vector_load_idx %arg9[%add3A_401, %and3A_649] : memref<512x32xf32, #tpu.memory_space<vmem>>[vector<16xi32>, vector<16xi32>], vector<16xf32>,
      %add3A_652 = arith.constant 32 : i32
      %add3A_653 = vector.broadcast %add3A_652 : i32 to vector<16xi32>
      %add3A_654 = arith.addi %and3A_649, %add3A_653 : vector<16xi32>
      tpu.vector_store_idx %arg10[%add3A_654, %add3A_401], %gather3A_651 : memref<64x512xf32, #tpu.memory_space<vmem>>[vector<16xi32>, vector<16xi32>], vector<16xf32>,
      %add3A_655 = arith.constant 23 : i32
      %add3A_656 = vector.broadcast %add3A_655 : i32 to vector<16xi32>
      %add3A_657 = arith.addi %iota3A, %add3A_656 : vector<16xi32>
      %and3A_658 = arith.constant 31 : i32
      %and3A_659 = vector.broadcast %and3A_658 : i32 to vector<16xi32>
      %and3A_660 = arith.andi %add3A_657, %and3A_659 : vector<16xi32>
      %gather3A_661 = tpu.vector_load_idx %arg8[%add3A_401, %and3A_660] : memref<512x32xf32, #tpu.memory_space<vmem>>[vector<16xi32>, vector<16xi32>], vector<16xf32>,
      tpu.vector_store_idx %arg10[%and3A_660, %add3A_401], %gather3A_661 : memref<64x512xf32, #tpu.memory_space<vmem>>[vector<16xi32>, vector<16xi32>], vector<16xf32>,
      %gather3A_662 = tpu.vector_load_idx %arg9[%add3A_401, %and3A_660] : memref<512x32xf32, #tpu.memory_space<vmem>>[vector<16xi32>, vector<16xi32>], vector<16xf32>,
      %add3A_663 = arith.constant 32 : i32
      %add3A_664 = vector.broadcast %add3A_663 : i32 to vector<16xi32>
      %add3A_665 = arith.addi %and3A_660, %add3A_664 : vector<16xi32>
      tpu.vector_store_idx %arg10[%add3A_665, %add3A_401], %gather3A_662 : memref<64x512xf32, #tpu.memory_space<vmem>>[vector<16xi32>, vector<16xi32>], vector<16xf32>,
      %add3A_666 = arith.constant 24 : i32
      %add3A_667 = vector.broadcast %add3A_666 : i32 to vector<16xi32>
      %add3A_668 = arith.addi %iota3A, %add3A_667 : vector<16xi32>
      %and3A_669 = arith.constant 31 : i32
      %and3A_670 = vector.broadcast %and3A_669 : i32 to vector<16xi32>
      %and3A_671 = arith.andi %add3A_668, %and3A_670 : vector<16xi32>
      %gather3A_672 = tpu.vector_load_idx %arg8[%add3A_401, %and3A_671] : memref<512x32xf32, #tpu.memory_space<vmem>>[vector<16xi32>, vector<16xi32>], vector<16xf32>,
      tpu.vector_store_idx %arg10[%and3A_671, %add3A_401], %gather3A_672 : memref<64x512xf32, #tpu.memory_space<vmem>>[vector<16xi32>, vector<16xi32>], vector<16xf32>,
      %gather3A_673 = tpu.vector_load_idx %arg9[%add3A_401, %and3A_671] : memref<512x32xf32, #tpu.memory_space<vmem>>[vector<16xi32>, vector<16xi32>], vector<16xf32>,
      %add3A_674 = arith.constant 32 : i32
      %add3A_675 = vector.broadcast %add3A_674 : i32 to vector<16xi32>
      %add3A_676 = arith.addi %and3A_671, %add3A_675 : vector<16xi32>
      tpu.vector_store_idx %arg10[%add3A_676, %add3A_401], %gather3A_673 : memref<64x512xf32, #tpu.memory_space<vmem>>[vector<16xi32>, vector<16xi32>], vector<16xf32>,
      %add3A_677 = arith.constant 25 : i32
      %add3A_678 = vector.broadcast %add3A_677 : i32 to vector<16xi32>
      %add3A_679 = arith.addi %iota3A, %add3A_678 : vector<16xi32>
      %and3A_680 = arith.constant 31 : i32
      %and3A_681 = vector.broadcast %and3A_680 : i32 to vector<16xi32>
      %and3A_682 = arith.andi %add3A_679, %and3A_681 : vector<16xi32>
      %gather3A_683 = tpu.vector_load_idx %arg8[%add3A_401, %and3A_682] : memref<512x32xf32, #tpu.memory_space<vmem>>[vector<16xi32>, vector<16xi32>], vector<16xf32>,
      tpu.vector_store_idx %arg10[%and3A_682, %add3A_401], %gather3A_683 : memref<64x512xf32, #tpu.memory_space<vmem>>[vector<16xi32>, vector<16xi32>], vector<16xf32>,
      %gather3A_684 = tpu.vector_load_idx %arg9[%add3A_401, %and3A_682] : memref<512x32xf32, #tpu.memory_space<vmem>>[vector<16xi32>, vector<16xi32>], vector<16xf32>,
      %add3A_685 = arith.constant 32 : i32
      %add3A_686 = vector.broadcast %add3A_685 : i32 to vector<16xi32>
      %add3A_687 = arith.addi %and3A_682, %add3A_686 : vector<16xi32>
      tpu.vector_store_idx %arg10[%add3A_687, %add3A_401], %gather3A_684 : memref<64x512xf32, #tpu.memory_space<vmem>>[vector<16xi32>, vector<16xi32>], vector<16xf32>,
      %add3A_688 = arith.constant 26 : i32
      %add3A_689 = vector.broadcast %add3A_688 : i32 to vector<16xi32>
      %add3A_690 = arith.addi %iota3A, %add3A_689 : vector<16xi32>
      %and3A_691 = arith.constant 31 : i32
      %and3A_692 = vector.broadcast %and3A_691 : i32 to vector<16xi32>
      %and3A_693 = arith.andi %add3A_690, %and3A_692 : vector<16xi32>
      %gather3A_694 = tpu.vector_load_idx %arg8[%add3A_401, %and3A_693] : memref<512x32xf32, #tpu.memory_space<vmem>>[vector<16xi32>, vector<16xi32>], vector<16xf32>,
      tpu.vector_store_idx %arg10[%and3A_693, %add3A_401], %gather3A_694 : memref<64x512xf32, #tpu.memory_space<vmem>>[vector<16xi32>, vector<16xi32>], vector<16xf32>,
      %gather3A_695 = tpu.vector_load_idx %arg9[%add3A_401, %and3A_693] : memref<512x32xf32, #tpu.memory_space<vmem>>[vector<16xi32>, vector<16xi32>], vector<16xf32>,
      %add3A_696 = arith.constant 32 : i32
      %add3A_697 = vector.broadcast %add3A_696 : i32 to vector<16xi32>
      %add3A_698 = arith.addi %and3A_693, %add3A_697 : vector<16xi32>
      tpu.vector_store_idx %arg10[%add3A_698, %add3A_401], %gather3A_695 : memref<64x512xf32, #tpu.memory_space<vmem>>[vector<16xi32>, vector<16xi32>], vector<16xf32>,
      %add3A_699 = arith.constant 27 : i32
      %add3A_700 = vector.broadcast %add3A_699 : i32 to vector<16xi32>
      %add3A_701 = arith.addi %iota3A, %add3A_700 : vector<16xi32>
      %and3A_702 = arith.constant 31 : i32
      %and3A_703 = vector.broadcast %and3A_702 : i32 to vector<16xi32>
      %and3A_704 = arith.andi %add3A_701, %and3A_703 : vector<16xi32>
      %gather3A_705 = tpu.vector_load_idx %arg8[%add3A_401, %and3A_704] : memref<512x32xf32, #tpu.memory_space<vmem>>[vector<16xi32>, vector<16xi32>], vector<16xf32>,
      tpu.vector_store_idx %arg10[%and3A_704, %add3A_401], %gather3A_705 : memref<64x512xf32, #tpu.memory_space<vmem>>[vector<16xi32>, vector<16xi32>], vector<16xf32>,
      %gather3A_706 = tpu.vector_load_idx %arg9[%add3A_401, %and3A_704] : memref<512x32xf32, #tpu.memory_space<vmem>>[vector<16xi32>, vector<16xi32>], vector<16xf32>,
      %add3A_707 = arith.constant 32 : i32
      %add3A_708 = vector.broadcast %add3A_707 : i32 to vector<16xi32>
      %add3A_709 = arith.addi %and3A_704, %add3A_708 : vector<16xi32>
      tpu.vector_store_idx %arg10[%add3A_709, %add3A_401], %gather3A_706 : memref<64x512xf32, #tpu.memory_space<vmem>>[vector<16xi32>, vector<16xi32>], vector<16xf32>,
      %add3A_710 = arith.constant 28 : i32
      %add3A_711 = vector.broadcast %add3A_710 : i32 to vector<16xi32>
      %add3A_712 = arith.addi %iota3A, %add3A_711 : vector<16xi32>
      %and3A_713 = arith.constant 31 : i32
      %and3A_714 = vector.broadcast %and3A_713 : i32 to vector<16xi32>
      %and3A_715 = arith.andi %add3A_712, %and3A_714 : vector<16xi32>
      %gather3A_716 = tpu.vector_load_idx %arg8[%add3A_401, %and3A_715] : memref<512x32xf32, #tpu.memory_space<vmem>>[vector<16xi32>, vector<16xi32>], vector<16xf32>,
      tpu.vector_store_idx %arg10[%and3A_715, %add3A_401], %gather3A_716 : memref<64x512xf32, #tpu.memory_space<vmem>>[vector<16xi32>, vector<16xi32>], vector<16xf32>,
      %gather3A_717 = tpu.vector_load_idx %arg9[%add3A_401, %and3A_715] : memref<512x32xf32, #tpu.memory_space<vmem>>[vector<16xi32>, vector<16xi32>], vector<16xf32>,
      %add3A_718 = arith.constant 32 : i32
      %add3A_719 = vector.broadcast %add3A_718 : i32 to vector<16xi32>
      %add3A_720 = arith.addi %and3A_715, %add3A_719 : vector<16xi32>
      tpu.vector_store_idx %arg10[%add3A_720, %add3A_401], %gather3A_717 : memref<64x512xf32, #tpu.memory_space<vmem>>[vector<16xi32>, vector<16xi32>], vector<16xf32>,
      %add3A_721 = arith.constant 29 : i32
      %add3A_722 = vector.broadcast %add3A_721 : i32 to vector<16xi32>
      %add3A_723 = arith.addi %iota3A, %add3A_722 : vector<16xi32>
      %and3A_724 = arith.constant 31 : i32
      %and3A_725 = vector.broadcast %and3A_724 : i32 to vector<16xi32>
      %and3A_726 = arith.andi %add3A_723, %and3A_725 : vector<16xi32>
      %gather3A_727 = tpu.vector_load_idx %arg8[%add3A_401, %and3A_726] : memref<512x32xf32, #tpu.memory_space<vmem>>[vector<16xi32>, vector<16xi32>], vector<16xf32>,
      tpu.vector_store_idx %arg10[%and3A_726, %add3A_401], %gather3A_727 : memref<64x512xf32, #tpu.memory_space<vmem>>[vector<16xi32>, vector<16xi32>], vector<16xf32>,
      %gather3A_728 = tpu.vector_load_idx %arg9[%add3A_401, %and3A_726] : memref<512x32xf32, #tpu.memory_space<vmem>>[vector<16xi32>, vector<16xi32>], vector<16xf32>,
      %add3A_729 = arith.constant 32 : i32
      %add3A_730 = vector.broadcast %add3A_729 : i32 to vector<16xi32>
      %add3A_731 = arith.addi %and3A_726, %add3A_730 : vector<16xi32>
      tpu.vector_store_idx %arg10[%add3A_731, %add3A_401], %gather3A_728 : memref<64x512xf32, #tpu.memory_space<vmem>>[vector<16xi32>, vector<16xi32>], vector<16xf32>,
      %add3A_732 = arith.constant 30 : i32
      %add3A_733 = vector.broadcast %add3A_732 : i32 to vector<16xi32>
      %add3A_734 = arith.addi %iota3A, %add3A_733 : vector<16xi32>
      %and3A_735 = arith.constant 31 : i32
      %and3A_736 = vector.broadcast %and3A_735 : i32 to vector<16xi32>
      %and3A_737 = arith.andi %add3A_734, %and3A_736 : vector<16xi32>
      %gather3A_738 = tpu.vector_load_idx %arg8[%add3A_401, %and3A_737] : memref<512x32xf32, #tpu.memory_space<vmem>>[vector<16xi32>, vector<16xi32>], vector<16xf32>,
      tpu.vector_store_idx %arg10[%and3A_737, %add3A_401], %gather3A_738 : memref<64x512xf32, #tpu.memory_space<vmem>>[vector<16xi32>, vector<16xi32>], vector<16xf32>,
      %gather3A_739 = tpu.vector_load_idx %arg9[%add3A_401, %and3A_737] : memref<512x32xf32, #tpu.memory_space<vmem>>[vector<16xi32>, vector<16xi32>], vector<16xf32>,
      %add3A_740 = arith.constant 32 : i32
      %add3A_741 = vector.broadcast %add3A_740 : i32 to vector<16xi32>
      %add3A_742 = arith.addi %and3A_737, %add3A_741 : vector<16xi32>
      tpu.vector_store_idx %arg10[%add3A_742, %add3A_401], %gather3A_739 : memref<64x512xf32, #tpu.memory_space<vmem>>[vector<16xi32>, vector<16xi32>], vector<16xf32>,
      %add3A_743 = arith.constant 31 : i32
      %add3A_744 = vector.broadcast %add3A_743 : i32 to vector<16xi32>
      %add3A_745 = arith.addi %iota3A, %add3A_744 : vector<16xi32>
      %and3A_746 = arith.constant 31 : i32
      %and3A_747 = vector.broadcast %and3A_746 : i32 to vector<16xi32>
      %and3A_748 = arith.andi %add3A_745, %and3A_747 : vector<16xi32>
      %gather3A_749 = tpu.vector_load_idx %arg8[%add3A_401, %and3A_748] : memref<512x32xf32, #tpu.memory_space<vmem>>[vector<16xi32>, vector<16xi32>], vector<16xf32>,
      tpu.vector_store_idx %arg10[%and3A_748, %add3A_401], %gather3A_749 : memref<64x512xf32, #tpu.memory_space<vmem>>[vector<16xi32>, vector<16xi32>], vector<16xf32>,
      %gather3A_750 = tpu.vector_load_idx %arg9[%add3A_401, %and3A_748] : memref<512x32xf32, #tpu.memory_space<vmem>>[vector<16xi32>, vector<16xi32>], vector<16xf32>,
      %add3A_751 = arith.constant 32 : i32
      %add3A_752 = vector.broadcast %add3A_751 : i32 to vector<16xi32>
      %add3A_753 = arith.addi %and3A_748, %add3A_752 : vector<16xi32>
      tpu.vector_store_idx %arg10[%add3A_753, %add3A_401], %gather3A_750 : memref<64x512xf32, #tpu.memory_space<vmem>>[vector<16xi32>, vector<16xi32>], vector<16xf32>,
      %mul3A_754 = arith.constant 64 : i32
      %mul3A_755 = arith.muli %add3A_16, %mul3A_754 : i32
      %add3A_756 = arith.constant 32 : i32
      %add3A_757 = arith.addi %mul3A_755, %add3A_756 : i32
      %add3A_758 = vector.broadcast %add3A_757 : i32 to vector<16xi32>
      %add3A_759 = arith.addi %iota3A, %add3A_758 : vector<16xi32>
      %add3A_760 = arith.constant 0 : i32
      %add3A_761 = vector.broadcast %add3A_760 : i32 to vector<16xi32>
      %add3A_762 = arith.addi %iota3A, %add3A_761 : vector<16xi32>
      %and3A_763 = arith.constant 31 : i32
      %and3A_764 = vector.broadcast %and3A_763 : i32 to vector<16xi32>
      %and3A_765 = arith.andi %add3A_762, %and3A_764 : vector<16xi32>
      %gather3A_766 = tpu.vector_load_idx %arg8[%add3A_759, %and3A_765] : memref<512x32xf32, #tpu.memory_space<vmem>>[vector<16xi32>, vector<16xi32>], vector<16xf32>,
      tpu.vector_store_idx %arg10[%and3A_765, %add3A_759], %gather3A_766 : memref<64x512xf32, #tpu.memory_space<vmem>>[vector<16xi32>, vector<16xi32>], vector<16xf32>,
      %gather3A_767 = tpu.vector_load_idx %arg9[%add3A_759, %and3A_765] : memref<512x32xf32, #tpu.memory_space<vmem>>[vector<16xi32>, vector<16xi32>], vector<16xf32>,
      %add3A_768 = arith.constant 32 : i32
      %add3A_769 = vector.broadcast %add3A_768 : i32 to vector<16xi32>
      %add3A_770 = arith.addi %and3A_765, %add3A_769 : vector<16xi32>
      tpu.vector_store_idx %arg10[%add3A_770, %add3A_759], %gather3A_767 : memref<64x512xf32, #tpu.memory_space<vmem>>[vector<16xi32>, vector<16xi32>], vector<16xf32>,
      %add3A_771 = arith.constant 1 : i32
      %add3A_772 = vector.broadcast %add3A_771 : i32 to vector<16xi32>
      %add3A_773 = arith.addi %iota3A, %add3A_772 : vector<16xi32>
      %and3A_774 = arith.constant 31 : i32
      %and3A_775 = vector.broadcast %and3A_774 : i32 to vector<16xi32>
      %and3A_776 = arith.andi %add3A_773, %and3A_775 : vector<16xi32>
      %gather3A_777 = tpu.vector_load_idx %arg8[%add3A_759, %and3A_776] : memref<512x32xf32, #tpu.memory_space<vmem>>[vector<16xi32>, vector<16xi32>], vector<16xf32>,
      tpu.vector_store_idx %arg10[%and3A_776, %add3A_759], %gather3A_777 : memref<64x512xf32, #tpu.memory_space<vmem>>[vector<16xi32>, vector<16xi32>], vector<16xf32>,
      %gather3A_778 = tpu.vector_load_idx %arg9[%add3A_759, %and3A_776] : memref<512x32xf32, #tpu.memory_space<vmem>>[vector<16xi32>, vector<16xi32>], vector<16xf32>,
      %add3A_779 = arith.constant 32 : i32
      %add3A_780 = vector.broadcast %add3A_779 : i32 to vector<16xi32>
      %add3A_781 = arith.addi %and3A_776, %add3A_780 : vector<16xi32>
      tpu.vector_store_idx %arg10[%add3A_781, %add3A_759], %gather3A_778 : memref<64x512xf32, #tpu.memory_space<vmem>>[vector<16xi32>, vector<16xi32>], vector<16xf32>,
      %add3A_782 = arith.constant 2 : i32
      %add3A_783 = vector.broadcast %add3A_782 : i32 to vector<16xi32>
      %add3A_784 = arith.addi %iota3A, %add3A_783 : vector<16xi32>
      %and3A_785 = arith.constant 31 : i32
      %and3A_786 = vector.broadcast %and3A_785 : i32 to vector<16xi32>
      %and3A_787 = arith.andi %add3A_784, %and3A_786 : vector<16xi32>
      %gather3A_788 = tpu.vector_load_idx %arg8[%add3A_759, %and3A_787] : memref<512x32xf32, #tpu.memory_space<vmem>>[vector<16xi32>, vector<16xi32>], vector<16xf32>,
      tpu.vector_store_idx %arg10[%and3A_787, %add3A_759], %gather3A_788 : memref<64x512xf32, #tpu.memory_space<vmem>>[vector<16xi32>, vector<16xi32>], vector<16xf32>,
      %gather3A_789 = tpu.vector_load_idx %arg9[%add3A_759, %and3A_787] : memref<512x32xf32, #tpu.memory_space<vmem>>[vector<16xi32>, vector<16xi32>], vector<16xf32>,
      %add3A_790 = arith.constant 32 : i32
      %add3A_791 = vector.broadcast %add3A_790 : i32 to vector<16xi32>
      %add3A_792 = arith.addi %and3A_787, %add3A_791 : vector<16xi32>
      tpu.vector_store_idx %arg10[%add3A_792, %add3A_759], %gather3A_789 : memref<64x512xf32, #tpu.memory_space<vmem>>[vector<16xi32>, vector<16xi32>], vector<16xf32>,
      %add3A_793 = arith.constant 3 : i32
      %add3A_794 = vector.broadcast %add3A_793 : i32 to vector<16xi32>
      %add3A_795 = arith.addi %iota3A, %add3A_794 : vector<16xi32>
      %and3A_796 = arith.constant 31 : i32
      %and3A_797 = vector.broadcast %and3A_796 : i32 to vector<16xi32>
      %and3A_798 = arith.andi %add3A_795, %and3A_797 : vector<16xi32>
      %gather3A_799 = tpu.vector_load_idx %arg8[%add3A_759, %and3A_798] : memref<512x32xf32, #tpu.memory_space<vmem>>[vector<16xi32>, vector<16xi32>], vector<16xf32>,
      tpu.vector_store_idx %arg10[%and3A_798, %add3A_759], %gather3A_799 : memref<64x512xf32, #tpu.memory_space<vmem>>[vector<16xi32>, vector<16xi32>], vector<16xf32>,
      %gather3A_800 = tpu.vector_load_idx %arg9[%add3A_759, %and3A_798] : memref<512x32xf32, #tpu.memory_space<vmem>>[vector<16xi32>, vector<16xi32>], vector<16xf32>,
      %add3A_801 = arith.constant 32 : i32
      %add3A_802 = vector.broadcast %add3A_801 : i32 to vector<16xi32>
      %add3A_803 = arith.addi %and3A_798, %add3A_802 : vector<16xi32>
      tpu.vector_store_idx %arg10[%add3A_803, %add3A_759], %gather3A_800 : memref<64x512xf32, #tpu.memory_space<vmem>>[vector<16xi32>, vector<16xi32>], vector<16xf32>,
      %add3A_804 = arith.constant 4 : i32
      %add3A_805 = vector.broadcast %add3A_804 : i32 to vector<16xi32>
      %add3A_806 = arith.addi %iota3A, %add3A_805 : vector<16xi32>
      %and3A_807 = arith.constant 31 : i32
      %and3A_808 = vector.broadcast %and3A_807 : i32 to vector<16xi32>
      %and3A_809 = arith.andi %add3A_806, %and3A_808 : vector<16xi32>
      %gather3A_810 = tpu.vector_load_idx %arg8[%add3A_759, %and3A_809] : memref<512x32xf32, #tpu.memory_space<vmem>>[vector<16xi32>, vector<16xi32>], vector<16xf32>,
      tpu.vector_store_idx %arg10[%and3A_809, %add3A_759], %gather3A_810 : memref<64x512xf32, #tpu.memory_space<vmem>>[vector<16xi32>, vector<16xi32>], vector<16xf32>,
      %gather3A_811 = tpu.vector_load_idx %arg9[%add3A_759, %and3A_809] : memref<512x32xf32, #tpu.memory_space<vmem>>[vector<16xi32>, vector<16xi32>], vector<16xf32>,
      %add3A_812 = arith.constant 32 : i32
      %add3A_813 = vector.broadcast %add3A_812 : i32 to vector<16xi32>
      %add3A_814 = arith.addi %and3A_809, %add3A_813 : vector<16xi32>
      tpu.vector_store_idx %arg10[%add3A_814, %add3A_759], %gather3A_811 : memref<64x512xf32, #tpu.memory_space<vmem>>[vector<16xi32>, vector<16xi32>], vector<16xf32>,
      %add3A_815 = arith.constant 5 : i32
      %add3A_816 = vector.broadcast %add3A_815 : i32 to vector<16xi32>
      %add3A_817 = arith.addi %iota3A, %add3A_816 : vector<16xi32>
      %and3A_818 = arith.constant 31 : i32
      %and3A_819 = vector.broadcast %and3A_818 : i32 to vector<16xi32>
      %and3A_820 = arith.andi %add3A_817, %and3A_819 : vector<16xi32>
      %gather3A_821 = tpu.vector_load_idx %arg8[%add3A_759, %and3A_820] : memref<512x32xf32, #tpu.memory_space<vmem>>[vector<16xi32>, vector<16xi32>], vector<16xf32>,
      tpu.vector_store_idx %arg10[%and3A_820, %add3A_759], %gather3A_821 : memref<64x512xf32, #tpu.memory_space<vmem>>[vector<16xi32>, vector<16xi32>], vector<16xf32>,
      %gather3A_822 = tpu.vector_load_idx %arg9[%add3A_759, %and3A_820] : memref<512x32xf32, #tpu.memory_space<vmem>>[vector<16xi32>, vector<16xi32>], vector<16xf32>,
      %add3A_823 = arith.constant 32 : i32
      %add3A_824 = vector.broadcast %add3A_823 : i32 to vector<16xi32>
      %add3A_825 = arith.addi %and3A_820, %add3A_824 : vector<16xi32>
      tpu.vector_store_idx %arg10[%add3A_825, %add3A_759], %gather3A_822 : memref<64x512xf32, #tpu.memory_space<vmem>>[vector<16xi32>, vector<16xi32>], vector<16xf32>,
      %add3A_826 = arith.constant 6 : i32
      %add3A_827 = vector.broadcast %add3A_826 : i32 to vector<16xi32>
      %add3A_828 = arith.addi %iota3A, %add3A_827 : vector<16xi32>
      %and3A_829 = arith.constant 31 : i32
      %and3A_830 = vector.broadcast %and3A_829 : i32 to vector<16xi32>
      %and3A_831 = arith.andi %add3A_828, %and3A_830 : vector<16xi32>
      %gather3A_832 = tpu.vector_load_idx %arg8[%add3A_759, %and3A_831] : memref<512x32xf32, #tpu.memory_space<vmem>>[vector<16xi32>, vector<16xi32>], vector<16xf32>,
      tpu.vector_store_idx %arg10[%and3A_831, %add3A_759], %gather3A_832 : memref<64x512xf32, #tpu.memory_space<vmem>>[vector<16xi32>, vector<16xi32>], vector<16xf32>,
      %gather3A_833 = tpu.vector_load_idx %arg9[%add3A_759, %and3A_831] : memref<512x32xf32, #tpu.memory_space<vmem>>[vector<16xi32>, vector<16xi32>], vector<16xf32>,
      %add3A_834 = arith.constant 32 : i32
      %add3A_835 = vector.broadcast %add3A_834 : i32 to vector<16xi32>
      %add3A_836 = arith.addi %and3A_831, %add3A_835 : vector<16xi32>
      tpu.vector_store_idx %arg10[%add3A_836, %add3A_759], %gather3A_833 : memref<64x512xf32, #tpu.memory_space<vmem>>[vector<16xi32>, vector<16xi32>], vector<16xf32>,
      %add3A_837 = arith.constant 7 : i32
      %add3A_838 = vector.broadcast %add3A_837 : i32 to vector<16xi32>
      %add3A_839 = arith.addi %iota3A, %add3A_838 : vector<16xi32>
      %and3A_840 = arith.constant 31 : i32
      %and3A_841 = vector.broadcast %and3A_840 : i32 to vector<16xi32>
      %and3A_842 = arith.andi %add3A_839, %and3A_841 : vector<16xi32>
      %gather3A_843 = tpu.vector_load_idx %arg8[%add3A_759, %and3A_842] : memref<512x32xf32, #tpu.memory_space<vmem>>[vector<16xi32>, vector<16xi32>], vector<16xf32>,
      tpu.vector_store_idx %arg10[%and3A_842, %add3A_759], %gather3A_843 : memref<64x512xf32, #tpu.memory_space<vmem>>[vector<16xi32>, vector<16xi32>], vector<16xf32>,
      %gather3A_844 = tpu.vector_load_idx %arg9[%add3A_759, %and3A_842] : memref<512x32xf32, #tpu.memory_space<vmem>>[vector<16xi32>, vector<16xi32>], vector<16xf32>,
      %add3A_845 = arith.constant 32 : i32
      %add3A_846 = vector.broadcast %add3A_845 : i32 to vector<16xi32>
      %add3A_847 = arith.addi %and3A_842, %add3A_846 : vector<16xi32>
      tpu.vector_store_idx %arg10[%add3A_847, %add3A_759], %gather3A_844 : memref<64x512xf32, #tpu.memory_space<vmem>>[vector<16xi32>, vector<16xi32>], vector<16xf32>,
      %add3A_848 = arith.constant 8 : i32
      %add3A_849 = vector.broadcast %add3A_848 : i32 to vector<16xi32>
      %add3A_850 = arith.addi %iota3A, %add3A_849 : vector<16xi32>
      %and3A_851 = arith.constant 31 : i32
      %and3A_852 = vector.broadcast %and3A_851 : i32 to vector<16xi32>
      %and3A_853 = arith.andi %add3A_850, %and3A_852 : vector<16xi32>
      %gather3A_854 = tpu.vector_load_idx %arg8[%add3A_759, %and3A_853] : memref<512x32xf32, #tpu.memory_space<vmem>>[vector<16xi32>, vector<16xi32>], vector<16xf32>,
      tpu.vector_store_idx %arg10[%and3A_853, %add3A_759], %gather3A_854 : memref<64x512xf32, #tpu.memory_space<vmem>>[vector<16xi32>, vector<16xi32>], vector<16xf32>,
      %gather3A_855 = tpu.vector_load_idx %arg9[%add3A_759, %and3A_853] : memref<512x32xf32, #tpu.memory_space<vmem>>[vector<16xi32>, vector<16xi32>], vector<16xf32>,
      %add3A_856 = arith.constant 32 : i32
      %add3A_857 = vector.broadcast %add3A_856 : i32 to vector<16xi32>
      %add3A_858 = arith.addi %and3A_853, %add3A_857 : vector<16xi32>
      tpu.vector_store_idx %arg10[%add3A_858, %add3A_759], %gather3A_855 : memref<64x512xf32, #tpu.memory_space<vmem>>[vector<16xi32>, vector<16xi32>], vector<16xf32>,
      %add3A_859 = arith.constant 9 : i32
      %add3A_860 = vector.broadcast %add3A_859 : i32 to vector<16xi32>
      %add3A_861 = arith.addi %iota3A, %add3A_860 : vector<16xi32>
      %and3A_862 = arith.constant 31 : i32
      %and3A_863 = vector.broadcast %and3A_862 : i32 to vector<16xi32>
      %and3A_864 = arith.andi %add3A_861, %and3A_863 : vector<16xi32>
      %gather3A_865 = tpu.vector_load_idx %arg8[%add3A_759, %and3A_864] : memref<512x32xf32, #tpu.memory_space<vmem>>[vector<16xi32>, vector<16xi32>], vector<16xf32>,
      tpu.vector_store_idx %arg10[%and3A_864, %add3A_759], %gather3A_865 : memref<64x512xf32, #tpu.memory_space<vmem>>[vector<16xi32>, vector<16xi32>], vector<16xf32>,
      %gather3A_866 = tpu.vector_load_idx %arg9[%add3A_759, %and3A_864] : memref<512x32xf32, #tpu.memory_space<vmem>>[vector<16xi32>, vector<16xi32>], vector<16xf32>,
      %add3A_867 = arith.constant 32 : i32
      %add3A_868 = vector.broadcast %add3A_867 : i32 to vector<16xi32>
      %add3A_869 = arith.addi %and3A_864, %add3A_868 : vector<16xi32>
      tpu.vector_store_idx %arg10[%add3A_869, %add3A_759], %gather3A_866 : memref<64x512xf32, #tpu.memory_space<vmem>>[vector<16xi32>, vector<16xi32>], vector<16xf32>,
      %add3A_870 = arith.constant 10 : i32
      %add3A_871 = vector.broadcast %add3A_870 : i32 to vector<16xi32>
      %add3A_872 = arith.addi %iota3A, %add3A_871 : vector<16xi32>
      %and3A_873 = arith.constant 31 : i32
      %and3A_874 = vector.broadcast %and3A_873 : i32 to vector<16xi32>
      %and3A_875 = arith.andi %add3A_872, %and3A_874 : vector<16xi32>
      %gather3A_876 = tpu.vector_load_idx %arg8[%add3A_759, %and3A_875] : memref<512x32xf32, #tpu.memory_space<vmem>>[vector<16xi32>, vector<16xi32>], vector<16xf32>,
      tpu.vector_store_idx %arg10[%and3A_875, %add3A_759], %gather3A_876 : memref<64x512xf32, #tpu.memory_space<vmem>>[vector<16xi32>, vector<16xi32>], vector<16xf32>,
      %gather3A_877 = tpu.vector_load_idx %arg9[%add3A_759, %and3A_875] : memref<512x32xf32, #tpu.memory_space<vmem>>[vector<16xi32>, vector<16xi32>], vector<16xf32>,
      %add3A_878 = arith.constant 32 : i32
      %add3A_879 = vector.broadcast %add3A_878 : i32 to vector<16xi32>
      %add3A_880 = arith.addi %and3A_875, %add3A_879 : vector<16xi32>
      tpu.vector_store_idx %arg10[%add3A_880, %add3A_759], %gather3A_877 : memref<64x512xf32, #tpu.memory_space<vmem>>[vector<16xi32>, vector<16xi32>], vector<16xf32>,
      %add3A_881 = arith.constant 11 : i32
      %add3A_882 = vector.broadcast %add3A_881 : i32 to vector<16xi32>
      %add3A_883 = arith.addi %iota3A, %add3A_882 : vector<16xi32>
      %and3A_884 = arith.constant 31 : i32
      %and3A_885 = vector.broadcast %and3A_884 : i32 to vector<16xi32>
      %and3A_886 = arith.andi %add3A_883, %and3A_885 : vector<16xi32>
      %gather3A_887 = tpu.vector_load_idx %arg8[%add3A_759, %and3A_886] : memref<512x32xf32, #tpu.memory_space<vmem>>[vector<16xi32>, vector<16xi32>], vector<16xf32>,
      tpu.vector_store_idx %arg10[%and3A_886, %add3A_759], %gather3A_887 : memref<64x512xf32, #tpu.memory_space<vmem>>[vector<16xi32>, vector<16xi32>], vector<16xf32>,
      %gather3A_888 = tpu.vector_load_idx %arg9[%add3A_759, %and3A_886] : memref<512x32xf32, #tpu.memory_space<vmem>>[vector<16xi32>, vector<16xi32>], vector<16xf32>,
      %add3A_889 = arith.constant 32 : i32
      %add3A_890 = vector.broadcast %add3A_889 : i32 to vector<16xi32>
      %add3A_891 = arith.addi %and3A_886, %add3A_890 : vector<16xi32>
      tpu.vector_store_idx %arg10[%add3A_891, %add3A_759], %gather3A_888 : memref<64x512xf32, #tpu.memory_space<vmem>>[vector<16xi32>, vector<16xi32>], vector<16xf32>,
      %add3A_892 = arith.constant 12 : i32
      %add3A_893 = vector.broadcast %add3A_892 : i32 to vector<16xi32>
      %add3A_894 = arith.addi %iota3A, %add3A_893 : vector<16xi32>
      %and3A_895 = arith.constant 31 : i32
      %and3A_896 = vector.broadcast %and3A_895 : i32 to vector<16xi32>
      %and3A_897 = arith.andi %add3A_894, %and3A_896 : vector<16xi32>
      %gather3A_898 = tpu.vector_load_idx %arg8[%add3A_759, %and3A_897] : memref<512x32xf32, #tpu.memory_space<vmem>>[vector<16xi32>, vector<16xi32>], vector<16xf32>,
      tpu.vector_store_idx %arg10[%and3A_897, %add3A_759], %gather3A_898 : memref<64x512xf32, #tpu.memory_space<vmem>>[vector<16xi32>, vector<16xi32>], vector<16xf32>,
      %gather3A_899 = tpu.vector_load_idx %arg9[%add3A_759, %and3A_897] : memref<512x32xf32, #tpu.memory_space<vmem>>[vector<16xi32>, vector<16xi32>], vector<16xf32>,
      %add3A_900 = arith.constant 32 : i32
      %add3A_901 = vector.broadcast %add3A_900 : i32 to vector<16xi32>
      %add3A_902 = arith.addi %and3A_897, %add3A_901 : vector<16xi32>
      tpu.vector_store_idx %arg10[%add3A_902, %add3A_759], %gather3A_899 : memref<64x512xf32, #tpu.memory_space<vmem>>[vector<16xi32>, vector<16xi32>], vector<16xf32>,
      %add3A_903 = arith.constant 13 : i32
      %add3A_904 = vector.broadcast %add3A_903 : i32 to vector<16xi32>
      %add3A_905 = arith.addi %iota3A, %add3A_904 : vector<16xi32>
      %and3A_906 = arith.constant 31 : i32
      %and3A_907 = vector.broadcast %and3A_906 : i32 to vector<16xi32>
      %and3A_908 = arith.andi %add3A_905, %and3A_907 : vector<16xi32>
      %gather3A_909 = tpu.vector_load_idx %arg8[%add3A_759, %and3A_908] : memref<512x32xf32, #tpu.memory_space<vmem>>[vector<16xi32>, vector<16xi32>], vector<16xf32>,
      tpu.vector_store_idx %arg10[%and3A_908, %add3A_759], %gather3A_909 : memref<64x512xf32, #tpu.memory_space<vmem>>[vector<16xi32>, vector<16xi32>], vector<16xf32>,
      %gather3A_910 = tpu.vector_load_idx %arg9[%add3A_759, %and3A_908] : memref<512x32xf32, #tpu.memory_space<vmem>>[vector<16xi32>, vector<16xi32>], vector<16xf32>,
      %add3A_911 = arith.constant 32 : i32
      %add3A_912 = vector.broadcast %add3A_911 : i32 to vector<16xi32>
      %add3A_913 = arith.addi %and3A_908, %add3A_912 : vector<16xi32>
      tpu.vector_store_idx %arg10[%add3A_913, %add3A_759], %gather3A_910 : memref<64x512xf32, #tpu.memory_space<vmem>>[vector<16xi32>, vector<16xi32>], vector<16xf32>,
      %add3A_914 = arith.constant 14 : i32
      %add3A_915 = vector.broadcast %add3A_914 : i32 to vector<16xi32>
      %add3A_916 = arith.addi %iota3A, %add3A_915 : vector<16xi32>
      %and3A_917 = arith.constant 31 : i32
      %and3A_918 = vector.broadcast %and3A_917 : i32 to vector<16xi32>
      %and3A_919 = arith.andi %add3A_916, %and3A_918 : vector<16xi32>
      %gather3A_920 = tpu.vector_load_idx %arg8[%add3A_759, %and3A_919] : memref<512x32xf32, #tpu.memory_space<vmem>>[vector<16xi32>, vector<16xi32>], vector<16xf32>,
      tpu.vector_store_idx %arg10[%and3A_919, %add3A_759], %gather3A_920 : memref<64x512xf32, #tpu.memory_space<vmem>>[vector<16xi32>, vector<16xi32>], vector<16xf32>,
      %gather3A_921 = tpu.vector_load_idx %arg9[%add3A_759, %and3A_919] : memref<512x32xf32, #tpu.memory_space<vmem>>[vector<16xi32>, vector<16xi32>], vector<16xf32>,
      %add3A_922 = arith.constant 32 : i32
      %add3A_923 = vector.broadcast %add3A_922 : i32 to vector<16xi32>
      %add3A_924 = arith.addi %and3A_919, %add3A_923 : vector<16xi32>
      tpu.vector_store_idx %arg10[%add3A_924, %add3A_759], %gather3A_921 : memref<64x512xf32, #tpu.memory_space<vmem>>[vector<16xi32>, vector<16xi32>], vector<16xf32>,
      %add3A_925 = arith.constant 15 : i32
      %add3A_926 = vector.broadcast %add3A_925 : i32 to vector<16xi32>
      %add3A_927 = arith.addi %iota3A, %add3A_926 : vector<16xi32>
      %and3A_928 = arith.constant 31 : i32
      %and3A_929 = vector.broadcast %and3A_928 : i32 to vector<16xi32>
      %and3A_930 = arith.andi %add3A_927, %and3A_929 : vector<16xi32>
      %gather3A_931 = tpu.vector_load_idx %arg8[%add3A_759, %and3A_930] : memref<512x32xf32, #tpu.memory_space<vmem>>[vector<16xi32>, vector<16xi32>], vector<16xf32>,
      tpu.vector_store_idx %arg10[%and3A_930, %add3A_759], %gather3A_931 : memref<64x512xf32, #tpu.memory_space<vmem>>[vector<16xi32>, vector<16xi32>], vector<16xf32>,
      %gather3A_932 = tpu.vector_load_idx %arg9[%add3A_759, %and3A_930] : memref<512x32xf32, #tpu.memory_space<vmem>>[vector<16xi32>, vector<16xi32>], vector<16xf32>,
      %add3A_933 = arith.constant 32 : i32
      %add3A_934 = vector.broadcast %add3A_933 : i32 to vector<16xi32>
      %add3A_935 = arith.addi %and3A_930, %add3A_934 : vector<16xi32>
      tpu.vector_store_idx %arg10[%add3A_935, %add3A_759], %gather3A_932 : memref<64x512xf32, #tpu.memory_space<vmem>>[vector<16xi32>, vector<16xi32>], vector<16xf32>,
      %add3A_936 = arith.constant 16 : i32
      %add3A_937 = vector.broadcast %add3A_936 : i32 to vector<16xi32>
      %add3A_938 = arith.addi %iota3A, %add3A_937 : vector<16xi32>
      %and3A_939 = arith.constant 31 : i32
      %and3A_940 = vector.broadcast %and3A_939 : i32 to vector<16xi32>
      %and3A_941 = arith.andi %add3A_938, %and3A_940 : vector<16xi32>
      %gather3A_942 = tpu.vector_load_idx %arg8[%add3A_759, %and3A_941] : memref<512x32xf32, #tpu.memory_space<vmem>>[vector<16xi32>, vector<16xi32>], vector<16xf32>,
      tpu.vector_store_idx %arg10[%and3A_941, %add3A_759], %gather3A_942 : memref<64x512xf32, #tpu.memory_space<vmem>>[vector<16xi32>, vector<16xi32>], vector<16xf32>,
      %gather3A_943 = tpu.vector_load_idx %arg9[%add3A_759, %and3A_941] : memref<512x32xf32, #tpu.memory_space<vmem>>[vector<16xi32>, vector<16xi32>], vector<16xf32>,
      %add3A_944 = arith.constant 32 : i32
      %add3A_945 = vector.broadcast %add3A_944 : i32 to vector<16xi32>
      %add3A_946 = arith.addi %and3A_941, %add3A_945 : vector<16xi32>
      tpu.vector_store_idx %arg10[%add3A_946, %add3A_759], %gather3A_943 : memref<64x512xf32, #tpu.memory_space<vmem>>[vector<16xi32>, vector<16xi32>], vector<16xf32>,
      %add3A_947 = arith.constant 17 : i32
      %add3A_948 = vector.broadcast %add3A_947 : i32 to vector<16xi32>
      %add3A_949 = arith.addi %iota3A, %add3A_948 : vector<16xi32>
      %and3A_950 = arith.constant 31 : i32
      %and3A_951 = vector.broadcast %and3A_950 : i32 to vector<16xi32>
      %and3A_952 = arith.andi %add3A_949, %and3A_951 : vector<16xi32>
      %gather3A_953 = tpu.vector_load_idx %arg8[%add3A_759, %and3A_952] : memref<512x32xf32, #tpu.memory_space<vmem>>[vector<16xi32>, vector<16xi32>], vector<16xf32>,
      tpu.vector_store_idx %arg10[%and3A_952, %add3A_759], %gather3A_953 : memref<64x512xf32, #tpu.memory_space<vmem>>[vector<16xi32>, vector<16xi32>], vector<16xf32>,
      %gather3A_954 = tpu.vector_load_idx %arg9[%add3A_759, %and3A_952] : memref<512x32xf32, #tpu.memory_space<vmem>>[vector<16xi32>, vector<16xi32>], vector<16xf32>,
      %add3A_955 = arith.constant 32 : i32
      %add3A_956 = vector.broadcast %add3A_955 : i32 to vector<16xi32>
      %add3A_957 = arith.addi %and3A_952, %add3A_956 : vector<16xi32>
      tpu.vector_store_idx %arg10[%add3A_957, %add3A_759], %gather3A_954 : memref<64x512xf32, #tpu.memory_space<vmem>>[vector<16xi32>, vector<16xi32>], vector<16xf32>,
      %add3A_958 = arith.constant 18 : i32
      %add3A_959 = vector.broadcast %add3A_958 : i32 to vector<16xi32>
      %add3A_960 = arith.addi %iota3A, %add3A_959 : vector<16xi32>
      %and3A_961 = arith.constant 31 : i32
      %and3A_962 = vector.broadcast %and3A_961 : i32 to vector<16xi32>
      %and3A_963 = arith.andi %add3A_960, %and3A_962 : vector<16xi32>
      %gather3A_964 = tpu.vector_load_idx %arg8[%add3A_759, %and3A_963] : memref<512x32xf32, #tpu.memory_space<vmem>>[vector<16xi32>, vector<16xi32>], vector<16xf32>,
      tpu.vector_store_idx %arg10[%and3A_963, %add3A_759], %gather3A_964 : memref<64x512xf32, #tpu.memory_space<vmem>>[vector<16xi32>, vector<16xi32>], vector<16xf32>,
      %gather3A_965 = tpu.vector_load_idx %arg9[%add3A_759, %and3A_963] : memref<512x32xf32, #tpu.memory_space<vmem>>[vector<16xi32>, vector<16xi32>], vector<16xf32>,
      %add3A_966 = arith.constant 32 : i32
      %add3A_967 = vector.broadcast %add3A_966 : i32 to vector<16xi32>
      %add3A_968 = arith.addi %and3A_963, %add3A_967 : vector<16xi32>
      tpu.vector_store_idx %arg10[%add3A_968, %add3A_759], %gather3A_965 : memref<64x512xf32, #tpu.memory_space<vmem>>[vector<16xi32>, vector<16xi32>], vector<16xf32>,
      %add3A_969 = arith.constant 19 : i32
      %add3A_970 = vector.broadcast %add3A_969 : i32 to vector<16xi32>
      %add3A_971 = arith.addi %iota3A, %add3A_970 : vector<16xi32>
      %and3A_972 = arith.constant 31 : i32
      %and3A_973 = vector.broadcast %and3A_972 : i32 to vector<16xi32>
      %and3A_974 = arith.andi %add3A_971, %and3A_973 : vector<16xi32>
      %gather3A_975 = tpu.vector_load_idx %arg8[%add3A_759, %and3A_974] : memref<512x32xf32, #tpu.memory_space<vmem>>[vector<16xi32>, vector<16xi32>], vector<16xf32>,
      tpu.vector_store_idx %arg10[%and3A_974, %add3A_759], %gather3A_975 : memref<64x512xf32, #tpu.memory_space<vmem>>[vector<16xi32>, vector<16xi32>], vector<16xf32>,
      %gather3A_976 = tpu.vector_load_idx %arg9[%add3A_759, %and3A_974] : memref<512x32xf32, #tpu.memory_space<vmem>>[vector<16xi32>, vector<16xi32>], vector<16xf32>,
      %add3A_977 = arith.constant 32 : i32
      %add3A_978 = vector.broadcast %add3A_977 : i32 to vector<16xi32>
      %add3A_979 = arith.addi %and3A_974, %add3A_978 : vector<16xi32>
      tpu.vector_store_idx %arg10[%add3A_979, %add3A_759], %gather3A_976 : memref<64x512xf32, #tpu.memory_space<vmem>>[vector<16xi32>, vector<16xi32>], vector<16xf32>,
      %add3A_980 = arith.constant 20 : i32
      %add3A_981 = vector.broadcast %add3A_980 : i32 to vector<16xi32>
      %add3A_982 = arith.addi %iota3A, %add3A_981 : vector<16xi32>
      %and3A_983 = arith.constant 31 : i32
      %and3A_984 = vector.broadcast %and3A_983 : i32 to vector<16xi32>
      %and3A_985 = arith.andi %add3A_982, %and3A_984 : vector<16xi32>
      %gather3A_986 = tpu.vector_load_idx %arg8[%add3A_759, %and3A_985] : memref<512x32xf32, #tpu.memory_space<vmem>>[vector<16xi32>, vector<16xi32>], vector<16xf32>,
      tpu.vector_store_idx %arg10[%and3A_985, %add3A_759], %gather3A_986 : memref<64x512xf32, #tpu.memory_space<vmem>>[vector<16xi32>, vector<16xi32>], vector<16xf32>,
      %gather3A_987 = tpu.vector_load_idx %arg9[%add3A_759, %and3A_985] : memref<512x32xf32, #tpu.memory_space<vmem>>[vector<16xi32>, vector<16xi32>], vector<16xf32>,
      %add3A_988 = arith.constant 32 : i32
      %add3A_989 = vector.broadcast %add3A_988 : i32 to vector<16xi32>
      %add3A_990 = arith.addi %and3A_985, %add3A_989 : vector<16xi32>
      tpu.vector_store_idx %arg10[%add3A_990, %add3A_759], %gather3A_987 : memref<64x512xf32, #tpu.memory_space<vmem>>[vector<16xi32>, vector<16xi32>], vector<16xf32>,
      %add3A_991 = arith.constant 21 : i32
      %add3A_992 = vector.broadcast %add3A_991 : i32 to vector<16xi32>
      %add3A_993 = arith.addi %iota3A, %add3A_992 : vector<16xi32>
      %and3A_994 = arith.constant 31 : i32
      %and3A_995 = vector.broadcast %and3A_994 : i32 to vector<16xi32>
      %and3A_996 = arith.andi %add3A_993, %and3A_995 : vector<16xi32>
      %gather3A_997 = tpu.vector_load_idx %arg8[%add3A_759, %and3A_996] : memref<512x32xf32, #tpu.memory_space<vmem>>[vector<16xi32>, vector<16xi32>], vector<16xf32>,
      tpu.vector_store_idx %arg10[%and3A_996, %add3A_759], %gather3A_997 : memref<64x512xf32, #tpu.memory_space<vmem>>[vector<16xi32>, vector<16xi32>], vector<16xf32>,
      %gather3A_998 = tpu.vector_load_idx %arg9[%add3A_759, %and3A_996] : memref<512x32xf32, #tpu.memory_space<vmem>>[vector<16xi32>, vector<16xi32>], vector<16xf32>,
      %add3A_999 = arith.constant 32 : i32
      %add3A_1000 = vector.broadcast %add3A_999 : i32 to vector<16xi32>
      %add3A_1001 = arith.addi %and3A_996, %add3A_1000 : vector<16xi32>
      tpu.vector_store_idx %arg10[%add3A_1001, %add3A_759], %gather3A_998 : memref<64x512xf32, #tpu.memory_space<vmem>>[vector<16xi32>, vector<16xi32>], vector<16xf32>,
      %add3A_1002 = arith.constant 22 : i32
      %add3A_1003 = vector.broadcast %add3A_1002 : i32 to vector<16xi32>
      %add3A_1004 = arith.addi %iota3A, %add3A_1003 : vector<16xi32>
      %and3A_1005 = arith.constant 31 : i32
      %and3A_1006 = vector.broadcast %and3A_1005 : i32 to vector<16xi32>
      %and3A_1007 = arith.andi %add3A_1004, %and3A_1006 : vector<16xi32>
      %gather3A_1008 = tpu.vector_load_idx %arg8[%add3A_759, %and3A_1007] : memref<512x32xf32, #tpu.memory_space<vmem>>[vector<16xi32>, vector<16xi32>], vector<16xf32>,
      tpu.vector_store_idx %arg10[%and3A_1007, %add3A_759], %gather3A_1008 : memref<64x512xf32, #tpu.memory_space<vmem>>[vector<16xi32>, vector<16xi32>], vector<16xf32>,
      %gather3A_1009 = tpu.vector_load_idx %arg9[%add3A_759, %and3A_1007] : memref<512x32xf32, #tpu.memory_space<vmem>>[vector<16xi32>, vector<16xi32>], vector<16xf32>,
      %add3A_1010 = arith.constant 32 : i32
      %add3A_1011 = vector.broadcast %add3A_1010 : i32 to vector<16xi32>
      %add3A_1012 = arith.addi %and3A_1007, %add3A_1011 : vector<16xi32>
      tpu.vector_store_idx %arg10[%add3A_1012, %add3A_759], %gather3A_1009 : memref<64x512xf32, #tpu.memory_space<vmem>>[vector<16xi32>, vector<16xi32>], vector<16xf32>,
      %add3A_1013 = arith.constant 23 : i32
      %add3A_1014 = vector.broadcast %add3A_1013 : i32 to vector<16xi32>
      %add3A_1015 = arith.addi %iota3A, %add3A_1014 : vector<16xi32>
      %and3A_1016 = arith.constant 31 : i32
      %and3A_1017 = vector.broadcast %and3A_1016 : i32 to vector<16xi32>
      %and3A_1018 = arith.andi %add3A_1015, %and3A_1017 : vector<16xi32>
      %gather3A_1019 = tpu.vector_load_idx %arg8[%add3A_759, %and3A_1018] : memref<512x32xf32, #tpu.memory_space<vmem>>[vector<16xi32>, vector<16xi32>], vector<16xf32>,
      tpu.vector_store_idx %arg10[%and3A_1018, %add3A_759], %gather3A_1019 : memref<64x512xf32, #tpu.memory_space<vmem>>[vector<16xi32>, vector<16xi32>], vector<16xf32>,
      %gather3A_1020 = tpu.vector_load_idx %arg9[%add3A_759, %and3A_1018] : memref<512x32xf32, #tpu.memory_space<vmem>>[vector<16xi32>, vector<16xi32>], vector<16xf32>,
      %add3A_1021 = arith.constant 32 : i32
      %add3A_1022 = vector.broadcast %add3A_1021 : i32 to vector<16xi32>
      %add3A_1023 = arith.addi %and3A_1018, %add3A_1022 : vector<16xi32>
      tpu.vector_store_idx %arg10[%add3A_1023, %add3A_759], %gather3A_1020 : memref<64x512xf32, #tpu.memory_space<vmem>>[vector<16xi32>, vector<16xi32>], vector<16xf32>,
      %add3A_1024 = arith.constant 24 : i32
      %add3A_1025 = vector.broadcast %add3A_1024 : i32 to vector<16xi32>
      %add3A_1026 = arith.addi %iota3A, %add3A_1025 : vector<16xi32>
      %and3A_1027 = arith.constant 31 : i32
      %and3A_1028 = vector.broadcast %and3A_1027 : i32 to vector<16xi32>
      %and3A_1029 = arith.andi %add3A_1026, %and3A_1028 : vector<16xi32>
      %gather3A_1030 = tpu.vector_load_idx %arg8[%add3A_759, %and3A_1029] : memref<512x32xf32, #tpu.memory_space<vmem>>[vector<16xi32>, vector<16xi32>], vector<16xf32>,
      tpu.vector_store_idx %arg10[%and3A_1029, %add3A_759], %gather3A_1030 : memref<64x512xf32, #tpu.memory_space<vmem>>[vector<16xi32>, vector<16xi32>], vector<16xf32>,
      %gather3A_1031 = tpu.vector_load_idx %arg9[%add3A_759, %and3A_1029] : memref<512x32xf32, #tpu.memory_space<vmem>>[vector<16xi32>, vector<16xi32>], vector<16xf32>,
      %add3A_1032 = arith.constant 32 : i32
      %add3A_1033 = vector.broadcast %add3A_1032 : i32 to vector<16xi32>
      %add3A_1034 = arith.addi %and3A_1029, %add3A_1033 : vector<16xi32>
      tpu.vector_store_idx %arg10[%add3A_1034, %add3A_759], %gather3A_1031 : memref<64x512xf32, #tpu.memory_space<vmem>>[vector<16xi32>, vector<16xi32>], vector<16xf32>,
      %add3A_1035 = arith.constant 25 : i32
      %add3A_1036 = vector.broadcast %add3A_1035 : i32 to vector<16xi32>
      %add3A_1037 = arith.addi %iota3A, %add3A_1036 : vector<16xi32>
      %and3A_1038 = arith.constant 31 : i32
      %and3A_1039 = vector.broadcast %and3A_1038 : i32 to vector<16xi32>
      %and3A_1040 = arith.andi %add3A_1037, %and3A_1039 : vector<16xi32>
      %gather3A_1041 = tpu.vector_load_idx %arg8[%add3A_759, %and3A_1040] : memref<512x32xf32, #tpu.memory_space<vmem>>[vector<16xi32>, vector<16xi32>], vector<16xf32>,
      tpu.vector_store_idx %arg10[%and3A_1040, %add3A_759], %gather3A_1041 : memref<64x512xf32, #tpu.memory_space<vmem>>[vector<16xi32>, vector<16xi32>], vector<16xf32>,
      %gather3A_1042 = tpu.vector_load_idx %arg9[%add3A_759, %and3A_1040] : memref<512x32xf32, #tpu.memory_space<vmem>>[vector<16xi32>, vector<16xi32>], vector<16xf32>,
      %add3A_1043 = arith.constant 32 : i32
      %add3A_1044 = vector.broadcast %add3A_1043 : i32 to vector<16xi32>
      %add3A_1045 = arith.addi %and3A_1040, %add3A_1044 : vector<16xi32>
      tpu.vector_store_idx %arg10[%add3A_1045, %add3A_759], %gather3A_1042 : memref<64x512xf32, #tpu.memory_space<vmem>>[vector<16xi32>, vector<16xi32>], vector<16xf32>,
      %add3A_1046 = arith.constant 26 : i32
      %add3A_1047 = vector.broadcast %add3A_1046 : i32 to vector<16xi32>
      %add3A_1048 = arith.addi %iota3A, %add3A_1047 : vector<16xi32>
      %and3A_1049 = arith.constant 31 : i32
      %and3A_1050 = vector.broadcast %and3A_1049 : i32 to vector<16xi32>
      %and3A_1051 = arith.andi %add3A_1048, %and3A_1050 : vector<16xi32>
      %gather3A_1052 = tpu.vector_load_idx %arg8[%add3A_759, %and3A_1051] : memref<512x32xf32, #tpu.memory_space<vmem>>[vector<16xi32>, vector<16xi32>], vector<16xf32>,
      tpu.vector_store_idx %arg10[%and3A_1051, %add3A_759], %gather3A_1052 : memref<64x512xf32, #tpu.memory_space<vmem>>[vector<16xi32>, vector<16xi32>], vector<16xf32>,
      %gather3A_1053 = tpu.vector_load_idx %arg9[%add3A_759, %and3A_1051] : memref<512x32xf32, #tpu.memory_space<vmem>>[vector<16xi32>, vector<16xi32>], vector<16xf32>,
      %add3A_1054 = arith.constant 32 : i32
      %add3A_1055 = vector.broadcast %add3A_1054 : i32 to vector<16xi32>
      %add3A_1056 = arith.addi %and3A_1051, %add3A_1055 : vector<16xi32>
      tpu.vector_store_idx %arg10[%add3A_1056, %add3A_759], %gather3A_1053 : memref<64x512xf32, #tpu.memory_space<vmem>>[vector<16xi32>, vector<16xi32>], vector<16xf32>,
      %add3A_1057 = arith.constant 27 : i32
      %add3A_1058 = vector.broadcast %add3A_1057 : i32 to vector<16xi32>
      %add3A_1059 = arith.addi %iota3A, %add3A_1058 : vector<16xi32>
      %and3A_1060 = arith.constant 31 : i32
      %and3A_1061 = vector.broadcast %and3A_1060 : i32 to vector<16xi32>
      %and3A_1062 = arith.andi %add3A_1059, %and3A_1061 : vector<16xi32>
      %gather3A_1063 = tpu.vector_load_idx %arg8[%add3A_759, %and3A_1062] : memref<512x32xf32, #tpu.memory_space<vmem>>[vector<16xi32>, vector<16xi32>], vector<16xf32>,
      tpu.vector_store_idx %arg10[%and3A_1062, %add3A_759], %gather3A_1063 : memref<64x512xf32, #tpu.memory_space<vmem>>[vector<16xi32>, vector<16xi32>], vector<16xf32>,
      %gather3A_1064 = tpu.vector_load_idx %arg9[%add3A_759, %and3A_1062] : memref<512x32xf32, #tpu.memory_space<vmem>>[vector<16xi32>, vector<16xi32>], vector<16xf32>,
      %add3A_1065 = arith.constant 32 : i32
      %add3A_1066 = vector.broadcast %add3A_1065 : i32 to vector<16xi32>
      %add3A_1067 = arith.addi %and3A_1062, %add3A_1066 : vector<16xi32>
      tpu.vector_store_idx %arg10[%add3A_1067, %add3A_759], %gather3A_1064 : memref<64x512xf32, #tpu.memory_space<vmem>>[vector<16xi32>, vector<16xi32>], vector<16xf32>,
      %add3A_1068 = arith.constant 28 : i32
      %add3A_1069 = vector.broadcast %add3A_1068 : i32 to vector<16xi32>
      %add3A_1070 = arith.addi %iota3A, %add3A_1069 : vector<16xi32>
      %and3A_1071 = arith.constant 31 : i32
      %and3A_1072 = vector.broadcast %and3A_1071 : i32 to vector<16xi32>
      %and3A_1073 = arith.andi %add3A_1070, %and3A_1072 : vector<16xi32>
      %gather3A_1074 = tpu.vector_load_idx %arg8[%add3A_759, %and3A_1073] : memref<512x32xf32, #tpu.memory_space<vmem>>[vector<16xi32>, vector<16xi32>], vector<16xf32>,
      tpu.vector_store_idx %arg10[%and3A_1073, %add3A_759], %gather3A_1074 : memref<64x512xf32, #tpu.memory_space<vmem>>[vector<16xi32>, vector<16xi32>], vector<16xf32>,
      %gather3A_1075 = tpu.vector_load_idx %arg9[%add3A_759, %and3A_1073] : memref<512x32xf32, #tpu.memory_space<vmem>>[vector<16xi32>, vector<16xi32>], vector<16xf32>,
      %add3A_1076 = arith.constant 32 : i32
      %add3A_1077 = vector.broadcast %add3A_1076 : i32 to vector<16xi32>
      %add3A_1078 = arith.addi %and3A_1073, %add3A_1077 : vector<16xi32>
      tpu.vector_store_idx %arg10[%add3A_1078, %add3A_759], %gather3A_1075 : memref<64x512xf32, #tpu.memory_space<vmem>>[vector<16xi32>, vector<16xi32>], vector<16xf32>,
      %add3A_1079 = arith.constant 29 : i32
      %add3A_1080 = vector.broadcast %add3A_1079 : i32 to vector<16xi32>
      %add3A_1081 = arith.addi %iota3A, %add3A_1080 : vector<16xi32>
      %and3A_1082 = arith.constant 31 : i32
      %and3A_1083 = vector.broadcast %and3A_1082 : i32 to vector<16xi32>
      %and3A_1084 = arith.andi %add3A_1081, %and3A_1083 : vector<16xi32>
      %gather3A_1085 = tpu.vector_load_idx %arg8[%add3A_759, %and3A_1084] : memref<512x32xf32, #tpu.memory_space<vmem>>[vector<16xi32>, vector<16xi32>], vector<16xf32>,
      tpu.vector_store_idx %arg10[%and3A_1084, %add3A_759], %gather3A_1085 : memref<64x512xf32, #tpu.memory_space<vmem>>[vector<16xi32>, vector<16xi32>], vector<16xf32>,
      %gather3A_1086 = tpu.vector_load_idx %arg9[%add3A_759, %and3A_1084] : memref<512x32xf32, #tpu.memory_space<vmem>>[vector<16xi32>, vector<16xi32>], vector<16xf32>,
      %add3A_1087 = arith.constant 32 : i32
      %add3A_1088 = vector.broadcast %add3A_1087 : i32 to vector<16xi32>
      %add3A_1089 = arith.addi %and3A_1084, %add3A_1088 : vector<16xi32>
      tpu.vector_store_idx %arg10[%add3A_1089, %add3A_759], %gather3A_1086 : memref<64x512xf32, #tpu.memory_space<vmem>>[vector<16xi32>, vector<16xi32>], vector<16xf32>,
      %add3A_1090 = arith.constant 30 : i32
      %add3A_1091 = vector.broadcast %add3A_1090 : i32 to vector<16xi32>
      %add3A_1092 = arith.addi %iota3A, %add3A_1091 : vector<16xi32>
      %and3A_1093 = arith.constant 31 : i32
      %and3A_1094 = vector.broadcast %and3A_1093 : i32 to vector<16xi32>
      %and3A_1095 = arith.andi %add3A_1092, %and3A_1094 : vector<16xi32>
      %gather3A_1096 = tpu.vector_load_idx %arg8[%add3A_759, %and3A_1095] : memref<512x32xf32, #tpu.memory_space<vmem>>[vector<16xi32>, vector<16xi32>], vector<16xf32>,
      tpu.vector_store_idx %arg10[%and3A_1095, %add3A_759], %gather3A_1096 : memref<64x512xf32, #tpu.memory_space<vmem>>[vector<16xi32>, vector<16xi32>], vector<16xf32>,
      %gather3A_1097 = tpu.vector_load_idx %arg9[%add3A_759, %and3A_1095] : memref<512x32xf32, #tpu.memory_space<vmem>>[vector<16xi32>, vector<16xi32>], vector<16xf32>,
      %add3A_1098 = arith.constant 32 : i32
      %add3A_1099 = vector.broadcast %add3A_1098 : i32 to vector<16xi32>
      %add3A_1100 = arith.addi %and3A_1095, %add3A_1099 : vector<16xi32>
      tpu.vector_store_idx %arg10[%add3A_1100, %add3A_759], %gather3A_1097 : memref<64x512xf32, #tpu.memory_space<vmem>>[vector<16xi32>, vector<16xi32>], vector<16xf32>,
      %add3A_1101 = arith.constant 31 : i32
      %add3A_1102 = vector.broadcast %add3A_1101 : i32 to vector<16xi32>
      %add3A_1103 = arith.addi %iota3A, %add3A_1102 : vector<16xi32>
      %and3A_1104 = arith.constant 31 : i32
      %and3A_1105 = vector.broadcast %and3A_1104 : i32 to vector<16xi32>
      %and3A_1106 = arith.andi %add3A_1103, %and3A_1105 : vector<16xi32>
      %gather3A_1107 = tpu.vector_load_idx %arg8[%add3A_759, %and3A_1106] : memref<512x32xf32, #tpu.memory_space<vmem>>[vector<16xi32>, vector<16xi32>], vector<16xf32>,
      tpu.vector_store_idx %arg10[%and3A_1106, %add3A_759], %gather3A_1107 : memref<64x512xf32, #tpu.memory_space<vmem>>[vector<16xi32>, vector<16xi32>], vector<16xf32>,
      %gather3A_1108 = tpu.vector_load_idx %arg9[%add3A_759, %and3A_1106] : memref<512x32xf32, #tpu.memory_space<vmem>>[vector<16xi32>, vector<16xi32>], vector<16xf32>,
      %add3A_1109 = arith.constant 32 : i32
      %add3A_1110 = vector.broadcast %add3A_1109 : i32 to vector<16xi32>
      %add3A_1111 = arith.addi %and3A_1106, %add3A_1110 : vector<16xi32>
      tpu.vector_store_idx %arg10[%add3A_1111, %add3A_759], %gather3A_1108 : memref<64x512xf32, #tpu.memory_space<vmem>>[vector<16xi32>, vector<16xi32>], vector<16xf32>,
      %mul3A_1112 = arith.constant 64 : i32
      %mul3A_1113 = arith.muli %add3A_16, %mul3A_1112 : i32
      %add3A_1114 = arith.constant 48 : i32
      %add3A_1115 = arith.addi %mul3A_1113, %add3A_1114 : i32
      %add3A_1116 = vector.broadcast %add3A_1115 : i32 to vector<16xi32>
      %add3A_1117 = arith.addi %iota3A, %add3A_1116 : vector<16xi32>
      %add3A_1118 = arith.constant 0 : i32
      %add3A_1119 = vector.broadcast %add3A_1118 : i32 to vector<16xi32>
      %add3A_1120 = arith.addi %iota3A, %add3A_1119 : vector<16xi32>
      %and3A_1121 = arith.constant 31 : i32
      %and3A_1122 = vector.broadcast %and3A_1121 : i32 to vector<16xi32>
      %and3A_1123 = arith.andi %add3A_1120, %and3A_1122 : vector<16xi32>
      %gather3A_1124 = tpu.vector_load_idx %arg8[%add3A_1117, %and3A_1123] : memref<512x32xf32, #tpu.memory_space<vmem>>[vector<16xi32>, vector<16xi32>], vector<16xf32>,
      tpu.vector_store_idx %arg10[%and3A_1123, %add3A_1117], %gather3A_1124 : memref<64x512xf32, #tpu.memory_space<vmem>>[vector<16xi32>, vector<16xi32>], vector<16xf32>,
      %gather3A_1125 = tpu.vector_load_idx %arg9[%add3A_1117, %and3A_1123] : memref<512x32xf32, #tpu.memory_space<vmem>>[vector<16xi32>, vector<16xi32>], vector<16xf32>,
      %add3A_1126 = arith.constant 32 : i32
      %add3A_1127 = vector.broadcast %add3A_1126 : i32 to vector<16xi32>
      %add3A_1128 = arith.addi %and3A_1123, %add3A_1127 : vector<16xi32>
      tpu.vector_store_idx %arg10[%add3A_1128, %add3A_1117], %gather3A_1125 : memref<64x512xf32, #tpu.memory_space<vmem>>[vector<16xi32>, vector<16xi32>], vector<16xf32>,
      %add3A_1129 = arith.constant 1 : i32
      %add3A_1130 = vector.broadcast %add3A_1129 : i32 to vector<16xi32>
      %add3A_1131 = arith.addi %iota3A, %add3A_1130 : vector<16xi32>
      %and3A_1132 = arith.constant 31 : i32
      %and3A_1133 = vector.broadcast %and3A_1132 : i32 to vector<16xi32>
      %and3A_1134 = arith.andi %add3A_1131, %and3A_1133 : vector<16xi32>
      %gather3A_1135 = tpu.vector_load_idx %arg8[%add3A_1117, %and3A_1134] : memref<512x32xf32, #tpu.memory_space<vmem>>[vector<16xi32>, vector<16xi32>], vector<16xf32>,
      tpu.vector_store_idx %arg10[%and3A_1134, %add3A_1117], %gather3A_1135 : memref<64x512xf32, #tpu.memory_space<vmem>>[vector<16xi32>, vector<16xi32>], vector<16xf32>,
      %gather3A_1136 = tpu.vector_load_idx %arg9[%add3A_1117, %and3A_1134] : memref<512x32xf32, #tpu.memory_space<vmem>>[vector<16xi32>, vector<16xi32>], vector<16xf32>,
      %add3A_1137 = arith.constant 32 : i32
      %add3A_1138 = vector.broadcast %add3A_1137 : i32 to vector<16xi32>
      %add3A_1139 = arith.addi %and3A_1134, %add3A_1138 : vector<16xi32>
      tpu.vector_store_idx %arg10[%add3A_1139, %add3A_1117], %gather3A_1136 : memref<64x512xf32, #tpu.memory_space<vmem>>[vector<16xi32>, vector<16xi32>], vector<16xf32>,
      %add3A_1140 = arith.constant 2 : i32
      %add3A_1141 = vector.broadcast %add3A_1140 : i32 to vector<16xi32>
      %add3A_1142 = arith.addi %iota3A, %add3A_1141 : vector<16xi32>
      %and3A_1143 = arith.constant 31 : i32
      %and3A_1144 = vector.broadcast %and3A_1143 : i32 to vector<16xi32>
      %and3A_1145 = arith.andi %add3A_1142, %and3A_1144 : vector<16xi32>
      %gather3A_1146 = tpu.vector_load_idx %arg8[%add3A_1117, %and3A_1145] : memref<512x32xf32, #tpu.memory_space<vmem>>[vector<16xi32>, vector<16xi32>], vector<16xf32>,
      tpu.vector_store_idx %arg10[%and3A_1145, %add3A_1117], %gather3A_1146 : memref<64x512xf32, #tpu.memory_space<vmem>>[vector<16xi32>, vector<16xi32>], vector<16xf32>,
      %gather3A_1147 = tpu.vector_load_idx %arg9[%add3A_1117, %and3A_1145] : memref<512x32xf32, #tpu.memory_space<vmem>>[vector<16xi32>, vector<16xi32>], vector<16xf32>,
      %add3A_1148 = arith.constant 32 : i32
      %add3A_1149 = vector.broadcast %add3A_1148 : i32 to vector<16xi32>
      %add3A_1150 = arith.addi %and3A_1145, %add3A_1149 : vector<16xi32>
      tpu.vector_store_idx %arg10[%add3A_1150, %add3A_1117], %gather3A_1147 : memref<64x512xf32, #tpu.memory_space<vmem>>[vector<16xi32>, vector<16xi32>], vector<16xf32>,
      %add3A_1151 = arith.constant 3 : i32
      %add3A_1152 = vector.broadcast %add3A_1151 : i32 to vector<16xi32>
      %add3A_1153 = arith.addi %iota3A, %add3A_1152 : vector<16xi32>
      %and3A_1154 = arith.constant 31 : i32
      %and3A_1155 = vector.broadcast %and3A_1154 : i32 to vector<16xi32>
      %and3A_1156 = arith.andi %add3A_1153, %and3A_1155 : vector<16xi32>
      %gather3A_1157 = tpu.vector_load_idx %arg8[%add3A_1117, %and3A_1156] : memref<512x32xf32, #tpu.memory_space<vmem>>[vector<16xi32>, vector<16xi32>], vector<16xf32>,
      tpu.vector_store_idx %arg10[%and3A_1156, %add3A_1117], %gather3A_1157 : memref<64x512xf32, #tpu.memory_space<vmem>>[vector<16xi32>, vector<16xi32>], vector<16xf32>,
      %gather3A_1158 = tpu.vector_load_idx %arg9[%add3A_1117, %and3A_1156] : memref<512x32xf32, #tpu.memory_space<vmem>>[vector<16xi32>, vector<16xi32>], vector<16xf32>,
      %add3A_1159 = arith.constant 32 : i32
      %add3A_1160 = vector.broadcast %add3A_1159 : i32 to vector<16xi32>
      %add3A_1161 = arith.addi %and3A_1156, %add3A_1160 : vector<16xi32>
      tpu.vector_store_idx %arg10[%add3A_1161, %add3A_1117], %gather3A_1158 : memref<64x512xf32, #tpu.memory_space<vmem>>[vector<16xi32>, vector<16xi32>], vector<16xf32>,
      %add3A_1162 = arith.constant 4 : i32
      %add3A_1163 = vector.broadcast %add3A_1162 : i32 to vector<16xi32>
      %add3A_1164 = arith.addi %iota3A, %add3A_1163 : vector<16xi32>
      %and3A_1165 = arith.constant 31 : i32
      %and3A_1166 = vector.broadcast %and3A_1165 : i32 to vector<16xi32>
      %and3A_1167 = arith.andi %add3A_1164, %and3A_1166 : vector<16xi32>
      %gather3A_1168 = tpu.vector_load_idx %arg8[%add3A_1117, %and3A_1167] : memref<512x32xf32, #tpu.memory_space<vmem>>[vector<16xi32>, vector<16xi32>], vector<16xf32>,
      tpu.vector_store_idx %arg10[%and3A_1167, %add3A_1117], %gather3A_1168 : memref<64x512xf32, #tpu.memory_space<vmem>>[vector<16xi32>, vector<16xi32>], vector<16xf32>,
      %gather3A_1169 = tpu.vector_load_idx %arg9[%add3A_1117, %and3A_1167] : memref<512x32xf32, #tpu.memory_space<vmem>>[vector<16xi32>, vector<16xi32>], vector<16xf32>,
      %add3A_1170 = arith.constant 32 : i32
      %add3A_1171 = vector.broadcast %add3A_1170 : i32 to vector<16xi32>
      %add3A_1172 = arith.addi %and3A_1167, %add3A_1171 : vector<16xi32>
      tpu.vector_store_idx %arg10[%add3A_1172, %add3A_1117], %gather3A_1169 : memref<64x512xf32, #tpu.memory_space<vmem>>[vector<16xi32>, vector<16xi32>], vector<16xf32>,
      %add3A_1173 = arith.constant 5 : i32
      %add3A_1174 = vector.broadcast %add3A_1173 : i32 to vector<16xi32>
      %add3A_1175 = arith.addi %iota3A, %add3A_1174 : vector<16xi32>
      %and3A_1176 = arith.constant 31 : i32
      %and3A_1177 = vector.broadcast %and3A_1176 : i32 to vector<16xi32>
      %and3A_1178 = arith.andi %add3A_1175, %and3A_1177 : vector<16xi32>
      %gather3A_1179 = tpu.vector_load_idx %arg8[%add3A_1117, %and3A_1178] : memref<512x32xf32, #tpu.memory_space<vmem>>[vector<16xi32>, vector<16xi32>], vector<16xf32>,
      tpu.vector_store_idx %arg10[%and3A_1178, %add3A_1117], %gather3A_1179 : memref<64x512xf32, #tpu.memory_space<vmem>>[vector<16xi32>, vector<16xi32>], vector<16xf32>,
      %gather3A_1180 = tpu.vector_load_idx %arg9[%add3A_1117, %and3A_1178] : memref<512x32xf32, #tpu.memory_space<vmem>>[vector<16xi32>, vector<16xi32>], vector<16xf32>,
      %add3A_1181 = arith.constant 32 : i32
      %add3A_1182 = vector.broadcast %add3A_1181 : i32 to vector<16xi32>
      %add3A_1183 = arith.addi %and3A_1178, %add3A_1182 : vector<16xi32>
      tpu.vector_store_idx %arg10[%add3A_1183, %add3A_1117], %gather3A_1180 : memref<64x512xf32, #tpu.memory_space<vmem>>[vector<16xi32>, vector<16xi32>], vector<16xf32>,
      %add3A_1184 = arith.constant 6 : i32
      %add3A_1185 = vector.broadcast %add3A_1184 : i32 to vector<16xi32>
      %add3A_1186 = arith.addi %iota3A, %add3A_1185 : vector<16xi32>
      %and3A_1187 = arith.constant 31 : i32
      %and3A_1188 = vector.broadcast %and3A_1187 : i32 to vector<16xi32>
      %and3A_1189 = arith.andi %add3A_1186, %and3A_1188 : vector<16xi32>
      %gather3A_1190 = tpu.vector_load_idx %arg8[%add3A_1117, %and3A_1189] : memref<512x32xf32, #tpu.memory_space<vmem>>[vector<16xi32>, vector<16xi32>], vector<16xf32>,
      tpu.vector_store_idx %arg10[%and3A_1189, %add3A_1117], %gather3A_1190 : memref<64x512xf32, #tpu.memory_space<vmem>>[vector<16xi32>, vector<16xi32>], vector<16xf32>,
      %gather3A_1191 = tpu.vector_load_idx %arg9[%add3A_1117, %and3A_1189] : memref<512x32xf32, #tpu.memory_space<vmem>>[vector<16xi32>, vector<16xi32>], vector<16xf32>,
      %add3A_1192 = arith.constant 32 : i32
      %add3A_1193 = vector.broadcast %add3A_1192 : i32 to vector<16xi32>
      %add3A_1194 = arith.addi %and3A_1189, %add3A_1193 : vector<16xi32>
      tpu.vector_store_idx %arg10[%add3A_1194, %add3A_1117], %gather3A_1191 : memref<64x512xf32, #tpu.memory_space<vmem>>[vector<16xi32>, vector<16xi32>], vector<16xf32>,
      %add3A_1195 = arith.constant 7 : i32
      %add3A_1196 = vector.broadcast %add3A_1195 : i32 to vector<16xi32>
      %add3A_1197 = arith.addi %iota3A, %add3A_1196 : vector<16xi32>
      %and3A_1198 = arith.constant 31 : i32
      %and3A_1199 = vector.broadcast %and3A_1198 : i32 to vector<16xi32>
      %and3A_1200 = arith.andi %add3A_1197, %and3A_1199 : vector<16xi32>
      %gather3A_1201 = tpu.vector_load_idx %arg8[%add3A_1117, %and3A_1200] : memref<512x32xf32, #tpu.memory_space<vmem>>[vector<16xi32>, vector<16xi32>], vector<16xf32>,
      tpu.vector_store_idx %arg10[%and3A_1200, %add3A_1117], %gather3A_1201 : memref<64x512xf32, #tpu.memory_space<vmem>>[vector<16xi32>, vector<16xi32>], vector<16xf32>,
      %gather3A_1202 = tpu.vector_load_idx %arg9[%add3A_1117, %and3A_1200] : memref<512x32xf32, #tpu.memory_space<vmem>>[vector<16xi32>, vector<16xi32>], vector<16xf32>,
      %add3A_1203 = arith.constant 32 : i32
      %add3A_1204 = vector.broadcast %add3A_1203 : i32 to vector<16xi32>
      %add3A_1205 = arith.addi %and3A_1200, %add3A_1204 : vector<16xi32>
      tpu.vector_store_idx %arg10[%add3A_1205, %add3A_1117], %gather3A_1202 : memref<64x512xf32, #tpu.memory_space<vmem>>[vector<16xi32>, vector<16xi32>], vector<16xf32>,
      %add3A_1206 = arith.constant 8 : i32
      %add3A_1207 = vector.broadcast %add3A_1206 : i32 to vector<16xi32>
      %add3A_1208 = arith.addi %iota3A, %add3A_1207 : vector<16xi32>
      %and3A_1209 = arith.constant 31 : i32
      %and3A_1210 = vector.broadcast %and3A_1209 : i32 to vector<16xi32>
      %and3A_1211 = arith.andi %add3A_1208, %and3A_1210 : vector<16xi32>
      %gather3A_1212 = tpu.vector_load_idx %arg8[%add3A_1117, %and3A_1211] : memref<512x32xf32, #tpu.memory_space<vmem>>[vector<16xi32>, vector<16xi32>], vector<16xf32>,
      tpu.vector_store_idx %arg10[%and3A_1211, %add3A_1117], %gather3A_1212 : memref<64x512xf32, #tpu.memory_space<vmem>>[vector<16xi32>, vector<16xi32>], vector<16xf32>,
      %gather3A_1213 = tpu.vector_load_idx %arg9[%add3A_1117, %and3A_1211] : memref<512x32xf32, #tpu.memory_space<vmem>>[vector<16xi32>, vector<16xi32>], vector<16xf32>,
      %add3A_1214 = arith.constant 32 : i32
      %add3A_1215 = vector.broadcast %add3A_1214 : i32 to vector<16xi32>
      %add3A_1216 = arith.addi %and3A_1211, %add3A_1215 : vector<16xi32>
      tpu.vector_store_idx %arg10[%add3A_1216, %add3A_1117], %gather3A_1213 : memref<64x512xf32, #tpu.memory_space<vmem>>[vector<16xi32>, vector<16xi32>], vector<16xf32>,
      %add3A_1217 = arith.constant 9 : i32
      %add3A_1218 = vector.broadcast %add3A_1217 : i32 to vector<16xi32>
      %add3A_1219 = arith.addi %iota3A, %add3A_1218 : vector<16xi32>
      %and3A_1220 = arith.constant 31 : i32
      %and3A_1221 = vector.broadcast %and3A_1220 : i32 to vector<16xi32>
      %and3A_1222 = arith.andi %add3A_1219, %and3A_1221 : vector<16xi32>
      %gather3A_1223 = tpu.vector_load_idx %arg8[%add3A_1117, %and3A_1222] : memref<512x32xf32, #tpu.memory_space<vmem>>[vector<16xi32>, vector<16xi32>], vector<16xf32>,
      tpu.vector_store_idx %arg10[%and3A_1222, %add3A_1117], %gather3A_1223 : memref<64x512xf32, #tpu.memory_space<vmem>>[vector<16xi32>, vector<16xi32>], vector<16xf32>,
      %gather3A_1224 = tpu.vector_load_idx %arg9[%add3A_1117, %and3A_1222] : memref<512x32xf32, #tpu.memory_space<vmem>>[vector<16xi32>, vector<16xi32>], vector<16xf32>,
      %add3A_1225 = arith.constant 32 : i32
      %add3A_1226 = vector.broadcast %add3A_1225 : i32 to vector<16xi32>
      %add3A_1227 = arith.addi %and3A_1222, %add3A_1226 : vector<16xi32>
      tpu.vector_store_idx %arg10[%add3A_1227, %add3A_1117], %gather3A_1224 : memref<64x512xf32, #tpu.memory_space<vmem>>[vector<16xi32>, vector<16xi32>], vector<16xf32>,
      %add3A_1228 = arith.constant 10 : i32
      %add3A_1229 = vector.broadcast %add3A_1228 : i32 to vector<16xi32>
      %add3A_1230 = arith.addi %iota3A, %add3A_1229 : vector<16xi32>
      %and3A_1231 = arith.constant 31 : i32
      %and3A_1232 = vector.broadcast %and3A_1231 : i32 to vector<16xi32>
      %and3A_1233 = arith.andi %add3A_1230, %and3A_1232 : vector<16xi32>
      %gather3A_1234 = tpu.vector_load_idx %arg8[%add3A_1117, %and3A_1233] : memref<512x32xf32, #tpu.memory_space<vmem>>[vector<16xi32>, vector<16xi32>], vector<16xf32>,
      tpu.vector_store_idx %arg10[%and3A_1233, %add3A_1117], %gather3A_1234 : memref<64x512xf32, #tpu.memory_space<vmem>>[vector<16xi32>, vector<16xi32>], vector<16xf32>,
      %gather3A_1235 = tpu.vector_load_idx %arg9[%add3A_1117, %and3A_1233] : memref<512x32xf32, #tpu.memory_space<vmem>>[vector<16xi32>, vector<16xi32>], vector<16xf32>,
      %add3A_1236 = arith.constant 32 : i32
      %add3A_1237 = vector.broadcast %add3A_1236 : i32 to vector<16xi32>
      %add3A_1238 = arith.addi %and3A_1233, %add3A_1237 : vector<16xi32>
      tpu.vector_store_idx %arg10[%add3A_1238, %add3A_1117], %gather3A_1235 : memref<64x512xf32, #tpu.memory_space<vmem>>[vector<16xi32>, vector<16xi32>], vector<16xf32>,
      %add3A_1239 = arith.constant 11 : i32
      %add3A_1240 = vector.broadcast %add3A_1239 : i32 to vector<16xi32>
      %add3A_1241 = arith.addi %iota3A, %add3A_1240 : vector<16xi32>
      %and3A_1242 = arith.constant 31 : i32
      %and3A_1243 = vector.broadcast %and3A_1242 : i32 to vector<16xi32>
      %and3A_1244 = arith.andi %add3A_1241, %and3A_1243 : vector<16xi32>
      %gather3A_1245 = tpu.vector_load_idx %arg8[%add3A_1117, %and3A_1244] : memref<512x32xf32, #tpu.memory_space<vmem>>[vector<16xi32>, vector<16xi32>], vector<16xf32>,
      tpu.vector_store_idx %arg10[%and3A_1244, %add3A_1117], %gather3A_1245 : memref<64x512xf32, #tpu.memory_space<vmem>>[vector<16xi32>, vector<16xi32>], vector<16xf32>,
      %gather3A_1246 = tpu.vector_load_idx %arg9[%add3A_1117, %and3A_1244] : memref<512x32xf32, #tpu.memory_space<vmem>>[vector<16xi32>, vector<16xi32>], vector<16xf32>,
      %add3A_1247 = arith.constant 32 : i32
      %add3A_1248 = vector.broadcast %add3A_1247 : i32 to vector<16xi32>
      %add3A_1249 = arith.addi %and3A_1244, %add3A_1248 : vector<16xi32>
      tpu.vector_store_idx %arg10[%add3A_1249, %add3A_1117], %gather3A_1246 : memref<64x512xf32, #tpu.memory_space<vmem>>[vector<16xi32>, vector<16xi32>], vector<16xf32>,
      %add3A_1250 = arith.constant 12 : i32
      %add3A_1251 = vector.broadcast %add3A_1250 : i32 to vector<16xi32>
      %add3A_1252 = arith.addi %iota3A, %add3A_1251 : vector<16xi32>
      %and3A_1253 = arith.constant 31 : i32
      %and3A_1254 = vector.broadcast %and3A_1253 : i32 to vector<16xi32>
      %and3A_1255 = arith.andi %add3A_1252, %and3A_1254 : vector<16xi32>
      %gather3A_1256 = tpu.vector_load_idx %arg8[%add3A_1117, %and3A_1255] : memref<512x32xf32, #tpu.memory_space<vmem>>[vector<16xi32>, vector<16xi32>], vector<16xf32>,
      tpu.vector_store_idx %arg10[%and3A_1255, %add3A_1117], %gather3A_1256 : memref<64x512xf32, #tpu.memory_space<vmem>>[vector<16xi32>, vector<16xi32>], vector<16xf32>,
      %gather3A_1257 = tpu.vector_load_idx %arg9[%add3A_1117, %and3A_1255] : memref<512x32xf32, #tpu.memory_space<vmem>>[vector<16xi32>, vector<16xi32>], vector<16xf32>,
      %add3A_1258 = arith.constant 32 : i32
      %add3A_1259 = vector.broadcast %add3A_1258 : i32 to vector<16xi32>
      %add3A_1260 = arith.addi %and3A_1255, %add3A_1259 : vector<16xi32>
      tpu.vector_store_idx %arg10[%add3A_1260, %add3A_1117], %gather3A_1257 : memref<64x512xf32, #tpu.memory_space<vmem>>[vector<16xi32>, vector<16xi32>], vector<16xf32>,
      %add3A_1261 = arith.constant 13 : i32
      %add3A_1262 = vector.broadcast %add3A_1261 : i32 to vector<16xi32>
      %add3A_1263 = arith.addi %iota3A, %add3A_1262 : vector<16xi32>
      %and3A_1264 = arith.constant 31 : i32
      %and3A_1265 = vector.broadcast %and3A_1264 : i32 to vector<16xi32>
      %and3A_1266 = arith.andi %add3A_1263, %and3A_1265 : vector<16xi32>
      %gather3A_1267 = tpu.vector_load_idx %arg8[%add3A_1117, %and3A_1266] : memref<512x32xf32, #tpu.memory_space<vmem>>[vector<16xi32>, vector<16xi32>], vector<16xf32>,
      tpu.vector_store_idx %arg10[%and3A_1266, %add3A_1117], %gather3A_1267 : memref<64x512xf32, #tpu.memory_space<vmem>>[vector<16xi32>, vector<16xi32>], vector<16xf32>,
      %gather3A_1268 = tpu.vector_load_idx %arg9[%add3A_1117, %and3A_1266] : memref<512x32xf32, #tpu.memory_space<vmem>>[vector<16xi32>, vector<16xi32>], vector<16xf32>,
      %add3A_1269 = arith.constant 32 : i32
      %add3A_1270 = vector.broadcast %add3A_1269 : i32 to vector<16xi32>
      %add3A_1271 = arith.addi %and3A_1266, %add3A_1270 : vector<16xi32>
      tpu.vector_store_idx %arg10[%add3A_1271, %add3A_1117], %gather3A_1268 : memref<64x512xf32, #tpu.memory_space<vmem>>[vector<16xi32>, vector<16xi32>], vector<16xf32>,
      %add3A_1272 = arith.constant 14 : i32
      %add3A_1273 = vector.broadcast %add3A_1272 : i32 to vector<16xi32>
      %add3A_1274 = arith.addi %iota3A, %add3A_1273 : vector<16xi32>
      %and3A_1275 = arith.constant 31 : i32
      %and3A_1276 = vector.broadcast %and3A_1275 : i32 to vector<16xi32>
      %and3A_1277 = arith.andi %add3A_1274, %and3A_1276 : vector<16xi32>
      %gather3A_1278 = tpu.vector_load_idx %arg8[%add3A_1117, %and3A_1277] : memref<512x32xf32, #tpu.memory_space<vmem>>[vector<16xi32>, vector<16xi32>], vector<16xf32>,
      tpu.vector_store_idx %arg10[%and3A_1277, %add3A_1117], %gather3A_1278 : memref<64x512xf32, #tpu.memory_space<vmem>>[vector<16xi32>, vector<16xi32>], vector<16xf32>,
      %gather3A_1279 = tpu.vector_load_idx %arg9[%add3A_1117, %and3A_1277] : memref<512x32xf32, #tpu.memory_space<vmem>>[vector<16xi32>, vector<16xi32>], vector<16xf32>,
      %add3A_1280 = arith.constant 32 : i32
      %add3A_1281 = vector.broadcast %add3A_1280 : i32 to vector<16xi32>
      %add3A_1282 = arith.addi %and3A_1277, %add3A_1281 : vector<16xi32>
      tpu.vector_store_idx %arg10[%add3A_1282, %add3A_1117], %gather3A_1279 : memref<64x512xf32, #tpu.memory_space<vmem>>[vector<16xi32>, vector<16xi32>], vector<16xf32>,
      %add3A_1283 = arith.constant 15 : i32
      %add3A_1284 = vector.broadcast %add3A_1283 : i32 to vector<16xi32>
      %add3A_1285 = arith.addi %iota3A, %add3A_1284 : vector<16xi32>
      %and3A_1286 = arith.constant 31 : i32
      %and3A_1287 = vector.broadcast %and3A_1286 : i32 to vector<16xi32>
      %and3A_1288 = arith.andi %add3A_1285, %and3A_1287 : vector<16xi32>
      %gather3A_1289 = tpu.vector_load_idx %arg8[%add3A_1117, %and3A_1288] : memref<512x32xf32, #tpu.memory_space<vmem>>[vector<16xi32>, vector<16xi32>], vector<16xf32>,
      tpu.vector_store_idx %arg10[%and3A_1288, %add3A_1117], %gather3A_1289 : memref<64x512xf32, #tpu.memory_space<vmem>>[vector<16xi32>, vector<16xi32>], vector<16xf32>,
      %gather3A_1290 = tpu.vector_load_idx %arg9[%add3A_1117, %and3A_1288] : memref<512x32xf32, #tpu.memory_space<vmem>>[vector<16xi32>, vector<16xi32>], vector<16xf32>,
      %add3A_1291 = arith.constant 32 : i32
      %add3A_1292 = vector.broadcast %add3A_1291 : i32 to vector<16xi32>
      %add3A_1293 = arith.addi %and3A_1288, %add3A_1292 : vector<16xi32>
      tpu.vector_store_idx %arg10[%add3A_1293, %add3A_1117], %gather3A_1290 : memref<64x512xf32, #tpu.memory_space<vmem>>[vector<16xi32>, vector<16xi32>], vector<16xf32>,
      %add3A_1294 = arith.constant 16 : i32
      %add3A_1295 = vector.broadcast %add3A_1294 : i32 to vector<16xi32>
      %add3A_1296 = arith.addi %iota3A, %add3A_1295 : vector<16xi32>
      %and3A_1297 = arith.constant 31 : i32
      %and3A_1298 = vector.broadcast %and3A_1297 : i32 to vector<16xi32>
      %and3A_1299 = arith.andi %add3A_1296, %and3A_1298 : vector<16xi32>
      %gather3A_1300 = tpu.vector_load_idx %arg8[%add3A_1117, %and3A_1299] : memref<512x32xf32, #tpu.memory_space<vmem>>[vector<16xi32>, vector<16xi32>], vector<16xf32>,
      tpu.vector_store_idx %arg10[%and3A_1299, %add3A_1117], %gather3A_1300 : memref<64x512xf32, #tpu.memory_space<vmem>>[vector<16xi32>, vector<16xi32>], vector<16xf32>,
      %gather3A_1301 = tpu.vector_load_idx %arg9[%add3A_1117, %and3A_1299] : memref<512x32xf32, #tpu.memory_space<vmem>>[vector<16xi32>, vector<16xi32>], vector<16xf32>,
      %add3A_1302 = arith.constant 32 : i32
      %add3A_1303 = vector.broadcast %add3A_1302 : i32 to vector<16xi32>
      %add3A_1304 = arith.addi %and3A_1299, %add3A_1303 : vector<16xi32>
      tpu.vector_store_idx %arg10[%add3A_1304, %add3A_1117], %gather3A_1301 : memref<64x512xf32, #tpu.memory_space<vmem>>[vector<16xi32>, vector<16xi32>], vector<16xf32>,
      %add3A_1305 = arith.constant 17 : i32
      %add3A_1306 = vector.broadcast %add3A_1305 : i32 to vector<16xi32>
      %add3A_1307 = arith.addi %iota3A, %add3A_1306 : vector<16xi32>
      %and3A_1308 = arith.constant 31 : i32
      %and3A_1309 = vector.broadcast %and3A_1308 : i32 to vector<16xi32>
      %and3A_1310 = arith.andi %add3A_1307, %and3A_1309 : vector<16xi32>
      %gather3A_1311 = tpu.vector_load_idx %arg8[%add3A_1117, %and3A_1310] : memref<512x32xf32, #tpu.memory_space<vmem>>[vector<16xi32>, vector<16xi32>], vector<16xf32>,
      tpu.vector_store_idx %arg10[%and3A_1310, %add3A_1117], %gather3A_1311 : memref<64x512xf32, #tpu.memory_space<vmem>>[vector<16xi32>, vector<16xi32>], vector<16xf32>,
      %gather3A_1312 = tpu.vector_load_idx %arg9[%add3A_1117, %and3A_1310] : memref<512x32xf32, #tpu.memory_space<vmem>>[vector<16xi32>, vector<16xi32>], vector<16xf32>,
      %add3A_1313 = arith.constant 32 : i32
      %add3A_1314 = vector.broadcast %add3A_1313 : i32 to vector<16xi32>
      %add3A_1315 = arith.addi %and3A_1310, %add3A_1314 : vector<16xi32>
      tpu.vector_store_idx %arg10[%add3A_1315, %add3A_1117], %gather3A_1312 : memref<64x512xf32, #tpu.memory_space<vmem>>[vector<16xi32>, vector<16xi32>], vector<16xf32>,
      %add3A_1316 = arith.constant 18 : i32
      %add3A_1317 = vector.broadcast %add3A_1316 : i32 to vector<16xi32>
      %add3A_1318 = arith.addi %iota3A, %add3A_1317 : vector<16xi32>
      %and3A_1319 = arith.constant 31 : i32
      %and3A_1320 = vector.broadcast %and3A_1319 : i32 to vector<16xi32>
      %and3A_1321 = arith.andi %add3A_1318, %and3A_1320 : vector<16xi32>
      %gather3A_1322 = tpu.vector_load_idx %arg8[%add3A_1117, %and3A_1321] : memref<512x32xf32, #tpu.memory_space<vmem>>[vector<16xi32>, vector<16xi32>], vector<16xf32>,
      tpu.vector_store_idx %arg10[%and3A_1321, %add3A_1117], %gather3A_1322 : memref<64x512xf32, #tpu.memory_space<vmem>>[vector<16xi32>, vector<16xi32>], vector<16xf32>,
      %gather3A_1323 = tpu.vector_load_idx %arg9[%add3A_1117, %and3A_1321] : memref<512x32xf32, #tpu.memory_space<vmem>>[vector<16xi32>, vector<16xi32>], vector<16xf32>,
      %add3A_1324 = arith.constant 32 : i32
      %add3A_1325 = vector.broadcast %add3A_1324 : i32 to vector<16xi32>
      %add3A_1326 = arith.addi %and3A_1321, %add3A_1325 : vector<16xi32>
      tpu.vector_store_idx %arg10[%add3A_1326, %add3A_1117], %gather3A_1323 : memref<64x512xf32, #tpu.memory_space<vmem>>[vector<16xi32>, vector<16xi32>], vector<16xf32>,
      %add3A_1327 = arith.constant 19 : i32
      %add3A_1328 = vector.broadcast %add3A_1327 : i32 to vector<16xi32>
      %add3A_1329 = arith.addi %iota3A, %add3A_1328 : vector<16xi32>
      %and3A_1330 = arith.constant 31 : i32
      %and3A_1331 = vector.broadcast %and3A_1330 : i32 to vector<16xi32>
      %and3A_1332 = arith.andi %add3A_1329, %and3A_1331 : vector<16xi32>
      %gather3A_1333 = tpu.vector_load_idx %arg8[%add3A_1117, %and3A_1332] : memref<512x32xf32, #tpu.memory_space<vmem>>[vector<16xi32>, vector<16xi32>], vector<16xf32>,
      tpu.vector_store_idx %arg10[%and3A_1332, %add3A_1117], %gather3A_1333 : memref<64x512xf32, #tpu.memory_space<vmem>>[vector<16xi32>, vector<16xi32>], vector<16xf32>,
      %gather3A_1334 = tpu.vector_load_idx %arg9[%add3A_1117, %and3A_1332] : memref<512x32xf32, #tpu.memory_space<vmem>>[vector<16xi32>, vector<16xi32>], vector<16xf32>,
      %add3A_1335 = arith.constant 32 : i32
      %add3A_1336 = vector.broadcast %add3A_1335 : i32 to vector<16xi32>
      %add3A_1337 = arith.addi %and3A_1332, %add3A_1336 : vector<16xi32>
      tpu.vector_store_idx %arg10[%add3A_1337, %add3A_1117], %gather3A_1334 : memref<64x512xf32, #tpu.memory_space<vmem>>[vector<16xi32>, vector<16xi32>], vector<16xf32>,
      %add3A_1338 = arith.constant 20 : i32
      %add3A_1339 = vector.broadcast %add3A_1338 : i32 to vector<16xi32>
      %add3A_1340 = arith.addi %iota3A, %add3A_1339 : vector<16xi32>
      %and3A_1341 = arith.constant 31 : i32
      %and3A_1342 = vector.broadcast %and3A_1341 : i32 to vector<16xi32>
      %and3A_1343 = arith.andi %add3A_1340, %and3A_1342 : vector<16xi32>
      %gather3A_1344 = tpu.vector_load_idx %arg8[%add3A_1117, %and3A_1343] : memref<512x32xf32, #tpu.memory_space<vmem>>[vector<16xi32>, vector<16xi32>], vector<16xf32>,
      tpu.vector_store_idx %arg10[%and3A_1343, %add3A_1117], %gather3A_1344 : memref<64x512xf32, #tpu.memory_space<vmem>>[vector<16xi32>, vector<16xi32>], vector<16xf32>,
      %gather3A_1345 = tpu.vector_load_idx %arg9[%add3A_1117, %and3A_1343] : memref<512x32xf32, #tpu.memory_space<vmem>>[vector<16xi32>, vector<16xi32>], vector<16xf32>,
      %add3A_1346 = arith.constant 32 : i32
      %add3A_1347 = vector.broadcast %add3A_1346 : i32 to vector<16xi32>
      %add3A_1348 = arith.addi %and3A_1343, %add3A_1347 : vector<16xi32>
      tpu.vector_store_idx %arg10[%add3A_1348, %add3A_1117], %gather3A_1345 : memref<64x512xf32, #tpu.memory_space<vmem>>[vector<16xi32>, vector<16xi32>], vector<16xf32>,
      %add3A_1349 = arith.constant 21 : i32
      %add3A_1350 = vector.broadcast %add3A_1349 : i32 to vector<16xi32>
      %add3A_1351 = arith.addi %iota3A, %add3A_1350 : vector<16xi32>
      %and3A_1352 = arith.constant 31 : i32
      %and3A_1353 = vector.broadcast %and3A_1352 : i32 to vector<16xi32>
      %and3A_1354 = arith.andi %add3A_1351, %and3A_1353 : vector<16xi32>
      %gather3A_1355 = tpu.vector_load_idx %arg8[%add3A_1117, %and3A_1354] : memref<512x32xf32, #tpu.memory_space<vmem>>[vector<16xi32>, vector<16xi32>], vector<16xf32>,
      tpu.vector_store_idx %arg10[%and3A_1354, %add3A_1117], %gather3A_1355 : memref<64x512xf32, #tpu.memory_space<vmem>>[vector<16xi32>, vector<16xi32>], vector<16xf32>,
      %gather3A_1356 = tpu.vector_load_idx %arg9[%add3A_1117, %and3A_1354] : memref<512x32xf32, #tpu.memory_space<vmem>>[vector<16xi32>, vector<16xi32>], vector<16xf32>,
      %add3A_1357 = arith.constant 32 : i32
      %add3A_1358 = vector.broadcast %add3A_1357 : i32 to vector<16xi32>
      %add3A_1359 = arith.addi %and3A_1354, %add3A_1358 : vector<16xi32>
      tpu.vector_store_idx %arg10[%add3A_1359, %add3A_1117], %gather3A_1356 : memref<64x512xf32, #tpu.memory_space<vmem>>[vector<16xi32>, vector<16xi32>], vector<16xf32>,
      %add3A_1360 = arith.constant 22 : i32
      %add3A_1361 = vector.broadcast %add3A_1360 : i32 to vector<16xi32>
      %add3A_1362 = arith.addi %iota3A, %add3A_1361 : vector<16xi32>
      %and3A_1363 = arith.constant 31 : i32
      %and3A_1364 = vector.broadcast %and3A_1363 : i32 to vector<16xi32>
      %and3A_1365 = arith.andi %add3A_1362, %and3A_1364 : vector<16xi32>
      %gather3A_1366 = tpu.vector_load_idx %arg8[%add3A_1117, %and3A_1365] : memref<512x32xf32, #tpu.memory_space<vmem>>[vector<16xi32>, vector<16xi32>], vector<16xf32>,
      tpu.vector_store_idx %arg10[%and3A_1365, %add3A_1117], %gather3A_1366 : memref<64x512xf32, #tpu.memory_space<vmem>>[vector<16xi32>, vector<16xi32>], vector<16xf32>,
      %gather3A_1367 = tpu.vector_load_idx %arg9[%add3A_1117, %and3A_1365] : memref<512x32xf32, #tpu.memory_space<vmem>>[vector<16xi32>, vector<16xi32>], vector<16xf32>,
      %add3A_1368 = arith.constant 32 : i32
      %add3A_1369 = vector.broadcast %add3A_1368 : i32 to vector<16xi32>
      %add3A_1370 = arith.addi %and3A_1365, %add3A_1369 : vector<16xi32>
      tpu.vector_store_idx %arg10[%add3A_1370, %add3A_1117], %gather3A_1367 : memref<64x512xf32, #tpu.memory_space<vmem>>[vector<16xi32>, vector<16xi32>], vector<16xf32>,
      %add3A_1371 = arith.constant 23 : i32
      %add3A_1372 = vector.broadcast %add3A_1371 : i32 to vector<16xi32>
      %add3A_1373 = arith.addi %iota3A, %add3A_1372 : vector<16xi32>
      %and3A_1374 = arith.constant 31 : i32
      %and3A_1375 = vector.broadcast %and3A_1374 : i32 to vector<16xi32>
      %and3A_1376 = arith.andi %add3A_1373, %and3A_1375 : vector<16xi32>
      %gather3A_1377 = tpu.vector_load_idx %arg8[%add3A_1117, %and3A_1376] : memref<512x32xf32, #tpu.memory_space<vmem>>[vector<16xi32>, vector<16xi32>], vector<16xf32>,
      tpu.vector_store_idx %arg10[%and3A_1376, %add3A_1117], %gather3A_1377 : memref<64x512xf32, #tpu.memory_space<vmem>>[vector<16xi32>, vector<16xi32>], vector<16xf32>,
      %gather3A_1378 = tpu.vector_load_idx %arg9[%add3A_1117, %and3A_1376] : memref<512x32xf32, #tpu.memory_space<vmem>>[vector<16xi32>, vector<16xi32>], vector<16xf32>,
      %add3A_1379 = arith.constant 32 : i32
      %add3A_1380 = vector.broadcast %add3A_1379 : i32 to vector<16xi32>
      %add3A_1381 = arith.addi %and3A_1376, %add3A_1380 : vector<16xi32>
      tpu.vector_store_idx %arg10[%add3A_1381, %add3A_1117], %gather3A_1378 : memref<64x512xf32, #tpu.memory_space<vmem>>[vector<16xi32>, vector<16xi32>], vector<16xf32>,
      %add3A_1382 = arith.constant 24 : i32
      %add3A_1383 = vector.broadcast %add3A_1382 : i32 to vector<16xi32>
      %add3A_1384 = arith.addi %iota3A, %add3A_1383 : vector<16xi32>
      %and3A_1385 = arith.constant 31 : i32
      %and3A_1386 = vector.broadcast %and3A_1385 : i32 to vector<16xi32>
      %and3A_1387 = arith.andi %add3A_1384, %and3A_1386 : vector<16xi32>
      %gather3A_1388 = tpu.vector_load_idx %arg8[%add3A_1117, %and3A_1387] : memref<512x32xf32, #tpu.memory_space<vmem>>[vector<16xi32>, vector<16xi32>], vector<16xf32>,
      tpu.vector_store_idx %arg10[%and3A_1387, %add3A_1117], %gather3A_1388 : memref<64x512xf32, #tpu.memory_space<vmem>>[vector<16xi32>, vector<16xi32>], vector<16xf32>,
      %gather3A_1389 = tpu.vector_load_idx %arg9[%add3A_1117, %and3A_1387] : memref<512x32xf32, #tpu.memory_space<vmem>>[vector<16xi32>, vector<16xi32>], vector<16xf32>,
      %add3A_1390 = arith.constant 32 : i32
      %add3A_1391 = vector.broadcast %add3A_1390 : i32 to vector<16xi32>
      %add3A_1392 = arith.addi %and3A_1387, %add3A_1391 : vector<16xi32>
      tpu.vector_store_idx %arg10[%add3A_1392, %add3A_1117], %gather3A_1389 : memref<64x512xf32, #tpu.memory_space<vmem>>[vector<16xi32>, vector<16xi32>], vector<16xf32>,
      %add3A_1393 = arith.constant 25 : i32
      %add3A_1394 = vector.broadcast %add3A_1393 : i32 to vector<16xi32>
      %add3A_1395 = arith.addi %iota3A, %add3A_1394 : vector<16xi32>
      %and3A_1396 = arith.constant 31 : i32
      %and3A_1397 = vector.broadcast %and3A_1396 : i32 to vector<16xi32>
      %and3A_1398 = arith.andi %add3A_1395, %and3A_1397 : vector<16xi32>
      %gather3A_1399 = tpu.vector_load_idx %arg8[%add3A_1117, %and3A_1398] : memref<512x32xf32, #tpu.memory_space<vmem>>[vector<16xi32>, vector<16xi32>], vector<16xf32>,
      tpu.vector_store_idx %arg10[%and3A_1398, %add3A_1117], %gather3A_1399 : memref<64x512xf32, #tpu.memory_space<vmem>>[vector<16xi32>, vector<16xi32>], vector<16xf32>,
      %gather3A_1400 = tpu.vector_load_idx %arg9[%add3A_1117, %and3A_1398] : memref<512x32xf32, #tpu.memory_space<vmem>>[vector<16xi32>, vector<16xi32>], vector<16xf32>,
      %add3A_1401 = arith.constant 32 : i32
      %add3A_1402 = vector.broadcast %add3A_1401 : i32 to vector<16xi32>
      %add3A_1403 = arith.addi %and3A_1398, %add3A_1402 : vector<16xi32>
      tpu.vector_store_idx %arg10[%add3A_1403, %add3A_1117], %gather3A_1400 : memref<64x512xf32, #tpu.memory_space<vmem>>[vector<16xi32>, vector<16xi32>], vector<16xf32>,
      %add3A_1404 = arith.constant 26 : i32
      %add3A_1405 = vector.broadcast %add3A_1404 : i32 to vector<16xi32>
      %add3A_1406 = arith.addi %iota3A, %add3A_1405 : vector<16xi32>
      %and3A_1407 = arith.constant 31 : i32
      %and3A_1408 = vector.broadcast %and3A_1407 : i32 to vector<16xi32>
      %and3A_1409 = arith.andi %add3A_1406, %and3A_1408 : vector<16xi32>
      %gather3A_1410 = tpu.vector_load_idx %arg8[%add3A_1117, %and3A_1409] : memref<512x32xf32, #tpu.memory_space<vmem>>[vector<16xi32>, vector<16xi32>], vector<16xf32>,
      tpu.vector_store_idx %arg10[%and3A_1409, %add3A_1117], %gather3A_1410 : memref<64x512xf32, #tpu.memory_space<vmem>>[vector<16xi32>, vector<16xi32>], vector<16xf32>,
      %gather3A_1411 = tpu.vector_load_idx %arg9[%add3A_1117, %and3A_1409] : memref<512x32xf32, #tpu.memory_space<vmem>>[vector<16xi32>, vector<16xi32>], vector<16xf32>,
      %add3A_1412 = arith.constant 32 : i32
      %add3A_1413 = vector.broadcast %add3A_1412 : i32 to vector<16xi32>
      %add3A_1414 = arith.addi %and3A_1409, %add3A_1413 : vector<16xi32>
      tpu.vector_store_idx %arg10[%add3A_1414, %add3A_1117], %gather3A_1411 : memref<64x512xf32, #tpu.memory_space<vmem>>[vector<16xi32>, vector<16xi32>], vector<16xf32>,
      %add3A_1415 = arith.constant 27 : i32
      %add3A_1416 = vector.broadcast %add3A_1415 : i32 to vector<16xi32>
      %add3A_1417 = arith.addi %iota3A, %add3A_1416 : vector<16xi32>
      %and3A_1418 = arith.constant 31 : i32
      %and3A_1419 = vector.broadcast %and3A_1418 : i32 to vector<16xi32>
      %and3A_1420 = arith.andi %add3A_1417, %and3A_1419 : vector<16xi32>
      %gather3A_1421 = tpu.vector_load_idx %arg8[%add3A_1117, %and3A_1420] : memref<512x32xf32, #tpu.memory_space<vmem>>[vector<16xi32>, vector<16xi32>], vector<16xf32>,
      tpu.vector_store_idx %arg10[%and3A_1420, %add3A_1117], %gather3A_1421 : memref<64x512xf32, #tpu.memory_space<vmem>>[vector<16xi32>, vector<16xi32>], vector<16xf32>,
      %gather3A_1422 = tpu.vector_load_idx %arg9[%add3A_1117, %and3A_1420] : memref<512x32xf32, #tpu.memory_space<vmem>>[vector<16xi32>, vector<16xi32>], vector<16xf32>,
      %add3A_1423 = arith.constant 32 : i32
      %add3A_1424 = vector.broadcast %add3A_1423 : i32 to vector<16xi32>
      %add3A_1425 = arith.addi %and3A_1420, %add3A_1424 : vector<16xi32>
      tpu.vector_store_idx %arg10[%add3A_1425, %add3A_1117], %gather3A_1422 : memref<64x512xf32, #tpu.memory_space<vmem>>[vector<16xi32>, vector<16xi32>], vector<16xf32>,
      %add3A_1426 = arith.constant 28 : i32
      %add3A_1427 = vector.broadcast %add3A_1426 : i32 to vector<16xi32>
      %add3A_1428 = arith.addi %iota3A, %add3A_1427 : vector<16xi32>
      %and3A_1429 = arith.constant 31 : i32
      %and3A_1430 = vector.broadcast %and3A_1429 : i32 to vector<16xi32>
      %and3A_1431 = arith.andi %add3A_1428, %and3A_1430 : vector<16xi32>
      %gather3A_1432 = tpu.vector_load_idx %arg8[%add3A_1117, %and3A_1431] : memref<512x32xf32, #tpu.memory_space<vmem>>[vector<16xi32>, vector<16xi32>], vector<16xf32>,
      tpu.vector_store_idx %arg10[%and3A_1431, %add3A_1117], %gather3A_1432 : memref<64x512xf32, #tpu.memory_space<vmem>>[vector<16xi32>, vector<16xi32>], vector<16xf32>,
      %gather3A_1433 = tpu.vector_load_idx %arg9[%add3A_1117, %and3A_1431] : memref<512x32xf32, #tpu.memory_space<vmem>>[vector<16xi32>, vector<16xi32>], vector<16xf32>,
      %add3A_1434 = arith.constant 32 : i32
      %add3A_1435 = vector.broadcast %add3A_1434 : i32 to vector<16xi32>
      %add3A_1436 = arith.addi %and3A_1431, %add3A_1435 : vector<16xi32>
      tpu.vector_store_idx %arg10[%add3A_1436, %add3A_1117], %gather3A_1433 : memref<64x512xf32, #tpu.memory_space<vmem>>[vector<16xi32>, vector<16xi32>], vector<16xf32>,
      %add3A_1437 = arith.constant 29 : i32
      %add3A_1438 = vector.broadcast %add3A_1437 : i32 to vector<16xi32>
      %add3A_1439 = arith.addi %iota3A, %add3A_1438 : vector<16xi32>
      %and3A_1440 = arith.constant 31 : i32
      %and3A_1441 = vector.broadcast %and3A_1440 : i32 to vector<16xi32>
      %and3A_1442 = arith.andi %add3A_1439, %and3A_1441 : vector<16xi32>
      %gather3A_1443 = tpu.vector_load_idx %arg8[%add3A_1117, %and3A_1442] : memref<512x32xf32, #tpu.memory_space<vmem>>[vector<16xi32>, vector<16xi32>], vector<16xf32>,
      tpu.vector_store_idx %arg10[%and3A_1442, %add3A_1117], %gather3A_1443 : memref<64x512xf32, #tpu.memory_space<vmem>>[vector<16xi32>, vector<16xi32>], vector<16xf32>,
      %gather3A_1444 = tpu.vector_load_idx %arg9[%add3A_1117, %and3A_1442] : memref<512x32xf32, #tpu.memory_space<vmem>>[vector<16xi32>, vector<16xi32>], vector<16xf32>,
      %add3A_1445 = arith.constant 32 : i32
      %add3A_1446 = vector.broadcast %add3A_1445 : i32 to vector<16xi32>
      %add3A_1447 = arith.addi %and3A_1442, %add3A_1446 : vector<16xi32>
      tpu.vector_store_idx %arg10[%add3A_1447, %add3A_1117], %gather3A_1444 : memref<64x512xf32, #tpu.memory_space<vmem>>[vector<16xi32>, vector<16xi32>], vector<16xf32>,
      %add3A_1448 = arith.constant 30 : i32
      %add3A_1449 = vector.broadcast %add3A_1448 : i32 to vector<16xi32>
      %add3A_1450 = arith.addi %iota3A, %add3A_1449 : vector<16xi32>
      %and3A_1451 = arith.constant 31 : i32
      %and3A_1452 = vector.broadcast %and3A_1451 : i32 to vector<16xi32>
      %and3A_1453 = arith.andi %add3A_1450, %and3A_1452 : vector<16xi32>
      %gather3A_1454 = tpu.vector_load_idx %arg8[%add3A_1117, %and3A_1453] : memref<512x32xf32, #tpu.memory_space<vmem>>[vector<16xi32>, vector<16xi32>], vector<16xf32>,
      tpu.vector_store_idx %arg10[%and3A_1453, %add3A_1117], %gather3A_1454 : memref<64x512xf32, #tpu.memory_space<vmem>>[vector<16xi32>, vector<16xi32>], vector<16xf32>,
      %gather3A_1455 = tpu.vector_load_idx %arg9[%add3A_1117, %and3A_1453] : memref<512x32xf32, #tpu.memory_space<vmem>>[vector<16xi32>, vector<16xi32>], vector<16xf32>,
      %add3A_1456 = arith.constant 32 : i32
      %add3A_1457 = vector.broadcast %add3A_1456 : i32 to vector<16xi32>
      %add3A_1458 = arith.addi %and3A_1453, %add3A_1457 : vector<16xi32>
      tpu.vector_store_idx %arg10[%add3A_1458, %add3A_1117], %gather3A_1455 : memref<64x512xf32, #tpu.memory_space<vmem>>[vector<16xi32>, vector<16xi32>], vector<16xf32>,
      %add3A_1459 = arith.constant 31 : i32
      %add3A_1460 = vector.broadcast %add3A_1459 : i32 to vector<16xi32>
      %add3A_1461 = arith.addi %iota3A, %add3A_1460 : vector<16xi32>
      %and3A_1462 = arith.constant 31 : i32
      %and3A_1463 = vector.broadcast %and3A_1462 : i32 to vector<16xi32>
      %and3A_1464 = arith.andi %add3A_1461, %and3A_1463 : vector<16xi32>
      %gather3A_1465 = tpu.vector_load_idx %arg8[%add3A_1117, %and3A_1464] : memref<512x32xf32, #tpu.memory_space<vmem>>[vector<16xi32>, vector<16xi32>], vector<16xf32>,
      tpu.vector_store_idx %arg10[%and3A_1464, %add3A_1117], %gather3A_1465 : memref<64x512xf32, #tpu.memory_space<vmem>>[vector<16xi32>, vector<16xi32>], vector<16xf32>,
      %gather3A_1466 = tpu.vector_load_idx %arg9[%add3A_1117, %and3A_1464] : memref<512x32xf32, #tpu.memory_space<vmem>>[vector<16xi32>, vector<16xi32>], vector<16xf32>,
      %add3A_1467 = arith.constant 32 : i32
      %add3A_1468 = vector.broadcast %add3A_1467 : i32 to vector<16xi32>
      %add3A_1469 = arith.addi %and3A_1464, %add3A_1468 : vector<16xi32>
      tpu.vector_store_idx %arg10[%add3A_1469, %add3A_1117], %gather3A_1466 : memref<64x512xf32, #tpu.memory_space<vmem>>[vector<16xi32>, vector<16xi32>], vector<16xf32>,
    }
    %scan3A_11 = arith.constant 8 : i32
    "tpu.region"() ({
      %run_scoped3A = tpu.sem_alloc : memref<!tpu.dma_semaphore, #tpu.memory_space<semaphore_mem>>
      %dma_start3A = arith.constant 0 : i32
      %dma_start3A_12 = tpu.memref_slice %arg4[%dma_start3A, %mul3A_2] : memref<64x16384xf32, #tpu.memory_space<hbm>> -> memref<64x512xf32, #tpu.memory_space<hbm>>
      %dma_start3A_13 = arith.constant 0 : i32
      %dma_start3A_14 = tpu.memref_slice %arg4[%dma_start3A_13, %mul3A_2] : memref<64x16384xf32, #tpu.memory_space<hbm>> -> memref<64x512xf32, #tpu.memory_space<hbm>>
      tpu.enqueue_dma source(%arg10 : memref<64x512xf32, #tpu.memory_space<vmem>>) target(%dma_start3A_14 : memref<64x512xf32, #tpu.memory_space<hbm>>) target_semaphore(%run_scoped3A : memref<!tpu.dma_semaphore, #tpu.memory_space<semaphore_mem>>)
      %dma_wait3A = arith.constant 0 : i32
      %dma_wait3A_15 = tpu.memref_slice %arg4[%dma_wait3A, %mul3A_2] : memref<64x16384xf32, #tpu.memory_space<hbm>> -> memref<64x512xf32, #tpu.memory_space<hbm>>
      %dma_wait3A_16 = arith.constant 0 : i32
      %dma_wait3A_17 = tpu.memref_slice %arg4[%dma_wait3A_16, %mul3A_2] : memref<64x16384xf32, #tpu.memory_space<hbm>> -> memref<64x512xf32, #tpu.memory_space<hbm>>
      tpu.wait_dma2 semaphore(%run_scoped3A : memref<!tpu.dma_semaphore, #tpu.memory_space<semaphore_mem>>) src(%arg10 : memref<64x512xf32, #tpu.memory_space<vmem>>) dst(%dma_wait3A_17 : memref<64x512xf32, #tpu.memory_space<hbm>>)
      tpu.yield
    }) : () -> ()
    return
  }
}

</mosaic_0001>

<sc_bundles>
// kernel: kernel.3.cloned.1.call-start
scs
__scs_entry_jumppad:
0x0: {  	(pc) =	sbr.rel $0x88, $3  }
0x1: {  	(tag) =	ssettag $0x0;
	lr =	simm.s32 $0x1  }
0x2: {  	[smem:$0x3F9C] =	sst lr;
	_ =	strace $0xD0000000  }
0x3: {  	_ = 	snop  }
0x4: {  	_ = 	snop  }
0x5: {  	_ = 	snop  }
0x6: {  	_ = 	snop  }
0x7: {  	_ = 	snop  }
__scs_overlays_trampoline_lowered:
0x8: {  	[smem:$0x3FAB] =	sst s0  }
0x9: {  	[smem:$0x3FAC] =	sst s1  }
0xa: {  	[smem:$0x3FAD] =	sst s2  }
0xb: {  	[smem:$0x3FAE] =	sst s3  }
0xc: {  	[smem:$0x3FAF] =	sst s4  }
0xd: {  	[smem:$0x3FB0] =	sst s5  }
0xe: {  	[smem:$0x3FB1] =	sst s6  }
0xf: {  	[smem:$0x3FB2] =	sst s7  }
0x10: {  	[smem:$0x3FB3] =	sst s8  }
0x11: {  	[smem:$0x3FB4] =	sst s9;
	s0 =	simm.s32 @!p0 $0x0  }
0x12: {  	s1 =	sld [smem:$0x3F9A];
	s0 =	simm.s32 @p0 $0x1  }
0x13: {  	[smem:$0x3FB5] =	sst s0;
	s0 =	simm.s32 @!p1 $0x0  }
0x14: {  	s2 =	sld [smem:$0x3F99];
	s0 =	simm.s32 @p1 $0x1  }
0x15: {  	[smem:$0x3FB6] =	sst s0;
	s0 =	simm.s32 @!p2 $0x0  }
0x16: {  	s3 =	sld [smem:$0x3FDB];
	s0 =	simm.s32 @p2 $0x1  }
0x17: {  	s4 =	simm.s32 $0x1BF5;
	[smem:$0x3FB8] =	sst s0  }
0x18: {  	s0 =	sld [smem:$0x3F9B];
	_ =	swait.ge [sflag:s4], $0x0  }
0x19: {  	s7 =	sld [smem:$0x3F9C]  }
0x1a: {  	s8 =	sadd.s32 $0xFFFFE003, lr  }
0x1b: {  	s9 =	sadd.s32 $0xFFFFFEF7, lr;
	s5 =	simm.s32 $0xFFFFFFFF;
	p2 =	slt.u32 s8, $0xFFFFF086  }
0x1c: {  	p1 =	slt.u32 s9, $0xF7A;
	s5 =	simm.s32 @!p2 $0x0  }
0x1d: {  	s5 =	simm.s32 @p1 $0x1;
	p0 =	seq.s32 s7, s2  }
0x1e: {  	s7 =	smul.u32 @!p0 $0xF7A, s2;
	p2 =	seq.s32 @!p0 s5, $0x0  }
0x1f: {  	s9 =	smul.u32 $0xF7A, s1;
	s8 =	simm.s32 @!p0 $0x1BF5;
	p2 =	por !p2, p0  }
0x20: {  	[sflag:s8] =	ssyncset.s32 @!p0 $0xFFFFF086;
	s6 =	sadd.s32 @!p0 s3, s7;
	s7 =	simm.s32 @!p0 $0x108  }
0x21: {  	s3 =	sadd.s32 s3, s9;
	s6 =	sadd.s32 @!p0 $0x88, s6;
	s7 =	simm.s32 @p2 $0x1082  }
0x22: {  	[simem:s7], [sflag:s8] =	dma.local @!p0 [hbm:s6], $0xF7A  }
0x23: {  	s9 =	sor.u32 $0xD0000000, s2;
	s6 =	simm.s32 $0x108;
	_ =	swait.ge @!p0 [sflag:s8], $0x0  }
0x24: {  	s3 =	sadd.s32 $0x88, s3;
	s6 =	simm.s32 @!p1 $0x1082;
	[sflag:s4] =	ssyncset.s32 $0xFFFFF086  }
0x25: {  	[simem:s6], [sflag:s4] =	dma.local [hbm:s3], $0xF7A  }
0x26: {  	[smem:$0x3F9C] =	sst s1;
	(tag) =	ssettag s2;
	_ =	strace s9  }
0x27: {  	s1 =	sld [smem:$0x3FAC]  }
0x28: {  	s2 =	sld [smem:$0x3FAD]  }
0x29: {  	s4 =	sld [smem:$0x3FAF]  }
0x2a: {  	p0 =	seq.s32 s5, $0x0;
	s5 =	sld [smem:$0x3FB0]  }
0x2b: {  	s6 =	sld [smem:$0x3FB1]  }
0x2c: {  	s7 =	sld [smem:$0x3FB2]  }
0x2d: {  	s3 =	simm.s32 $0x108;
	s8 =	sld [smem:$0x3FB3]  }
0x2e: {  	s3 =	simm.s32 @!p0 $0x1082;
	s9 =	sld [smem:$0x3FB4]  }
0x2f: {  	lr =	sadd.s32 s0, s3;
	s0 =	sld [smem:$0x3FAB]  }
0x30: {  	s3 =	sld [smem:$0x3FAE]  }
0x31: {  	[smem:$0x3FB7] =	sst s10  }
0x32: {  	s10 =	sld [smem:$0x3FB5];
	_ =	sdelay $0x3  }
0x33: {  	p0 =	seq.s32 s10, $0x1;
	s10 =	sld [smem:$0x3FB7];
	_ =	sdelay $0x3  }
0x34: {  	[smem:$0x3FB7] =	sst s10  }
0x35: {  	s10 =	sld [smem:$0x3FB6];
	_ =	sdelay $0x3  }
0x36: {  	p1 =	seq.s32 s10, $0x1;
	s10 =	sld [smem:$0x3FB7];
	_ =	sdelay $0x3  }
0x37: {  	[smem:$0x3FB7] =	sst s10  }
0x38: {  	s10 =	sld [smem:$0x3FB8]  }
0x39: {  	_ = 	snop;
	(pc) =	sbr.ind lr, $3  }
0x3a: {  	_ = 	snop  }
0x3b: {  	_ = 	snop  }
0x3c: {  	p2 =	seq.s32 s10, $0x1;
	s10 =	sld [smem:$0x3FB7]  }
0x3d: {  	_ =	shalt  }
0x3e: {  	_ =	shalt  }
0x3f: {  	_ =	shalt  }
0x40: {  	_ =	shalt  }
0x41: {  	_ =	shalt  }
0x42: {  	_ =	shalt  }
0x43: {  	_ =	shalt  }
0x44: {  	_ =	shalt  }
0x45: {  	_ =	shalt  }
0x46: {  	_ =	shalt  }
0x47: {  	_ =	shalt  }
0x48: {  	_ =	shalt  }
0x49: {  	_ =	shalt  }
0x4a: {  	_ =	shalt  }
0x4b: {  	_ =	shalt  }
0x4c: {  	_ =	shalt  }
0x4d: {  	_ =	shalt  }
0x4e: {  	_ =	shalt  }
0x4f: {  	_ =	shalt  }
0x50: {  	_ =	shalt  }
0x51: {  	_ =	shalt  }
0x52: {  	_ =	shalt  }
0x53: {  	_ =	shalt  }
0x54: {  	_ =	shalt  }
0x55: {  	_ =	shalt  }
0x56: {  	_ =	shalt  }
0x57: {  	_ =	shalt  }
0x58: {  	_ =	shalt  }
0x59: {  	_ =	shalt  }
0x5a: {  	_ =	shalt  }
0x5b: {  	_ =	shalt  }
0x5c: {  	_ =	shalt  }
0x5d: {  	_ =	shalt  }
0x5e: {  	_ =	shalt  }
0x5f: {  	_ =	shalt  }
0x60: {  	_ =	shalt  }
0x61: {  	_ =	shalt  }
0x62: {  	_ =	shalt  }
0x63: {  	_ =	shalt  }
0x64: {  	_ =	shalt  }
0x65: {  	_ =	shalt  }
0x66: {  	_ =	shalt  }
0x67: {  	_ =	shalt  }
0x68: {  	_ =	shalt  }
0x69: {  	_ =	shalt  }
0x6a: {  	_ =	shalt  }
0x6b: {  	_ =	shalt  }
0x6c: {  	_ =	shalt  }
0x6d: {  	_ =	shalt  }
0x6e: {  	_ =	shalt  }
0x6f: {  	_ =	shalt  }
0x70: {  	_ =	shalt  }
0x71: {  	_ =	shalt  }
0x72: {  	_ =	shalt  }
0x73: {  	_ =	shalt  }
0x74: {  	_ =	shalt  }
0x75: {  	_ =	shalt  }
0x76: {  	_ =	shalt  }
0x77: {  	_ =	shalt  }
0x78: {  	_ =	shalt  }
0x79: {  	_ =	shalt  }
0x7a: {  	_ =	shalt  }
0x7b: {  	_ =	shalt  }
0x7c: {  	_ =	shalt  }
0x7d: {  	_ =	shalt  }
0x7e: {  	_ =	shalt  }
0x7f: {  	_ =	shalt  }
0x80: {  	_ =	shalt  }
0x81: {  	_ =	shalt  }
0x82: {  	_ =	shalt  }
0x83: {  	_ =	shalt  }
0x84: {  	_ =	shalt  }
0x85: {  	_ =	shalt  }
0x86: {  	_ =	shalt  }
0x87: {  	_ =	shalt  }
.Lfunc_end0:
.L_simem_size_0:
called_computation_lowered:
.L_overlay_start_0:
0x88: {  	s2 =	sld [smem:$0x3FD9]  }
0x89: {  	s3 =	sld [smem:$0x3FFE];
	_ =	sdelay $0x1  }
0x8a: {  	s1 =	srdreg.scid  }
0x8b: {  	s0 =	sand.u32 $0x1, s1  }
0x8c: {  	s17 =	sshll.u32 s0, $0xA;
	s2 =	sadd.s32 s3, s2  }
0x8d: {  	s2 =	sadd.s32 s2, s17  }
0x8e: {  	[smem:$0x3FC3] =	sst s2  }
0x8f: {  	_ = 	snop  }
0x90: {  	s2 =	sld [smem:$0x3FC9]  }
0x91: {  	s18 =	sld [smem:$0x3FD0];
	(tm) =	ssettm $0x1  }
0x92: {  	s4 =	sld [smem:$0x3FFB];
	_ =	sdelay $0x3  }
0x93: {  	_ =	strace s4  }
0x94: {  	s4 =	sld [smem:$0x3FFC];
	_ =	sdelay $0x3  }
0x95: {  	_ =	strace s4  }
0x96: {  	s4 =	sld [smem:$0x3FFD];
	_ =	sdelay $0x3  }
0x97: {  	_ =	strace s4  }
0x98: {  	_ =	strace $0x8FFFFFFF  }
0x99: {  	s19 =	sld [smem:$0x3FDB];
	_ =	sdelay $0x1  }
0x9a: {  	s5 =	simm.s32 $_scs_section_size  }
0x9b: {  	s6 =	simm.s32 $_size__tile_overlayer_lowered;
	s7 =	simm.s32 $_tile_overlayer_lowered  }
0x9c: {  	s22 =	simm.s32 $0x1BFF;
	s21 =	sshll.u32 s7, $0x1;
	s4 =	sadd.s32 s5, s19  }
0x9d: {  	s8 =	simm.s32 $0x0;
	s20 =	sshll.u32 s6, $0x1;
	s6 =	sadd.s32 s21, s4  }
0x9e: {  	[timem:s8], [sflag:s22] =	dma.local [hbm:s6], s20  }
0x9f: {  	_ =	swait.ge [sflag:s22], s20  }
0xa0: {  	s5 =	ssub.s32 $0x0, s20;
	[sflag:s22] =	ssyncset.done $0x0  }
0xa1: {  	[sflag:s22] =	ssyncadd.s32 s5;
	_ =	sdelay $0x1  }
0xa2: {  	s23 =	simm.s32 $0x1B8B  }
0xa3: {  	_ =	swait.ge [sflag:s23], $0x1  }
0xa4: {  	[sflag:s23] =	ssyncset.done $0x0  }
0xa5: {  	s25 =	simm.s32 $0x1B8E;
	s24 =	sld [smem:$0x3FFE];
	[sflag:s23] =	ssyncadd.s32 $0xFFFFFFFF  }
0xa6: {  	s26 =	simm.s32 $execute0_lowered;
	[smem:$0x3FD2] =	sst s25  }
0xa7: {  	s6 =	sshll.u32 s26, $0x1;
	_ =	strace $0x80000046;
	[dreg:$0x1] =	wrdreg $0xFFFFFFFF  }
0xa8: {  	s28 =	simm.s32 $_size_execute0_lowered;
	s4 =	sadd.s32 s4, s6;
	[dreg:$0x0] =	wrdreg $0x0  }
0xa9: {  	s6 =	sshll.u32 s28, $0x1;
	[dreg:$0x2] =	wrdreg s4  }
0xaa: {  	[dreg:$0x3] =	wrdreg s6  }
0xab: {  	[dreg:$0x4] =	wrdreg $0xC0  }
0xac: {  	_ =	task [dreg:s8], $0x5FFFF  }
0xad: {  	[dreg:$0x1] =	wrdreg $0xFFFFFFFF  }
0xae: {  	[dreg:$0x0] =	wrdreg $0x60  }
0xaf: {  	[dreg:$0x2] =	wrdreg s2  }
0xb0: {  	[dreg:$0x3] =	wrdreg s18  }
0xb1: {  	[dreg:$0x4] =	wrdreg s24  }
0xb2: {  	[dreg:$0x5] =	wrdreg $0x9  }
0xb3: {  	_ =	task.clear_ibuf [dreg:s8], $0x6FFFF;
	_ =	strace $0x90000046  }
0xb4: {  	s29 =	simm.s32 $0x9;
	_ =	strace $0x80000048  }
0xb5: {  	_ =	swait.ge [sflag:s29], $0x1  }
0xb6: {  	[sflag:s29] =	ssyncadd.s32 $0xFFFFFFFF  }
0xb7: {  	_ =	strace $0x90000048  }
0xb8: {  	_ =	sfence  }
0xb9: {  	s30 =	sld [smem:$0x0];
	_ =	sdelay $0x2  }
0xba: {  	s31 =	sshll.u32 s1, $0xD;
	s1 =	sshrl.u32 s1, $0x2  }
0xbb: {  	s3 =	sand.u32 $0x4000, s31;
	s1 =	sadd.s32 s1, s30  }
0xbc: {  	s0 =	sor.u32 s3, s0;
	s1 =	sshll.u32 s1, $0x11  }
0xbd: {  	s0 =	sor.u32 s1, s0  }
0xbe: {  	s0 =	sadd.s32 $0x8F2B, s0  }
0xbf: {  	[sflag:s0] =	ssyncadd.remote.s32 $0x1  }
0xc0: {  	_ =	sfence.sel $0xFFFF  }
0xc1: {  	[dreg:$0x0] =	wrdreg $0xFFFFFFFF;
	(pc) =	sbr.abs _section_cstart, $3  }
0xc2: {  	[dreg:$0x1] =	wrdreg $0xFFFFFFFF  }
0xc3: {  	_ =	task.clear_ibuf [dreg:s8], $0x2FFFF;
	_ =	strace $0x9FFFFFFF  }
0xc4: {  	(tm) =	ssettm $0x7FFFFFFF  }
0xc5: {  	_ =	shalt  }
tec
execute0_lowered:
.L_overlay_start_1:
0x0: {  	(tag) =	ssettag $0x1  }
0x1: {  	vm7 =	vcmask $0x300  }
0x2: {  	v0 =	vimm.s32 $0x1E07;
	vm4 =	vcmask $0x704;
	vm6 =	vcmask $0xB08  }
0x3: {  	vm5 =	vcmask $0xF0C;
	vm3 =	vcmask $0x1310;
	vm2 =	vcmask $0x1714  }
0x4: {  	vm1 =	vcmask $0x1B18;
	v1 =	vimm.s32 $0x5E07;
	v2 =	vimm.s32 $0x2007  }
0x5: {  	v3 =	vimm.s32 $0x6007;
	v4 =	vimm.s32 $0x2207;
	v5 =	vimm.s32 $0x6207  }
0x6: {  	v6 =	vimm.s32 $0x2407;
	v7 =	vimm.s32 $0x6407;
	v8 =	vimm.s32 $0x2607  }
0x7: {  	v9 =	vimm.s32 $0x6607;
	v10 =	vimm.s32 $0x2807;
	v11 =	vimm.s32 $0x6807  }
0x8: {  	v12 =	vimm.s32 $0x2A07;
	v13 =	vimm.s32 $0x6A07;
	v14 =	vimm.s32 $0x2C07  }
0x9: {  	v15 =	vimm.s32 $0x6C07;
	v16 =	vimm.s32 $0x2E07;
	v17 =	vimm.s32 $0x6E07  }
0xa: {  	v18 =	vimm.s32 $0x3007;
	v19 =	vimm.s32 $0x7007;
	v20 =	vimm.s32 $0x3207  }
0xb: {  	v21 =	vimm.s32 $0x7207;
	v22 =	vimm.s32 $0x3407;
	v23 =	vimm.s32 $0x7407  }
0xc: {  	v24 =	vimm.s32 $0x3607;
	v25 =	vimm.s32 $0x7607;
	v26 =	vimm.s32 $0x3807  }
0xd: {  	v27 =	vimm.s32 $0x7807;
	v28 =	vimm.s32 $0x3A07;
	v29 =	vimm.s32 $0x7A07  }
0xe: {  	v30 =	vimm.s32 $0x3C07;
	v31 =	vimm.s32 $0x7C07;
	v32 =	vimm.s32 $0x3E07  }
0xf: {  	v33 =	vimm.s32 $0x7E07;
	v34 =	vimm.s32 $0x1F1E1D;
	v35 =	vimm.s32 $0x32107654  }
0x10: {  	v36 =	vimm.s32 $0x1001F1E;
	v37 =	vimm.s32 $0x201001F;
	v61 =	vimm.s32 $0x1F1E1D1C  }
0x11: {  	v62 =	vimm.s32 $0x43218765;
	v63 =	vimm.s32 $0x54329876;
	v38 =	vimm.s32 $0x6543A987  }
0x12: {  	vm0 =	vcmask $0x2F10;
	v45 =	vimm.s32 $0xB0A0908;
	v46 =	vimm.s32 $0xC0B0A09  }
0x13: {  	v47 =	vimm.s32 $0xD0C0B0A;
	v48 =	vimm.s32 $0xE0D0C0B;
	v51 =	vimm.s32 $0x207  }
0x14: {  	v52 =	vimm.s32 $0x4207;
	v53 =	vimm.s32 $0x407;
	v54 =	vimm.s32 $0x3020100  }
0x15: {  	v55 =	vimm.s32 $0x17161514;
	v56 =	vimm.s32 $0x1B1A1918;
	v58 =	vimm.s32 $0x4407  }
0x16: {  	v59 =	vimm.s32 $0x607;
	v60 =	vimm.s32 $0x4607;
	vm14 =	vcmask $0x1F1C  }
0x17: {  	vm15 =	vcmask $0x2320;
	v0 =	vsel vm7, $0x0, v0;
	v1 =	vsel vm7, $0x4000, v1  }
0x18: {  	v2 =	vsel vm7, $0x200, v2;
	v3 =	vsel vm7, $0x4200, v3;
	v4 =	vsel vm7, $0x400, v4  }
0x19: {  	v5 =	vsel vm7, $0x4400, v5;
	v6 =	vsel vm7, $0x600, v6;
	v7 =	vsel vm7, $0x4600, v7  }
0x1a: {  	v8 =	vsel vm7, $0x800, v8;
	v9 =	vsel vm7, $0x4800, v9;
	v10 =	vsel vm7, $0xA00, v10  }
0x1b: {  	v11 =	vsel vm7, $0x4A00, v11;
	v12 =	vsel vm7, $0xC00, v12;
	v13 =	vsel vm7, $0x4C00, v13  }
0x1c: {  	v14 =	vsel vm7, $0xE00, v14;
	v15 =	vsel vm7, $0x4E00, v15;
	v16 =	vsel vm7, $0x1000, v16  }
0x1d: {  	v17 =	vsel vm7, $0x5000, v17;
	v18 =	vsel vm7, $0x1200, v18;
	v19 =	vsel vm7, $0x5200, v19  }
0x1e: {  	v20 =	vsel vm7, $0x1400, v20;
	v21 =	vsel vm7, $0x5400, v21;
	v22 =	vsel vm7, $0x1600, v22  }
0x1f: {  	v23 =	vsel vm7, $0x5600, v23;
	v24 =	vsel vm7, $0x1800, v24;
	v25 =	vsel vm7, $0x5800, v25  }
0x20: {  	v26 =	vsel vm7, $0x1A00, v26;
	v27 =	vsel vm7, $0x5A00, v27;
	v28 =	vsel vm7, $0x1C00, v28  }
0x21: {  	v29 =	vsel vm7, $0x5C00, v29;
	v30 =	vsel vm7, $0x1E00, v30;
	v31 =	vsel vm7, $0x5E00, v31  }
0x22: {  	v32 =	vsel vm7, $0x2000, v32;
	v33 =	vsel vm7, $0x6000, v33;
	v35 =	vunpack.c.l.s4.s8 v35  }
0x23: {  	v39 =	vunpack.c.0.s8.s32 v34;
	v41 =	vunpack.c.0.s8.s32 v36;
	v40 =	vunpack.c.0.s8.s32 v37  }
0x24: {  	v36 =	vunpack.c.l.s4.s8 v62;
	v44 =	vunpack.c.0.s8.s32 v61;
	v42 =	vunpack.c.l.s4.s8 v63  }
0x25: {  	v43 =	vunpack.c.l.s4.s8 v38;
	v38 =	vunpack.c.0.s8.s32 v45;
	v57 =	vunpack.c.0.s8.s32 v56  }
0x26: {  	v61 =	vimm.s32 $0x807;
	v62 =	vimm.s32 $0x4807;
	v63 =	vimm.s32 $0xA07  }
0x27: {  	v45 =	vimm.s32 $0x4A07;
	v56 =	vimm.s32 $0x1607;
	v0 =	vsel vm4, $0x201, v0  }
0x28: {  	v45 =	vsel vm7, $0x6C00, v45;
	v56 =	vsel vm7, $0x3800, v56;
	v1 =	vsel vm4, $0x4201, v1  }
0x29: {  	v2 =	vsel vm4, $0x401, v2;
	v3 =	vsel vm4, $0x4401, v3;
	v4 =	vsel vm4, $0x601, v4  }
0x2a: {  	v5 =	vsel vm4, $0x4601, v5;
	v6 =	vsel vm4, $0x801, v6;
	v7 =	vsel vm4, $0x4801, v7  }
0x2b: {  	v8 =	vsel vm4, $0xA01, v8;
	v9 =	vsel vm4, $0x4A01, v9;
	v10 =	vsel vm4, $0xC01, v10  }
0x2c: {  	v11 =	vsel vm4, $0x4C01, v11;
	v12 =	vsel vm4, $0xE01, v12;
	v13 =	vsel vm4, $0x4E01, v13  }
0x2d: {  	v14 =	vsel vm4, $0x1001, v14;
	v15 =	vsel vm4, $0x5001, v15;
	v16 =	vsel vm4, $0x1201, v16  }
0x2e: {  	v17 =	vsel vm4, $0x5201, v17;
	v18 =	vsel vm4, $0x1401, v18;
	v19 =	vsel vm4, $0x5401, v19  }
0x2f: {  	v20 =	vsel vm4, $0x1601, v20;
	v21 =	vsel vm4, $0x5601, v21;
	v22 =	vsel vm4, $0x1801, v22  }
0x30: {  	v23 =	vsel vm4, $0x5801, v23;
	v24 =	vsel vm4, $0x1A01, v24;
	v25 =	vsel vm4, $0x5A01, v25  }
0x31: {  	v26 =	vsel vm4, $0x1C01, v26;
	v27 =	vsel vm4, $0x5C01, v27;
	v28 =	vsel vm4, $0x1E01, v28  }
0x32: {  	v29 =	vsel vm4, $0x5E01, v29;
	v30 =	vsel vm4, $0x2001, v30;
	v31 =	vsel vm4, $0x6001, v31  }
0x33: {  	v32 =	vsel vm4, $0x2201, v32;
	v33 =	vsel vm4, $0x6201, v33;
	v0 =	vsel vm6, $0x402, v0  }
0x34: {  	v35 =	vunpack.c.0.s8.s32 v35;
	v36 =	vunpack.c.0.s8.s32 v36;
	v34 =	vunpack.c.0.s8.s32 v42  }
0x35: {  	v37 =	vunpack.c.0.s8.s32 v43;
	v42 =	vimm.s32 $0x7;
	v43 =	vimm.s32 $0x4007  }
0x36: {  	v45 =	vsel vm4, $0x6E01, v45;
	v56 =	vsel vm4, $0x3A01, v56;
	v1 =	vsel vm6, $0x4402, v1  }
0x37: {  	v2 =	vsel vm6, $0x602, v2;
	v3 =	vsel vm6, $0x4602, v3;
	v4 =	vsel vm6, $0x802, v4  }
0x38: {  	v5 =	vsel vm6, $0x4802, v5;
	v6 =	vsel vm6, $0xA02, v6;
	v7 =	vsel vm6, $0x4A02, v7  }
0x39: {  	v8 =	vsel vm6, $0xC02, v8;
	v9 =	vsel vm6, $0x4C02, v9;
	v10 =	vsel vm6, $0xE02, v10  }
0x3a: {  	v11 =	vsel vm6, $0x4E02, v11;
	v12 =	vsel vm6, $0x1002, v12;
	v13 =	vsel vm6, $0x5002, v13  }
0x3b: {  	v14 =	vsel vm6, $0x1202, v14;
	v15 =	vsel vm6, $0x5202, v15;
	v16 =	vsel vm6, $0x1402, v16  }
0x3c: {  	v17 =	vsel vm6, $0x5402, v17;
	v18 =	vsel vm6, $0x1602, v18;
	v19 =	vsel vm6, $0x5602, v19  }
0x3d: {  	v20 =	vsel vm6, $0x1802, v20;
	v21 =	vsel vm6, $0x5802, v21;
	v22 =	vsel vm6, $0x1A02, v22  }
0x3e: {  	v23 =	vsel vm6, $0x5A02, v23;
	v24 =	vsel vm6, $0x1C02, v24;
	v25 =	vsel vm6, $0x5C02, v25  }
0x3f: {  	v26 =	vsel vm6, $0x1E02, v26;
	v27 =	vsel vm6, $0x5E02, v27;
	v28 =	vsel vm6, $0x2002, v28  }
0x40: {  	v29 =	vsel vm6, $0x6002, v29;
	v30 =	vsel vm6, $0x2202, v30;
	v31 =	vsel vm6, $0x6202, v31  }
0x41: {  	v32 =	vsel vm6, $0x2402, v32;
	v33 =	vsel vm6, $0x6402, v33;
	v0 =	vsel vm5, $0x603, v0  }
0x42: {  	v45 =	vsel vm6, $0x7002, v45;
	v56 =	vsel vm6, $0x3C02, v56;
	v1 =	vsel vm5, $0x4603, v1  }
0x43: {  	v2 =	vsel vm5, $0x803, v2;
	v3 =	vsel vm5, $0x4803, v3;
	v4 =	vsel vm5, $0xA03, v4  }
0x44: {  	v5 =	vsel vm5, $0x4A03, v5;
	v6 =	vsel vm5, $0xC03, v6;
	v7 =	vsel vm5, $0x4C03, v7  }
0x45: {  	v8 =	vsel vm5, $0xE03, v8;
	v9 =	vsel vm5, $0x4E03, v9;
	v10 =	vsel vm5, $0x1003, v10  }
0x46: {  	v11 =	vsel vm5, $0x5003, v11;
	v12 =	vsel vm5, $0x1203, v12;
	v13 =	vsel vm5, $0x5203, v13  }
0x47: {  	v14 =	vsel vm5, $0x1403, v14;
	v15 =	vsel vm5, $0x5403, v15;
	v16 =	vsel vm5, $0x1603, v16  }
0x48: {  	v17 =	vsel vm5, $0x5603, v17;
	v18 =	vsel vm5, $0x1803, v18;
	v19 =	vsel vm5, $0x5803, v19  }
0x49: {  	v20 =	vsel vm5, $0x1A03, v20;
	v21 =	vsel vm5, $0x5A03, v21;
	v22 =	vsel vm5, $0x1C03, v22  }
0x4a: {  	v23 =	vsel vm5, $0x5C03, v23;
	v24 =	vsel vm5, $0x1E03, v24;
	v25 =	vsel vm5, $0x5E03, v25  }
0x4b: {  	v26 =	vsel vm5, $0x2003, v26;
	v27 =	vsel vm5, $0x6003, v27;
	v28 =	vsel vm5, $0x2203, v28  }
0x4c: {  	v29 =	vsel vm5, $0x6203, v29;
	v30 =	vsel vm5, $0x2403, v30;
	v31 =	vsel vm5, $0x6403, v31  }
0x4d: {  	v32 =	vsel vm5, $0x2603, v32;
	v33 =	vsel vm5, $0x6603, v33;
	v0 =	vsel vm3, $0x804, v0  }
0x4e: {  	v35 =	vand.u32 $0xF, v35;
	v36 =	vand.u32 $0xF, v36;
	v34 =	vand.u32 $0xF, v34  }
0x4f: {  	v37 =	vand.u32 $0xF, v37;
	v45 =	vsel vm5, $0x7203, v45;
	v56 =	vsel vm5, $0x3E03, v56  }
0x50: {  	v1 =	vsel vm3, $0x4804, v1;
	v2 =	vsel vm3, $0xA04, v2;
	v3 =	vsel vm3, $0x4A04, v3  }
0x51: {  	v4 =	vsel vm3, $0xC04, v4;
	v5 =	vsel vm3, $0x4C04, v5;
	v6 =	vsel vm3, $0xE04, v6  }
0x52: {  	v7 =	vsel vm3, $0x4E04, v7;
	v8 =	vsel vm3, $0x1004, v8;
	v9 =	vsel vm3, $0x5004, v9  }
0x53: {  	v10 =	vsel vm3, $0x1204, v10;
	v11 =	vsel vm3, $0x5204, v11;
	v12 =	vsel vm3, $0x1404, v12  }
0x54: {  	v13 =	vsel vm3, $0x5404, v13;
	v14 =	vsel vm3, $0x1604, v14;
	v15 =	vsel vm3, $0x5604, v15  }
0x55: {  	v16 =	vsel vm3, $0x1804, v16;
	v17 =	vsel vm3, $0x5804, v17;
	v18 =	vsel vm3, $0x1A04, v18  }
0x56: {  	v19 =	vsel vm3, $0x5A04, v19;
	v20 =	vsel vm3, $0x1C04, v20;
	v21 =	vsel vm3, $0x5C04, v21  }
0x57: {  	v22 =	vsel vm3, $0x1E04, v22;
	v23 =	vsel vm3, $0x5E04, v23;
	v24 =	vsel vm3, $0x2004, v24  }
0x58: {  	v25 =	vsel vm3, $0x6004, v25;
	v26 =	vsel vm3, $0x2204, v26;
	v27 =	vsel vm3, $0x6204, v27  }
0x59: {  	v28 =	vsel vm3, $0x2404, v28;
	v29 =	vsel vm3, $0x6404, v29;
	v30 =	vsel vm3, $0x2604, v30  }
0x5a: {  	v31 =	vsel vm3, $0x6604, v31;
	v32 =	vsel vm3, $0x2804, v32;
	v33 =	vsel vm3, $0x6804, v33  }
0x5b: {  	[tilespmem:$0x1F950] =	vst v39;
	v0 =	vsel vm2, $0xA05, v0;
	v35 =	vsel vm0, v35, v44;
	v36 =	vsel vm0, v36, v39  }
0x5c: {  	[tilespmem:$0x1FE20] =	vst v41;
	v34 =	vsel vm0, v34, v41;
	v37 =	vsel vm0, v37, v40;
	vm0 =	vcmask $0x3F30  }
0x5d: {  	[tilespmem:$0x1FE40] =	vst v40;
	v39 =	vunpack.c.0.s8.s32 v46;
	v40 =	vunpack.c.0.s8.s32 v47;
	v41 =	vunpack.c.0.s8.s32 v48  }
0x5e: {  	v46 =	vimm.s32 $0xC07;
	v47 =	vimm.s32 $0x4C07;
	v48 =	vimm.s32 $0xE07  }
0x5f: {  	v45 =	vsel vm3, $0x7404, v45;
	v56 =	vsel vm3, $0x4, v56;
	v1 =	vsel vm2, $0x4A05, v1  }
0x60: {  	v2 =	vsel vm2, $0xC05, v2;
	v3 =	vsel vm2, $0x4C05, v3;
	v4 =	vsel vm2, $0xE05, v4  }
0x61: {  	v5 =	vsel vm2, $0x4E05, v5;
	v6 =	vsel vm2, $0x1005, v6;
	v7 =	vsel vm2, $0x5005, v7  }
0x62: {  	v8 =	vsel vm2, $0x1205, v8;
	v9 =	vsel vm2, $0x5205, v9;
	v10 =	vsel vm2, $0x1405, v10  }
0x63: {  	v11 =	vsel vm2, $0x5405, v11;
	v12 =	vsel vm2, $0x1605, v12;
	v13 =	vsel vm2, $0x5605, v13  }
0x64: {  	v14 =	vsel vm2, $0x1805, v14;
	v15 =	vsel vm2, $0x5805, v15;
	v16 =	vsel vm2, $0x1A05, v16  }
0x65: {  	v17 =	vsel vm2, $0x5A05, v17;
	v18 =	vsel vm2, $0x1C05, v18;
	v19 =	vsel vm2, $0x5C05, v19  }
0x66: {  	v20 =	vsel vm2, $0x1E05, v20;
	v21 =	vsel vm2, $0x5E05, v21;
	v22 =	vsel vm2, $0x2005, v22  }
0x67: {  	v23 =	vsel vm2, $0x6005, v23;
	v24 =	vsel vm2, $0x2205, v24;
	v25 =	vsel vm2, $0x6205, v25  }
0x68: {  	v26 =	vsel vm2, $0x2405, v26;
	v27 =	vsel vm2, $0x6405, v27;
	v28 =	vsel vm2, $0x2605, v28  }
0x69: {  	v29 =	vsel vm2, $0x6605, v29;
	v30 =	vsel vm2, $0x2805, v30;
	v31 =	vsel vm2, $0x6805, v31  }
0x6a: {  	v32 =	vsel vm2, $0x2A05, v32;
	v33 =	vsel vm2, $0x6A05, v33;
	v35 =	vsel vm0, v38, v35  }
0x6b: {  	v38 =	vsel vm7, $0x2600, v53;
	v46 =	vsel vm7, $0x2E00, v46;
	v47 =	vsel vm7, $0x6E00, v47  }
0x6c: {  	v48 =	vsel vm7, $0x3000, v48;
	v53 =	vimm.s32 $0x5207;
	v0 =	vsel vm1, $0xC06, v0  }
0x6d: {  	v45 =	vsel vm2, $0x7605, v45;
	v56 =	vsel vm2, $0x205, v56;
	v1 =	vsel vm1, $0x4C06, v1  }
0x6e: {  	v2 =	vsel vm1, $0xE06, v2;
	v3 =	vsel vm1, $0x4E06, v3;
	v4 =	vsel vm1, $0x1006, v4  }
0x6f: {  	v5 =	vsel vm1, $0x5006, v5;
	v6 =	vsel vm1, $0x1206, v6;
	v7 =	vsel vm1, $0x5206, v7  }
0x70: {  	v8 =	vsel vm1, $0x1406, v8;
	v9 =	vsel vm1, $0x5406, v9;
	v10 =	vsel vm1, $0x1606, v10  }
0x71: {  	v11 =	vsel vm1, $0x5606, v11;
	v12 =	vsel vm1, $0x1806, v12;
	v13 =	vsel vm1, $0x5806, v13  }
0x72: {  	v14 =	vsel vm1, $0x1A06, v14;
	v15 =	vsel vm1, $0x5A06, v15;
	v16 =	vsel vm1, $0x1C06, v16  }
0x73: {  	v17 =	vsel vm1, $0x5C06, v17;
	v18 =	vsel vm1, $0x1E06, v18;
	v19 =	vsel vm1, $0x5E06, v19  }
0x74: {  	v20 =	vsel vm1, $0x2006, v20;
	v21 =	vsel vm1, $0x6006, v21;
	v22 =	vsel vm1, $0x2206, v22  }
0x75: {  	v23 =	vsel vm1, $0x6206, v23;
	v24 =	vsel vm1, $0x2406, v24;
	v25 =	vsel vm1, $0x6406, v25  }
0x76: {  	v26 =	vsel vm1, $0x2606, v26;
	v27 =	vsel vm1, $0x6606, v27;
	v28 =	vsel vm1, $0x2806, v28  }
0x77: {  	v29 =	vsel vm1, $0x6806, v29;
	v30 =	vsel vm1, $0x2A06, v30;
	v31 =	vsel vm1, $0x6A06, v31  }
0x78: {  	v32 =	vsel vm1, $0x2C06, v32;
	v33 =	vsel vm1, $0x6C06, v33;
	v49 =	vsel vm0, v39, v36  }
0x79: {  	v34 =	vsel vm0, v40, v34;
	v50 =	vsel vm0, v41, v37;
	vm0 =	vcmask $0x1F10  }
0x7a: {  	[tilespmem:$0x1F8E0] =	vst v35;
	v35 =	vsel vm7, $0x6200, v43;
	v39 =	vunpack.c.0.s8.s32 v54;
	v40 =	vunpack.c.0.s8.s32 v55  }
0x7b: {  	v36 =	vsel vm7, $0x2400, v51;
	v37 =	vsel vm7, $0x6400, v52;
	v41 =	vsel vm7, $0x6600, v58  }
0x7c: {  	v43 =	vsel vm7, $0x6A00, v62;
	v51 =	vimm.s32 $0x5007;
	v52 =	vimm.s32 $0x1207  }
0x7d: {  	v54 =	vimm.s32 $0x1407;
	v53 =	vsel vm7, $0x7400, v53;
	v55 =	vimm.s32 $0x5407  }
0x7e: {  	v58 =	vimm.s32 $0x1807;
	v62 =	vimm.s32 $0x1C07;
	v38 =	vsel vm4, $0x2801, v38  }
0x7f: {  	v46 =	vsel vm4, $0x3001, v46;
	v47 =	vsel vm4, $0x7001, v47;
	v48 =	vsel vm4, $0x3201, v48  }
0x80: {  	v0 =	vsel vm14, $0xE07, v0;
	v45 =	vsel vm1, $0x7806, v45;
	v56 =	vsel vm1, $0x406, v56  }
0x81: {  	v1 =	vsel vm14, $0x4E07, v1;
	v2 =	vsel vm14, $0x1007, v2;
	v3 =	vsel vm14, $0x5007, v3  }
0x82: {  	v4 =	vsel vm14, $0x1207, v4;
	v5 =	vsel vm14, $0x5207, v5;
	v6 =	vsel vm14, $0x1407, v6  }
0x83: {  	v7 =	vsel vm14, $0x5407, v7;
	v8 =	vsel vm14, $0x1607, v8;
	v9 =	vsel vm14, $0x5607, v9  }
0x84: {  	v10 =	vsel vm14, $0x1807, v10;
	v11 =	vsel vm14, $0x5807, v11;
	v12 =	vsel vm14, $0x1A07, v12  }
0x85: {  	v13 =	vsel vm14, $0x5A07, v13;
	v14 =	vsel vm14, $0x1C07, v14;
	v15 =	vsel vm14, $0x5C07, v15  }
0x86: {  	v16 =	vsel vm14, $0x1E07, v16;
	v17 =	vsel vm14, $0x5E07, v17;
	v18 =	vsel vm14, $0x2007, v18  }
0x87: {  	v19 =	vsel vm14, $0x6007, v19;
	v20 =	vsel vm14, $0x2207, v20;
	v21 =	vsel vm14, $0x6207, v21  }
0x88: {  	v22 =	vsel vm14, $0x2407, v22;
	v23 =	vsel vm14, $0x6407, v23;
	v24 =	vsel vm14, $0x2607, v24  }
0x89: {  	v25 =	vsel vm14, $0x6607, v25;
	v26 =	vsel vm14, $0x2807, v26;
	v27 =	vsel vm14, $0x6807, v27  }
0x8a: {  	v28 =	vsel vm14, $0x2A07, v28;
	v29 =	vsel vm14, $0x6A07, v29;
	v30 =	vsel vm14, $0x2C07, v30  }
0x8b: {  	v31 =	vsel vm14, $0x6C07, v31;
	v32 =	vsel vm14, $0x2E07, v32;
	v33 =	vsel vm14, $0x6E07, v33;
	[tilespmem:$0x1F8F0] =	vst v49  }
0x8c: {  	[tilespmem:$0x1F900] =	vst v34;
	v34 =	vsel vm7, $0x2200, v42;
	v42 =	vsel vm7, $0x2A00, v61;
	v49 =	vimm.s32 $0x4E07  }
0x8d: {  	[tilespmem:$0x1F910] =	vst v50;
	v50 =	vimm.s32 $0x1007;
	v51 =	vsel vm7, $0x7200, v51;
	v52 =	vsel vm7, $0x3400, v52  }
0x8e: {  	v54 =	vsel vm7, $0x3600, v54;
	v55 =	vsel vm7, $0x7600, v55;
	v58 =	vsel vm7, $0x3A00, v58  }
0x8f: {  	v61 =	vimm.s32 $0x5A07;
	v62 =	vsel vm7, $0x3E00, v62;
	v35 =	vsel vm4, $0x6401, v35  }
0x90: {  	v36 =	vsel vm4, $0x2601, v36;
	v37 =	vsel vm4, $0x6601, v37;
	v41 =	vsel vm4, $0x6801, v41  }
0x91: {  	v43 =	vsel vm4, $0x6C01, v43;
	v53 =	vsel vm4, $0x7601, v53;
	v38 =	vsel vm6, $0x2A02, v38  }
0x92: {  	v46 =	vsel vm6, $0x3202, v46;
	v47 =	vsel vm6, $0x7202, v47;
	v48 =	vsel vm6, $0x3402, v48  }
0x93: {  	v0 =	vsel vm15, $0x1000, v0;
	v45 =	vsel vm14, $0x7A07, v45;
	v56 =	vsel vm14, $0x607, v56  }
0x94: {  	v1 =	vsel vm15, $0x5000, v1;
	v2 =	vsel vm15, $0x1200, v2;
	v3 =	vsel vm15, $0x5200, v3  }
0x95: {  	v4 =	vsel vm15, $0x1400, v4;
	v5 =	vsel vm15, $0x5400, v5;
	v6 =	vsel vm15, $0x1600, v6  }
0x96: {  	v7 =	vsel vm15, $0x5600, v7;
	v8 =	vsel vm15, $0x1800, v8;
	v9 =	vsel vm15, $0x5800, v9  }
0x97: {  	v10 =	vsel vm15, $0x1A00, v10;
	v11 =	vsel vm15, $0x5A00, v11;
	v12 =	vsel vm15, $0x1C00, v12  }
0x98: {  	v13 =	vsel vm15, $0x5C00, v13;
	v14 =	vsel vm15, $0x1E00, v14;
	v15 =	vsel vm15, $0x5E00, v15  }
0x99: {  	v16 =	vsel vm15, $0x2000, v16;
	v17 =	vsel vm15, $0x6000, v17;
	v18 =	vsel vm15, $0x2200, v18  }
0x9a: {  	v19 =	vsel vm15, $0x6200, v19;
	v20 =	vsel vm15, $0x2400, v20;
	v21 =	vsel vm15, $0x6400, v21  }
0x9b: {  	v22 =	vsel vm15, $0x2600, v22;
	v23 =	vsel vm15, $0x6600, v23;
	v24 =	vsel vm15, $0x2800, v24  }
0x9c: {  	v25 =	vsel vm15, $0x6800, v25;
	v26 =	vsel vm15, $0x2A00, v26;
	v27 =	vsel vm15, $0x6A00, v27  }
0x9d: {  	v28 =	vsel vm15, $0x2C00, v28;
	v29 =	vsel vm15, $0x6C00, v29;
	v30 =	vsel vm15, $0x2E00, v30  }
0x9e: {  	v31 =	vsel vm15, $0x6E00, v31;
	v32 =	vsel vm15, $0x3000, v32;
	v33 =	vsel vm15, $0x7000, v33  }
0x9f: {  	[tilespmem:$0x1F920] =	vst v44;
	v39 =	vsel vm0, v39, v44;
	v40 =	vsel vm0, v57, v40;
	v44 =	vsel vm7, $0x2C00, v63  }
0xa0: {  	[tilespmem:$0x1F930] =	vst v57;
	v49 =	vsel vm7, $0x7000, v49;
	v50 =	vsel vm7, $0x3200, v50;
	v57 =	vimm.s32 $0x5607  }
0xa1: {  	v61 =	vsel vm7, $0x7C00, v61;
	v63 =	vimm.s32 $0x5C07;
	v34 =	vsel vm4, $0x2401, v34  }
0xa2: {  	v42 =	vsel vm4, $0x2C01, v42;
	v51 =	vsel vm4, $0x7401, v51;
	v52 =	vsel vm4, $0x3601, v52  }
0xa3: {  	v54 =	vsel vm4, $0x3801, v54;
	v55 =	vsel vm4, $0x7801, v55;
	v58 =	vsel vm4, $0x3C01, v58  }
0xa4: {  	v62 =	vsel vm4, $0x1, v62;
	v35 =	vsel vm6, $0x6602, v35;
	v36 =	vsel vm6, $0x2802, v36  }
0xa5: {  	v37 =	vsel vm6, $0x6802, v37;
	v41 =	vsel vm6, $0x6A02, v41;
	v43 =	vsel vm6, $0x6E02, v43  }
0xa6: {  	v53 =	vsel vm6, $0x7802, v53;
	v38 =	vsel vm5, $0x2C03, v38;
	v46 =	vsel vm5, $0x3403, v46  }
0xa7: {  	v47 =	vsel vm5, $0x7403, v47;
	v48 =	vsel vm5, $0x3603, v48;
	v45 =	vsel vm15, $0x7C00, v45  }
0xa8: {  	v56 =	vsel vm15, $0x800, v56;
	v39 =	vcombine.low v40, v39;
	v40 =	vsel vm7, $0x6800, v60  }
0xa9: {  	v57 =	vsel vm7, $0x7800, v57;
	v60 =	vimm.s32 $0x1A07;
	v63 =	vsel vm7, $0x7E00, v63  }
0xaa: {  	v44 =	vsel vm4, $0x2E01, v44;
	v49 =	vsel vm4, $0x7201, v49;
	v50 =	vsel vm4, $0x3401, v50  }
0xab: {  	v61 =	vsel vm4, $0x7E01, v61;
	v34 =	vsel vm6, $0x2602, v34;
	v42 =	vsel vm6, $0x2E02, v42  }
0xac: {  	v51 =	vsel vm6, $0x7602, v51;
	v52 =	vsel vm6, $0x3802, v52;
	v54 =	vsel vm6, $0x3A02, v54  }
0xad: {  	v55 =	vsel vm6, $0x7A02, v55;
	v58 =	vsel vm6, $0x3E02, v58;
	v62 =	vsel vm6, $0x202, v62  }
0xae: {  	v35 =	vsel vm5, $0x6803, v35;
	v36 =	vsel vm5, $0x2A03, v36;
	v37 =	vsel vm5, $0x6A03, v37  }
0xaf: {  	v41 =	vsel vm5, $0x6C03, v41;
	v43 =	vsel vm5, $0x7003, v43;
	v53 =	vsel vm5, $0x7A03, v53  }
0xb0: {  	v38 =	vsel vm3, $0x2E04, v38;
	v46 =	vsel vm3, $0x3604, v46;
	v47 =	vsel vm3, $0x7604, v47  }
0xb1: {  	v48 =	vsel vm3, $0x3804, v48;
	v60 =	vsel vm7, $0x3C00, v60;
	v40 =	vsel vm4, $0x6A01, v40  }
0xb2: {  	v57 =	vsel vm4, $0x7A01, v57;
	v63 =	vsel vm4, $0x4001, v63;
	v44 =	vsel vm6, $0x3002, v44  }
0xb3: {  	v49 =	vsel vm6, $0x7402, v49;
	v50 =	vsel vm6, $0x3602, v50;
	v61 =	vsel vm6, $0x4002, v61  }
0xb4: {  	v34 =	vsel vm5, $0x2803, v34;
	v42 =	vsel vm5, $0x3003, v42;
	v51 =	vsel vm5, $0x7803, v51  }
0xb5: {  	v52 =	vsel vm5, $0x3A03, v52;
	v54 =	vsel vm5, $0x3C03, v54;
	v55 =	vsel vm5, $0x7C03, v55  }
0xb6: {  	v58 =	vsel vm5, $0x3, v58;
	v62 =	vsel vm5, $0x403, v62;
	v35 =	vsel vm3, $0x6A04, v35  }
0xb7: {  	v36 =	vsel vm3, $0x2C04, v36;
	v37 =	vsel vm3, $0x6C04, v37;
	v41 =	vsel vm3, $0x6E04, v41  }
0xb8: {  	v43 =	vsel vm3, $0x7204, v43;
	v53 =	vsel vm3, $0x7C04, v53;
	v38 =	vsel vm2, $0x3005, v38  }
0xb9: {  	v46 =	vsel vm2, $0x3805, v46;
	v47 =	vsel vm2, $0x7805, v47;
	v48 =	vsel vm2, $0x3A05, v48  }
0xba: {  	[tilespmem:$0x1F960] =	vst v39;
	v39 =	vsel vm7, $0x2800, v59;
	v59 =	vimm.s32 $0x5807;
	v60 =	vsel vm4, $0x3E01, v60  }
0xbb: {  	v40 =	vsel vm6, $0x6C02, v40;
	v57 =	vsel vm6, $0x7C02, v57;
	v63 =	vsel vm6, $0x4202, v63  }
0xbc: {  	v44 =	vsel vm5, $0x3203, v44;
	v49 =	vsel vm5, $0x7603, v49;
	v50 =	vsel vm5, $0x3803, v50  }
0xbd: {  	v61 =	vsel vm5, $0x4203, v61;
	v34 =	vsel vm3, $0x2A04, v34;
	v42 =	vsel vm3, $0x3204, v42  }
0xbe: {  	v51 =	vsel vm3, $0x7A04, v51;
	v52 =	vsel vm3, $0x3C04, v52;
	v54 =	vsel vm3, $0x3E04, v54  }
0xbf: {  	v55 =	vsel vm3, $0x7E04, v55;
	v58 =	vsel vm3, $0x204, v58;
	v62 =	vsel vm3, $0x604, v62  }
0xc0: {  	v35 =	vsel vm2, $0x6C05, v35;
	v36 =	vsel vm2, $0x2E05, v36;
	v37 =	vsel vm2, $0x6E05, v37  }
0xc1: {  	v41 =	vsel vm2, $0x7005, v41;
	v43 =	vsel vm2, $0x7405, v43;
	v53 =	vsel vm2, $0x7E05, v53  }
0xc2: {  	v38 =	vsel vm1, $0x3206, v38;
	v46 =	vsel vm1, $0x3A06, v46;
	v47 =	vsel vm1, $0x7A06, v47  }
0xc3: {  	v48 =	vsel vm1, $0x3C06, v48;
	v59 =	vsel vm7, $0x7A00, v59;
	v39 =	vsel vm4, $0x2A01, v39  }
0xc4: {  	v60 =	vsel vm6, $0x2, v60;
	v40 =	vsel vm5, $0x6E03, v40;
	v57 =	vsel vm5, $0x7E03, v57  }
0xc5: {  	v63 =	vsel vm5, $0x4403, v63;
	v44 =	vsel vm3, $0x3404, v44;
	v49 =	vsel vm3, $0x7804, v49  }
0xc6: {  	v50 =	vsel vm3, $0x3A04, v50;
	v61 =	vsel vm3, $0x4404, v61;
	v34 =	vsel vm2, $0x2C05, v34  }
0xc7: {  	v42 =	vsel vm2, $0x3405, v42;
	v51 =	vsel vm2, $0x7C05, v51;
	v52 =	vsel vm2, $0x3E05, v52  }
0xc8: {  	v54 =	vsel vm2, $0x5, v54;
	v55 =	vsel vm2, $0x4005, v55;
	v58 =	vsel vm2, $0x405, v58  }
0xc9: {  	v62 =	vsel vm2, $0x805, v62;
	v35 =	vsel vm1, $0x6E06, v35;
	v36 =	vsel vm1, $0x3006, v36  }
0xca: {  	v37 =	vsel vm1, $0x7006, v37;
	v41 =	vsel vm1, $0x7206, v41;
	v43 =	vsel vm1, $0x7606, v43  }
0xcb: {  	v53 =	vsel vm1, $0x4006, v53;
	v38 =	vsel vm14, $0x3407, v38;
	v46 =	vsel vm14, $0x3C07, v46  }
0xcc: {  	v47 =	vsel vm14, $0x7C07, v47;
	v48 =	vsel vm14, $0x3E07, v48;
	v59 =	vsel vm4, $0x7C01, v59  }
0xcd: {  	v39 =	vsel vm6, $0x2C02, v39;
	v60 =	vsel vm5, $0x203, v60;
	v40 =	vsel vm3, $0x7004, v40  }
0xce: {  	v57 =	vsel vm3, $0x4004, v57;
	v63 =	vsel vm3, $0x4604, v63;
	v44 =	vsel vm2, $0x3605, v44  }
0xcf: {  	v49 =	vsel vm2, $0x7A05, v49;
	v50 =	vsel vm2, $0x3C05, v50;
	v61 =	vsel vm2, $0x4605, v61  }
0xd0: {  	v34 =	vsel vm1, $0x2E06, v34;
	v42 =	vsel vm1, $0x3606, v42;
	v51 =	vsel vm1, $0x7E06, v51  }
0xd1: {  	v52 =	vsel vm1, $0x6, v52;
	v54 =	vsel vm1, $0x206, v54;
	v55 =	vsel vm1, $0x4206, v55  }
0xd2: {  	v58 =	vsel vm1, $0x606, v58;
	v62 =	vsel vm1, $0xA06, v62;
	v35 =	vsel vm14, $0x7007, v35  }
0xd3: {  	v36 =	vsel vm14, $0x3207, v36;
	v37 =	vsel vm14, $0x7207, v37;
	v41 =	vsel vm14, $0x7407, v41  }
0xd4: {  	v43 =	vsel vm14, $0x7807, v43;
	v53 =	vsel vm14, $0x4207, v53;
	v38 =	vsel vm15, $0x3600, v38  }
0xd5: {  	v46 =	vsel vm15, $0x3E00, v46;
	v47 =	vsel vm15, $0x7E00, v47;
	v48 =	vsel vm15, $0x0, v48  }
0xd6: {  	v59 =	vsel vm6, $0x7E02, v59;
	v39 =	vsel vm5, $0x2E03, v39;
	v60 =	vsel vm3, $0x404, v60  }
0xd7: {  	v40 =	vsel vm2, $0x7205, v40;
	v57 =	vsel vm2, $0x4205, v57;
	v63 =	vsel vm2, $0x4805, v63  }
0xd8: {  	v44 =	vsel vm1, $0x3806, v44;
	v49 =	vsel vm1, $0x7C06, v49;
	v50 =	vsel vm1, $0x3E06, v50  }
0xd9: {  	v61 =	vsel vm1, $0x4806, v61;
	v34 =	vsel vm14, $0x3007, v34;
	v42 =	vsel vm14, $0x3807, v42  }
0xda: {  	v51 =	vsel vm14, $0x4007, v51;
	v52 =	vsel vm14, $0x207, v52;
	v54 =	vsel vm14, $0x407, v54  }
0xdb: {  	v55 =	vsel vm14, $0x4407, v55;
	v58 =	vsel vm14, $0x807, v58;
	v62 =	vsel vm14, $0xC07, v62  }
0xdc: {  	v35 =	vsel vm15, $0x7200, v35;
	v36 =	vsel vm15, $0x3400, v36;
	v37 =	vsel vm15, $0x7400, v37  }
0xdd: {  	v41 =	vsel vm15, $0x7600, v41;
	v43 =	vsel vm15, $0x7A00, v43;
	v53 =	vsel vm15, $0x4400, v53  }
0xde: {  	v59 =	vsel vm5, $0x4003, v59;
	v39 =	vsel vm3, $0x3004, v39;
	v60 =	vsel vm2, $0x605, v60  }
0xdf: {  	v40 =	vsel vm1, $0x7406, v40;
	v57 =	vsel vm1, $0x4406, v57;
	v63 =	vsel vm1, $0x4A06, v63  }
0xe0: {  	v44 =	vsel vm14, $0x3A07, v44;
	v49 =	vsel vm14, $0x7E07, v49;
	v50 =	vsel vm14, $0x7, v50  }
0xe1: {  	v61 =	vsel vm14, $0x4A07, v61;
	v34 =	vsel vm15, $0x3200, v34;
	v42 =	vsel vm15, $0x3A00, v42  }
0xe2: {  	v51 =	vsel vm15, $0x4200, v51;
	v52 =	vsel vm15, $0x400, v52;
	v54 =	vsel vm15, $0x600, v54  }
0xe3: {  	v55 =	vsel vm15, $0x4600, v55;
	v58 =	vsel vm15, $0xA00, v58;
	v62 =	vsel vm15, $0xE00, v62  }
0xe4: {  	v59 =	vsel vm3, $0x4204, v59;
	vm3 =	vcmask $0x2724;
	v39 =	vsel vm2, $0x3205, v39  }
0xe5: {  	v60 =	vsel vm1, $0x806, v60;
	v40 =	vsel vm14, $0x7607, v40;
	v57 =	vsel vm14, $0x4607, v57  }
0xe6: {  	v63 =	vsel vm14, $0x4C07, v63;
	v44 =	vsel vm15, $0x3C00, v44;
	v49 =	vsel vm15, $0x4000, v49  }
0xe7: {  	v50 =	vsel vm15, $0x200, v50;
	v61 =	vsel vm15, $0x4C00, v61;
	v59 =	vsel vm2, $0x4405, v59  }
0xe8: {  	v0 =	vsel vm3, $0x1201, v0;
	v39 =	vsel vm1, $0x3406, v39;
	v60 =	vsel vm14, $0xA07, v60  }
0xe9: {  	v40 =	vsel vm15, $0x7800, v40;
	v57 =	vsel vm15, $0x4800, v57;
	v63 =	vsel vm15, $0x4E00, v63  }
0xea: {  	vm2 =	vcmask $0x2F2C;
	v1 =	vsel vm3, $0x5201, v1;
	v2 =	vsel vm3, $0x1401, v2  }
0xeb: {  	v3 =	vsel vm3, $0x5401, v3;
	v4 =	vsel vm3, $0x1601, v4;
	v5 =	vsel vm3, $0x5601, v5  }
0xec: {  	v6 =	vsel vm3, $0x1801, v6;
	v7 =	vsel vm3, $0x5801, v7;
	v8 =	vsel vm3, $0x1A01, v8  }
0xed: {  	v9 =	vsel vm3, $0x5A01, v9;
	v10 =	vsel vm3, $0x1C01, v10;
	v11 =	vsel vm3, $0x5C01, v11  }
0xee: {  	v12 =	vsel vm3, $0x1E01, v12;
	v13 =	vsel vm3, $0x5E01, v13;
	v14 =	vsel vm3, $0x2001, v14  }
0xef: {  	v15 =	vsel vm3, $0x6001, v15;
	v16 =	vsel vm3, $0x2201, v16;
	v17 =	vsel vm3, $0x6201, v17  }
0xf0: {  	v18 =	vsel vm3, $0x2401, v18;
	v19 =	vsel vm3, $0x6401, v19;
	v20 =	vsel vm3, $0x2601, v20  }
0xf1: {  	v21 =	vsel vm3, $0x6601, v21;
	v22 =	vsel vm3, $0x2801, v22;
	v23 =	vsel vm3, $0x6801, v23  }
0xf2: {  	v24 =	vsel vm3, $0x2A01, v24;
	v25 =	vsel vm3, $0x6A01, v25;
	v26 =	vsel vm3, $0x2C01, v26  }
0xf3: {  	v27 =	vsel vm3, $0x6C01, v27;
	v28 =	vsel vm3, $0x2E01, v28;
	v29 =	vsel vm3, $0x6E01, v29  }
0xf4: {  	v30 =	vsel vm3, $0x3001, v30;
	v31 =	vsel vm3, $0x7001, v31;
	v32 =	vsel vm3, $0x3201, v32  }
0xf5: {  	v33 =	vsel vm3, $0x7201, v33;
	v34 =	vsel vm3, $0x3401, v34;
	v35 =	vsel vm3, $0x7401, v35  }
0xf6: {  	v36 =	vsel vm3, $0x3601, v36;
	v37 =	vsel vm3, $0x7601, v37;
	v38 =	vsel vm3, $0x3801, v38  }
0xf7: {  	v41 =	vsel vm3, $0x7801, v41;
	v42 =	vsel vm3, $0x3C01, v42;
	v43 =	vsel vm3, $0x7C01, v43  }
0xf8: {  	v44 =	vsel vm3, $0x3E01, v44;
	v45 =	vsel vm3, $0x7E01, v45;
	v46 =	vsel vm3, $0x1, v46  }
0xf9: {  	v47 =	vsel vm3, $0x4001, v47;
	v48 =	vsel vm3, $0x201, v48;
	v49 =	vsel vm3, $0x4201, v49  }
0xfa: {  	v50 =	vsel vm3, $0x401, v50;
	v51 =	vsel vm3, $0x4401, v51;
	v52 =	vsel vm3, $0x601, v52  }
0xfb: {  	v53 =	vsel vm3, $0x4601, v53;
	v54 =	vsel vm3, $0x801, v54;
	v55 =	vsel vm3, $0x4801, v55  }
0xfc: {  	v56 =	vsel vm3, $0xA01, v56;
	v58 =	vsel vm3, $0xC01, v58;
	v61 =	vsel vm3, $0x4E01, v61  }
0xfd: {  	v62 =	vsel vm3, $0x1001, v62;
	v59 =	vsel vm1, $0x4606, v59;
	vm1 =	vcmask $0x2B28  }
0xfe: {  	v39 =	vsel vm14, $0x3607, v39;
	v60 =	vsel vm15, $0xC00, v60;
	v40 =	vsel vm3, $0x7A01, v40  }
0xff: {  	v57 =	vsel vm3, $0x4A01, v57;
	v63 =	vsel vm3, $0x5001, v63;
	v59 =	vsel vm14, $0x4807, v59  }
0x100: {  	v0 =	vsel vm1, $0x1402, v0;
	v39 =	vsel vm15, $0x3800, v39;
	v60 =	vsel vm3, $0xE01, v60  }
0x101: {  	v1 =	vsel vm1, $0x5402, v1;
	v2 =	vsel vm1, $0x1602, v2;
	v3 =	vsel vm1, $0x5602, v3  }
0x102: {  	v4 =	vsel vm1, $0x1802, v4;
	v5 =	vsel vm1, $0x5802, v5;
	v6 =	vsel vm1, $0x1A02, v6  }
0x103: {  	v7 =	vsel vm1, $0x5A02, v7;
	v8 =	vsel vm1, $0x1C02, v8;
	v9 =	vsel vm1, $0x5C02, v9  }
0x104: {  	v10 =	vsel vm1, $0x1E02, v10;
	v11 =	vsel vm1, $0x5E02, v11;
	v12 =	vsel vm1, $0x2002, v12  }
0x105: {  	v13 =	vsel vm1, $0x6002, v13;
	v14 =	vsel vm1, $0x2202, v14;
	v15 =	vsel vm1, $0x6202, v15  }
0x106: {  	v16 =	vsel vm1, $0x2402, v16;
	v17 =	vsel vm1, $0x6402, v17;
	v18 =	vsel vm1, $0x2602, v18  }
0x107: {  	v19 =	vsel vm1, $0x6602, v19;
	v20 =	vsel vm1, $0x2802, v20;
	v21 =	vsel vm1, $0x6802, v21  }
0x108: {  	v22 =	vsel vm1, $0x2A02, v22;
	v23 =	vsel vm1, $0x6A02, v23;
	v24 =	vsel vm1, $0x2C02, v24  }
0x109: {  	v25 =	vsel vm1, $0x6C02, v25;
	v26 =	vsel vm1, $0x2E02, v26;
	v27 =	vsel vm1, $0x6E02, v27  }
0x10a: {  	v28 =	vsel vm1, $0x3002, v28;
	v29 =	vsel vm1, $0x7002, v29;
	v30 =	vsel vm1, $0x3202, v30  }
0x10b: {  	v31 =	vsel vm1, $0x7202, v31;
	v32 =	vsel vm1, $0x3402, v32;
	v33 =	vsel vm1, $0x7402, v33  }
0x10c: {  	v34 =	vsel vm1, $0x3602, v34;
	v35 =	vsel vm1, $0x7602, v35;
	v36 =	vsel vm1, $0x3802, v36  }
0x10d: {  	v37 =	vsel vm1, $0x7802, v37;
	v38 =	vsel vm1, $0x3A02, v38;
	v41 =	vsel vm1, $0x7A02, v41  }
0x10e: {  	v40 =	vsel vm1, $0x7C02, v40;
	v42 =	vsel vm1, $0x3E02, v42;
	v43 =	vsel vm1, $0x7E02, v43  }
0x10f: {  	v44 =	vsel vm1, $0x2, v44;
	v45 =	vsel vm1, $0x4002, v45;
	v46 =	vsel vm1, $0x202, v46  }
0x110: {  	v47 =	vsel vm1, $0x4202, v47;
	v48 =	vsel vm1, $0x402, v48;
	v49 =	vsel vm1, $0x4402, v49  }
0x111: {  	v50 =	vsel vm1, $0x602, v50;
	v51 =	vsel vm1, $0x4602, v51;
	v52 =	vsel vm1, $0x802, v52  }
0x112: {  	v53 =	vsel vm1, $0x4802, v53;
	v54 =	vsel vm1, $0xA02, v54;
	v55 =	vsel vm1, $0x4A02, v55  }
0x113: {  	v56 =	vsel vm1, $0xC02, v56;
	v57 =	vsel vm1, $0x4C02, v57;
	v58 =	vsel vm1, $0xE02, v58  }
0x114: {  	v61 =	vsel vm1, $0x5002, v61;
	v62 =	vsel vm1, $0x1202, v62;
	v63 =	vsel vm1, $0x5202, v63  }
0x115: {  	v59 =	vsel vm15, $0x4A00, v59;
	v0 =	vsel vm2, $0x1603, v0;
	v39 =	vsel vm3, $0x3A01, v39  }
0x116: {  	v60 =	vsel vm1, $0x1002, v60;
	v1 =	vsel vm2, $0x5603, v1;
	v2 =	vsel vm2, $0x1803, v2  }
0x117: {  	v3 =	vsel vm2, $0x5803, v3;
	v4 =	vsel vm2, $0x1A03, v4;
	v5 =	vsel vm2, $0x5A03, v5  }
0x118: {  	v6 =	vsel vm2, $0x1C03, v6;
	v7 =	vsel vm2, $0x5C03, v7;
	v8 =	vsel vm2, $0x1E03, v8  }
0x119: {  	v9 =	vsel vm2, $0x5E03, v9;
	v10 =	vsel vm2, $0x2003, v10;
	v11 =	vsel vm2, $0x6003, v11  }
0x11a: {  	v12 =	vsel vm2, $0x2203, v12;
	v13 =	vsel vm2, $0x6203, v13;
	v14 =	vsel vm2, $0x2403, v14  }
0x11b: {  	v15 =	vsel vm2, $0x6403, v15;
	v16 =	vsel vm2, $0x2603, v16;
	v17 =	vsel vm2, $0x6603, v17  }
0x11c: {  	v18 =	vsel vm2, $0x2803, v18;
	v19 =	vsel vm2, $0x6803, v19;
	v20 =	vsel vm2, $0x2A03, v20  }
0x11d: {  	v21 =	vsel vm2, $0x6A03, v21;
	v22 =	vsel vm2, $0x2C03, v22;
	v23 =	vsel vm2, $0x6C03, v23  }
0x11e: {  	v24 =	vsel vm2, $0x2E03, v24;
	v25 =	vsel vm2, $0x6E03, v25;
	v26 =	vsel vm2, $0x3003, v26  }
0x11f: {  	v27 =	vsel vm2, $0x7003, v27;
	v28 =	vsel vm2, $0x3203, v28;
	v29 =	vsel vm2, $0x7203, v29  }
0x120: {  	v30 =	vsel vm2, $0x3403, v30;
	v31 =	vsel vm2, $0x7403, v31;
	v32 =	vsel vm2, $0x3603, v32  }
0x121: {  	v33 =	vsel vm2, $0x7603, v33;
	v34 =	vsel vm2, $0x3803, v34;
	v35 =	vsel vm2, $0x7803, v35  }
0x122: {  	v36 =	vsel vm2, $0x3A03, v36;
	v37 =	vsel vm2, $0x7A03, v37;
	v38 =	vsel vm2, $0x3C03, v38  }
0x123: {  	v41 =	vsel vm2, $0x7C03, v41;
	v40 =	vsel vm2, $0x7E03, v40;
	v42 =	vsel vm2, $0x3, v42  }
0x124: {  	v43 =	vsel vm2, $0x4003, v43;
	v44 =	vsel vm2, $0x203, v44;
	v45 =	vsel vm2, $0x4203, v45  }
0x125: {  	v46 =	vsel vm2, $0x403, v46;
	v47 =	vsel vm2, $0x4403, v47;
	v48 =	vsel vm2, $0x603, v48  }
0x126: {  	v49 =	vsel vm2, $0x4603, v49;
	v50 =	vsel vm2, $0x803, v50;
	v51 =	vsel vm2, $0x4803, v51  }
0x127: {  	v52 =	vsel vm2, $0xA03, v52;
	v53 =	vsel vm2, $0x4A03, v53;
	v54 =	vsel vm2, $0xC03, v54  }
0x128: {  	v55 =	vsel vm2, $0x4C03, v55;
	v56 =	vsel vm2, $0xE03, v56;
	v57 =	vsel vm2, $0x4E03, v57  }
0x129: {  	v58 =	vsel vm2, $0x1003, v58;
	v61 =	vsel vm2, $0x5203, v61;
	v62 =	vsel vm2, $0x1403, v62  }
0x12a: {  	v63 =	vsel vm2, $0x5403, v63;
	v59 =	vsel vm3, $0x4C01, v59;
	vm3 =	vcmask $0x3330  }
0x12b: {  	v39 =	vsel vm1, $0x3C02, v39;
	v60 =	vsel vm2, $0x1203, v60;
	v59 =	vsel vm1, $0x4E02, v59  }
0x12c: {  	v0 =	vsel vm3, $0x1804, v0;
	v39 =	vsel vm2, $0x3E03, v39;
	vm1 =	vcmask $0x3734  }
0x12d: {  	v1 =	vsel vm3, $0x5804, v1;
	v2 =	vsel vm3, $0x1A04, v2;
	v3 =	vsel vm3, $0x5A04, v3  }
0x12e: {  	v4 =	vsel vm3, $0x1C04, v4;
	v5 =	vsel vm3, $0x5C04, v5;
	v6 =	vsel vm3, $0x1E04, v6  }
0x12f: {  	v7 =	vsel vm3, $0x5E04, v7;
	v8 =	vsel vm3, $0x2004, v8;
	v9 =	vsel vm3, $0x6004, v9  }
0x130: {  	v10 =	vsel vm3, $0x2204, v10;
	v11 =	vsel vm3, $0x6204, v11;
	v12 =	vsel vm3, $0x2404, v12  }
0x131: {  	v13 =	vsel vm3, $0x6404, v13;
	v14 =	vsel vm3, $0x2604, v14;
	v15 =	vsel vm3, $0x6604, v15  }
0x132: {  	v16 =	vsel vm3, $0x2804, v16;
	v17 =	vsel vm3, $0x6804, v17;
	v18 =	vsel vm3, $0x2A04, v18  }
0x133: {  	v19 =	vsel vm3, $0x6A04, v19;
	v20 =	vsel vm3, $0x2C04, v20;
	v21 =	vsel vm3, $0x6C04, v21  }
0x134: {  	v22 =	vsel vm3, $0x2E04, v22;
	v23 =	vsel vm3, $0x6E04, v23;
	v24 =	vsel vm3, $0x3004, v24  }
0x135: {  	v25 =	vsel vm3, $0x7004, v25;
	v26 =	vsel vm3, $0x3204, v26;
	v27 =	vsel vm3, $0x7204, v27  }
0x136: {  	v28 =	vsel vm3, $0x3404, v28;
	v29 =	vsel vm3, $0x7404, v29;
	v30 =	vsel vm3, $0x3604, v30  }
0x137: {  	v31 =	vsel vm3, $0x7604, v31;
	v32 =	vsel vm3, $0x3804, v32;
	v33 =	vsel vm3, $0x7804, v33  }
0x138: {  	v34 =	vsel vm3, $0x3A04, v34;
	v35 =	vsel vm3, $0x7A04, v35;
	v36 =	vsel vm3, $0x3C04, v36  }
0x139: {  	v37 =	vsel vm3, $0x7C04, v37;
	v38 =	vsel vm3, $0x3E04, v38;
	v41 =	vsel vm3, $0x7E04, v41  }
0x13a: {  	v40 =	vsel vm3, $0x4004, v40;
	v42 =	vsel vm3, $0x204, v42;
	v43 =	vsel vm3, $0x4204, v43  }
0x13b: {  	v44 =	vsel vm3, $0x404, v44;
	v45 =	vsel vm3, $0x4404, v45;
	v47 =	vsel vm3, $0x4604, v47  }
0x13c: {  	v48 =	vsel vm3, $0x804, v48;
	v49 =	vsel vm3, $0x4804, v49;
	v50 =	vsel vm3, $0xA04, v50  }
0x13d: {  	v51 =	vsel vm3, $0x4A04, v51;
	v52 =	vsel vm3, $0xC04, v52;
	v53 =	vsel vm3, $0x4C04, v53  }
0x13e: {  	v55 =	vsel vm3, $0x4E04, v55;
	v56 =	vsel vm3, $0x1004, v56;
	v58 =	vsel vm3, $0x1204, v58  }
0x13f: {  	v60 =	vsel vm3, $0x1404, v60;
	v61 =	vsel vm3, $0x5404, v61;
	v62 =	vsel vm3, $0x1604, v62  }
0x140: {  	v63 =	vsel vm3, $0x5604, v63;
	v59 =	vsel vm2, $0x5003, v59;
	v39 =	vsel vm3, $0x4, v39  }
0x141: {  	[tilespmem:$0x1F940] =	vst v0;
	v0 =	vsel vm3, $0x604, v46;
	v46 =	vsel vm3, $0xE04, v54;
	v54 =	vsel vm3, $0x5004, v57  }
0x142: {  	v1 =	vsel vm1, $0x5A05, v1;
	v2 =	vsel vm1, $0x1C05, v2;
	v3 =	vsel vm1, $0x5C05, v3  }
0x143: {  	v4 =	vsel vm1, $0x1E05, v4;
	v7 =	vsel vm1, $0x6005, v7;
	v8 =	vsel vm1, $0x2205, v8  }
0x144: {  	v9 =	vsel vm1, $0x6205, v9;
	v10 =	vsel vm1, $0x2405, v10;
	v11 =	vsel vm1, $0x6405, v11  }
0x145: {  	v15 =	vsel vm1, $0x6805, v15;
	v16 =	vsel vm1, $0x2A05, v16;
	v17 =	vsel vm1, $0x6A05, v17  }
0x146: {  	v18 =	vsel vm1, $0x2C05, v18;
	v19 =	vsel vm1, $0x6C05, v19;
	v20 =	vsel vm1, $0x2E05, v20  }
0x147: {  	v21 =	vsel vm1, $0x6E05, v21;
	v22 =	vsel vm1, $0x3005, v22;
	v23 =	vsel vm1, $0x7005, v23  }
0x148: {  	v24 =	vsel vm1, $0x3205, v24;
	v25 =	vsel vm1, $0x7205, v25;
	v26 =	vsel vm1, $0x3405, v26  }
0x149: {  	v27 =	vsel vm1, $0x7405, v27;
	v28 =	vsel vm1, $0x3605, v28;
	v29 =	vsel vm1, $0x7605, v29  }
0x14a: {  	v30 =	vsel vm1, $0x3805, v30;
	v31 =	vsel vm1, $0x7805, v31;
	v32 =	vsel vm1, $0x3A05, v32  }
0x14b: {  	v33 =	vsel vm1, $0x7A05, v33;
	v34 =	vsel vm1, $0x3C05, v34;
	v35 =	vsel vm1, $0x7C05, v35  }
0x14c: {  	v36 =	vsel vm1, $0x3E05, v36;
	v37 =	vsel vm1, $0x7E05, v37;
	v38 =	vsel vm1, $0x5, v38;
	v57 =	vld [tilespmem:$0x1F940]  }
0x14d: {  	v44 =	vsel vm1, $0x605, v44;
	v45 =	vsel vm1, $0x4605, v45;
	v51 =	vsel vm1, $0x4C05, v51  }
0x14e: {  	v52 =	vsel vm1, $0xE05, v52;
	v53 =	vsel vm1, $0x4E05, v53;
	v0 =	vsel vm1, $0x805, v0  }
0x14f: {  	v55 =	vsel vm1, $0x5005, v55;
	v56 =	vsel vm1, $0x1205, v56;
	[tilespmem:$0x1FC40] =	vst v0;
	v0 =	vsel vm1, $0x1005, v46  }
0x150: {  	v58 =	vsel vm1, $0x1405, v58;
	v60 =	vsel vm1, $0x1605, v60;
	[tilespmem:$0x1FCD0] =	vst v0;
	v0 =	vsel vm1, $0x1805, v62  }
0x151: {  	v61 =	vsel vm1, $0x5605, v61;
	v59 =	vsel vm3, $0x5204, v59;
	[tilespmem:$0x1FD60] =	vst v0;
	v57 =	vsel vm1, $0x1A05, v57  }
0x152: {  	v39 =	vsel vm1, $0x205, v39;
	[tilespmem:$0x1F970] =	vst v57;
	v57 =	vsel vm1, $0x5E05, v5;
	v5 =	vsel vm1, $0x2005, v6  }
0x153: {  	v54 =	vsel vm1, $0x5205, v54;
	v59 =	vsel vm1, $0x5405, v59;
	[tilespmem:$0x1F9D0] =	vst v5;
	v5 =	vsel vm1, $0x2605, v12;
	v0 =	vld [tilespmem:$0x1F970]  }
0x154: {  	v6 =	vsel vm1, $0x2805, v14;
	v14 =	vsel vm1, $0x4805, v47;
	v12 =	vsel vm1, $0x405, v42;
	[tilespmem:$0x1FA20] =	vst v5  }
0x155: {  	v47 =	vsel vm1, $0xA05, v48;
	v48 =	vsel vm1, $0x4A05, v49;
	v5 =	vsel vm1, $0x6605, v13;
	[tilespmem:$0x1FBE0] =	vst v12  }
0x156: {  	v49 =	vsel vm1, $0xC05, v50;
	v12 =	vsel vm1, $0x4405, v43;
	[tilespmem:$0x1FA40] =	vst v5;
	v5 =	vsel vm1, $0x4005, v41  }
0x157: {  	v43 =	vsel vm1, $0x5805, v63;
	[tilespmem:$0x1FB90] =	vst v5;
	v5 =	vsel vm1, $0x4205, v40;
	vm1 =	vcmask $0x3B38  }
0x158: {  	v0 =	vsel vm1, $0x1C06, v0  }
0x159: {  	[tilespmem:$0x1F980] =	vst v0;
	v0 =	vsel vm1, $0x5C06, v1  }
0x15a: {  	[tilespmem:$0x1F990] =	vst v0;
	v0 =	vsel vm1, $0x1E06, v2  }
0x15b: {  	[tilespmem:$0x1F9A0] =	vst v0;
	v0 =	vsel vm1, $0x5E06, v3  }
0x15c: {  	[tilespmem:$0x1F9B0] =	vst v0;
	v0 =	vsel vm1, $0x2006, v4  }
0x15d: {  	[tilespmem:$0x1F9C0] =	vst v0;
	v0 =	vld [tilespmem:$0x1F9D0];
	_ =	sdelay $0x4  }
0x15e: {  	v0 =	vsel vm1, $0x2206, v0  }
0x15f: {  	[tilespmem:$0x1F9E0] =	vst v0;
	v0 =	vsel vm1, $0x6206, v7  }
0x160: {  	[tilespmem:$0x1F9F0] =	vst v0;
	v0 =	vsel vm1, $0x6406, v9  }
0x161: {  	[tilespmem:$0x1FA00] =	vst v0;
	v0 =	vsel vm1, $0x2606, v10  }
0x162: {  	[tilespmem:$0x1FA10] =	vst v0;
	v0 =	vld [tilespmem:$0x1FA20];
	_ =	sdelay $0x4  }
0x163: {  	v0 =	vsel vm1, $0x2806, v0  }
0x164: {  	[tilespmem:$0x1FA30] =	vst v0;
	v0 =	vld [tilespmem:$0x1FA40];
	_ =	sdelay $0x4  }
0x165: {  	v0 =	vsel vm1, $0x6806, v0  }
0x166: {  	[tilespmem:$0x1FA50] =	vst v0;
	v0 =	vsel vm1, $0x2A06, v6  }
0x167: {  	[tilespmem:$0x1FA60] =	vst v0;
	v0 =	vsel vm1, $0x6A06, v15  }
0x168: {  	[tilespmem:$0x1FA70] =	vst v0;
	v0 =	vsel vm1, $0x2C06, v16  }
0x169: {  	[tilespmem:$0x1FA80] =	vst v0;
	v0 =	vsel vm1, $0x6C06, v17  }
0x16a: {  	[tilespmem:$0x1FA90] =	vst v0;
	v0 =	vsel vm1, $0x2E06, v18  }
0x16b: {  	[tilespmem:$0x1FAA0] =	vst v0;
	v0 =	vsel vm1, $0x6E06, v19  }
0x16c: {  	[tilespmem:$0x1FAB0] =	vst v0;
	v0 =	vsel vm1, $0x3006, v20  }
0x16d: {  	[tilespmem:$0x1FAC0] =	vst v0;
	v0 =	vsel vm1, $0x7006, v21  }
0x16e: {  	[tilespmem:$0x1FAD0] =	vst v0;
	v0 =	vsel vm1, $0x3206, v22  }
0x16f: {  	[tilespmem:$0x1FAE0] =	vst v0;
	v0 =	vsel vm1, $0x7206, v23  }
0x170: {  	[tilespmem:$0x1FAF0] =	vst v0;
	v0 =	vsel vm1, $0x3406, v24  }
0x171: {  	[tilespmem:$0x1FB00] =	vst v0;
	v0 =	vsel vm1, $0x7406, v25  }
0x172: {  	[tilespmem:$0x1FB10] =	vst v0;
	v0 =	vsel vm1, $0x3806, v28  }
0x173: {  	[tilespmem:$0x1FB20] =	vst v0;
	v0 =	vsel vm1, $0x7806, v29  }
0x174: {  	[tilespmem:$0x1FB30] =	vst v0;
	v0 =	vsel vm1, $0x3A06, v30  }
0x175: {  	[tilespmem:$0x1FB40] =	vst v0;
	v0 =	vsel vm1, $0x7A06, v31  }
0x176: {  	[tilespmem:$0x1FB50] =	vst v0;
	v0 =	vimm.s32 $0x14131211  }
0x177: {  	v10 =	vunpack.c.0.s8.s32 v0;
	v0 =	vimm.s32 $0x15141312  }
0x178: {  	v62 =	vsel vm1, $0x6606, v11;
	v11 =	vunpack.c.0.s8.s32 v0;
	v0 =	vsel vm1, $0x6, v36  }
0x179: {  	[tilespmem:$0x1FB60] =	vst v0;
	v0 =	vld [tilespmem:$0x1FB90];
	_ =	sdelay $0x2  }
0x17a: {  	[tilespmem:$0x1FBC0] =	vst v5;
	v9 =	vsel vm1, $0x4006, v37  }
0x17b: {  	[tilespmem:$0x1FB70] =	vst v9;
	v9 =	vsel vm1, $0x206, v38  }
0x17c: {  	[tilespmem:$0x1FB80] =	vst v9;
	v9 =	vsel vm1, $0x4206, v0;
	v0 =	vld [tilespmem:$0x1FBC0];
	_ =	sdelay $0x3  }
0x17d: {  	[tilespmem:$0x1FBA0] =	vst v9;
	v9 =	vsel vm1, $0x406, v39  }
0x17e: {  	[tilespmem:$0x1FBB0] =	vst v9;
	v9 =	vsel vm1, $0x4406, v0;
	v0 =	vld [tilespmem:$0x1FBE0];
	_ =	sdelay $0x3  }
0x17f: {  	[tilespmem:$0x1FC00] =	vst v12  }
0x180: {  	[tilespmem:$0x1FBD0] =	vst v9;
	v9 =	vsel vm1, $0x606, v0;
	v0 =	vld [tilespmem:$0x1FC00];
	_ =	sdelay $0x4  }
0x181: {  	[tilespmem:$0x1FBF0] =	vst v9;
	v9 =	vsel vm1, $0x4606, v0;
	v0 =	vld [tilespmem:$0x1FC40];
	_ =	sdelay $0x3  }
0x182: {  	v4 =	vsel vm1, $0x4806, v45  }
0x183: {  	[tilespmem:$0x1FC30] =	vst v4;
	v4 =	vsel vm1, $0xA06, v0  }
0x184: {  	[tilespmem:$0x1FC50] =	vst v4;
	v4 =	vsel vm1, $0x4A06, v14  }
0x185: {  	[tilespmem:$0x1FC60] =	vst v4;
	v4 =	vsel vm1, $0xC06, v47  }
0x186: {  	v0 =	vld [tilespmem:$0x1FCD0];
	[tilespmem:$0x1FC70] =	vst v4;
	v4 =	vsel vm1, $0x4C06, v48  }
0x187: {  	[tilespmem:$0x1FC80] =	vst v4;
	v4 =	vsel vm1, $0xE06, v49  }
0x188: {  	[tilespmem:$0x1FC90] =	vst v4;
	v4 =	vsel vm1, $0x4E06, v51  }
0x189: {  	[tilespmem:$0x1FCA0] =	vst v4;
	v4 =	vsel vm1, $0x1006, v52  }
0x18a: {  	[tilespmem:$0x1FCB0] =	vst v4;
	v4 =	vsel vm1, $0x5006, v53  }
0x18b: {  	[tilespmem:$0x1FCC0] =	vst v4;
	v4 =	vsel vm1, $0x1206, v0  }
0x18c: {  	[tilespmem:$0x1FCE0] =	vst v4;
	v4 =	vsel vm1, $0x5206, v55  }
0x18d: {  	[tilespmem:$0x1FCF0] =	vst v4;
	v4 =	vsel vm1, $0x1406, v56  }
0x18e: {  	v0 =	vld [tilespmem:$0x1FD60];
	[tilespmem:$0x1FD00] =	vst v4;
	v4 =	vsel vm1, $0x5406, v54  }
0x18f: {  	[tilespmem:$0x1FD10] =	vst v4;
	v4 =	vsel vm1, $0x1606, v58  }
0x190: {  	[tilespmem:$0x1FD20] =	vst v4;
	v4 =	vsel vm1, $0x5606, v59  }
0x191: {  	[tilespmem:$0x1FD30] =	vst v4;
	v4 =	vsel vm1, $0x1806, v60  }
0x192: {  	v1 =	vimm.s32 $0x18171615;
	[tilespmem:$0x1FD40] =	vst v4;
	v4 =	vsel vm1, $0x5806, v61  }
0x193: {  	v3 =	vunpack.c.0.s8.s32 v1;
	[tilespmem:$0x1FD50] =	vst v4;
	v4 =	vsel vm1, $0x1A06, v0  }
0x194: {  	[tilespmem:$0x1FD70] =	vst v4;
	v4 =	vsel vm1, $0x5A06, v43  }
0x195: {  	v1 =	vimm.s32 $0x19181716;
	v0 =	vimm.s32 $0x1C1B1A19;
	[tilespmem:$0x1FD80] =	vst v4;
	v4 =	vsel vm0, v3, v10  }
0x196: {  	v7 =	vunpack.c.0.s8.s32 v1;
	[tilespmem:$0x1FD90] =	vst v4;
	v4 =	vunpack.c.0.s8.s32 v0;
	_ =	sdelay $0x1  }
0x197: {  	v10 =	vimm.s32 $0x16151413;
	[tilespmem:$0x1FDA0] =	vst v4;
	v4 =	vsel vm0, v7, v11;
	v11 =	vimm.s32 $0x1A191817  }
0x198: {  	v5 =	vld [tilespmem:$0x1F950];
	v10 =	vunpack.c.0.s8.s32 v10;
	[tilespmem:$0x1FDC0] =	vst v4;
	v4 =	vunpack.c.0.s8.s32 v11;
	_ =	sdelay $0x1  }
0x199: {  	v0 =	vimm.s32 $0x1E1D1C1B;
	v11 =	vimm.s32 $0x4030201;
	[tilespmem:$0x1FDE0] =	vst v4;
	v4 =	vsel vm0, v4, v10  }
0x19a: {  	v1 =	vld [tilespmem:$0x1FE20];
	v11 =	vunpack.c.0.s8.s32 v11;
	[tilespmem:$0x1FDF0] =	vst v4;
	v4 =	vunpack.c.0.s8.s32 v0  }
0x19b: {  	[tilespmem:$0x1FDB0] =	vst v7;
	v7 =	vimm.s32 $0x1D1C1B1A  }
0x19c: {  	v7 =	vunpack.c.0.s8.s32 v7;
	v10 =	vimm.s32 $0x5040302;
	[tilespmem:$0x1FE00] =	vst v4;
	v4 =	vsel vm0, v11, v5  }
0x19d: {  	v10 =	vunpack.c.0.s8.s32 v10;
	[tilespmem:$0x1FE10] =	vst v4;
	v4 =	vimm.s32 $0x98765432  }
0x19e: {  	[tilespmem:$0x1FDD0] =	vst v7;
	v7 =	vunpack.c.l.s4.s8 v4;
	v4 =	vimm.s32 $0x6050403  }
0x19f: {  	v63 =	vmovc v1;
	v17 =	vmovc v3;
	v3 =	vmov v5;
	v5 =	vunpack.c.0.s8.s32 v4;
	v4 =	vsel vm0, v10, v1;
	v1 =	vld [tilespmem:$0x1FE40];
	_ =	sdelay $0x2  }
0x1a0: {  	v15 =	vimm.s32 $0x76543210;
	v11 =	vimm.s32 $0x87654321  }
0x1a1: {  	v15 =	vunpack.c.l.s4.s8 v15;
	[tilespmem:$0x1FC10] =	vst v9;
	v11 =	vunpack.c.l.s4.s8 v11  }
0x1a2: {  	v9 =	vsel vm1, $0x806, v44;
	v0 =	vimm.s32 $0xA9876543;
	[tilespmem:$0x1FE30] =	vst v4;
	v4 =	vsel vm0, v5, v1  }
0x1a3: {  	v0 =	vunpack.c.l.s4.s8 v0;
	v11 =	vunpack.c.0.s8.s32 v11;
	[tilespmem:$0x1FE50] =	vst v4;
	v4 =	vunpack.c.0.s8.s32 v15  }
0x1a4: {  	s4 =	rddreg [dreg:$0x0];
	[tilespmem:$0x1FC20] =	vst v9;
	v16 =	vunpack.c.0.s8.s32 v7  }
0x1a5: {  	s0 =	rddreg [dreg:$0x1];
	s3 =	srdreg.scid;
	v10 =	vunpack.c.0.s8.s32 v0;
	[tilespmem:$0x1FE60] =	vst v4;
	v4 =	vand.u32 $0xF, v11  }
0x1a6: {  	s5 =	rddreg [dreg:$0x2];
	s6 =	sand.u32 $0x1, s3;
	s3 =	simm.s32 $0x0;
	[tilespmem:$0x1FE70] =	vst v4;
	v4 =	vand.u32 $0xF, v16  }
0x1a7: {  	[smem:$0x7FF] =	sst s3;
	[tilespmem:$0x1FE80] =	vst v4;
	v4 =	vand.u32 $0xF, v10  }
0x1a8: {  	s1 =	rddreg [dreg:$0x3];
	v40 =	vld [tilespmem:$0x1F960];
	_ =	strace $0x80000047;
	[tilespmem:$0x1FE90] =	vst v4  }
0x1a9: {  	v41 =	vsel vm1, $0x7606, v27;
	[tilespmem:$0x1FF60] =	vst v17  }
0x1aa: {  	v12 =	vsel vm1, $0x6006, v57;
	v57 =	vsel vm1, $0x3C06, v32;
	[tilespmem:$0x1FF70] =	vst v41  }
0x1ab: {  	v46 =	vsel vm1, $0x7C06, v33;
	[tilespmem:$0x1FF80] =	vst v57  }
0x1ac: {  	v50 =	vsel vm1, $0x7E06, v35;
	[tilespmem:$0x1FF90] =	vst v46  }
0x1ad: {  	v13 =	vsel vm1, $0x2406, v8;
	v8 =	vsel vm1, $0x3E06, v34;
	[tilespmem:$0x1FFA0] =	vst v50  }
0x1ae: {  	v42 =	vsel vm1, $0x3606, v26;
	[tilespmem:$0x1FFB0] =	vst v8  }
0x1af: {  	[tilespmem:$0x1FFC0] =	vst v42  }
0x1b0: {  	[tilespmem:$0x1FFD0] =	vst v12  }
0x1b1: {  	v4 =	vlaneseq.u32;
	[tilespmem:$0x1FFE0] =	vst v13  }
0x1b2: {  	[tilespmem:$0x1FFF0] =	vst v62;
	v5 =	vadd.s32 $0x1, v4  }
0x1b3: {  	[tilespmem:$0x1FEA0] =	vst v5;
	v5 =	vadd.s32 $0x2, v4  }
0x1b4: {  	[tilespmem:$0x1FEB0] =	vst v5;
	v5 =	vadd.s32 $0x3, v4  }
0x1b5: {  	[tilespmem:$0x1FEC0] =	vst v5;
	v5 =	vadd.s32 $0x4, v4  }
0x1b6: {  	[tilespmem:$0x1FED0] =	vst v5;
	v5 =	vadd.s32 $0x5, v4  }
0x1b7: {  	[tilespmem:$0x1FEE0] =	vst v5;
	v5 =	vadd.s32 $0x6, v4  }
0x1b8: {  	s2 =	stileid.u32;
	[tilespmem:$0x1FEF0] =	vst v5;
	v5 =	vadd.s32 $0x7, v4  }
0x1b9: {  	s9 =	simm.s32 $0x600;
	s10 =	simm.s32 $0x8600;
	s11 =	simm.s32 $0x4600;
	[tilespmem:$0x1FF00] =	vst v5;
	v5 =	vadd.s32 $0x8, v4  }
0x1ba: {  	s12 =	simm.s32 $0x200;
	s13 =	simm.s32 $0x4000;
	s14 =	simm.s32 $0x0;
	[tilespmem:$0x1FF10] =	vst v5;
	v5 =	vadd.s32 $0x9, v4  }
0x1bb: {  	s7 =	sshll.u32 s2, $0x7;
	s8 =	sshll.u32 s6, $0x6;
	s6 =	ssub.s32 $0x2, s6;
	[tilespmem:$0x1FF20] =	vst v5;
	v5 =	vadd.s32 $0xA, v4  }
0x1bc: {  	s7 =	sor.u32 s8, s7;
	s31 =	sshrl.u32 s6, $0x1;
	s8 =	simm.s32 $0x40;
	[tilespmem:$0x1FF30] =	vst v5;
	v5 =	vadd.s32 $0xB, v4  }
0x1bd: {  	s5 =	sadd.s32 s7, s5;
	s6 =	ssub.s32 s6, s31;
	s4 =	sadd.s32 s4, s7;
	v4 =	vadd.s32 $0xC, v4;
	[tilespmem:$0x1FF40] =	vst v5  }
0x1be: {  	s7 =	simm.s32 $0x9;
	s5 =	sadd.s32 $0x400, s5;
	s6 =	smax.u32 s6, $0x1;
	v10 =	vimm.s32 $0x5ED;
	[tilespmem:$0x1FF50] =	vst v4  }
.LBB2_1:
0x1bf: {  	[tilespmem:s3], [sflag:$0x9] =	stream.linear.gather [hbm4b:s4+s3], $0x200, $0x38;
	[tilespmem:$0x10600] =	vst v63  }
0x1c0: {  	_ =	swait.ge [sflag:s7], $0x200  }
0x1c1: {  	[sflag:s7] =	ssyncset.done $0x0  }
0x1c2: {  	s16 =	simm.s32 $0x0;
	[sflag:s7] =	ssyncadd.s32 $0xFFFFFE00  }
0x1c3: {  	v24 =	vld [tilespmem:s16+$0x0]  }
0x1c4: {  	v29 =	vld [tilespmem:s16+$0x10]  }
0x1c5: {  	v56 =	vld [tilespmem:s16+$0x30];
	_ =	sdelay $0x2  }
0x1c6: {  	v25 =	vcvt.s32.f32 v24  }
0x1c7: {  	v30 =	vcvt.s32.f32 v29  }
0x1c8: {  	v59 =	vcvt.s32.f32 v56;
	v26 =	vmul.f32 $2.702702770e-02, v25  }
0x1c9: {  	v27 =	vmul.f32 $4.347826170e-02, v25;
	v28 =	vmul.f32 $2.439024300e-02, v25  }
0x1ca: {  	v25 =	vmul.f32 $3.225806360e-02, v25;
	v33 =	vmul.f32 $2.702702770e-02, v30  }
0x1cb: {  	v34 =	vmul.f32 $4.347826170e-02, v30;
	v20 =	vmul.f32 $2.702702770e-02, v59  }
0x1cc: {  	v21 =	vmul.f32 $4.347826170e-02, v59;
	v39 =	vmul.f32 $2.439024300e-02, v59  }
0x1cd: {  	v26 =	vtrunc.f32 v26;
	v27 =	vtrunc.f32 v27  }
0x1ce: {  	v28 =	vtrunc.f32 v28;
	v25 =	vtrunc.f32 v25  }
0x1cf: {  	v33 =	vtrunc.f32 v33;
	v34 =	vtrunc.f32 v34  }
0x1d0: {  	v26 =	vcvt.f32.s32 v26;
	v27 =	vcvt.f32.s32 v27  }
0x1d1: {  	v28 =	vcvt.f32.s32 v28;
	v25 =	vcvt.f32.s32 v25  }
0x1d2: {  	v22 =	vtrunc.f32 v21;
	v26 =	vmul.u32 $0xFFFFFFDB, v26;
	v27 =	vmul.u32 $0xFFFFFFE9, v27  }
0x1d3: {  	v23 =	vtrunc.f32 v39;
	v28 =	vmul.u32 $0xFFFFFFD7, v28;
	v25 =	vmul.u32 $0xFFFFFFE1, v25  }
0x1d4: {  	v48 =	vcvt.f32.s32 v34;
	v26 =	vadd.s32 v24, v26;
	v27 =	vadd.s32 v24, v27  }
0x1d5: {  	v28 =	vadd.s32 v24, v28;
	v24 =	vadd.s32 v24, v25;
	vm1 =	vgt.s32 v26, $0x24  }
0x1d6: {  	v25 =	vadd.s32 $0xFFFFFFDB, v26;
	vm2 =	vgt.s32 v27, $0x16;
	vm3 =	vgt.s32 v28, $0x28  }
0x1d7: {  	v31 =	vadd.s32 $0xFFFFFFD7, v28;
	vm4 =	vgt.s32 v24, $0x1E;
	v32 =	vadd.s32 $0xFFFFFFE1, v24  }
0x1d8: {  	v25 =	vsel vm1, v25, v26;
	v26 =	vmul.f32 $2.439024300e-02, v30;
	v30 =	vmul.f32 $3.225806360e-02, v30  }
0x1d9: {  	v35 =	vsel vm2, $0x5D6, v10;
	v28 =	vsel vm3, v31, v28;
	v24 =	vsel vm4, v32, v24  }
0x1da: {  	v49 =	vld [tilespmem:s16+$0x20];
	v31 =	vcvt.f32.s32 v33;
	v32 =	vmul.u32 $0xFFFFFFE9, v48;
	v33 =	vmul.f32 $3.225806360e-02, v59  }
0x1db: {  	v27 =	vadd.s32 v27, v35;
	v28 =	vmul.u32 $0x25, v28;
	v26 =	vtrunc.f32 v26  }
0x1dc: {  	v24 =	vmul.u32 $0x17, v24;
	v30 =	vtrunc.f32 v30;
	v33 =	vtrunc.f32 v33  }
0x1dd: {  	v31 =	vmul.u32 $0xFFFFFFDB, v31;
	v26 =	vcvt.f32.s32 v26;
	v30 =	vcvt.f32.s32 v30  }
0x1de: {  	v25 =	vadd.s32 v25, v28;
	v24 =	vadd.s32 v24, v27;
	v33 =	vcvt.f32.s32 v33  }
0x1df: {  	v27 =	vadd.s32 v29, v31;
	v31 =	vcvt.s32.f32 v49;
	v26 =	vmul.u32 $0xFFFFFFD7, v26  }
0x1e0: {  	v30 =	vmul.u32 $0xFFFFFFE1, v30;
	vm1 =	vgt.s32 v27, $0x24;
	v33 =	vmul.u32 $0xFFFFFFE1, v33  }
0x1e1: {  	v53 =	vmul.f32 $2.702702770e-02, v31;
	v36 =	vmul.f32 $4.347826170e-02, v31;
	v26 =	vadd.s32 v29, v26  }
0x1e2: {  	v28 =	vadd.s32 v29, v30;
	v29 =	vadd.s32 v29, v32;
	v30 =	vadd.s32 $0xFFFFFFDB, v27  }
0x1e3: {  	vm2 =	vgt.s32 v26, $0x28;
	v51 =	vadd.s32 $0xFFFFFFD7, v26;
	vm3 =	vgt.s32 v29, $0x16  }
0x1e4: {  	vm12 =	vgt.s32 v28, $0x1E;
	v27 =	vsel vm1, v30, v27;
	v30 =	vmul.f32 $2.439024300e-02, v31  }
0x1e5: {  	v52 =	vadd.s32 $0xFFFFFFE1, v28;
	v35 =	vtrunc.f32 v53;
	v31 =	vmul.f32 $3.225806360e-02, v31  }
0x1e6: {  	v54 =	vtrunc.f32 v36;
	v37 =	vsel vm3, $0x5D6, v10;
	v26 =	vsel vm2, v51, v26  }
0x1e7: {  	v28 =	vsel vm12, v52, v28;
	v55 =	vcvt.f32.s32 v35;
	v32 =	vcvt.f32.s32 v54  }
0x1e8: {  	v30 =	vtrunc.f32 v30;
	v31 =	vtrunc.f32 v31;
	v29 =	vadd.s32 v29, v37  }
0x1e9: {  	v26 =	vmul.u32 $0x25, v26;
	v28 =	vmul.u32 $0x17, v28;
	v30 =	vcvt.f32.s32 v30  }
0x1ea: {  	v31 =	vcvt.f32.s32 v31;
	v34 =	vmul.u32 $0xFFFFFFDB, v55;
	v32 =	vmul.u32 $0xFFFFFFE9, v32  }
0x1eb: {  	v26 =	vadd.s32 v27, v26;
	v27 =	vadd.s32 v28, v29;
	v30 =	vmul.u32 $0xFFFFFFD7, v30  }
0x1ec: {  	v28 =	vmul.u32 $0xFFFFFFE1, v31;
	v31 =	vadd.s32 v49, v32;
	v32 =	vtrunc.f32 v20  }
0x1ed: {  	v36 =	vcvt.f32.s32 v23;
	vm3 =	vgt.s32 v31, $0x16;
	v32 =	vcvt.f32.s32 v32  }
0x1ee: {  	v29 =	vadd.s32 v49, v30;
	v30 =	vadd.s32 v49, v34;
	v28 =	vadd.s32 v49, v28  }
0x1ef: {  	v38 =	vsel vm3, $0x5D6, v10;
	v34 =	vcvt.f32.s32 v22;
	vm1 =	vgt.s32 v30, $0x24  }
0x1f0: {  	v58 =	vadd.s32 $0xFFFFFFDB, v30;
	vm2 =	vgt.s32 v29, $0x28;
	v60 =	vadd.s32 $0xFFFFFFD7, v29  }
0x1f1: {  	vm13 =	vgt.s32 v28, $0x1E;
	v61 =	vadd.s32 $0xFFFFFFE1, v28;
	v29 =	vsel vm2, v60, v29  }
0x1f2: {  	v32 =	vmul.u32 $0xFFFFFFDB, v32;
	v28 =	vsel vm13, v61, v28;
	v29 =	vmul.u32 $0x25, v29  }
0x1f3: {  	v30 =	vsel vm1, v58, v30;
	v34 =	vmul.u32 $0xFFFFFFE9, v34;
	v28 =	vmul.u32 $0x17, v28  }
0x1f4: {  	v31 =	vadd.s32 v31, v38;
	v29 =	vadd.s32 v30, v29;
	v30 =	vmul.u32 $0xFFFFFFD7, v36  }
0x1f5: {  	v37 =	vadd.s32 v56, v34;
	v28 =	vadd.s32 v28, v31;
	v31 =	vadd.s32 v56, v32  }
0x1f6: {  	[tilespmem:s16+$0x200] =	vst v25;
	vm1 =	vgt.s32 v31, $0x24;
	v38 =	vadd.s32 $0xFFFFFFDB, v31;
	v25 =	vadd.s32 v56, v30  }
0x1f7: {  	[tilespmem:s16+$0x400] =	vst v24;
	v30 =	vadd.s32 v56, v33;
	vm2 =	vgt.s32 v25, $0x28;
	v24 =	vadd.s32 $0xFFFFFFD7, v25  }
0x1f8: {  	[tilespmem:s16+$0x210] =	vst v26;
	v24 =	vsel vm2, v24, v25;
	vm2 =	vgt.s32 v30, $0x1E;
	v25 =	vadd.s32 $0xFFFFFFE1, v30  }
0x1f9: {  	[tilespmem:s16+$0x410] =	vst v27;
	v24 =	vmul.u32 $0x25, v24;
	v25 =	vsel vm2, v25, v30;
	vm2 =	vgt.s32 v37, $0x16  }
0x1fa: {  	[tilespmem:s16+$0x220] =	vst v29;
	v26 =	vsel vm1, v38, v31;
	v25 =	vmul.u32 $0x17, v25;
	v27 =	vsel vm2, $0x5D6, v10  }
0x1fb: {  	[tilespmem:s16+$0x420] =	vst v28;
	v24 =	vadd.s32 v26, v24;
	v26 =	vadd.s32 v37, v27  }
0x1fc: {  	v25 =	vadd.s32 v25, v26;
	[tilespmem:s16+$0x230] =	vst v24  }
0x1fd: {  	s15 =	simm.s32 $0x1;
	s17 =	simm.s32 $0x200;
	[tilespmem:s16+$0x430] =	vst v25  }
0x1fe: {  	[tilespmem:s9], [sflag:s15] =	stream.indirect.gather [hbm4b:s0+s8], $0x20, s17, s8, $0xb8;
	[tilespmem:$0x10600] =	vst v63  }
0x1ff: {  	s31 =	simm.s32 $0x400;
	s16 =	simm.s32 $0x40  }
0x200: {  	[tilespmem:s11], [sflag:s15] =	stream.indirect.gather [hbm4b:s0+s8], $0x20, s31, s8, $0xb8;
	[tilespmem:$0x10600] =	vst v63  }
0x201: {  	v24 =	vld [tilespmem:s16+$0x0]  }
0x202: {  	v29 =	vld [tilespmem:s16+$0x10];
	_ =	sdelay $0x3  }
0x203: {  	v25 =	vcvt.s32.f32 v24  }
0x204: {  	v30 =	vcvt.s32.f32 v29  }
0x205: {  	v26 =	vmul.f32 $2.702702770e-02, v25;
	v27 =	vmul.f32 $4.347826170e-02, v25  }
0x206: {  	v28 =	vmul.f32 $2.439024300e-02, v25;
	v25 =	vmul.f32 $3.225806360e-02, v25  }
0x207: {  	v43 =	vmul.f32 $2.702702770e-02, v30;
	v44 =	vmul.f32 $4.347826170e-02, v30  }
0x208: {  	v26 =	vtrunc.f32 v26;
	v27 =	vtrunc.f32 v27  }
0x209: {  	v28 =	vtrunc.f32 v28;
	v25 =	vtrunc.f32 v25  }
0x20a: {  	v26 =	vcvt.f32.s32 v26;
	v27 =	vcvt.f32.s32 v27  }
0x20b: {  	v28 =	vcvt.f32.s32 v28;
	v25 =	vcvt.f32.s32 v25  }
0x20c: {  	v33 =	vtrunc.f32 v43;
	v26 =	vmul.u32 $0xFFFFFFDB, v26;
	v27 =	vmul.u32 $0xFFFFFFE9, v27  }
0x20d: {  	v34 =	vtrunc.f32 v44;
	v28 =	vmul.u32 $0xFFFFFFD7, v28;
	v25 =	vmul.u32 $0xFFFFFFE1, v25  }
0x20e: {  	v47 =	vcvt.f32.s32 v34;
	v26 =	vadd.s32 v24, v26;
	v27 =	vadd.s32 v24, v27  }
0x20f: {  	v28 =	vadd.s32 v24, v28;
	v24 =	vadd.s32 v24, v25;
	vm1 =	vgt.s32 v26, $0x24  }
0x210: {  	v25 =	vadd.s32 $0xFFFFFFDB, v26;
	vm2 =	vgt.s32 v27, $0x16;
	vm3 =	vgt.s32 v28, $0x28  }
0x211: {  	v31 =	vadd.s32 $0xFFFFFFD7, v28;
	vm14 =	vgt.s32 v24, $0x1E;
	v39 =	vadd.s32 $0xFFFFFFE1, v24  }
0x212: {  	v25 =	vsel vm1, v25, v26;
	v26 =	vmul.f32 $2.439024300e-02, v30;
	v30 =	vmul.f32 $3.225806360e-02, v30  }
0x213: {  	v45 =	vsel vm2, $0x5D6, v10;
	v28 =	vsel vm3, v31, v28;
	v31 =	vcvt.f32.s32 v33  }
0x214: {  	v48 =	vadd.s32 v27, v45;
	v27 =	vld [tilespmem:s16+$0x20];
	v28 =	vmul.u32 $0x25, v28;
	v26 =	vtrunc.f32 v26  }
0x215: {  	v30 =	vtrunc.f32 v30;
	v31 =	vmul.u32 $0xFFFFFFDB, v31;
	v26 =	vcvt.f32.s32 v26  }
0x216: {  	v32 =	vmul.u32 $0xFFFFFFE9, v47;
	v24 =	vsel vm14, v39, v24;
	v30 =	vcvt.f32.s32 v30  }
0x217: {  	v25 =	vadd.s32 v25, v28;
	v28 =	vadd.s32 v29, v31;
	v26 =	vmul.u32 $0xFFFFFFD7, v26  }
0x218: {  	v30 =	vmul.u32 $0xFFFFFFE1, v30;
	vm1 =	vgt.s32 v28, $0x24;
	v31 =	vadd.s32 $0xFFFFFFDB, v28  }
0x219: {  	v24 =	vmul.u32 $0x17, v24;
	v49 =	vcvt.s32.f32 v27;
	v28 =	vsel vm1, v31, v28  }
0x21a: {  	v26 =	vadd.s32 v29, v26;
	v30 =	vadd.s32 v29, v30;
	v29 =	vadd.s32 v29, v32  }
0x21b: {  	vm2 =	vgt.s32 v26, $0x28;
	v51 =	vadd.s32 $0xFFFFFFD7, v26;
	vm3 =	vgt.s32 v29, $0x16  }
0x21c: {  	vm15 =	vgt.s32 v30, $0x1E;
	v53 =	vmul.f32 $2.702702770e-02, v49;
	v31 =	vmul.f32 $2.439024300e-02, v49  }
0x21d: {  	v52 =	vadd.s32 $0xFFFFFFE1, v30;
	v54 =	vmul.f32 $4.347826170e-02, v49;
	v32 =	vmul.f32 $3.225806360e-02, v49  }
0x21e: {  	v55 =	vsel vm3, $0x5D6, v10;
	v26 =	vsel vm2, v51, v26;
	v35 =	vtrunc.f32 v53  }
0x21f: {  	v30 =	vsel vm15, v52, v30;
	v31 =	vtrunc.f32 v31;
	v56 =	vtrunc.f32 v54  }
0x220: {  	v32 =	vtrunc.f32 v32;
	v59 =	vadd.s32 v29, v55;
	v29 =	vcvt.f32.s32 v31  }
0x221: {  	v26 =	vmul.u32 $0x25, v26;
	v58 =	vcvt.f32.s32 v35;
	v33 =	vcvt.f32.s32 v56  }
0x222: {  	v60 =	vmul.u32 $0x17, v30;
	v61 =	vcvt.f32.s32 v32;
	v30 =	vmul.u32 $0xFFFFFFD7, v29;
	v29 =	vld [tilespmem:s16+$0x30]  }
0x223: {  	s20 =	simm.s32 $0x200;
	v24 =	vadd.s32 v24, v48;
	v31 =	vmul.u32 $0xFFFFFFDB, v58;
	v32 =	vmul.u32 $0xFFFFFFE9, v33  }
0x224: {  	s18 =	simm.s32 $0x1;
	s19 =	simm.s32 $0x600;
	s17 =	simm.s32 $0x4600;
	v28 =	vadd.s32 v28, v26;
	v26 =	vadd.s32 v60, v59;
	v33 =	vmul.u32 $0xFFFFFFE1, v61  }
.LBB2_2:
0x225: {  	p0 =	sne.s32 s20, $0x700;
	v30 =	vadd.s32 v27, v30;
	v31 =	vadd.s32 v27, v31;
	v32 =	vadd.s32 v27, v32  }
0x226: {  	vm1 =	vgt.s32 v31, $0x24;
	v34 =	vadd.s32 $0xFFFFFFDB, v31;
	v27 =	vadd.s32 v27, v33  }
0x227: {  	vm2 =	vgt.s32 v30, $0x28;
	vm3 =	vgt.s32 v32, $0x16;
	v33 =	vcvt.s32.f32 v29  }
0x228: {  	v35 =	vadd.s32 $0xFFFFFFD7, v30;
	vm4 =	vgt.s32 v27, $0x1E;
	v36 =	vadd.s32 $0xFFFFFFE1, v27  }
0x229: {  	v31 =	vsel vm1, v34, v31;
	v34 =	vmul.f32 $2.702702770e-02, v33;
	v37 =	vmul.f32 $4.347826170e-02, v33  }
0x22a: {  	v38 =	vsel vm3, $0x5D6, v10;
	v39 =	vmul.f32 $2.439024300e-02, v33;
	v33 =	vmul.f32 $3.225806360e-02, v33  }
0x22b: {  	v30 =	vsel vm2, v35, v30;
	v34 =	vtrunc.f32 v34;
	v35 =	vtrunc.f32 v37  }
0x22c: {  	v27 =	vsel vm4, v36, v27;
	v36 =	vtrunc.f32 v39;
	v33 =	vtrunc.f32 v33  }
0x22d: {  	v32 =	vadd.s32 v32, v38;
	v34 =	vcvt.f32.s32 v34;
	v35 =	vcvt.f32.s32 v35  }
0x22e: {  	v30 =	vmul.u32 $0x25, v30;
	v36 =	vcvt.f32.s32 v36;
	v33 =	vcvt.f32.s32 v33  }
0x22f: {  	v27 =	vmul.u32 $0x17, v27;
	v34 =	vmul.u32 $0xFFFFFFDB, v34;
	v35 =	vmul.u32 $0xFFFFFFE9, v35  }
0x230: {  	v30 =	vadd.s32 v31, v30;
	v31 =	vmul.u32 $0xFFFFFFD7, v36;
	v33 =	vmul.u32 $0xFFFFFFE1, v33  }
0x231: {  	v27 =	vadd.s32 v27, v32;
	v32 =	vadd.s32 v29, v34;
	v34 =	vadd.s32 v29, v35  }
0x232: {  	vm1 =	vgt.s32 v32, $0x24;
	[tilespmem:s16+$0x200] =	vst v25;
	v25 =	vadd.s32 v29, v31;
	v29 =	vadd.s32 v29, v33  }
0x233: {  	v31 =	vadd.s32 $0xFFFFFFDB, v32;
	[tilespmem:s16+$0x400] =	vst v24;
	vm2 =	vgt.s32 v25, $0x28;
	v24 =	vadd.s32 $0xFFFFFFD7, v25  }
0x234: {  	[tilespmem:s16+$0x210] =	vst v28;
	v24 =	vsel vm2, v24, v25;
	vm2 =	vgt.s32 v29, $0x1E;
	v25 =	vadd.s32 $0xFFFFFFE1, v29  }
0x235: {  	[tilespmem:s16+$0x410] =	vst v26;
	v24 =	vmul.u32 $0x25, v24;
	v25 =	vsel vm2, v25, v29;
	vm2 =	vgt.s32 v34, $0x16  }
0x236: {  	v26 =	vsel vm1, v31, v32;
	[tilespmem:s16+$0x220] =	vst v30;
	v25 =	vmul.u32 $0x17, v25;
	v28 =	vsel vm2, $0x5D6, v10  }
0x237: {  	[tilespmem:s16+$0x420] =	vst v27;
	v24 =	vadd.s32 v26, v24;
	v26 =	vadd.s32 v34, v28  }
0x238: {  	s21 =	sadd.s32 $0x200, s16;
	s18 =	sadd.s32 $0x1, s18;
	s19 =	sadd.s32 $0x800, s19;
	v25 =	vadd.s32 v25, v26;
	[tilespmem:s16+$0x230] =	vst v24  }
0x239: {  	[tilespmem:s16+$0x430] =	vst v25;
	[tilespmem:s19], [sflag:s18] =	stream.indirect.gather [hbm4b:s0+s8], $0x20, s21, s8, $0xb8  }
0x23a: {  	s17 =	sadd.s32 $0x800, s17;
	s21 =	sadd.s32 $0x400, s16;
	s16 =	sshra.s32 s20, $0x2  }
0x23b: {  	[tilespmem:s17], [sflag:s18] =	stream.indirect.gather [hbm4b:s0+s8], $0x20, s21, s8, $0xb8;
	[tilespmem:$0x10600] =	vst v63  }
0x23c: {  	v24 =	vld [tilespmem:s16+$0x0];
	_ =	sdelay $0x4  }
0x23d: {  	v25 =	vcvt.s32.f32 v24;
	_ =	sdelay $0x1  }
0x23e: {  	v26 =	vmul.f32 $2.702702770e-02, v25;
	v27 =	vmul.f32 $4.347826170e-02, v25  }
0x23f: {  	v28 =	vmul.f32 $2.439024300e-02, v25;
	v25 =	vmul.f32 $3.225806360e-02, v25  }
0x240: {  	v26 =	vtrunc.f32 v26;
	v27 =	vtrunc.f32 v27  }
0x241: {  	v28 =	vtrunc.f32 v28;
	v25 =	vtrunc.f32 v25  }
0x242: {  	v26 =	vcvt.f32.s32 v26;
	v27 =	vcvt.f32.s32 v27  }
0x243: {  	v28 =	vcvt.f32.s32 v28;
	v25 =	vcvt.f32.s32 v25;
	v29 =	vld [tilespmem:s16+$0x10]  }
0x244: {  	v26 =	vmul.u32 $0xFFFFFFDB, v26;
	v27 =	vmul.u32 $0xFFFFFFE9, v27  }
0x245: {  	v28 =	vmul.u32 $0xFFFFFFD7, v28;
	v25 =	vmul.u32 $0xFFFFFFE1, v25  }
0x246: {  	v26 =	vadd.s32 v24, v26;
	v27 =	vadd.s32 v24, v27  }
0x247: {  	v28 =	vadd.s32 v24, v28;
	v24 =	vadd.s32 v24, v25;
	vm1 =	vgt.s32 v26, $0x24  }
0x248: {  	v25 =	vadd.s32 $0xFFFFFFDB, v26;
	vm2 =	vgt.s32 v27, $0x16;
	v30 =	vcvt.s32.f32 v29  }
0x249: {  	vm3 =	vgt.s32 v28, $0x28;
	v31 =	vadd.s32 $0xFFFFFFD7, v28;
	vm4 =	vgt.s32 v24, $0x1E  }
0x24a: {  	v32 =	vadd.s32 $0xFFFFFFE1, v24;
	v33 =	vmul.f32 $2.702702770e-02, v30;
	v34 =	vmul.f32 $4.347826170e-02, v30  }
0x24b: {  	v25 =	vsel vm1, v25, v26;
	v26 =	vmul.f32 $2.439024300e-02, v30;
	v30 =	vmul.f32 $3.225806360e-02, v30  }
0x24c: {  	v35 =	vsel vm2, $0x5D6, v10;
	v33 =	vtrunc.f32 v33;
	v34 =	vtrunc.f32 v34  }
0x24d: {  	v28 =	vsel vm3, v31, v28;
	v26 =	vtrunc.f32 v26;
	v30 =	vtrunc.f32 v30  }
0x24e: {  	v24 =	vsel vm4, v32, v24;
	v31 =	vcvt.f32.s32 v33;
	v32 =	vcvt.f32.s32 v34  }
0x24f: {  	v33 =	vadd.s32 v27, v35;
	v26 =	vcvt.f32.s32 v26;
	v30 =	vcvt.f32.s32 v30;
	v27 =	vld [tilespmem:s16+$0x20]  }
0x250: {  	v28 =	vmul.u32 $0x25, v28;
	v24 =	vmul.u32 $0x17, v24;
	v31 =	vmul.u32 $0xFFFFFFDB, v31  }
0x251: {  	v26 =	vmul.u32 $0xFFFFFFD7, v26;
	v30 =	vmul.u32 $0xFFFFFFE1, v30;
	v32 =	vmul.u32 $0xFFFFFFE9, v32  }
0x252: {  	v25 =	vadd.s32 v25, v28;
	v24 =	vadd.s32 v24, v33;
	v28 =	vadd.s32 v29, v31  }
0x253: {  	v26 =	vadd.s32 v29, v26;
	v30 =	vadd.s32 v29, v30;
	v29 =	vadd.s32 v29, v32  }
0x254: {  	vm1 =	vgt.s32 v28, $0x24;
	v31 =	vadd.s32 $0xFFFFFFDB, v28;
	v32 =	vcvt.s32.f32 v27  }
0x255: {  	vm2 =	vgt.s32 v26, $0x28;
	v33 =	vadd.s32 $0xFFFFFFD7, v26;
	vm3 =	vgt.s32 v29, $0x16  }
0x256: {  	vm4 =	vgt.s32 v30, $0x1E;
	v34 =	vadd.s32 $0xFFFFFFE1, v30;
	v35 =	vmul.f32 $2.702702770e-02, v32  }
0x257: {  	v28 =	vsel vm1, v31, v28;
	v31 =	vmul.f32 $2.439024300e-02, v32;
	v36 =	vmul.f32 $4.347826170e-02, v32  }
0x258: {  	v37 =	vsel vm3, $0x5D6, v10;
	v32 =	vmul.f32 $3.225806360e-02, v32;
	v35 =	vtrunc.f32 v35  }
0x259: {  	v26 =	vsel vm2, v33, v26;
	v31 =	vtrunc.f32 v31;
	v33 =	vtrunc.f32 v36  }
.Ltmp0:
0x25a: {  	v30 =	vsel vm4, v34, v30;
	v32 =	vtrunc.f32 v32;
	v34 =	vcvt.f32.s32 v35;
	(pc) =	sbr.rel @p0 .LBB2_2-.Ltmp0, $4  }
0x25b: {  	v35 =	vadd.s32 v29, v37;
	v31 =	vcvt.f32.s32 v31;
	v33 =	vcvt.f32.s32 v33  }
0x25c: {  	v26 =	vmul.u32 $0x25, v26;
	v36 =	vmul.u32 $0x17, v30;
	v37 =	vcvt.f32.s32 v32;
	v29 =	vld [tilespmem:s16+$0x30]  }
0x25d: {  	v30 =	vmul.u32 $0xFFFFFFD7, v31;
	v31 =	vmul.u32 $0xFFFFFFDB, v34;
	v32 =	vmul.u32 $0xFFFFFFE9, v33  }
0x25e: {  	s20 =	sadd.s32 $0x100, s20;
	v28 =	vadd.s32 v28, v26;
	v26 =	vadd.s32 v36, v35;
	v33 =	vmul.u32 $0xFFFFFFE1, v37  }
0x25f: {  	v30 =	vadd.s32 v27, v30;
	v31 =	vadd.s32 v27, v31;
	v32 =	vadd.s32 v27, v32  }
0x260: {  	vm1 =	vgt.s32 v31, $0x24;
	v34 =	vadd.s32 $0xFFFFFFDB, v31;
	v43 =	vadd.s32 v27, v33  }
0x261: {  	vm2 =	vgt.s32 v30, $0x28;
	vm3 =	vgt.s32 v32, $0x16;
	v44 =	vcvt.s32.f32 v29  }
0x262: {  	v35 =	vadd.s32 $0xFFFFFFD7, v30;
	vm4 =	vgt.s32 v43, $0x1E;
	v36 =	vadd.s32 $0xFFFFFFE1, v43  }
0x263: {  	v31 =	vsel vm1, v34, v31;
	v45 =	vmul.f32 $2.702702770e-02, v44;
	v37 =	vmul.f32 $4.347826170e-02, v44  }
0x264: {  	v38 =	vsel vm3, $0x5D6, v10;
	v39 =	vmul.f32 $2.439024300e-02, v44;
	v33 =	vmul.f32 $3.225806360e-02, v44  }
0x265: {  	v30 =	vsel vm2, v35, v30;
	v34 =	vtrunc.f32 v45;
	v47 =	vtrunc.f32 v37  }
0x266: {  	v27 =	vsel vm4, v36, v43;
	v48 =	vtrunc.f32 v39;
	v33 =	vtrunc.f32 v33  }
0x267: {  	v32 =	vadd.s32 v32, v38;
	v34 =	vcvt.f32.s32 v34;
	v35 =	vcvt.f32.s32 v47  }
0x268: {  	v30 =	vmul.u32 $0x25, v30;
	v36 =	vcvt.f32.s32 v48;
	v33 =	vcvt.f32.s32 v33  }
0x269: {  	v27 =	vmul.u32 $0x17, v27;
	v34 =	vmul.u32 $0xFFFFFFDB, v34;
	v35 =	vmul.u32 $0xFFFFFFE9, v35  }
0x26a: {  	v30 =	vadd.s32 v31, v30;
	v49 =	vmul.u32 $0xFFFFFFD7, v36;
	v33 =	vmul.u32 $0xFFFFFFE1, v33  }
0x26b: {  	v27 =	vadd.s32 v27, v32;
	v51 =	vadd.s32 v29, v34;
	v52 =	vadd.s32 v29, v35  }
0x26c: {  	[tilespmem:s16+$0x200] =	vst v25;
	v53 =	vadd.s32 v29, v49;
	v54 =	vadd.s32 v29, v33;
	vm1 =	vgt.s32 v51, $0x24  }
0x26d: {  	[tilespmem:s16+$0x400] =	vst v24;
	vm2 =	vgt.s32 v53, $0x28;
	v55 =	vadd.s32 $0xFFFFFFD7, v53;
	v56 =	vadd.s32 $0xFFFFFFDB, v51  }
0x26e: {  	[tilespmem:s16+$0x210] =	vst v28;
	v58 =	vadd.s32 $0xFFFFFFE1, v54;
	v24 =	vsel vm2, v55, v53;
	vm2 =	vgt.s32 v54, $0x1E  }
0x26f: {  	[tilespmem:s16+$0x410] =	vst v26;
	v24 =	vmul.u32 $0x25, v24;
	v25 =	vsel vm2, v58, v54;
	vm2 =	vgt.s32 v52, $0x16  }
0x270: {  	[tilespmem:s16+$0x220] =	vst v30;
	v59 =	vsel vm1, v56, v51;
	v25 =	vmul.u32 $0x17, v25;
	v60 =	vsel vm2, $0x5D6, v10  }
0x271: {  	[tilespmem:s16+$0x420] =	vst v27;
	v24 =	vadd.s32 v59, v24;
	v61 =	vadd.s32 v52, v60  }
0x272: {  	v25 =	vadd.s32 v25, v61;
	[tilespmem:s16+$0x230] =	vst v24  }
0x273: {  	s20 =	sadd.s32 $0x200, s16;
	s18 =	sadd.s32 $0x1, s18;
	s19 =	sadd.s32 $0x800, s19;
	[tilespmem:s16+$0x430] =	vst v25  }
0x274: {  	[tilespmem:s19], [sflag:s18] =	stream.indirect.gather [hbm4b:s0+s8], $0x20, s20, s8, $0xb8;
	[tilespmem:$0x10600] =	vst v63  }
0x275: {  	s31 =	sadd.s32 $0x400, s16;
	s17 =	sadd.s32 $0x800, s17;
	s16 =	simm.s32 $0x0  }
0x276: {  	[tilespmem:s17], [sflag:s18] =	stream.indirect.gather [hbm4b:s0+s8], $0x20, s31, s8, $0xb8;
	[tilespmem:$0x10600] =	vst v63  }
.LBB2_4:
0x277: {  	v15 =	vld [tilespmem:$0x1FB10]  }
0x278: {  	v6 =	vld [tilespmem:$0x1FB50]  }
0x279: {  	v5 =	vld [tilespmem:$0x1FB40]  }
0x27a: {  	v0 =	vld [tilespmem:$0x1FB30]  }
0x27b: {  	v16 =	vld [tilespmem:$0x1FB20];
	_ =	swait.ge [sflag:s15], $0x800  }
0x27c: {  	[sflag:s15] =	ssyncset.done $0x0;
	v32 =	vmov v63;
	v63 =	vlaneseq.u32  }
0x27d: {  	[sflag:s15] =	ssyncadd.s32 $0xFFFFF800;
	v24 =	vor.u32 s16, v63  }
0x27e: {  	_ =	swait.ge [sflag:s15], $0x800;
	v39 =	vshll.u32 v24, $0x5  }
0x27f: {  	v45 =	vld [tilespmem:$0x1F980];
	v25 =	vor.u32 v63, v39;
	_ =	sdelay $0x2  }
0x280: {  	[sflag:s15] =	ssyncset.done $0x0  }
0x281: {  	[sflag:s15] =	ssyncadd.s32 $0xFFFFF800;
	v38 =	vand.u32 $0x1C8, v24  }
0x282: {  	v26 =	vor.u32 v45, v38;
	v34 =	vld.idx.msk [tilespmem:v25+s9+$0x0], $0xffff  }
0x283: {  	v2 =	vld [tilespmem:$0x1F990]  }
0x284: {  	v60 =	vld [tilespmem:$0x1FEA0];
	_ =	sdelay $0x2  }
0x285: {  	[tilespmem:v26+s10+$0x0] =	vst.idx.msk $0xffff, v34  }
0x286: {  	v35 =	vor.u32 v2, v38;
	v24 =	vld.idx.msk [tilespmem:v25+s11+$0x0], $0xffff  }
0x287: {  	v53 =	vld [tilespmem:$0x1F9A0];
	v36 =	vor.u32 v60, v39;
	_ =	sdelay $0x3  }
0x288: {  	[tilespmem:v35+s10+$0x0] =	vst.idx.msk $0xffff, v24  }
0x289: {  	v37 =	vor.u32 v53, v38;
	v24 =	vld.idx.msk [tilespmem:v36+s9+$0x0], $0xffff  }
0x28a: {  	v2 =	vld [tilespmem:$0x1F9B0]  }
0x28b: {  	v59 =	vld [tilespmem:$0x1FEB0];
	_ =	sdelay $0x2  }
0x28c: {  	[tilespmem:v37+s10+$0x0] =	vst.idx.msk $0xffff, v24  }
0x28d: {  	v43 =	vor.u32 v2, v38;
	v24 =	vld.idx.msk [tilespmem:v36+s11+$0x0], $0xffff  }
0x28e: {  	v44 =	vor.u32 v59, v39;
	v2 =	vld [tilespmem:$0x1F9C0];
	_ =	sdelay $0x3  }
0x28f: {  	[tilespmem:v43+s10+$0x0] =	vst.idx.msk $0xffff, v24  }
0x290: {  	v45 =	vor.u32 v2, v38;
	v24 =	vld.idx.msk [tilespmem:v44+s9+$0x0], $0xffff;
	_ =	sdelay $0x1  }
0x291: {  	v11 =	vld [tilespmem:$0x1FEC0];
	_ =	sdelay $0x2  }
0x292: {  	[tilespmem:v45+s10+$0x0] =	vst.idx.msk $0xffff, v24  }
0x293: {  	v20 =	vmov v46;
	v46 =	vor.u32 v12, v38;
	v24 =	vld.idx.msk [tilespmem:v44+s11+$0x0], $0xffff  }
0x294: {  	v47 =	vor.u32 v11, v39;
	v2 =	vld [tilespmem:$0x1F9E0];
	_ =	sdelay $0x3  }
0x295: {  	[tilespmem:v46+s10+$0x0] =	vst.idx.msk $0xffff, v24  }
0x296: {  	v48 =	vor.u32 v2, v38;
	v24 =	vld.idx.msk [tilespmem:v47+s9+$0x0], $0xffff  }
0x297: {  	v2 =	vld [tilespmem:$0x1F9F0]  }
0x298: {  	v12 =	vld [tilespmem:$0x1FED0];
	_ =	sdelay $0x2  }
0x299: {  	[tilespmem:v48+s10+$0x0] =	vst.idx.msk $0xffff, v24  }
0x29a: {  	v49 =	vor.u32 v2, v38;
	v24 =	vld.idx.msk [tilespmem:v47+s11+$0x0], $0xffff  }
0x29b: {  	v51 =	vor.u32 v12, v39;
	_ =	sdelay $0x3  }
0x29c: {  	[tilespmem:v49+s10+$0x0] =	vst.idx.msk $0xffff, v24  }
0x29d: {  	v52 =	vor.u32 v13, v38;
	v24 =	vld.idx.msk [tilespmem:v51+s9+$0x0], $0xffff  }
0x29e: {  	v2 =	vld [tilespmem:$0x1FA00]  }
0x29f: {  	v43 =	vld [tilespmem:$0x1FEE0];
	_ =	sdelay $0x2  }
0x2a0: {  	[tilespmem:v52+s10+$0x0] =	vst.idx.msk $0xffff, v24  }
0x2a1: {  	v53 =	vor.u32 v2, v38;
	v24 =	vld.idx.msk [tilespmem:v51+s11+$0x0], $0xffff  }
0x2a2: {  	v2 =	vld [tilespmem:$0x1FA10];
	v54 =	vor.u32 v43, v39;
	_ =	sdelay $0x3  }
0x2a3: {  	[tilespmem:v53+s10+$0x0] =	vst.idx.msk $0xffff, v24  }
0x2a4: {  	v55 =	vor.u32 v2, v38;
	v24 =	vld.idx.msk [tilespmem:v54+s9+$0x0], $0xffff;
	_ =	sdelay $0x1  }
0x2a5: {  	v46 =	vld [tilespmem:$0x1FEF0];
	_ =	sdelay $0x2  }
0x2a6: {  	[tilespmem:v55+s10+$0x0] =	vst.idx.msk $0xffff, v24  }
0x2a7: {  	v56 =	vor.u32 v62, v38;
	v24 =	vld.idx.msk [tilespmem:v54+s11+$0x0], $0xffff  }
0x2a8: {  	v2 =	vld [tilespmem:$0x1FA30];
	v58 =	vor.u32 v46, v39;
	_ =	sdelay $0x3  }
0x2a9: {  	[tilespmem:v56+s10+$0x0] =	vst.idx.msk $0xffff, v24  }
0x2aa: {  	v61 =	vor.u32 v2, v38;
	v24 =	vld.idx.msk [tilespmem:v58+s9+$0x0], $0xffff  }
0x2ab: {  	v2 =	vld [tilespmem:$0x1FA50]  }
0x2ac: {  	v23 =	vld [tilespmem:$0x1FF00];
	_ =	sdelay $0x2  }
0x2ad: {  	[tilespmem:v61+s10+$0x0] =	vst.idx.msk $0xffff, v24  }
0x2ae: {  	v62 =	vor.u32 v2, v38;
	v24 =	vld.idx.msk [tilespmem:v58+s11+$0x0], $0xffff  }
0x2af: {  	v21 =	vor.u32 v23, v39;
	v2 =	vld [tilespmem:$0x1FA60];
	_ =	sdelay $0x3  }
0x2b0: {  	[tilespmem:v62+s10+$0x0] =	vst.idx.msk $0xffff, v24  }
0x2b1: {  	v22 =	vor.u32 v2, v38;
	v24 =	vld.idx.msk [tilespmem:v21+s9+$0x0], $0xffff  }
0x2b2: {  	v2 =	vld [tilespmem:$0x1FA70]  }
0x2b3: {  	v14 =	vld [tilespmem:$0x1FF10];
	_ =	sdelay $0x2  }
0x2b4: {  	[tilespmem:v22+s10+$0x0] =	vst.idx.msk $0xffff, v24  }
0x2b5: {  	v28 =	vor.u32 v2, v38;
	v24 =	vld.idx.msk [tilespmem:v21+s11+$0x0], $0xffff  }
0x2b6: {  	v29 =	vor.u32 v14, v39;
	v2 =	vld [tilespmem:$0x1FA80];
	_ =	sdelay $0x3  }
0x2b7: {  	[tilespmem:v28+s10+$0x0] =	vst.idx.msk $0xffff, v24  }
0x2b8: {  	v30 =	vor.u32 v2, v38;
	v24 =	vld.idx.msk [tilespmem:v29+s9+$0x0], $0xffff  }
0x2b9: {  	v13 =	vld [tilespmem:$0x1FA90]  }
0x2ba: {  	v19 =	vld [tilespmem:$0x1FF20];
	_ =	sdelay $0x2  }
0x2bb: {  	v2 =	vld [tilespmem:$0x1FAB0];
	[tilespmem:v30+s10+$0x0] =	vst.idx.msk $0xffff, v24  }
0x2bc: {  	v31 =	vor.u32 v13, v38;
	v24 =	vld.idx.msk [tilespmem:v29+s11+$0x0], $0xffff  }
0x2bd: {  	v33 =	vor.u32 v19, v39;
	v44 =	vld [tilespmem:$0x1FAA0];
	_ =	sdelay $0x3  }
0x2be: {  	v35 =	vor.u32 v2, v38;
	v2 =	vld [tilespmem:$0x1FF30];
	[tilespmem:v31+s10+$0x0] =	vst.idx.msk $0xffff, v24  }
0x2bf: {  	v34 =	vor.u32 v44, v38;
	v24 =	vld.idx.msk [tilespmem:v33+s9+$0x0], $0xffff;
	_ =	sdelay $0x4  }
0x2c0: {  	v36 =	vor.u32 v2, v39;
	v2 =	vld [tilespmem:$0x1FAD0];
	[tilespmem:v34+s10+$0x0] =	vst.idx.msk $0xffff, v24  }
0x2c1: {  	v24 =	vld.idx.msk [tilespmem:v33+s11+$0x0], $0xffff  }
0x2c2: {  	v4 =	vld [tilespmem:$0x1FAC0];
	_ =	sdelay $0x3  }
0x2c3: {  	v45 =	vor.u32 v2, v38;
	v2 =	vld [tilespmem:$0x1FF40];
	[tilespmem:v35+s10+$0x0] =	vst.idx.msk $0xffff, v24  }
0x2c4: {  	v37 =	vor.u32 v4, v38;
	v24 =	vld.idx.msk [tilespmem:v36+s9+$0x0], $0xffff;
	_ =	sdelay $0x3  }
0x2c5: {  	v47 =	vor.u32 v2, v39;
	v2 =	vld [tilespmem:$0x1FAE0]  }
0x2c6: {  	[tilespmem:v37+s10+$0x0] =	vst.idx.msk $0xffff, v24  }
0x2c7: {  	v24 =	vld.idx.msk [tilespmem:v36+s11+$0x0], $0xffff;
	_ =	sdelay $0x2  }
0x2c8: {  	v48 =	vor.u32 v2, v38;
	v2 =	vld [tilespmem:$0x1FAF0];
	_ =	sdelay $0x1  }
0x2c9: {  	[tilespmem:v45+s10+$0x0] =	vst.idx.msk $0xffff, v24  }
0x2ca: {  	v24 =	vld.idx.msk [tilespmem:v47+s9+$0x0], $0xffff;
	_ =	sdelay $0x1  }
0x2cb: {  	v49 =	vor.u32 v2, v38;
	v2 =	vld [tilespmem:$0x1FF50];
	_ =	sdelay $0x2  }
0x2cc: {  	[tilespmem:v48+s10+$0x0] =	vst.idx.msk $0xffff, v24  }
0x2cd: {  	v24 =	vld.idx.msk [tilespmem:v47+s11+$0x0], $0xffff  }
0x2ce: {  	v9 =	vld [tilespmem:$0x1FB00];
	v51 =	vor.u32 v2, v39;
	_ =	sdelay $0x3  }
0x2cf: {  	[tilespmem:v49+s10+$0x0] =	vst.idx.msk $0xffff, v24  }
0x2d0: {  	v52 =	vor.u32 v9, v38;
	v24 =	vld.idx.msk [tilespmem:v51+s9+$0x0], $0xffff;
	_ =	sdelay $0x4  }
0x2d1: {  	[tilespmem:v52+s10+$0x0] =	vst.idx.msk $0xffff, v24  }
0x2d2: {  	v53 =	vor.u32 v15, v38;
	v2 =	vadd.s32 $0xD, v63;
	v25 =	vld.idx.msk [tilespmem:v51+s11+$0x0], $0xffff  }
0x2d3: {  	v27 =	vor.u32 v2, v39;
	_ =	sdelay $0x3  }
0x2d4: {  	[tilespmem:v53+s10+$0x0] =	vst.idx.msk $0xffff, v25  }
0x2d5: {  	v54 =	vor.u32 v42, v38;
	v25 =	vld.idx.msk [tilespmem:v27+s9+$0x0], $0xffff;
	_ =	sdelay $0x4  }
0x2d6: {  	[tilespmem:v54+s10+$0x0] =	vst.idx.msk $0xffff, v25  }
0x2d7: {  	v18 =	vadd.s32 $0xE, v63;
	v55 =	vor.u32 v41, v38;
	v26 =	vld.idx.msk [tilespmem:v27+s11+$0x0], $0xffff  }
0x2d8: {  	v28 =	vor.u32 v18, v39;
	_ =	sdelay $0x3  }
0x2d9: {  	[tilespmem:v55+s10+$0x0] =	vst.idx.msk $0xffff, v26  }
0x2da: {  	v56 =	vor.u32 v16, v38;
	v26 =	vld.idx.msk [tilespmem:v28+s9+$0x0], $0xffff;
	_ =	sdelay $0x4  }
0x2db: {  	[tilespmem:v56+s10+$0x0] =	vst.idx.msk $0xffff, v26  }
0x2dc: {  	v58 =	vor.u32 v0, v38;
	v0 =	vadd.s32 $0xF, v63;
	v27 =	vld.idx.msk [tilespmem:v28+s11+$0x0], $0xffff  }
0x2dd: {  	v29 =	vor.u32 v0, v39;
	_ =	sdelay $0x3  }
0x2de: {  	[tilespmem:v58+s10+$0x0] =	vst.idx.msk $0xffff, v27  }
0x2df: {  	v61 =	vor.u32 v5, v38;
	v27 =	vld.idx.msk [tilespmem:v29+s9+$0x0], $0xffff;
	_ =	sdelay $0x4  }
0x2e0: {  	[tilespmem:v61+s10+$0x0] =	vst.idx.msk $0xffff, v27  }
0x2e1: {  	[tilespmem:$0x1F8A0] =	vst v0;
	v62 =	vor.u32 v6, v38;
	v0 =	vor.u32 $0x10, v63;
	v28 =	vld.idx.msk [tilespmem:v29+s11+$0x0], $0xffff  }
0x2e2: {  	v30 =	vor.u32 v0, v39;
	_ =	sdelay $0x2  }
0x2e3: {  	v5 =	vld [tilespmem:$0x1FDA0];
	[tilespmem:$0x1F8B0] =	vst v0  }
0x2e4: {  	v0 =	vld [tilespmem:$0x1FD90];
	[tilespmem:v62+s10+$0x0] =	vst.idx.msk $0xffff, v28  }
0x2e5: {  	v21 =	vor.u32 v57, v38;
	v28 =	vld.idx.msk [tilespmem:v30+s9+$0x0], $0xffff;
	_ =	sdelay $0x3  }
0x2e6: {  	v35 =	vsel vm0, v3, v5  }
0x2e7: {  	v7 =	vcombine.low v0, v35;
	[tilespmem:v21+s10+$0x0] =	vst.idx.msk $0xffff, v28  }
0x2e8: {  	v22 =	vor.u32 v20, v38;
	v29 =	vld.idx.msk [tilespmem:v30+s11+$0x0], $0xffff  }
0x2e9: {  	v31 =	vor.u32 v7, v39  }
0x2ea: {  	v1 =	vld [tilespmem:$0x1FDD0]  }
0x2eb: {  	v0 =	vld [tilespmem:$0x1FDC0];
	_ =	sdelay $0x1  }
0x2ec: {  	[tilespmem:v22+s10+$0x0] =	vst.idx.msk $0xffff, v29  }
0x2ed: {  	v24 =	vor.u32 v8, v38;
	v29 =	vld.idx.msk [tilespmem:v31+s9+$0x0], $0xffff  }
0x2ee: {  	v36 =	vsel vm0, v32, v1  }
0x2ef: {  	v0 =	vcombine.low v0, v36;
	_ =	sdelay $0x1  }
0x2f0: {  	[tilespmem:$0x1F840] =	vst v0  }
0x2f1: {  	v26 =	vor.u32 v0, v39;
	v0 =	vld [tilespmem:$0x1FB60];
	[tilespmem:v24+s10+$0x0] =	vst.idx.msk $0xffff, v29  }
0x2f2: {  	v25 =	vor.u32 v50, v38;
	v30 =	vld.idx.msk [tilespmem:v31+s11+$0x0], $0xffff;
	_ =	sdelay $0x2  }
0x2f3: {  	v6 =	vld [tilespmem:$0x1FE00]  }
0x2f4: {  	v33 =	vld [tilespmem:$0x1FE40]  }
0x2f5: {  	v27 =	vor.u32 v0, v38;
	v0 =	vld [tilespmem:$0x1FDF0];
	[tilespmem:v25+s10+$0x0] =	vst.idx.msk $0xffff, v30  }
0x2f6: {  	v30 =	vld.idx.msk [tilespmem:v26+s9+$0x0], $0xffff  }
0x2f7: {  	v16 =	vld [tilespmem:$0x1FB70];
	_ =	sdelay $0x2  }
0x2f8: {  	v37 =	vsel vm0, v33, v6  }
0x2f9: {  	v0 =	vcombine.low v0, v37;
	[tilespmem:v27+s10+$0x0] =	vst.idx.msk $0xffff, v30  }
0x2fa: {  	v29 =	vor.u32 v16, v38;
	v31 =	vld.idx.msk [tilespmem:v26+s11+$0x0], $0xffff  }
0x2fb: {  	v41 =	vor.u32 v0, v39;
	v21 =	vld [tilespmem:$0x1FB80];
	_ =	sdelay $0x3  }
0x2fc: {  	[tilespmem:v29+s10+$0x0] =	vst.idx.msk $0xffff, v31  }
0x2fd: {  	v42 =	vor.u32 v21, v38;
	v31 =	vld.idx.msk [tilespmem:v41+s9+$0x0], $0xffff  }
0x2fe: {  	v24 =	vld [tilespmem:$0x1FBA0];
	_ =	sdelay $0x2  }
0x2ff: {  	[tilespmem:$0x1F850] =	vst v0  }
0x300: {  	v0 =	vld [tilespmem:$0x1FBB0];
	[tilespmem:v42+s10+$0x0] =	vst.idx.msk $0xffff, v31  }
0x301: {  	v45 =	vor.u32 v24, v38;
	v31 =	vld.idx.msk [tilespmem:v41+s11+$0x0], $0xffff  }
0x302: {  	v47 =	vor.u32 v40, v39;
	_ =	sdelay $0x3  }
0x303: {  	v48 =	vor.u32 v0, v38;
	v0 =	vld [tilespmem:$0x1FE10];
	[tilespmem:v45+s10+$0x0] =	vst.idx.msk $0xffff, v31  }
0x304: {  	v31 =	vld.idx.msk [tilespmem:v47+s9+$0x0], $0xffff  }
0x305: {  	v27 =	vld [tilespmem:$0x1FBD0];
	_ =	sdelay $0x2  }
0x306: {  	v34 =	vsel vm0, v5, v17  }
0x307: {  	v26 =	vcombine.low v34, v0;
	v0 =	vld [tilespmem:$0x1FBF0];
	[tilespmem:v48+s10+$0x0] =	vst.idx.msk $0xffff, v31  }
0x308: {  	v49 =	vor.u32 v27, v38;
	v32 =	vld.idx.msk [tilespmem:v47+s11+$0x0], $0xffff  }
0x309: {  	v34 =	vor.u32 v26, v39;
	_ =	sdelay $0x2  }
0x30a: {  	v22 =	vld [tilespmem:$0x1FDB0]  }
0x30b: {  	v50 =	vor.u32 v0, v38;
	v0 =	vld [tilespmem:$0x1FE30];
	[tilespmem:v49+s10+$0x0] =	vst.idx.msk $0xffff, v32  }
0x30c: {  	v32 =	vld.idx.msk [tilespmem:v34+s9+$0x0], $0xffff  }
0x30d: {  	v58 =	vld [tilespmem:$0x1FC10];
	_ =	sdelay $0x1  }
0x30e: {  	v51 =	vsel vm0, v1, v22  }
0x30f: {  	v57 =	vcombine.low v51, v0;
	v0 =	vld [tilespmem:$0x1FDE0]  }
0x310: {  	[tilespmem:v50+s10+$0x0] =	vst.idx.msk $0xffff, v32  }
0x311: {  	v52 =	vor.u32 v58, v38;
	v33 =	vld.idx.msk [tilespmem:v34+s11+$0x0], $0xffff  }
0x312: {  	v29 =	vld [tilespmem:$0x1FC20];
	v40 =	vor.u32 v57, v39;
	_ =	sdelay $0x1  }
0x313: {  	v54 =	vsel vm0, v6, v0;
	v0 =	vld [tilespmem:$0x1FE50];
	_ =	sdelay $0x1  }
0x314: {  	[tilespmem:v52+s10+$0x0] =	vst.idx.msk $0xffff, v33  }
0x315: {  	v53 =	vor.u32 v29, v38;
	v33 =	vld.idx.msk [tilespmem:v40+s9+$0x0], $0xffff  }
0x316: {  	v25 =	vld [tilespmem:$0x1FC30]  }
0x317: {  	v0 =	vcombine.low v54, v0;
	_ =	sdelay $0x1  }
0x318: {  	[tilespmem:$0x1F860] =	vst v0  }
0x319: {  	v41 =	vor.u32 v0, v39;
	v0 =	vld [tilespmem:$0x1FC50];
	[tilespmem:v53+s10+$0x0] =	vst.idx.msk $0xffff, v33  }
0x31a: {  	v55 =	vor.u32 v25, v38;
	v34 =	vld.idx.msk [tilespmem:v40+s11+$0x0], $0xffff;
	_ =	sdelay $0x2  }
0x31b: {  	v61 =	vld [tilespmem:$0x1F920]  }
0x31c: {  	v47 =	vld [tilespmem:$0x1F930]  }
0x31d: {  	v56 =	vor.u32 v0, v38;
	v0 =	vld [tilespmem:$0x1FE60];
	[tilespmem:v55+s10+$0x0] =	vst.idx.msk $0xffff, v34  }
0x31e: {  	v34 =	vld.idx.msk [tilespmem:v41+s9+$0x0], $0xffff  }
0x31f: {  	v49 =	vld [tilespmem:$0x1FC60];
	_ =	sdelay $0x2  }
0x320: {  	v42 =	vsel vm0, v61, v47  }
0x321: {  	v48 =	vcombine.low v42, v0;
	[tilespmem:v56+s10+$0x0] =	vst.idx.msk $0xffff, v34  }
0x322: {  	v62 =	vor.u32 v49, v38;
	v40 =	vld.idx.msk [tilespmem:v41+s11+$0x0], $0xffff  }
0x323: {  	v30 =	vld [tilespmem:$0x1FC70];
	v42 =	vor.u32 v48, v39;
	_ =	sdelay $0x3  }
0x324: {  	v0 =	vld [tilespmem:$0x1FE70];
	[tilespmem:v62+s10+$0x0] =	vst.idx.msk $0xffff, v40  }
0x325: {  	v20 =	vor.u32 v30, v38;
	v40 =	vld.idx.msk [tilespmem:v42+s9+$0x0], $0xffff  }
0x326: {  	v47 =	vld [tilespmem:$0x1FC80];
	_ =	sdelay $0x3  }
0x327: {  	v31 =	vcombine.low v35, v0;
	[tilespmem:v20+s10+$0x0] =	vst.idx.msk $0xffff, v40  }
0x328: {  	v22 =	vor.u32 v47, v38;
	v40 =	vld.idx.msk [tilespmem:v42+s11+$0x0], $0xffff  }
0x329: {  	v32 =	vld [tilespmem:$0x1FC90];
	v28 =	vor.u32 v31, v39;
	_ =	sdelay $0x3  }
0x32a: {  	v0 =	vld [tilespmem:$0x1FE80];
	[tilespmem:v22+s10+$0x0] =	vst.idx.msk $0xffff, v40  }
0x32b: {  	v34 =	vor.u32 v32, v38;
	v40 =	vld.idx.msk [tilespmem:v28+s9+$0x0], $0xffff  }
0x32c: {  	v50 =	vld [tilespmem:$0x1FCA0];
	_ =	sdelay $0x3  }
0x32d: {  	v15 =	vcombine.low v36, v0;
	[tilespmem:v34+s10+$0x0] =	vst.idx.msk $0xffff, v40  }
0x32e: {  	v35 =	vor.u32 v50, v38;
	v40 =	vld.idx.msk [tilespmem:v28+s11+$0x0], $0xffff  }
0x32f: {  	v36 =	vor.u32 v15, v39;
	v34 =	vld [tilespmem:$0x1FCB0];
	_ =	sdelay $0x3  }
0x330: {  	v0 =	vld [tilespmem:$0x1FE90];
	[tilespmem:v35+s10+$0x0] =	vst.idx.msk $0xffff, v40  }
0x331: {  	v45 =	vor.u32 v34, v38;
	v40 =	vld.idx.msk [tilespmem:v36+s9+$0x0], $0xffff  }
0x332: {  	v55 =	vld [tilespmem:$0x1FCC0];
	_ =	sdelay $0x3  }
0x333: {  	v62 =	vcombine.low v37, v0;
	[tilespmem:v45+s10+$0x0] =	vst.idx.msk $0xffff, v40  }
0x334: {  	v51 =	vor.u32 v55, v38;
	v40 =	vld.idx.msk [tilespmem:v36+s11+$0x0], $0xffff  }
0x335: {  	v61 =	vld [tilespmem:$0x1FCE0];
	v52 =	vor.u32 v62, v39;
	_ =	sdelay $0x3  }
0x336: {  	[tilespmem:v51+s10+$0x0] =	vst.idx.msk $0xffff, v40  }
0x337: {  	v53 =	vor.u32 v61, v38;
	v40 =	vld.idx.msk [tilespmem:v52+s9+$0x0], $0xffff  }
0x338: {  	v20 =	vld [tilespmem:$0x1FCF0]  }
0x339: {  	v0 =	vld [tilespmem:$0x1F8E0];
	_ =	sdelay $0x2  }
0x33a: {  	[tilespmem:v53+s10+$0x0] =	vst.idx.msk $0xffff, v40  }
0x33b: {  	v54 =	vor.u32 v20, v38;
	v40 =	vld.idx.msk [tilespmem:v52+s11+$0x0], $0xffff  }
0x33c: {  	v56 =	vor.u32 v0, v39;
	v0 =	vld [tilespmem:$0x1FD00];
	_ =	sdelay $0x3  }
0x33d: {  	[tilespmem:v54+s10+$0x0] =	vst.idx.msk $0xffff, v40  }
0x33e: {  	v22 =	vor.u32 v0, v38;
	v40 =	vld.idx.msk [tilespmem:v56+s9+$0x0], $0xffff  }
0x33f: {  	v0 =	vld [tilespmem:$0x1FD10]  }
0x340: {  	v45 =	vld [tilespmem:$0x1F8F0];
	_ =	sdelay $0x2  }
0x341: {  	[tilespmem:v22+s10+$0x0] =	vst.idx.msk $0xffff, v40  }
0x342: {  	v28 =	vor.u32 v0, v38;
	v40 =	vld.idx.msk [tilespmem:v56+s11+$0x0], $0xffff  }
0x343: {  	v33 =	vor.u32 v45, v39;
	v51 =	vld [tilespmem:$0x1FD20];
	_ =	sdelay $0x3  }
0x344: {  	[tilespmem:v28+s10+$0x0] =	vst.idx.msk $0xffff, v40  }
0x345: {  	v35 =	vor.u32 v51, v38;
	v40 =	vld.idx.msk [tilespmem:v33+s9+$0x0], $0xffff  }
0x346: {  	v52 =	vld [tilespmem:$0x1FD30]  }
0x347: {  	v53 =	vld [tilespmem:$0x1F900];
	_ =	sdelay $0x2  }
0x348: {  	[tilespmem:v35+s10+$0x0] =	vst.idx.msk $0xffff, v40  }
0x349: {  	v36 =	vor.u32 v52, v38;
	v40 =	vld.idx.msk [tilespmem:v33+s11+$0x0], $0xffff  }
0x34a: {  	v37 =	vor.u32 v53, v39;
	v54 =	vld [tilespmem:$0x1FD40];
	_ =	sdelay $0x3  }
0x34b: {  	[tilespmem:v36+s10+$0x0] =	vst.idx.msk $0xffff, v40  }
0x34c: {  	v22 =	vor.u32 v54, v38;
	v40 =	vld.idx.msk [tilespmem:v37+s9+$0x0], $0xffff  }
0x34d: {  	v0 =	vld [tilespmem:$0x1FD50]  }
0x34e: {  	v56 =	vld [tilespmem:$0x1F910];
	_ =	sdelay $0x2  }
0x34f: {  	[tilespmem:v22+s10+$0x0] =	vst.idx.msk $0xffff, v40  }
0x350: {  	v28 =	vor.u32 v0, v38;
	v40 =	vld.idx.msk [tilespmem:v37+s11+$0x0], $0xffff  }
0x351: {  	v39 =	vor.u32 v56, v39;
	v0 =	vld [tilespmem:$0x1FD70];
	_ =	sdelay $0x3  }
0x352: {  	[tilespmem:v28+s10+$0x0] =	vst.idx.msk $0xffff, v40  }
0x353: {  	v33 =	vor.u32 v0, v38;
	v40 =	vld.idx.msk [tilespmem:v39+s9+$0x0], $0xffff  }
0x354: {  	v0 =	vld [tilespmem:$0x1FD80];
	_ =	sdelay $0x2  }
0x355: {  	s17 =	sadd.s32 $0x10, s16  }
0x356: {  	v35 =	vor.u32 s17, v63;
	[tilespmem:v33+s10+$0x0] =	vst.idx.msk $0xffff, v40  }
0x357: {  	v38 =	vor.u32 v0, v38;
	v41 =	vld.idx.msk [tilespmem:v39+s11+$0x0], $0xffff;
	v39 =	vshll.u32 v35, $0x5  }
0x358: {  	v0 =	vld [tilespmem:$0x1F980];
	v22 =	vor.u32 v63, v39;
	_ =	sdelay $0x3  }
0x359: {  	[tilespmem:v38+s10+$0x0] =	vst.idx.msk $0xffff, v41;
	v38 =	vand.u32 $0x1D8, v35  }
0x35a: {  	v28 =	vld.idx.msk [tilespmem:v22+s9+$0x0], $0xffff;
	v33 =	vor.u32 v0, v38  }
0x35b: {  	v0 =	vld [tilespmem:$0x1F990];
	_ =	sdelay $0x3  }
0x35c: {  	[tilespmem:v33+s10+$0x0] =	vst.idx.msk $0xffff, v28  }
0x35d: {  	v35 =	vor.u32 v0, v38;
	v40 =	vld.idx.msk [tilespmem:v22+s11+$0x0], $0xffff  }
0x35e: {  	v36 =	vor.u32 v60, v39;
	v0 =	vld [tilespmem:$0x1F9A0];
	_ =	sdelay $0x3  }
0x35f: {  	[tilespmem:v35+s10+$0x0] =	vst.idx.msk $0xffff, v40  }
0x360: {  	v37 =	vor.u32 v0, v38;
	v40 =	vld.idx.msk [tilespmem:v36+s9+$0x0], $0xffff  }
0x361: {  	v0 =	vld [tilespmem:$0x1F9B0];
	_ =	sdelay $0x3  }
0x362: {  	[tilespmem:v37+s10+$0x0] =	vst.idx.msk $0xffff, v40  }
0x363: {  	v22 =	vor.u32 v0, v38;
	v40 =	vld.idx.msk [tilespmem:v36+s11+$0x0], $0xffff  }
0x364: {  	v28 =	vor.u32 v59, v39;
	v0 =	vld [tilespmem:$0x1F9C0];
	_ =	sdelay $0x3  }
0x365: {  	[tilespmem:v22+s10+$0x0] =	vst.idx.msk $0xffff, v40  }
0x366: {  	v33 =	vor.u32 v0, v38;
	v40 =	vld.idx.msk [tilespmem:v28+s9+$0x0], $0xffff  }
0x367: {  	v0 =	vld [tilespmem:$0x1FFD0];
	_ =	sdelay $0x3  }
0x368: {  	[tilespmem:v33+s10+$0x0] =	vst.idx.msk $0xffff, v40  }
0x369: {  	v35 =	vor.u32 v0, v38;
	v40 =	vld.idx.msk [tilespmem:v28+s11+$0x0], $0xffff  }
0x36a: {  	v36 =	vor.u32 v11, v39;
	v0 =	vld [tilespmem:$0x1F9E0];
	_ =	sdelay $0x3  }
0x36b: {  	[tilespmem:v35+s10+$0x0] =	vst.idx.msk $0xffff, v40  }
0x36c: {  	v22 =	vor.u32 v0, v38;
	v40 =	vld.idx.msk [tilespmem:v36+s9+$0x0], $0xffff  }
0x36d: {  	v0 =	vld [tilespmem:$0x1F9F0];
	_ =	sdelay $0x3  }
0x36e: {  	[tilespmem:v22+s10+$0x0] =	vst.idx.msk $0xffff, v40  }
0x36f: {  	v28 =	vor.u32 v0, v38;
	v40 =	vld.idx.msk [tilespmem:v36+s11+$0x0], $0xffff  }
0x370: {  	v0 =	vld [tilespmem:$0x1FFE0];
	v36 =	vor.u32 v12, v39;
	_ =	sdelay $0x3  }
0x371: {  	[tilespmem:v28+s10+$0x0] =	vst.idx.msk $0xffff, v40  }
0x372: {  	v22 =	vor.u32 v0, v38;
	v40 =	vld.idx.msk [tilespmem:v36+s9+$0x0], $0xffff  }
0x373: {  	v0 =	vld [tilespmem:$0x1FA00];
	_ =	sdelay $0x3  }
0x374: {  	[tilespmem:v22+s10+$0x0] =	vst.idx.msk $0xffff, v40  }
0x375: {  	v28 =	vor.u32 v0, v38;
	v40 =	vld.idx.msk [tilespmem:v36+s11+$0x0], $0xffff  }
0x376: {  	v35 =	vor.u32 v43, v39;
	v0 =	vld [tilespmem:$0x1FA10];
	_ =	sdelay $0x3  }
0x377: {  	[tilespmem:v28+s10+$0x0] =	vst.idx.msk $0xffff, v40  }
0x378: {  	v36 =	vor.u32 v0, v38;
	v40 =	vld.idx.msk [tilespmem:v35+s9+$0x0], $0xffff;
	_ =	sdelay $0x1  }
0x379: {  	[tilespmem:$0x1F830] =	vst v2  }
0x37a: {  	[tilespmem:$0x1F870] =	vst v48  }
0x37b: {  	[tilespmem:$0x1F880] =	vst v15  }
0x37c: {  	[tilespmem:v36+s10+$0x0] =	vst.idx.msk $0xffff, v40  }
0x37d: {  	v0 =	vld [tilespmem:$0x1FFF0];
	_ =	sdelay $0x4  }
0x37e: {  	v40 =	vld.idx.msk [tilespmem:v35+s11+$0x0], $0xffff;
	v22 =	vor.u32 v0, v38  }
0x37f: {  	v28 =	vor.u32 v46, v39;
	v0 =	vld [tilespmem:$0x1FA30];
	_ =	sdelay $0x3  }
0x380: {  	[tilespmem:v22+s10+$0x0] =	vst.idx.msk $0xffff, v40  }
0x381: {  	v36 =	vor.u32 v0, v38;
	v40 =	vld.idx.msk [tilespmem:v28+s9+$0x0], $0xffff  }
0x382: {  	v0 =	vld [tilespmem:$0x1FA50];
	_ =	sdelay $0x3  }
0x383: {  	[tilespmem:v36+s10+$0x0] =	vst.idx.msk $0xffff, v40  }
0x384: {  	v35 =	vmov v46;
	v46 =	vor.u32 v0, v38;
	v40 =	vld.idx.msk [tilespmem:v28+s11+$0x0], $0xffff  }
0x385: {  	v22 =	vor.u32 v23, v39;
	v0 =	vld [tilespmem:$0x1FA60];
	_ =	sdelay $0x3  }
0x386: {  	[tilespmem:v46+s10+$0x0] =	vst.idx.msk $0xffff, v40  }
0x387: {  	v28 =	vor.u32 v0, v38;
	v40 =	vld.idx.msk [tilespmem:v22+s9+$0x0], $0xffff  }
0x388: {  	v0 =	vld [tilespmem:$0x1FA70];
	_ =	sdelay $0x3  }
0x389: {  	[tilespmem:v28+s10+$0x0] =	vst.idx.msk $0xffff, v40  }
0x38a: {  	v36 =	vor.u32 v0, v38;
	v40 =	vld.idx.msk [tilespmem:v22+s11+$0x0], $0xffff  }
0x38b: {  	v46 =	vor.u32 v14, v39;
	v0 =	vld [tilespmem:$0x1FA80];
	_ =	sdelay $0x3  }
0x38c: {  	[tilespmem:v36+s10+$0x0] =	vst.idx.msk $0xffff, v40  }
0x38d: {  	v22 =	vor.u32 v0, v38;
	v40 =	vld.idx.msk [tilespmem:v46+s9+$0x0], $0xffff;
	_ =	sdelay $0x4  }
0x38e: {  	[tilespmem:v22+s10+$0x0] =	vst.idx.msk $0xffff, v40  }
0x38f: {  	v28 =	vor.u32 v13, v38;
	v40 =	vld.idx.msk [tilespmem:v46+s11+$0x0], $0xffff  }
0x390: {  	v36 =	vor.u32 v19, v39;
	_ =	sdelay $0x3  }
0x391: {  	[tilespmem:v28+s10+$0x0] =	vst.idx.msk $0xffff, v40  }
0x392: {  	v8 =	vmov v44;
	v44 =	vor.u32 v44, v38;
	v40 =	vld.idx.msk [tilespmem:v36+s9+$0x0], $0xffff  }
0x393: {  	v6 =	vld [tilespmem:$0x1FAB0]  }
0x394: {  	v5 =	vld [tilespmem:$0x1FF30];
	_ =	sdelay $0x2  }
0x395: {  	[tilespmem:v44+s10+$0x0] =	vst.idx.msk $0xffff, v40  }
0x396: {  	v46 =	vor.u32 v6, v38;
	v40 =	vld.idx.msk [tilespmem:v36+s11+$0x0], $0xffff  }
0x397: {  	v22 =	vor.u32 v5, v39;
	_ =	sdelay $0x3  }
0x398: {  	[tilespmem:v46+s10+$0x0] =	vst.idx.msk $0xffff, v40  }
0x399: {  	v28 =	vor.u32 v4, v38;
	v40 =	vld.idx.msk [tilespmem:v22+s9+$0x0], $0xffff  }
0x39a: {  	v4 =	vld [tilespmem:$0x1FAD0]  }
0x39b: {  	v3 =	vld [tilespmem:$0x1FF40];
	_ =	sdelay $0x2  }
0x39c: {  	[tilespmem:v28+s10+$0x0] =	vst.idx.msk $0xffff, v40  }
0x39d: {  	v36 =	vor.u32 v4, v38;
	v40 =	vld.idx.msk [tilespmem:v22+s11+$0x0], $0xffff  }
0x39e: {  	v2 =	vld [tilespmem:$0x1FAE0];
	v46 =	vor.u32 v3, v39;
	_ =	sdelay $0x3  }
0x39f: {  	[tilespmem:v36+s10+$0x0] =	vst.idx.msk $0xffff, v40  }
0x3a0: {  	v22 =	vor.u32 v2, v38;
	v40 =	vld.idx.msk [tilespmem:v46+s9+$0x0], $0xffff  }
0x3a1: {  	v33 =	vmov v12;
	v12 =	vld [tilespmem:$0x1FAF0]  }
0x3a2: {  	v1 =	vld [tilespmem:$0x1FF50];
	_ =	sdelay $0x2  }
0x3a3: {  	[tilespmem:v22+s10+$0x0] =	vst.idx.msk $0xffff, v40  }
0x3a4: {  	v28 =	vor.u32 v12, v38;
	v40 =	vld.idx.msk [tilespmem:v46+s11+$0x0], $0xffff  }
0x3a5: {  	v36 =	vor.u32 v1, v39;
	_ =	sdelay $0x3  }
0x3a6: {  	[tilespmem:v28+s10+$0x0] =	vst.idx.msk $0xffff, v40  }
0x3a7: {  	v44 =	vor.u32 v9, v38;
	v40 =	vld.idx.msk [tilespmem:v36+s9+$0x0], $0xffff  }
0x3a8: {  	v46 =	vld [tilespmem:$0x1FB10]  }
0x3a9: {  	v0 =	vmov v9;
	v9 =	vld [tilespmem:$0x1F830];
	_ =	sdelay $0x2  }
0x3aa: {  	[tilespmem:v44+s10+$0x0] =	vst.idx.msk $0xffff, v40  }
0x3ab: {  	v28 =	vor.u32 v46, v38;
	v40 =	vld.idx.msk [tilespmem:v36+s11+$0x0], $0xffff  }
0x3ac: {  	v41 =	vld [tilespmem:$0x1FFC0];
	v36 =	vor.u32 v9, v39;
	_ =	sdelay $0x3  }
0x3ad: {  	[tilespmem:v28+s10+$0x0] =	vst.idx.msk $0xffff, v40  }
0x3ae: {  	v44 =	vor.u32 v41, v38;
	v40 =	vld.idx.msk [tilespmem:v36+s9+$0x0], $0xffff  }
0x3af: {  	v46 =	vld [tilespmem:$0x1FF70];
	_ =	sdelay $0x3  }
0x3b0: {  	[tilespmem:v44+s10+$0x0] =	vst.idx.msk $0xffff, v40  }
0x3b1: {  	v28 =	vor.u32 v46, v38;
	v40 =	vld.idx.msk [tilespmem:v36+s11+$0x0], $0xffff  }
0x3b2: {  	v46 =	vld [tilespmem:$0x1FB20];
	v36 =	vor.u32 v18, v39;
	_ =	sdelay $0x3  }
0x3b3: {  	[tilespmem:v28+s10+$0x0] =	vst.idx.msk $0xffff, v40  }
0x3b4: {  	v22 =	vor.u32 v46, v38;
	v40 =	vld.idx.msk [tilespmem:v36+s9+$0x0], $0xffff  }
0x3b5: {  	v28 =	vld [tilespmem:$0x1FB30]  }
0x3b6: {  	v44 =	vld [tilespmem:$0x1F8A0];
	_ =	sdelay $0x2  }
0x3b7: {  	[tilespmem:v22+s10+$0x0] =	vst.idx.msk $0xffff, v40  }
0x3b8: {  	v40 =	vld.idx.msk [tilespmem:v36+s11+$0x0], $0xffff;
	v36 =	vor.u32 v28, v38  }
0x3b9: {  	v46 =	vor.u32 v44, v39;
	v28 =	vld [tilespmem:$0x1FB40];
	_ =	sdelay $0x3  }
0x3ba: {  	[tilespmem:v36+s10+$0x0] =	vst.idx.msk $0xffff, v40  }
0x3bb: {  	v36 =	vor.u32 v28, v38;
	v40 =	vld.idx.msk [tilespmem:v46+s9+$0x0], $0xffff;
	_ =	sdelay $0x4  }
0x3bc: {  	[tilespmem:v36+s10+$0x0] =	vst.idx.msk $0xffff, v40  }
0x3bd: {  	v40 =	vld.idx.msk [tilespmem:v46+s11+$0x0], $0xffff  }
0x3be: {  	v46 =	vld [tilespmem:$0x1FB50]  }
0x3bf: {  	v37 =	vmov v11;
	v11 =	vld [tilespmem:$0x1F8B0];
	_ =	sdelay $0x3  }
0x3c0: {  	v28 =	vor.u32 v46, v38  }
0x3c1: {  	v36 =	vor.u32 v11, v39;
	v46 =	vld [tilespmem:$0x1FF80];
	_ =	sdelay $0x3  }
0x3c2: {  	[tilespmem:v28+s10+$0x0] =	vst.idx.msk $0xffff, v40  }
0x3c3: {  	v22 =	vor.u32 v46, v38;
	v40 =	vld.idx.msk [tilespmem:v36+s9+$0x0], $0xffff  }
0x3c4: {  	v28 =	vld [tilespmem:$0x1FF90];
	_ =	sdelay $0x3  }
0x3c5: {  	[tilespmem:v22+s10+$0x0] =	vst.idx.msk $0xffff, v40  }
0x3c6: {  	v40 =	vld.idx.msk [tilespmem:v36+s11+$0x0], $0xffff;
	v36 =	vor.u32 v28, v38  }
0x3c7: {  	v46 =	vor.u32 v7, v39;
	v28 =	vld [tilespmem:$0x1FFB0];
	_ =	sdelay $0x3  }
0x3c8: {  	[tilespmem:v36+s10+$0x0] =	vst.idx.msk $0xffff, v40  }
0x3c9: {  	v36 =	vor.u32 v28, v38;
	v40 =	vld.idx.msk [tilespmem:v46+s9+$0x0], $0xffff;
	_ =	sdelay $0x4  }
0x3ca: {  	[tilespmem:v36+s10+$0x0] =	vst.idx.msk $0xffff, v40  }
0x3cb: {  	v40 =	vld.idx.msk [tilespmem:v46+s11+$0x0], $0xffff  }
0x3cc: {  	v46 =	vld [tilespmem:$0x1FFA0]  }
0x3cd: {  	v17 =	vmov v14;
	v14 =	vld [tilespmem:$0x1F840];
	_ =	sdelay $0x3  }
0x3ce: {  	v28 =	vor.u32 v46, v38  }
0x3cf: {  	v36 =	vor.u32 v14, v39;
	v46 =	vld [tilespmem:$0x1FB60];
	_ =	sdelay $0x3  }
0x3d0: {  	[tilespmem:v28+s10+$0x0] =	vst.idx.msk $0xffff, v40  }
0x3d1: {  	v28 =	vor.u32 v46, v38;
	v40 =	vld.idx.msk [tilespmem:v36+s9+$0x0], $0xffff;
	_ =	sdelay $0x1  }
0x3d2: {  	v13 =	vmov v19;
	v19 =	vld [tilespmem:$0x1F850];
	_ =	sdelay $0x2  }
0x3d3: {  	[tilespmem:v28+s10+$0x0] =	vst.idx.msk $0xffff, v40  }
0x3d4: {  	v40 =	vld.idx.msk [tilespmem:v36+s11+$0x0], $0xffff;
	v36 =	vor.u32 v16, v38  }
0x3d5: {  	v46 =	vor.u32 v19, v39;
	_ =	sdelay $0x3  }
0x3d6: {  	[tilespmem:v36+s10+$0x0] =	vst.idx.msk $0xffff, v40  }
0x3d7: {  	v22 =	vor.u32 v21, v38;
	v40 =	vld.idx.msk [tilespmem:v46+s9+$0x0], $0xffff;
	_ =	sdelay $0x1  }
0x3d8: {  	v28 =	vld [tilespmem:$0x1F960];
	_ =	sdelay $0x2  }
0x3d9: {  	[tilespmem:v22+s10+$0x0] =	vst.idx.msk $0xffff, v40  }
0x3da: {  	v24 =	vor.u32 v24, v38;
	v40 =	vld.idx.msk [tilespmem:v46+s11+$0x0], $0xffff  }
0x3db: {  	v16 =	vld [tilespmem:$0x1FBB0];
	v36 =	vor.u32 v28, v39;
	_ =	sdelay $0x3  }
0x3dc: {  	[tilespmem:v24+s10+$0x0] =	vst.idx.msk $0xffff, v40  }
0x3dd: {  	v46 =	vor.u32 v16, v38;
	v40 =	vld.idx.msk [tilespmem:v36+s9+$0x0], $0xffff;
	_ =	sdelay $0x4  }
0x3de: {  	[tilespmem:v46+s10+$0x0] =	vst.idx.msk $0xffff, v40  }
0x3df: {  	v21 =	vor.u32 v27, v38;
	v40 =	vld.idx.msk [tilespmem:v36+s11+$0x0], $0xffff  }
0x3e0: {  	v22 =	vor.u32 v26, v39;
	v46 =	vld [tilespmem:$0x1FBF0];
	_ =	sdelay $0x3  }
0x3e1: {  	[tilespmem:v21+s10+$0x0] =	vst.idx.msk $0xffff, v40  }
0x3e2: {  	v24 =	vor.u32 v46, v38;
	v40 =	vld.idx.msk [tilespmem:v22+s9+$0x0], $0xffff;
	_ =	sdelay $0x4  }
0x3e3: {  	[tilespmem:v24+s10+$0x0] =	vst.idx.msk $0xffff, v40  }
0x3e4: {  	v28 =	vor.u32 v58, v38;
	v40 =	vld.idx.msk [tilespmem:v22+s11+$0x0], $0xffff  }
0x3e5: {  	v36 =	vor.u32 v57, v39;
	_ =	sdelay $0x3  }
0x3e6: {  	[tilespmem:v28+s10+$0x0] =	vst.idx.msk $0xffff, v40  }
0x3e7: {  	v21 =	vor.u32 v29, v38;
	v40 =	vld.idx.msk [tilespmem:v36+s9+$0x0], $0xffff;
	_ =	sdelay $0x1  }
0x3e8: {  	v24 =	vld [tilespmem:$0x1F860];
	_ =	sdelay $0x2  }
0x3e9: {  	[tilespmem:v21+s10+$0x0] =	vst.idx.msk $0xffff, v40  }
0x3ea: {  	v22 =	vor.u32 v25, v38;
	v40 =	vld.idx.msk [tilespmem:v36+s11+$0x0], $0xffff  }
0x3eb: {  	v28 =	vor.u32 v24, v39;
	v21 =	vld [tilespmem:$0x1FC50];
	_ =	sdelay $0x3  }
0x3ec: {  	[tilespmem:v22+s10+$0x0] =	vst.idx.msk $0xffff, v40  }
0x3ed: {  	v36 =	vor.u32 v21, v38;
	v40 =	vld.idx.msk [tilespmem:v28+s9+$0x0], $0xffff;
	_ =	sdelay $0x4  }
0x3ee: {  	[tilespmem:v36+s10+$0x0] =	vst.idx.msk $0xffff, v40  }
0x3ef: {  	v22 =	vor.u32 v49, v38;
	v40 =	vld.idx.msk [tilespmem:v28+s11+$0x0], $0xffff  }
0x3f0: {  	v28 =	vor.u32 v48, v39;
	_ =	sdelay $0x3  }
0x3f1: {  	[tilespmem:v22+s10+$0x0] =	vst.idx.msk $0xffff, v40  }
0x3f2: {  	v36 =	vor.u32 v30, v38;
	v40 =	vld.idx.msk [tilespmem:v28+s9+$0x0], $0xffff;
	_ =	sdelay $0x4  }
0x3f3: {  	[tilespmem:v36+s10+$0x0] =	vst.idx.msk $0xffff, v40  }
0x3f4: {  	v22 =	vor.u32 v47, v38;
	v40 =	vld.idx.msk [tilespmem:v28+s11+$0x0], $0xffff  }
0x3f5: {  	v28 =	vor.u32 v31, v39;
	_ =	sdelay $0x3  }
0x3f6: {  	[tilespmem:v22+s10+$0x0] =	vst.idx.msk $0xffff, v40  }
0x3f7: {  	v48 =	vmov v30;
	v30 =	vor.u32 v32, v38;
	v40 =	vld.idx.msk [tilespmem:v28+s9+$0x0], $0xffff;
	_ =	sdelay $0x4  }
0x3f8: {  	[tilespmem:v30+s10+$0x0] =	vst.idx.msk $0xffff, v40  }
0x3f9: {  	v47 =	vmov v31;
	v31 =	vor.u32 v50, v38;
	v40 =	vld.idx.msk [tilespmem:v28+s11+$0x0], $0xffff  }
0x3fa: {  	v36 =	vmov v32;
	v32 =	vor.u32 v15, v39;
	_ =	sdelay $0x3  }
0x3fb: {  	[tilespmem:v31+s10+$0x0] =	vst.idx.msk $0xffff, v40  }
0x3fc: {  	v28 =	vmov v50;
	v50 =	vor.u32 v34, v38;
	v40 =	vld.idx.msk [tilespmem:v32+s9+$0x0], $0xffff;
	_ =	sdelay $0x4  }
0x3fd: {  	[tilespmem:v50+s10+$0x0] =	vst.idx.msk $0xffff, v40  }
0x3fe: {  	v34 =	vmov v55;
	v55 =	vor.u32 v55, v38;
	v40 =	vld.idx.msk [tilespmem:v32+s11+$0x0], $0xffff  }
0x3ff: {  	v22 =	vor.u32 v62, v39;
	_ =	sdelay $0x3  }
0x400: {  	[tilespmem:v55+s10+$0x0] =	vst.idx.msk $0xffff, v40  }
0x401: {  	v30 =	vor.u32 v61, v38;
	v40 =	vld.idx.msk [tilespmem:v22+s9+$0x0], $0xffff;
	_ =	sdelay $0x1  }
0x402: {  	v55 =	vld [tilespmem:$0x1F8E0];
	_ =	sdelay $0x2  }
0x403: {  	[tilespmem:v30+s10+$0x0] =	vst.idx.msk $0xffff, v40  }
0x404: {  	v50 =	vor.u32 v20, v38;
	v40 =	vld.idx.msk [tilespmem:v22+s11+$0x0], $0xffff  }
0x405: {  	v31 =	vmov v61;
	v61 =	vor.u32 v55, v39;
	v30 =	vld [tilespmem:$0x1FD00];
	_ =	sdelay $0x3  }
0x406: {  	[tilespmem:v50+s10+$0x0] =	vst.idx.msk $0xffff, v40  }
0x407: {  	v32 =	vmov v62;
	v62 =	vmov v20;
	v20 =	vor.u32 v30, v38;
	v40 =	vld.idx.msk [tilespmem:v61+s9+$0x0], $0xffff  }
0x408: {  	v50 =	vld [tilespmem:$0x1FD10];
	_ =	sdelay $0x3  }
0x409: {  	[tilespmem:v20+s10+$0x0] =	vst.idx.msk $0xffff, v40  }
0x40a: {  	v22 =	vor.u32 v50, v38;
	v40 =	vld.idx.msk [tilespmem:v61+s11+$0x0], $0xffff  }
0x40b: {  	v45 =	vor.u32 v45, v39;
	_ =	sdelay $0x3  }
0x40c: {  	[tilespmem:v22+s10+$0x0] =	vst.idx.msk $0xffff, v40  }
0x40d: {  	v51 =	vor.u32 v51, v38;
	v40 =	vld.idx.msk [tilespmem:v45+s9+$0x0], $0xffff;
	_ =	sdelay $0x4  }
0x40e: {  	[tilespmem:v51+s10+$0x0] =	vst.idx.msk $0xffff, v40  }
0x40f: {  	v61 =	vor.u32 v52, v38;
	v40 =	vld.idx.msk [tilespmem:v45+s11+$0x0], $0xffff  }
0x410: {  	v20 =	vor.u32 v53, v39;
	_ =	sdelay $0x3  }
0x411: {  	[tilespmem:v61+s10+$0x0] =	vst.idx.msk $0xffff, v40  }
0x412: {  	v22 =	vor.u32 v54, v38;
	v40 =	vld.idx.msk [tilespmem:v20+s9+$0x0], $0xffff;
	_ =	sdelay $0x4  }
0x413: {  	[tilespmem:v22+s10+$0x0] =	vst.idx.msk $0xffff, v40  }
0x414: {  	v40 =	vld.idx.msk [tilespmem:v20+s11+$0x0], $0xffff  }
0x415: {  	v20 =	vld [tilespmem:$0x1FD50];
	_ =	sdelay $0x4  }
0x416: {  	v45 =	vor.u32 v20, v38  }
0x417: {  	v39 =	vor.u32 v56, v39;
	v61 =	vld [tilespmem:$0x1FD70];
	_ =	sdelay $0x3  }
0x418: {  	[tilespmem:v45+s10+$0x0] =	vst.idx.msk $0xffff, v40  }
0x419: {  	v51 =	vmovc v53;
	v53 =	vmov v54;
	v54 =	vmov v56;
	v56 =	vor.u32 v61, v38;
	v40 =	vld.idx.msk [tilespmem:v39+s9+$0x0], $0xffff  }
0x41a: {  	v45 =	vld [tilespmem:$0x1FD80];
	_ =	sdelay $0x2  }
0x41b: {  	s30 =	sadd.s32 $0x20, s16  }
0x41c: {  	v22 =	vor.u32 s30, v63;
	[tilespmem:v56+s10+$0x0] =	vst.idx.msk $0xffff, v40  }
0x41d: {  	v38 =	vor.u32 v45, v38;
	v41 =	vld.idx.msk [tilespmem:v39+s11+$0x0], $0xffff;
	v39 =	vshll.u32 v22, $0x5  }
0x41e: {  	v15 =	vld [tilespmem:$0x1F980];
	v42 =	vor.u32 v63, v39;
	_ =	sdelay $0x3  }
0x41f: {  	[tilespmem:v38+s10+$0x0] =	vst.idx.msk $0xffff, v41;
	v38 =	vand.u32 $0x1E8, v22  }
0x420: {  	v56 =	vld.idx.msk [tilespmem:v42+s9+$0x0], $0xffff;
	v22 =	vor.u32 v15, v38  }
0x421: {  	v15 =	vld [tilespmem:$0x1F990];
	_ =	sdelay $0x3  }
0x422: {  	[tilespmem:v22+s10+$0x0] =	vst.idx.msk $0xffff, v56  }
0x423: {  	v56 =	vor.u32 v15, v38;
	v40 =	vld.idx.msk [tilespmem:v42+s11+$0x0], $0xffff  }
0x424: {  	v60 =	vor.u32 v60, v39;
	v15 =	vld [tilespmem:$0x1F9A0];
	_ =	sdelay $0x3  }
0x425: {  	[tilespmem:v56+s10+$0x0] =	vst.idx.msk $0xffff, v40  }
0x426: {  	v22 =	vor.u32 v15, v38;
	v40 =	vld.idx.msk [tilespmem:v60+s9+$0x0], $0xffff  }
0x427: {  	v15 =	vld [tilespmem:$0x1F9B0];
	_ =	sdelay $0x3  }
0x428: {  	[tilespmem:v22+s10+$0x0] =	vst.idx.msk $0xffff, v40  }
0x429: {  	v56 =	vor.u32 v15, v38;
	v40 =	vld.idx.msk [tilespmem:v60+s11+$0x0], $0xffff  }
0x42a: {  	v15 =	vld [tilespmem:$0x1F9C0];
	v60 =	vor.u32 v59, v39;
	_ =	sdelay $0x3  }
0x42b: {  	[tilespmem:v56+s10+$0x0] =	vst.idx.msk $0xffff, v40  }
0x42c: {  	v22 =	vor.u32 v15, v38;
	v40 =	vld.idx.msk [tilespmem:v60+s9+$0x0], $0xffff  }
0x42d: {  	v15 =	vld [tilespmem:$0x1FFD0];
	_ =	sdelay $0x3  }
0x42e: {  	[tilespmem:v22+s10+$0x0] =	vst.idx.msk $0xffff, v40  }
0x42f: {  	v56 =	vor.u32 v15, v38;
	v40 =	vld.idx.msk [tilespmem:v60+s11+$0x0], $0xffff  }
0x430: {  	v59 =	vor.u32 v37, v39;
	v15 =	vld [tilespmem:$0x1F9E0];
	_ =	sdelay $0x3  }
0x431: {  	[tilespmem:v56+s10+$0x0] =	vst.idx.msk $0xffff, v40  }
0x432: {  	v60 =	vor.u32 v15, v38;
	v40 =	vld.idx.msk [tilespmem:v59+s9+$0x0], $0xffff  }
0x433: {  	v15 =	vld [tilespmem:$0x1F9F0];
	_ =	sdelay $0x3  }
0x434: {  	[tilespmem:v60+s10+$0x0] =	vst.idx.msk $0xffff, v40  }
0x435: {  	v22 =	vor.u32 v15, v38;
	v40 =	vld.idx.msk [tilespmem:v59+s11+$0x0], $0xffff  }
0x436: {  	v37 =	vor.u32 v33, v39;
	v15 =	vld [tilespmem:$0x1FFE0];
	_ =	sdelay $0x3  }
0x437: {  	[tilespmem:v22+s10+$0x0] =	vst.idx.msk $0xffff, v40  }
0x438: {  	v56 =	vor.u32 v15, v38;
	v40 =	vld.idx.msk [tilespmem:v37+s9+$0x0], $0xffff  }
0x439: {  	v15 =	vld [tilespmem:$0x1FA00];
	_ =	sdelay $0x3  }
0x43a: {  	[tilespmem:v56+s10+$0x0] =	vst.idx.msk $0xffff, v40  }
0x43b: {  	v59 =	vor.u32 v15, v38;
	v40 =	vld.idx.msk [tilespmem:v37+s11+$0x0], $0xffff  }
0x43c: {  	v60 =	vor.u32 v43, v39;
	v15 =	vld [tilespmem:$0x1FA10];
	_ =	sdelay $0x3  }
0x43d: {  	[tilespmem:v59+s10+$0x0] =	vst.idx.msk $0xffff, v40  }
0x43e: {  	v22 =	vor.u32 v15, v38;
	v40 =	vld.idx.msk [tilespmem:v60+s9+$0x0], $0xffff  }
0x43f: {  	v15 =	vld [tilespmem:$0x1FFF0];
	_ =	sdelay $0x3  }
0x440: {  	[tilespmem:v22+s10+$0x0] =	vst.idx.msk $0xffff, v40  }
0x441: {  	v37 =	vor.u32 v15, v38;
	v40 =	vld.idx.msk [tilespmem:v60+s11+$0x0], $0xffff  }
0x442: {  	v56 =	vor.u32 v35, v39;
	v15 =	vld [tilespmem:$0x1FA30];
	_ =	sdelay $0x3  }
0x443: {  	[tilespmem:v37+s10+$0x0] =	vst.idx.msk $0xffff, v40  }
0x444: {  	v59 =	vor.u32 v15, v38;
	v40 =	vld.idx.msk [tilespmem:v56+s9+$0x0], $0xffff  }
0x445: {  	v15 =	vld [tilespmem:$0x1FA50];
	_ =	sdelay $0x3  }
0x446: {  	[tilespmem:v59+s10+$0x0] =	vst.idx.msk $0xffff, v40  }
0x447: {  	v60 =	vor.u32 v15, v38;
	v40 =	vld.idx.msk [tilespmem:v56+s11+$0x0], $0xffff  }
0x448: {  	v22 =	vor.u32 v23, v39;
	v15 =	vld [tilespmem:$0x1FA60];
	_ =	sdelay $0x3  }
0x449: {  	[tilespmem:v60+s10+$0x0] =	vst.idx.msk $0xffff, v40  }
0x44a: {  	v23 =	vor.u32 v15, v38;
	v40 =	vld.idx.msk [tilespmem:v22+s9+$0x0], $0xffff  }
0x44b: {  	v15 =	vld [tilespmem:$0x1FA70];
	_ =	sdelay $0x3  }
0x44c: {  	[tilespmem:v23+s10+$0x0] =	vst.idx.msk $0xffff, v40  }
0x44d: {  	v37 =	vor.u32 v15, v38;
	v40 =	vld.idx.msk [tilespmem:v22+s11+$0x0], $0xffff  }
0x44e: {  	v15 =	vld [tilespmem:$0x1FA80];
	v56 =	vor.u32 v17, v39;
	_ =	sdelay $0x3  }
0x44f: {  	[tilespmem:v37+s10+$0x0] =	vst.idx.msk $0xffff, v40  }
0x450: {  	v59 =	vor.u32 v15, v38;
	v40 =	vld.idx.msk [tilespmem:v56+s9+$0x0], $0xffff  }
0x451: {  	v15 =	vld [tilespmem:$0x1FA90];
	_ =	sdelay $0x3  }
0x452: {  	[tilespmem:v59+s10+$0x0] =	vst.idx.msk $0xffff, v40  }
0x453: {  	v60 =	vor.u32 v15, v38;
	v40 =	vld.idx.msk [tilespmem:v56+s11+$0x0], $0xffff  }
0x454: {  	v22 =	vor.u32 v13, v39;
	_ =	sdelay $0x3  }
0x455: {  	[tilespmem:v60+s10+$0x0] =	vst.idx.msk $0xffff, v40  }
0x456: {  	v23 =	vor.u32 v8, v38;
	v40 =	vld.idx.msk [tilespmem:v22+s9+$0x0], $0xffff;
	_ =	sdelay $0x4  }
0x457: {  	[tilespmem:v23+s10+$0x0] =	vst.idx.msk $0xffff, v40  }
0x458: {  	v37 =	vor.u32 v6, v38;
	v40 =	vld.idx.msk [tilespmem:v22+s11+$0x0], $0xffff  }
0x459: {  	v56 =	vor.u32 v5, v39;
	v5 =	vld [tilespmem:$0x1FAC0];
	_ =	sdelay $0x3  }
0x45a: {  	[tilespmem:v37+s10+$0x0] =	vst.idx.msk $0xffff, v40  }
0x45b: {  	v59 =	vor.u32 v5, v38;
	v40 =	vld.idx.msk [tilespmem:v56+s9+$0x0], $0xffff;
	_ =	sdelay $0x4  }
0x45c: {  	[tilespmem:v59+s10+$0x0] =	vst.idx.msk $0xffff, v40  }
0x45d: {  	v60 =	vor.u32 v4, v38;
	v40 =	vld.idx.msk [tilespmem:v56+s11+$0x0], $0xffff  }
0x45e: {  	v22 =	vor.u32 v3, v39;
	_ =	sdelay $0x3  }
0x45f: {  	[tilespmem:v60+s10+$0x0] =	vst.idx.msk $0xffff, v40  }
0x460: {  	v23 =	vor.u32 v2, v38;
	v40 =	vld.idx.msk [tilespmem:v22+s9+$0x0], $0xffff;
	_ =	sdelay $0x4  }
0x461: {  	[tilespmem:v23+s10+$0x0] =	vst.idx.msk $0xffff, v40  }
0x462: {  	v37 =	vor.u32 v12, v38;
	v40 =	vld.idx.msk [tilespmem:v22+s11+$0x0], $0xffff  }
0x463: {  	v56 =	vor.u32 v1, v39;
	_ =	sdelay $0x3  }
0x464: {  	[tilespmem:v37+s10+$0x0] =	vst.idx.msk $0xffff, v40  }
0x465: {  	v59 =	vor.u32 v0, v38;
	v40 =	vld.idx.msk [tilespmem:v56+s9+$0x0], $0xffff  }
0x466: {  	v60 =	vld [tilespmem:$0x1FB10];
	_ =	sdelay $0x3  }
0x467: {  	[tilespmem:v59+s10+$0x0] =	vst.idx.msk $0xffff, v40  }
0x468: {  	v23 =	vor.u32 v60, v38;
	v40 =	vld.idx.msk [tilespmem:v56+s11+$0x0], $0xffff  }
0x469: {  	v37 =	vor.u32 v9, v39;
	v56 =	vld [tilespmem:$0x1FFC0];
	_ =	sdelay $0x3  }
0x46a: {  	[tilespmem:v23+s10+$0x0] =	vst.idx.msk $0xffff, v40  }
0x46b: {  	v59 =	vor.u32 v56, v38;
	v40 =	vld.idx.msk [tilespmem:v37+s9+$0x0], $0xffff  }
0x46c: {  	v60 =	vld [tilespmem:$0x1FF70];
	_ =	sdelay $0x3  }
0x46d: {  	[tilespmem:v59+s10+$0x0] =	vst.idx.msk $0xffff, v40  }
0x46e: {  	v23 =	vor.u32 v60, v38;
	v40 =	vld.idx.msk [tilespmem:v37+s11+$0x0], $0xffff  }
0x46f: {  	v56 =	vld [tilespmem:$0x1FB20];
	v37 =	vor.u32 v18, v39;
	_ =	sdelay $0x3  }
0x470: {  	[tilespmem:v23+s10+$0x0] =	vst.idx.msk $0xffff, v40  }
0x471: {  	v59 =	vor.u32 v56, v38;
	v40 =	vld.idx.msk [tilespmem:v37+s9+$0x0], $0xffff  }
0x472: {  	v60 =	vld [tilespmem:$0x1FB30];
	_ =	sdelay $0x3  }
0x473: {  	[tilespmem:v59+s10+$0x0] =	vst.idx.msk $0xffff, v40  }
0x474: {  	v23 =	vor.u32 v60, v38;
	v40 =	vld.idx.msk [tilespmem:v37+s11+$0x0], $0xffff  }
0x475: {  	v56 =	vld [tilespmem:$0x1FB40];
	v37 =	vor.u32 v44, v39;
	_ =	sdelay $0x3  }
0x476: {  	[tilespmem:v23+s10+$0x0] =	vst.idx.msk $0xffff, v40  }
0x477: {  	v59 =	vor.u32 v56, v38;
	v40 =	vld.idx.msk [tilespmem:v37+s9+$0x0], $0xffff  }
0x478: {  	v60 =	vld [tilespmem:$0x1FB50];
	_ =	sdelay $0x3  }
0x479: {  	[tilespmem:v59+s10+$0x0] =	vst.idx.msk $0xffff, v40  }
0x47a: {  	v23 =	vor.u32 v60, v38;
	v40 =	vld.idx.msk [tilespmem:v37+s11+$0x0], $0xffff  }
0x47b: {  	v56 =	vld [tilespmem:$0x1FF80];
	v37 =	vor.u32 v11, v39;
	_ =	sdelay $0x3  }
0x47c: {  	[tilespmem:v23+s10+$0x0] =	vst.idx.msk $0xffff, v40  }
0x47d: {  	v59 =	vor.u32 v56, v38;
	v40 =	vld.idx.msk [tilespmem:v37+s9+$0x0], $0xffff  }
0x47e: {  	v60 =	vld [tilespmem:$0x1FF90];
	_ =	sdelay $0x3  }
0x47f: {  	[tilespmem:v59+s10+$0x0] =	vst.idx.msk $0xffff, v40  }
0x480: {  	v23 =	vor.u32 v60, v38;
	v40 =	vld.idx.msk [tilespmem:v37+s11+$0x0], $0xffff  }
0x481: {  	v56 =	vld [tilespmem:$0x1FFB0];
	v37 =	vor.u32 v7, v39;
	_ =	sdelay $0x3  }
0x482: {  	[tilespmem:v23+s10+$0x0] =	vst.idx.msk $0xffff, v40  }
0x483: {  	v59 =	vor.u32 v56, v38;
	v40 =	vld.idx.msk [tilespmem:v37+s9+$0x0], $0xffff  }
0x484: {  	v60 =	vld [tilespmem:$0x1FFA0];
	_ =	sdelay $0x3  }
0x485: {  	[tilespmem:v59+s10+$0x0] =	vst.idx.msk $0xffff, v40  }
0x486: {  	v40 =	vld.idx.msk [tilespmem:v37+s11+$0x0], $0xffff;
	v37 =	vor.u32 v60, v38  }
0x487: {  	v56 =	vor.u32 v14, v39;
	v59 =	vld [tilespmem:$0x1FB60];
	_ =	sdelay $0x3  }
0x488: {  	[tilespmem:v37+s10+$0x0] =	vst.idx.msk $0xffff, v40  }
0x489: {  	v60 =	vor.u32 v59, v38;
	v40 =	vld.idx.msk [tilespmem:v56+s9+$0x0], $0xffff  }
0x48a: {  	v23 =	vld [tilespmem:$0x1FB70];
	_ =	sdelay $0x3  }
0x48b: {  	[tilespmem:v60+s10+$0x0] =	vst.idx.msk $0xffff, v40  }
0x48c: {  	v22 =	vor.u32 v23, v38;
	v40 =	vld.idx.msk [tilespmem:v56+s11+$0x0], $0xffff  }
0x48d: {  	v33 =	vmov v43;
	v43 =	vld [tilespmem:$0x1FB80];
	v37 =	vor.u32 v19, v39;
	_ =	sdelay $0x3  }
0x48e: {  	[tilespmem:v22+s10+$0x0] =	vst.idx.msk $0xffff, v40  }
0x48f: {  	v56 =	vor.u32 v43, v38;
	v40 =	vld.idx.msk [tilespmem:v37+s9+$0x0], $0xffff  }
0x490: {  	v44 =	vld [tilespmem:$0x1FBA0]  }
0x491: {  	v60 =	vld [tilespmem:$0x1F960];
	_ =	sdelay $0x2  }
0x492: {  	[tilespmem:v56+s10+$0x0] =	vst.idx.msk $0xffff, v40  }
0x493: {  	v59 =	vor.u32 v44, v38;
	v40 =	vld.idx.msk [tilespmem:v37+s11+$0x0], $0xffff  }
0x494: {  	v22 =	vor.u32 v60, v39;
	_ =	sdelay $0x3  }
0x495: {  	[tilespmem:v59+s10+$0x0] =	vst.idx.msk $0xffff, v40  }
0x496: {  	v37 =	vor.u32 v16, v38;
	v40 =	vld.idx.msk [tilespmem:v22+s9+$0x0], $0xffff;
	_ =	sdelay $0x4  }
0x497: {  	[tilespmem:v37+s10+$0x0] =	vst.idx.msk $0xffff, v40  }
0x498: {  	v56 =	vor.u32 v27, v38;
	v40 =	vld.idx.msk [tilespmem:v22+s11+$0x0], $0xffff  }
0x499: {  	v59 =	vor.u32 v26, v39;
	_ =	sdelay $0x3  }
0x49a: {  	[tilespmem:v56+s10+$0x0] =	vst.idx.msk $0xffff, v40  }
0x49b: {  	v60 =	vor.u32 v46, v38;
	v40 =	vld.idx.msk [tilespmem:v59+s9+$0x0], $0xffff;
	_ =	sdelay $0x4  }
0x49c: {  	[tilespmem:v60+s10+$0x0] =	vst.idx.msk $0xffff, v40  }
0x49d: {  	[tilespmem:$0x1F8D0] =	vst v26;
	v26 =	vor.u32 v58, v38;
	v40 =	vld.idx.msk [tilespmem:v59+s11+$0x0], $0xffff  }
0x49e: {  	v22 =	vmov v46;
	v46 =	vor.u32 v57, v39;
	_ =	sdelay $0x3  }
0x49f: {  	[tilespmem:v26+s10+$0x0] =	vst.idx.msk $0xffff, v40  }
0x4a0: {  	v56 =	vor.u32 v29, v38;
	v40 =	vld.idx.msk [tilespmem:v46+s9+$0x0], $0xffff;
	_ =	sdelay $0x4  }
0x4a1: {  	[tilespmem:v56+s10+$0x0] =	vst.idx.msk $0xffff, v40  }
0x4a2: {  	v37 =	vmov v57;
	v57 =	vor.u32 v25, v38;
	v40 =	vld.idx.msk [tilespmem:v46+s11+$0x0], $0xffff  }
0x4a3: {  	v59 =	vor.u32 v24, v39;
	_ =	sdelay $0x3  }
0x4a4: {  	[tilespmem:v57+s10+$0x0] =	vst.idx.msk $0xffff, v40  }
0x4a5: {  	v60 =	vor.u32 v21, v38;
	v40 =	vld.idx.msk [tilespmem:v59+s9+$0x0], $0xffff;
	_ =	sdelay $0x1  }
0x4a6: {  	v4 =	vmov v12;
	v12 =	vmov v0;
	v0 =	vld [tilespmem:$0x1F870];
	_ =	sdelay $0x2  }
0x4a7: {  	[tilespmem:v60+s10+$0x0] =	vst.idx.msk $0xffff, v40  }
0x4a8: {  	[tilespmem:$0x1F8C0] =	vst v7;
	v7 =	vmov v24;
	v24 =	vor.u32 v49, v38;
	v40 =	vld.idx.msk [tilespmem:v59+s11+$0x0], $0xffff  }
0x4a9: {  	[tilespmem:$0x1F890] =	vst v18;
	v18 =	vmov v25;
	v25 =	vor.u32 v0, v39;
	_ =	sdelay $0x3  }
0x4aa: {  	[tilespmem:v24+s10+$0x0] =	vst.idx.msk $0xffff, v40  }
0x4ab: {  	v26 =	vor.u32 v48, v38;
	v40 =	vld.idx.msk [tilespmem:v25+s9+$0x0], $0xffff  }
0x4ac: {  	v6 =	vld [tilespmem:$0x1FC80];
	_ =	sdelay $0x3  }
0x4ad: {  	[tilespmem:v26+s10+$0x0] =	vst.idx.msk $0xffff, v40  }
0x4ae: {  	v46 =	vor.u32 v6, v38;
	v40 =	vld.idx.msk [tilespmem:v25+s11+$0x0], $0xffff  }
0x4af: {  	v48 =	vor.u32 v47, v39;
	_ =	sdelay $0x3  }
0x4b0: {  	[tilespmem:v46+s10+$0x0] =	vst.idx.msk $0xffff, v40  }
0x4b1: {  	v56 =	vor.u32 v36, v38;
	v40 =	vld.idx.msk [tilespmem:v48+s9+$0x0], $0xffff;
	_ =	sdelay $0x4  }
0x4b2: {  	[tilespmem:v56+s10+$0x0] =	vst.idx.msk $0xffff, v40  }
0x4b3: {  	v40 =	vld.idx.msk [tilespmem:v48+s11+$0x0], $0xffff  }
0x4b4: {  	v48 =	vld [tilespmem:$0x1F880];
	_ =	sdelay $0x3  }
0x4b5: {  	v57 =	vor.u32 v28, v38  }
0x4b6: {  	v2 =	vld [tilespmem:$0x1FCB0];
	v59 =	vor.u32 v48, v39;
	_ =	sdelay $0x3  }
0x4b7: {  	[tilespmem:v57+s10+$0x0] =	vst.idx.msk $0xffff, v40  }
0x4b8: {  	v60 =	vor.u32 v2, v38;
	v40 =	vld.idx.msk [tilespmem:v59+s9+$0x0], $0xffff;
	_ =	sdelay $0x4  }
0x4b9: {  	[tilespmem:v60+s10+$0x0] =	vst.idx.msk $0xffff, v40  }
0x4ba: {  	v24 =	vor.u32 v34, v38;
	v40 =	vld.idx.msk [tilespmem:v59+s11+$0x0], $0xffff  }
0x4bb: {  	v25 =	vor.u32 v32, v39;
	_ =	sdelay $0x3  }
0x4bc: {  	[tilespmem:v24+s10+$0x0] =	vst.idx.msk $0xffff, v40  }
0x4bd: {  	v26 =	vor.u32 v31, v38;
	v40 =	vld.idx.msk [tilespmem:v25+s9+$0x0], $0xffff;
	_ =	sdelay $0x4  }
0x4be: {  	[tilespmem:v26+s10+$0x0] =	vst.idx.msk $0xffff, v40  }
0x4bf: {  	v28 =	vor.u32 v62, v38;
	v40 =	vld.idx.msk [tilespmem:v25+s11+$0x0], $0xffff  }
0x4c0: {  	v46 =	vor.u32 v55, v39;
	_ =	sdelay $0x3  }
0x4c1: {  	[tilespmem:v28+s10+$0x0] =	vst.idx.msk $0xffff, v40  }
0x4c2: {  	v57 =	vor.u32 v30, v38;
	v40 =	vld.idx.msk [tilespmem:v46+s9+$0x0], $0xffff;
	_ =	sdelay $0x4  }
0x4c3: {  	v60 =	vld [tilespmem:$0x1F8F0];
	[tilespmem:v57+s10+$0x0] =	vst.idx.msk $0xffff, v40  }
0x4c4: {  	v59 =	vor.u32 v50, v38;
	v40 =	vld.idx.msk [tilespmem:v46+s11+$0x0], $0xffff;
	_ =	sdelay $0x4  }
0x4c5: {  	v56 =	vmov v62;
	v62 =	vor.u32 v60, v39;
	[tilespmem:v59+s10+$0x0] =	vst.idx.msk $0xffff, v40;
	v59 =	vld [tilespmem:$0x1FD20];
	_ =	sdelay $0x4  }
0x4c6: {  	v40 =	vld.idx.msk [tilespmem:v62+s9+$0x0], $0xffff;
	v24 =	vor.u32 v59, v38;
	_ =	sdelay $0x4  }
0x4c7: {  	[tilespmem:v24+s10+$0x0] =	vst.idx.msk $0xffff, v40  }
0x4c8: {  	v25 =	vor.u32 v52, v38;
	v40 =	vld.idx.msk [tilespmem:v62+s11+$0x0], $0xffff  }
0x4c9: {  	v26 =	vor.u32 v51, v39;
	_ =	sdelay $0x3  }
0x4ca: {  	[tilespmem:v25+s10+$0x0] =	vst.idx.msk $0xffff, v40  }
0x4cb: {  	v46 =	vor.u32 v53, v38;
	v40 =	vld.idx.msk [tilespmem:v26+s9+$0x0], $0xffff;
	_ =	sdelay $0x4  }
0x4cc: {  	[tilespmem:v46+s10+$0x0] =	vst.idx.msk $0xffff, v40  }
0x4cd: {  	v28 =	vmov v50;
	v50 =	vor.u32 v20, v38;
	v40 =	vld.idx.msk [tilespmem:v26+s11+$0x0], $0xffff  }
0x4ce: {  	v39 =	vor.u32 v54, v39;
	_ =	sdelay $0x3  }
0x4cf: {  	[tilespmem:v50+s10+$0x0] =	vst.idx.msk $0xffff, v40  }
0x4d0: {  	v57 =	vor.u32 v61, v38;
	v40 =	vld.idx.msk [tilespmem:v39+s9+$0x0], $0xffff;
	_ =	sdelay $0x4  }
0x4d1: {  	[tilespmem:v57+s10+$0x0] =	vst.idx.msk $0xffff, v40  }
0x4d2: {  	v38 =	vor.u32 v45, v38;
	v41 =	vld.idx.msk [tilespmem:v39+s11+$0x0], $0xffff  }
0x4d3: {  	v11 =	vld [tilespmem:$0x1F980];
	_ =	sdelay $0x1  }
0x4d4: {  	s31 =	sadd.s32 $0x30, s16  }
0x4d5: {  	v62 =	vor.u32 s31, v63  }
0x4d6: {  	[tilespmem:v38+s10+$0x0] =	vst.idx.msk $0xffff, v41;
	v38 =	vand.u32 $0x1F8, v62  }
0x4d7: {  	v26 =	vor.u32 v11, v38;
	v11 =	vld [tilespmem:$0x1F990];
	_ =	sdelay $0x4  }
0x4d8: {  	v39 =	vshll.u32 v62, $0x5;
	v46 =	vor.u32 v11, v38;
	v11 =	vld [tilespmem:$0x1FEA0]  }
0x4d9: {  	v24 =	vor.u32 v63, v39;
	_ =	sdelay $0x3  }
0x4da: {  	v50 =	vor.u32 v11, v39;
	v11 =	vld [tilespmem:$0x1F9A0]  }
0x4db: {  	v25 =	vld.idx.msk [tilespmem:v24+s9+$0x0], $0xffff;
	_ =	sdelay $0x3  }
0x4dc: {  	v57 =	vor.u32 v11, v38;
	v11 =	vld [tilespmem:$0x1F9B0]  }
0x4dd: {  	[tilespmem:v26+s10+$0x0] =	vst.idx.msk $0xffff, v25  }
0x4de: {  	v40 =	vld.idx.msk [tilespmem:v24+s11+$0x0], $0xffff;
	_ =	sdelay $0x2  }
0x4df: {  	v62 =	vor.u32 v11, v38;
	v11 =	vld [tilespmem:$0x1FEB0];
	_ =	sdelay $0x1  }
0x4e0: {  	[tilespmem:v46+s10+$0x0] =	vst.idx.msk $0xffff, v40  }
0x4e1: {  	v40 =	vld.idx.msk [tilespmem:v50+s9+$0x0], $0xffff;
	_ =	sdelay $0x1  }
0x4e2: {  	v63 =	vor.u32 v11, v39;
	v11 =	vld [tilespmem:$0x1F9C0];
	_ =	sdelay $0x2  }
0x4e3: {  	[tilespmem:v57+s10+$0x0] =	vst.idx.msk $0xffff, v40  }
0x4e4: {  	v40 =	vld.idx.msk [tilespmem:v50+s11+$0x0], $0xffff  }
0x4e5: {  	v24 =	vor.u32 v11, v38;
	v11 =	vld [tilespmem:$0x1FFD0];
	_ =	sdelay $0x4  }
0x4e6: {  	[tilespmem:v62+s10+$0x0] =	vst.idx.msk $0xffff, v40;
	v25 =	vor.u32 v11, v38;
	v11 =	vld [tilespmem:$0x1FEC0]  }
0x4e7: {  	v40 =	vld.idx.msk [tilespmem:v63+s9+$0x0], $0xffff;
	_ =	sdelay $0x3  }
0x4e8: {  	v26 =	vor.u32 v11, v39;
	v11 =	vld [tilespmem:$0x1F9E0]  }
0x4e9: {  	[tilespmem:v24+s10+$0x0] =	vst.idx.msk $0xffff, v40  }
0x4ea: {  	v40 =	vld.idx.msk [tilespmem:v63+s11+$0x0], $0xffff;
	_ =	sdelay $0x2  }
0x4eb: {  	v46 =	vor.u32 v11, v38;
	v11 =	vld [tilespmem:$0x1F9F0];
	_ =	sdelay $0x1  }
0x4ec: {  	[tilespmem:v25+s10+$0x0] =	vst.idx.msk $0xffff, v40  }
0x4ed: {  	v40 =	vld.idx.msk [tilespmem:v26+s9+$0x0], $0xffff;
	_ =	sdelay $0x1  }
0x4ee: {  	v50 =	vor.u32 v11, v38;
	v11 =	vld [tilespmem:$0x1FED0];
	_ =	sdelay $0x2  }
0x4ef: {  	[tilespmem:v46+s10+$0x0] =	vst.idx.msk $0xffff, v40  }
0x4f0: {  	v40 =	vld.idx.msk [tilespmem:v26+s11+$0x0], $0xffff  }
0x4f1: {  	v57 =	vor.u32 v11, v39  }
0x4f2: {  	v11 =	vld [tilespmem:$0x1FFE0];
	_ =	sdelay $0x2  }
0x4f3: {  	[tilespmem:v50+s10+$0x0] =	vst.idx.msk $0xffff, v40  }
0x4f4: {  	v40 =	vld.idx.msk [tilespmem:v57+s9+$0x0], $0xffff  }
0x4f5: {  	v62 =	vor.u32 v11, v38;
	v11 =	vld [tilespmem:$0x1FA00];
	_ =	sdelay $0x4  }
0x4f6: {  	[tilespmem:v62+s10+$0x0] =	vst.idx.msk $0xffff, v40;
	v63 =	vor.u32 v11, v38;
	v11 =	vld [tilespmem:$0x1FA10]  }
0x4f7: {  	v40 =	vld.idx.msk [tilespmem:v57+s11+$0x0], $0xffff  }
0x4f8: {  	v24 =	vor.u32 v33, v39;
	_ =	sdelay $0x3  }
0x4f9: {  	v25 =	vor.u32 v11, v38;
	v11 =	vld [tilespmem:$0x1FFF0];
	[tilespmem:v63+s10+$0x0] =	vst.idx.msk $0xffff, v40  }
0x4fa: {  	v40 =	vld.idx.msk [tilespmem:v24+s9+$0x0], $0xffff;
	_ =	sdelay $0x3  }
0x4fb: {  	v26 =	vor.u32 v11, v38;
	v11 =	vld [tilespmem:$0x1FA30]  }
0x4fc: {  	[tilespmem:v25+s10+$0x0] =	vst.idx.msk $0xffff, v40  }
0x4fd: {  	v40 =	vld.idx.msk [tilespmem:v24+s11+$0x0], $0xffff  }
0x4fe: {  	v33 =	vor.u32 v35, v39;
	_ =	sdelay $0x1  }
0x4ff: {  	v35 =	vor.u32 v11, v38;
	v11 =	vld [tilespmem:$0x1FA50];
	_ =	sdelay $0x1  }
0x500: {  	[tilespmem:v26+s10+$0x0] =	vst.idx.msk $0xffff, v40  }
0x501: {  	v40 =	vld.idx.msk [tilespmem:v33+s9+$0x0], $0xffff;
	_ =	sdelay $0x1  }
0x502: {  	v46 =	vor.u32 v11, v38;
	v11 =	vld [tilespmem:$0x1FF00];
	_ =	sdelay $0x2  }
0x503: {  	[tilespmem:v35+s10+$0x0] =	vst.idx.msk $0xffff, v40  }
0x504: {  	v40 =	vld.idx.msk [tilespmem:v33+s11+$0x0], $0xffff  }
0x505: {  	v50 =	vor.u32 v11, v39;
	v11 =	vld [tilespmem:$0x1FA60];
	_ =	sdelay $0x3  }
0x506: {  	[tilespmem:v46+s10+$0x0] =	vst.idx.msk $0xffff, v40  }
0x507: {  	v57 =	vor.u32 v11, v38;
	v40 =	vld.idx.msk [tilespmem:v50+s9+$0x0], $0xffff  }
0x508: {  	v11 =	vld [tilespmem:$0x1FA70];
	_ =	sdelay $0x3  }
0x509: {  	[tilespmem:v57+s10+$0x0] =	vst.idx.msk $0xffff, v40  }
0x50a: {  	v62 =	vor.u32 v11, v38;
	v40 =	vld.idx.msk [tilespmem:v50+s11+$0x0], $0xffff  }
0x50b: {  	v63 =	vor.u32 v17, v39;
	v11 =	vld [tilespmem:$0x1FA80];
	_ =	sdelay $0x3  }
0x50c: {  	[tilespmem:v62+s10+$0x0] =	vst.idx.msk $0xffff, v40  }
0x50d: {  	v24 =	vor.u32 v11, v38;
	v40 =	vld.idx.msk [tilespmem:v63+s9+$0x0], $0xffff;
	_ =	sdelay $0x4  }
0x50e: {  	[tilespmem:v24+s10+$0x0] =	vst.idx.msk $0xffff, v40  }
0x50f: {  	v25 =	vor.u32 v15, v38;
	v40 =	vld.idx.msk [tilespmem:v63+s11+$0x0], $0xffff  }
0x510: {  	v26 =	vor.u32 v13, v39;
	_ =	sdelay $0x1  }
0x511: {  	v33 =	vor.u32 v8, v38;
	v8 =	vld [tilespmem:$0x1FAB0];
	_ =	sdelay $0x1  }
0x512: {  	[tilespmem:v25+s10+$0x0] =	vst.idx.msk $0xffff, v40  }
0x513: {  	v40 =	vld.idx.msk [tilespmem:v26+s9+$0x0], $0xffff;
	_ =	sdelay $0x1  }
0x514: {  	v35 =	vor.u32 v8, v38;
	v8 =	vld [tilespmem:$0x1FF30];
	_ =	sdelay $0x2  }
0x515: {  	[tilespmem:v33+s10+$0x0] =	vst.idx.msk $0xffff, v40  }
0x516: {  	v40 =	vld.idx.msk [tilespmem:v26+s11+$0x0], $0xffff  }
0x517: {  	v46 =	vor.u32 v8, v39;
	_ =	sdelay $0x3  }
0x518: {  	[tilespmem:v35+s10+$0x0] =	vst.idx.msk $0xffff, v40  }
0x519: {  	v50 =	vor.u32 v5, v38;
	v40 =	vld.idx.msk [tilespmem:v46+s9+$0x0], $0xffff  }
0x51a: {  	v5 =	vld [tilespmem:$0x1FAD0];
	_ =	sdelay $0x3  }
0x51b: {  	[tilespmem:v50+s10+$0x0] =	vst.idx.msk $0xffff, v40  }
0x51c: {  	v57 =	vor.u32 v5, v38;
	v40 =	vld.idx.msk [tilespmem:v46+s11+$0x0], $0xffff  }
0x51d: {  	v62 =	vor.u32 v3, v39;
	v3 =	vld [tilespmem:$0x1FAE0];
	_ =	sdelay $0x3  }
0x51e: {  	[tilespmem:v57+s10+$0x0] =	vst.idx.msk $0xffff, v40  }
0x51f: {  	v63 =	vor.u32 v3, v38;
	v40 =	vld.idx.msk [tilespmem:v62+s9+$0x0], $0xffff;
	_ =	sdelay $0x4  }
0x520: {  	[tilespmem:v63+s10+$0x0] =	vst.idx.msk $0xffff, v40  }
0x521: {  	v24 =	vor.u32 v4, v38;
	v40 =	vld.idx.msk [tilespmem:v62+s11+$0x0], $0xffff  }
0x522: {  	v25 =	vor.u32 v1, v39;
	_ =	sdelay $0x3  }
0x523: {  	[tilespmem:v24+s10+$0x0] =	vst.idx.msk $0xffff, v40  }
0x524: {  	v26 =	vor.u32 v12, v38;
	v40 =	vld.idx.msk [tilespmem:v25+s9+$0x0], $0xffff  }
0x525: {  	v1 =	vld [tilespmem:$0x1FB10];
	_ =	sdelay $0x3  }
0x526: {  	[tilespmem:v26+s10+$0x0] =	vst.idx.msk $0xffff, v40  }
0x527: {  	v33 =	vor.u32 v1, v38;
	v40 =	vld.idx.msk [tilespmem:v25+s11+$0x0], $0xffff  }
0x528: {  	v42 =	vld [tilespmem:$0x1FFC0];
	v35 =	vor.u32 v9, v39;
	_ =	sdelay $0x3  }
0x529: {  	[tilespmem:v33+s10+$0x0] =	vst.idx.msk $0xffff, v40  }
0x52a: {  	v26 =	vor.u32 v42, v38;
	v40 =	vld.idx.msk [tilespmem:v35+s9+$0x0], $0xffff  }
0x52b: {  	v41 =	vld [tilespmem:$0x1FF70]  }
0x52c: {  	v1 =	vld [tilespmem:$0x1F890];
	_ =	sdelay $0x2  }
0x52d: {  	[tilespmem:v26+s10+$0x0] =	vst.idx.msk $0xffff, v40  }
0x52e: {  	v33 =	vor.u32 v41, v38;
	v24 =	vld.idx.msk [tilespmem:v35+s11+$0x0], $0xffff  }
0x52f: {  	v3 =	vld [tilespmem:$0x1FB20];
	v35 =	vor.u32 v1, v39;
	_ =	sdelay $0x3  }
0x530: {  	[tilespmem:v33+s10+$0x0] =	vst.idx.msk $0xffff, v24  }
0x531: {  	v33 =	vor.u32 v3, v38;
	v24 =	vld.idx.msk [tilespmem:v35+s9+$0x0], $0xffff  }
0x532: {  	v4 =	vld [tilespmem:$0x1FB30]  }
0x533: {  	v1 =	vld [tilespmem:$0x1F8A0];
	_ =	sdelay $0x2  }
0x534: {  	[tilespmem:v33+s10+$0x0] =	vst.idx.msk $0xffff, v24  }
0x535: {  	v24 =	vld.idx.msk [tilespmem:v35+s11+$0x0], $0xffff;
	v35 =	vor.u32 v4, v38  }
0x536: {  	v11 =	vld [tilespmem:$0x1FB40];
	v33 =	vor.u32 v1, v39;
	_ =	sdelay $0x3  }
0x537: {  	[tilespmem:v35+s10+$0x0] =	vst.idx.msk $0xffff, v24  }
0x538: {  	v35 =	vor.u32 v11, v38;
	v24 =	vld.idx.msk [tilespmem:v33+s9+$0x0], $0xffff  }
0x539: {  	v57 =	vld [tilespmem:$0x1FB50]  }
0x53a: {  	v1 =	vld [tilespmem:$0x1F8B0];
	_ =	sdelay $0x2  }
0x53b: {  	[tilespmem:v35+s10+$0x0] =	vst.idx.msk $0xffff, v24  }
0x53c: {  	v24 =	vld.idx.msk [tilespmem:v33+s11+$0x0], $0xffff;
	v33 =	vor.u32 v57, v38  }
0x53d: {  	v46 =	vld [tilespmem:$0x1FF80];
	v35 =	vor.u32 v1, v39;
	_ =	sdelay $0x3  }
0x53e: {  	[tilespmem:v33+s10+$0x0] =	vst.idx.msk $0xffff, v24  }
0x53f: {  	v57 =	vmov v46;
	v46 =	vor.u32 v46, v38;
	v24 =	vld.idx.msk [tilespmem:v35+s9+$0x0], $0xffff  }
0x540: {  	v9 =	vld [tilespmem:$0x1FF90]  }
0x541: {  	v1 =	vld [tilespmem:$0x1F8C0];
	_ =	sdelay $0x2  }
0x542: {  	[tilespmem:v46+s10+$0x0] =	vst.idx.msk $0xffff, v24  }
0x543: {  	v33 =	vor.u32 v9, v38;
	v24 =	vld.idx.msk [tilespmem:v35+s11+$0x0], $0xffff  }
0x544: {  	v8 =	vld [tilespmem:$0x1FFB0];
	v35 =	vor.u32 v1, v39;
	_ =	sdelay $0x3  }
0x545: {  	[tilespmem:v33+s10+$0x0] =	vst.idx.msk $0xffff, v24  }
0x546: {  	v33 =	vor.u32 v8, v38;
	v24 =	vld.idx.msk [tilespmem:v35+s9+$0x0], $0xffff  }
0x547: {  	v50 =	vld [tilespmem:$0x1FFA0];
	_ =	sdelay $0x3  }
0x548: {  	[tilespmem:v33+s10+$0x0] =	vst.idx.msk $0xffff, v24  }
0x549: {  	v24 =	vld.idx.msk [tilespmem:v35+s11+$0x0], $0xffff;
	v35 =	vor.u32 v50, v38  }
0x54a: {  	v15 =	vld [tilespmem:$0x1FB60];
	v33 =	vor.u32 v14, v39;
	_ =	sdelay $0x3  }
0x54b: {  	[tilespmem:v35+s10+$0x0] =	vst.idx.msk $0xffff, v24  }
0x54c: {  	v35 =	vor.u32 v15, v38;
	v24 =	vld.idx.msk [tilespmem:v33+s9+$0x0], $0xffff;
	_ =	sdelay $0x4  }
0x54d: {  	[tilespmem:v35+s10+$0x0] =	vst.idx.msk $0xffff, v24  }
0x54e: {  	v24 =	vld.idx.msk [tilespmem:v33+s11+$0x0], $0xffff;
	v33 =	vor.u32 v23, v38  }
0x54f: {  	v35 =	vor.u32 v19, v39;
	_ =	sdelay $0x3  }
0x550: {  	[tilespmem:v33+s10+$0x0] =	vst.idx.msk $0xffff, v24  }
0x551: {  	v43 =	vor.u32 v43, v38;
	v24 =	vld.idx.msk [tilespmem:v35+s9+$0x0], $0xffff;
	_ =	sdelay $0x1  }
0x552: {  	v40 =	vld [tilespmem:$0x1F960];
	_ =	sdelay $0x2  }
0x553: {  	[tilespmem:v43+s10+$0x0] =	vst.idx.msk $0xffff, v24  }
0x554: {  	v44 =	vor.u32 v44, v38;
	v24 =	vld.idx.msk [tilespmem:v35+s11+$0x0], $0xffff  }
0x555: {  	v23 =	vor.u32 v40, v39;
	_ =	sdelay $0x3  }
0x556: {  	[tilespmem:v44+s10+$0x0] =	vst.idx.msk $0xffff, v24  }
0x557: {  	v33 =	vor.u32 v16, v38;
	v24 =	vld.idx.msk [tilespmem:v23+s9+$0x0], $0xffff;
	_ =	sdelay $0x1  }
0x558: {  	v1 =	vld [tilespmem:$0x1F8D0];
	_ =	sdelay $0x2  }
0x559: {  	[tilespmem:v33+s10+$0x0] =	vst.idx.msk $0xffff, v24  }
0x55a: {  	v35 =	vor.u32 v27, v38;
	v24 =	vld.idx.msk [tilespmem:v23+s11+$0x0], $0xffff  }
0x55b: {  	v43 =	vor.u32 v1, v39;
	_ =	sdelay $0x3  }
0x55c: {  	[tilespmem:v35+s10+$0x0] =	vst.idx.msk $0xffff, v24  }
0x55d: {  	v44 =	vor.u32 v22, v38;
	v24 =	vld.idx.msk [tilespmem:v43+s9+$0x0], $0xffff;
	_ =	sdelay $0x4  }
0x55e: {  	[tilespmem:v44+s10+$0x0] =	vst.idx.msk $0xffff, v24  }
0x55f: {  	v22 =	vor.u32 v58, v38;
	v24 =	vld.idx.msk [tilespmem:v43+s11+$0x0], $0xffff  }
0x560: {  	v23 =	vor.u32 v37, v39;
	_ =	sdelay $0x3  }
0x561: {  	[tilespmem:v22+s10+$0x0] =	vst.idx.msk $0xffff, v24  }
0x562: {  	v29 =	vor.u32 v29, v38;
	v24 =	vld.idx.msk [tilespmem:v23+s9+$0x0], $0xffff;
	_ =	sdelay $0x4  }
0x563: {  	[tilespmem:v29+s10+$0x0] =	vst.idx.msk $0xffff, v24  }
0x564: {  	v33 =	vor.u32 v18, v38;
	v24 =	vld.idx.msk [tilespmem:v23+s11+$0x0], $0xffff  }
0x565: {  	v35 =	vor.u32 v7, v39;
	_ =	sdelay $0x3  }
0x566: {  	[tilespmem:v33+s10+$0x0] =	vst.idx.msk $0xffff, v24  }
0x567: {  	v37 =	vor.u32 v21, v38;
	v24 =	vld.idx.msk [tilespmem:v35+s9+$0x0], $0xffff;
	_ =	sdelay $0x4  }
0x568: {  	[tilespmem:v37+s10+$0x0] =	vst.idx.msk $0xffff, v24  }
0x569: {  	v43 =	vor.u32 v49, v38;
	v24 =	vld.idx.msk [tilespmem:v35+s11+$0x0], $0xffff  }
0x56a: {  	v44 =	vor.u32 v0, v39;
	v0 =	vld [tilespmem:$0x1FC70];
	_ =	sdelay $0x3  }
0x56b: {  	[tilespmem:v43+s10+$0x0] =	vst.idx.msk $0xffff, v24  }
0x56c: {  	v49 =	vor.u32 v0, v38;
	v24 =	vld.idx.msk [tilespmem:v44+s9+$0x0], $0xffff;
	_ =	sdelay $0x4  }
0x56d: {  	[tilespmem:v49+s10+$0x0] =	vst.idx.msk $0xffff, v24  }
0x56e: {  	v58 =	vor.u32 v6, v38;
	v24 =	vld.idx.msk [tilespmem:v44+s11+$0x0], $0xffff  }
0x56f: {  	v21 =	vor.u32 v47, v39;
	_ =	sdelay $0x3  }
0x570: {  	[tilespmem:v58+s10+$0x0] =	vst.idx.msk $0xffff, v24  }
0x571: {  	v22 =	vor.u32 v36, v38;
	v24 =	vld.idx.msk [tilespmem:v21+s9+$0x0], $0xffff  }
0x572: {  	v0 =	vld [tilespmem:$0x1FCA0];
	_ =	sdelay $0x3  }
0x573: {  	[tilespmem:v22+s10+$0x0] =	vst.idx.msk $0xffff, v24  }
0x574: {  	v23 =	vor.u32 v0, v38;
	v24 =	vld.idx.msk [tilespmem:v21+s11+$0x0], $0xffff  }
0x575: {  	v29 =	vor.u32 v48, v39;
	_ =	sdelay $0x3  }
0x576: {  	[tilespmem:v23+s10+$0x0] =	vst.idx.msk $0xffff, v24  }
0x577: {  	v33 =	vor.u32 v2, v38;
	v24 =	vld.idx.msk [tilespmem:v29+s9+$0x0], $0xffff;
	_ =	sdelay $0x4  }
0x578: {  	[tilespmem:v33+s10+$0x0] =	vst.idx.msk $0xffff, v24  }
0x579: {  	v34 =	vor.u32 v34, v38;
	v24 =	vld.idx.msk [tilespmem:v29+s11+$0x0], $0xffff  }
0x57a: {  	v35 =	vor.u32 v32, v39;
	_ =	sdelay $0x3  }
0x57b: {  	[tilespmem:v34+s10+$0x0] =	vst.idx.msk $0xffff, v24  }
0x57c: {  	v36 =	vor.u32 v31, v38;
	v24 =	vld.idx.msk [tilespmem:v35+s9+$0x0], $0xffff;
	_ =	sdelay $0x4  }
0x57d: {  	[tilespmem:v36+s10+$0x0] =	vst.idx.msk $0xffff, v24  }
0x57e: {  	v37 =	vor.u32 v56, v38;
	v24 =	vld.idx.msk [tilespmem:v35+s11+$0x0], $0xffff  }
0x57f: {  	v43 =	vor.u32 v55, v39;
	_ =	sdelay $0x3  }
0x580: {  	[tilespmem:v37+s10+$0x0] =	vst.idx.msk $0xffff, v24  }
0x581: {  	v44 =	vor.u32 v30, v38;
	v24 =	vld.idx.msk [tilespmem:v43+s9+$0x0], $0xffff;
	_ =	sdelay $0x4  }
0x582: {  	[tilespmem:v44+s10+$0x0] =	vst.idx.msk $0xffff, v24  }
0x583: {  	v47 =	vor.u32 v28, v38;
	v24 =	vld.idx.msk [tilespmem:v43+s11+$0x0], $0xffff  }
0x584: {  	v48 =	vor.u32 v60, v39;
	_ =	sdelay $0x3  }
0x585: {  	[tilespmem:v47+s10+$0x0] =	vst.idx.msk $0xffff, v24  }
0x586: {  	v49 =	vor.u32 v59, v38;
	v24 =	vld.idx.msk [tilespmem:v48+s9+$0x0], $0xffff;
	_ =	sdelay $0x4  }
0x587: {  	[tilespmem:v49+s10+$0x0] =	vst.idx.msk $0xffff, v24  }
0x588: {  	v52 =	vor.u32 v52, v38;
	v24 =	vld.idx.msk [tilespmem:v48+s11+$0x0], $0xffff  }
0x589: {  	v55 =	vor.u32 v51, v39;
	_ =	sdelay $0x3  }
0x58a: {  	[tilespmem:v52+s10+$0x0] =	vst.idx.msk $0xffff, v24  }
0x58b: {  	v56 =	vor.u32 v53, v38;
	v24 =	vld.idx.msk [tilespmem:v55+s9+$0x0], $0xffff;
	_ =	sdelay $0x4  }
0x58c: {  	[tilespmem:v56+s10+$0x0] =	vst.idx.msk $0xffff, v24  }
0x58d: {  	v58 =	vor.u32 v20, v38;
	v24 =	vld.idx.msk [tilespmem:v55+s11+$0x0], $0xffff  }
0x58e: {  	v59 =	vor.u32 v54, v39;
	_ =	sdelay $0x3  }
0x58f: {  	[tilespmem:v58+s10+$0x0] =	vst.idx.msk $0xffff, v24  }
0x590: {  	v60 =	vor.u32 v61, v38;
	v24 =	vld.idx.msk [tilespmem:v59+s9+$0x0], $0xffff;
	_ =	sdelay $0x4  }
0x591: {  	v17 =	vld [tilespmem:$0x1FF60];
	[tilespmem:v60+s10+$0x0] =	vst.idx.msk $0xffff, v24  }
0x592: {  	p0 =	sne.s32 s16, $0x1C0;
	v61 =	vor.u32 v45, v38;
	v24 =	vld.idx.msk [tilespmem:v59+s11+$0x0], $0xffff  }
.Ltmp1:
0x593: {  	v13 =	vld [tilespmem:$0x1FFE0];
	(pc) =	sbr.rel @p0 .LBB2_4-.Ltmp1, $4  }
0x594: {  	v12 =	vld [tilespmem:$0x1FFD0]  }
0x595: {  	v63 =	vld [tilespmem:$0x1FE20]  }
0x596: {  	v62 =	vld [tilespmem:$0x1FFF0]  }
0x597: {  	s15 =	sadd.s32 $0x1, s15;
	s16 =	sadd.s32 $0x40, s16;
	v3 =	vld [tilespmem:$0x1F950];
	v46 =	vmov v9;
	[tilespmem:v61+s10+$0x0] =	vst.idx.msk $0xffff, v24  }
0x598: {  	s14 =	sadd.s32 $0x1, s14  }
0x599: {  	p0 =	sne.s32 s14, s6  }
.Ltmp2:
0x59a: {  	_ = 	snop;
	(pc) =	sbr.rel @p0 .LBB2_1-.Ltmp2, $4  }
0x59b: {  	[hbm4b:s5+s12] =	stream.strided.scatter [tilespmem:s10], [sflag:$0x9], $0x8000, s13, s12, $0x38;
	[tilespmem:$0x10600] =	vst v63  }
0x59c: {  	_ =	swait.ge [sflag:s7], $0x8000  }
0x59d: {  	[sflag:s7] =	ssyncset.done $0x0  }
0x59e: {  	[sflag:s7] =	ssyncadd.s32 $0xFFFF8000  }
0x59f: {  	_ =	sfence.sel $0x180000  }
0x5a0: {  	[bflag:$0x0] =	sbarrier.arrive $0xFFFF  }
0x5a1: {  	p0 =	sne.s32 s2, $0x0;
	_ =	strace $0x90000047  }
0x5a2: {  	s0 =	sadd.s32 @!p0 $0x100000, s1;
	[bflag:$0x2] =	sbarrier.arrive $0xFFFF  }
0x5a3: {  	[sflag:s0] =	ssyncadd.tile.s32 @!p0 $0x1;
	_ =	shalt  }
.Lfunc_end2:
_tile_overlayer_lowered:
.L_overlay_start_2:
0x5a4: {  	(tag) =	ssettag $0x2  }
0x5a5: {  	s0 =	rddreg [dreg:$0x0];
	s2 =	stileid.u32  }
0x5a6: {  	s1 =	rddreg [dreg:$0x1];
	p0 =	sne.s32 s2, $0x0  }
0x5a7: {  	s3 =	rddreg [dreg:$0x2];
	[bflag:$0x3] =	sbarrier.arrive $0xFFFF;
	s2 =	simm.s32 @!p0 $0x1C09  }
0x5a8: {  	[timem:s3], [sflag:s2] =	dma.local @!p0 [hbm:s0], s1  }
0x5a9: {  	s0 =	simm.s32 @!p0 $0x9  }
0x5aa: {  	_ =	swait.ge @!p0 [sflag:s0], s1  }
0x5ab: {  	s1 =	ssub.s32 @!p0 $0x0, s1;
	[sflag:s0] =	ssyncset.done @!p0 $0x0  }
0x5ac: {  	[sflag:s0] =	ssyncadd.s32 @!p0 s1  }
0x5ad: {  	[bflag:$0x3] =	sbarrier.arrive $0xFFFF  }
0x5ae: {  	_ =	shalt  }

</sc_bundles>
